<compile_context>
chip_gen: v7x
topology: tpu7x:2x2x1
jax: 0.10.2.dev20260603
libtpu: 0.0.44.dev20260713+nightly
codegen_flags: <defaults>
</compile_context>

<pallas_src>
import functools
import math

import jax
import jax.numpy as jnp
from jax import lax
from jax.experimental import pallas as pl
from jax.experimental.pallas import tpu as pltpu
from jax.experimental.pallas import tpu_sc as plsc

D_MODEL = 64
SCALE = math.sqrt(D_MODEL)

NUM_CORES = 2
NUM_SUBCORES = 16
NUM_WORKERS = NUM_CORES * NUM_SUBCORES
NBUF = 4
ROWS_PER_STEP = 5


@functools.partial(jax.jit, static_argnums=(2, 3))
def _emb_lookup(x, table2, batch, seq):
  rows_per_w = batch // NUM_WORKERS
  assert rows_per_w % NBUF == 0 and rows_per_w // NBUF >= 2
  n_rounds = rows_per_w // NBUF
  mesh = plsc.VectorSubcoreMesh(core_axis_name="c", subcore_axis_name="s")

  scratch = [pltpu.VMEM((rows_per_w, seq), jnp.int32)]
  scratch += [pltpu.VMEM((seq, 128), jnp.float32) for _ in range(NBUF)]
  scratch += [pltpu.VMEM((seq, D_MODEL), jnp.float32) for _ in range(NBUF)]
  scratch += [pltpu.SemaphoreType.DMA for _ in range(2 * NBUF)]

  @functools.partial(
      pl.kernel,
      mesh=mesh,
      out_type=jax.ShapeDtypeStruct((batch, seq, D_MODEL), jnp.float32),
      scratch_types=scratch,
  )
  def k(x_hbm, table_hbm, out_hbm, idx_v, *bufs_and_sems):
    in_bufs = bufs_and_sems[:NBUF]
    out_bufs = bufs_and_sems[NBUF:2 * NBUF]
    g_sems = bufs_and_sems[2 * NBUF:3 * NBUF]
    s_sems = bufs_and_sems[3 * NBUF:4 * NBUF]
    wid = lax.axis_index("s") * NUM_CORES + lax.axis_index("c")
    base = wid * rows_per_w

    pltpu.sync_copy(x_hbm.at[pl.ds(base, rows_per_w)], idx_v)

    def fire_gather(c, b):
      pltpu.async_copy(table_hbm.at[idx_v.at[c]], in_bufs[b], g_sems[b])

    def wait_gather(c, b):
      pltpu.make_async_copy(
          table_hbm.at[idx_v.at[c]], in_bufs[b], g_sems[b]).wait()

    def fire_scatter(c, b):
      pltpu.async_copy(out_bufs[b], out_hbm.at[base + c], s_sems[b])

    def wait_scatter(c, b):
      pltpu.make_async_copy(
          out_bufs[b], out_hbm.at[base + c], s_sems[b]).wait()

    def scale(b):
      src, dst = in_bufs[b], out_bufs[b]

      def body(r, carry):
        for rr in range(ROWS_PER_STEP):
          row = r * ROWS_PER_STEP + rr
          for kk in range(D_MODEL // 16):
            dst[row, pl.ds(kk * 16, 16)] = (
                src[row, pl.ds(kk * 16, 16)] * SCALE)
        return carry

      lax.fori_loop(0, seq // ROWS_PER_STEP, body, 0, unroll=False)

    for b in range(NBUF):
      fire_gather(b, b)

    for b in range(NBUF):
      wait_gather(b, b)
      scale(b)
      fire_gather(NBUF + b, b)
      fire_scatter(b, b)

    def outer(i, carry):
      c0 = i * NBUF
      for b in range(NBUF):
        wait_gather(c0 + b, b)
        wait_scatter(c0 - NBUF + b, b)
        scale(b)
        fire_gather(c0 + NBUF + b, b)
        fire_scatter(c0 + b, b)
      return carry

    lax.fori_loop(1, n_rounds - 1, outer, 0, unroll=False)

    c0 = (n_rounds - 1) * NBUF
    for b in range(NBUF):
      wait_gather(c0 + b, b)
      wait_scatter(c0 - NBUF + b, b)
      scale(b)
      fire_scatter(c0 + b, b)

    for b in range(NBUF):
      wait_scatter(c0 + b, b)

  return k(x, table2)


def kernel(x, emb_table):
  batch, seq = x.shape
  assert batch % NUM_WORKERS == 0 and seq % ROWS_PER_STEP == 0
  vocab = emb_table.shape[0]
  table2 = jnp.broadcast_to(
      emb_table[:, None, :], (vocab, 2, D_MODEL)).reshape(vocab, 128)
  return _emb_lookup(x.astype(jnp.int32), table2, batch, seq)

# --- scband reference (transcript-rebuilt; emitter-appended) ---
"""Pipeline reference for scband-embedding-layer-64106681860209 (READ-ONLY COPY).

The authoritative reference and input builder live on the scoring server;
editing this copy changes nothing except your own understanding.
"""

import jax, jax.numpy as jnp
import numpy as np
import math

VOCAB_SIZE = 100000
D_MODEL = 64
BATCH = 4096
SEQ_LEN = 50


def setup_inputs(seed: int = 0) -> dict:
    key = jax.random.key(seed)
    k_idx, k_emb = jax.random.split(key)
    x = jax.random.randint(k_idx, (BATCH, SEQ_LEN), 0, VOCAB_SIZE, dtype=jnp.int64 if jax.config.jax_enable_x64 else jnp.int32)
    emb_table = jax.random.normal(k_emb, (VOCAB_SIZE, D_MODEL), dtype=jnp.float32)
    return {"x": x, "emb_table": emb_table}


def reference(x, emb_table):
    # x: int[batch, seq], emb_table: float32[vocab, d_model]
    emb = jnp.take(emb_table, x, axis=0)  # [batch, seq, d_model]
    return emb * math.sqrt(D_MODEL)

if __name__ == "__main__":
    import jax
    _d = setup_inputs()
    print(jax.jit(kernel)(*tuple(_d.values())))

</pallas_src>

<mosaic_0001>
#map = affine_map<(d0, d1) -> (0, 0)>
#map1 = affine_map<(d0, d1) -> (0, 0, 0)>
module attributes {stable_mosaic.version = 14 : i64} {
  func.func @k(%arg0: i32, %arg1: i32, %arg2: memref<4096x50xi32, #tpu.memory_space<hbm>>, %arg3: memref<100000x128xf32, #tpu.memory_space<hbm>>, %arg4: memref<4096x50x64xf32, #tpu.memory_space<hbm>>, %arg5: memref<128x50xi32, #tpu.memory_space<vmem>>, %arg6: memref<50x128xf32, #tpu.memory_space<vmem>>, %arg7: memref<50x128xf32, #tpu.memory_space<vmem>>, %arg8: memref<50x128xf32, #tpu.memory_space<vmem>>, %arg9: memref<50x128xf32, #tpu.memory_space<vmem>>, %arg10: memref<50x64xf32, #tpu.memory_space<vmem>>, %arg11: memref<50x64xf32, #tpu.memory_space<vmem>>, %arg12: memref<50x64xf32, #tpu.memory_space<vmem>>, %arg13: memref<50x64xf32, #tpu.memory_space<vmem>>, %arg14: memref<!tpu.dma_semaphore, #tpu.memory_space<semaphore_mem>>, %arg15: memref<!tpu.dma_semaphore, #tpu.memory_space<semaphore_mem>>, %arg16: memref<!tpu.dma_semaphore, #tpu.memory_space<semaphore_mem>>, %arg17: memref<!tpu.dma_semaphore, #tpu.memory_space<semaphore_mem>>, %arg18: memref<!tpu.dma_semaphore, #tpu.memory_space<semaphore_mem>>, %arg19: memref<!tpu.dma_semaphore, #tpu.memory_space<semaphore_mem>>, %arg20: memref<!tpu.dma_semaphore, #tpu.memory_space<semaphore_mem>>, %arg21: memref<!tpu.dma_semaphore, #tpu.memory_space<semaphore_mem>>) attributes {dimension_semantics = [#tpu.dimension_semantics<core_parallel>, #tpu.dimension_semantics<subcore_parallel>], iteration_bounds = array<i64: 2, 16>, scalar_prefetch = 0 : i64, scratch_operands = 17 : i64, tpu.core_type = #tpu.core_type<sc_vector_subcore>, window_params = [{transform_indices = #map}, {transform_indices = #map}, {transform_indices = #map1}]} {
    %mul3A = arith.constant 2 : i32
    %mul3A_0 = arith.muli %arg1, %mul3A : i32
    %add3A = arith.addi %mul3A_0, %arg0 : i32
    %mul3A_1 = arith.constant 128 : i32
    %mul3A_2 = arith.muli %add3A, %mul3A_1 : i32
    "tpu.region"() ({
      %run_scoped3A = tpu.sem_alloc : memref<!tpu.dma_semaphore, #tpu.memory_space<semaphore_mem>>
      %dma_start3A_326 = arith.constant 0 : i32
      %dma_start3A_327 = tpu.memref_slice %arg2[%mul3A_2, %dma_start3A_326] : memref<4096x50xi32, #tpu.memory_space<hbm>> -> memref<128x50xi32, #tpu.memory_space<hbm>>
      %dma_start3A_328 = arith.constant 0 : i32
      %dma_start3A_329 = tpu.memref_slice %arg2[%mul3A_2, %dma_start3A_328] : memref<4096x50xi32, #tpu.memory_space<hbm>> -> memref<128x50xi32, #tpu.memory_space<hbm>>
      tpu.enqueue_dma source(%dma_start3A_329 : memref<128x50xi32, #tpu.memory_space<hbm>>) target(%arg5 : memref<128x50xi32, #tpu.memory_space<vmem>>) target_semaphore(%run_scoped3A : memref<!tpu.dma_semaphore, #tpu.memory_space<semaphore_mem>>)
      %dma_wait3A_330 = arith.constant 0 : i32
      %dma_wait3A_331 = tpu.memref_slice %arg2[%mul3A_2, %dma_wait3A_330] : memref<4096x50xi32, #tpu.memory_space<hbm>> -> memref<128x50xi32, #tpu.memory_space<hbm>>
      %dma_wait3A_332 = arith.constant 0 : i32
      %dma_wait3A_333 = tpu.memref_slice %arg2[%mul3A_2, %dma_wait3A_332] : memref<4096x50xi32, #tpu.memory_space<hbm>> -> memref<128x50xi32, #tpu.memory_space<hbm>>
      tpu.wait_dma2 semaphore(%run_scoped3A : memref<!tpu.dma_semaphore, #tpu.memory_space<semaphore_mem>>) src(%dma_wait3A_333 : memref<128x50xi32, #tpu.memory_space<hbm>>) dst(%arg5 : memref<128x50xi32, #tpu.memory_space<vmem>>)
      tpu.yield
    }) : () -> ()
    %dma_start3A = arith.constant 0 : i32
    %dma_start3A_3 = arith.constant 0 : i32
    %dma_start3A_4 = tpu.memref_slice %arg5[%dma_start3A, %dma_start3A_3] : memref<128x50xi32, #tpu.memory_space<vmem>> -> memref<1x50xi32, #tpu.memory_space<vmem>>
    %dma_start3A_5 = tpu.memref_squeeze %dma_start3A_4 : memref<1x50xi32, #tpu.memory_space<vmem>> -> memref<50xi32, #tpu.memory_space<vmem>>
    %dma_start3A_6 = arith.constant 0 : i32
    %dma_start3A_7 = arith.constant 0 : i32
    %dma_start3A_8 = tpu.memref_slice %arg3[%dma_start3A_6, %dma_start3A_7] : memref<100000x128xf32, #tpu.memory_space<hbm>> -> memref<100000x128xf32, #tpu.memory_space<hbm>>
    tpu.enqueue_indirect_dma source(%dma_start3A_8 : memref<100000x128xf32, #tpu.memory_space<hbm>>) target(%arg6 : memref<50x128xf32, #tpu.memory_space<vmem>>) offsets(%dma_start3A_5 : memref<50xi32, #tpu.memory_space<vmem>>) semaphore(%arg14 : memref<!tpu.dma_semaphore, #tpu.memory_space<semaphore_mem>>)
    %dma_start3A_9 = arith.constant 1 : i32
    %dma_start3A_10 = arith.constant 0 : i32
    %dma_start3A_11 = tpu.memref_slice %arg5[%dma_start3A_9, %dma_start3A_10] : memref<128x50xi32, #tpu.memory_space<vmem>> -> memref<1x50xi32, #tpu.memory_space<vmem>>
    %dma_start3A_12 = tpu.memref_squeeze %dma_start3A_11 : memref<1x50xi32, #tpu.memory_space<vmem>> -> memref<50xi32, #tpu.memory_space<vmem>>
    %dma_start3A_13 = arith.constant 0 : i32
    %dma_start3A_14 = arith.constant 0 : i32
    %dma_start3A_15 = tpu.memref_slice %arg3[%dma_start3A_13, %dma_start3A_14] : memref<100000x128xf32, #tpu.memory_space<hbm>> -> memref<100000x128xf32, #tpu.memory_space<hbm>>
    tpu.enqueue_indirect_dma source(%dma_start3A_15 : memref<100000x128xf32, #tpu.memory_space<hbm>>) target(%arg7 : memref<50x128xf32, #tpu.memory_space<vmem>>) offsets(%dma_start3A_12 : memref<50xi32, #tpu.memory_space<vmem>>) semaphore(%arg15 : memref<!tpu.dma_semaphore, #tpu.memory_space<semaphore_mem>>)
    %dma_start3A_16 = arith.constant 2 : i32
    %dma_start3A_17 = arith.constant 0 : i32
    %dma_start3A_18 = tpu.memref_slice %arg5[%dma_start3A_16, %dma_start3A_17] : memref<128x50xi32, #tpu.memory_space<vmem>> -> memref<1x50xi32, #tpu.memory_space<vmem>>
    %dma_start3A_19 = tpu.memref_squeeze %dma_start3A_18 : memref<1x50xi32, #tpu.memory_space<vmem>> -> memref<50xi32, #tpu.memory_space<vmem>>
    %dma_start3A_20 = arith.constant 0 : i32
    %dma_start3A_21 = arith.constant 0 : i32
    %dma_start3A_22 = tpu.memref_slice %arg3[%dma_start3A_20, %dma_start3A_21] : memref<100000x128xf32, #tpu.memory_space<hbm>> -> memref<100000x128xf32, #tpu.memory_space<hbm>>
    tpu.enqueue_indirect_dma source(%dma_start3A_22 : memref<100000x128xf32, #tpu.memory_space<hbm>>) target(%arg8 : memref<50x128xf32, #tpu.memory_space<vmem>>) offsets(%dma_start3A_19 : memref<50xi32, #tpu.memory_space<vmem>>) semaphore(%arg16 : memref<!tpu.dma_semaphore, #tpu.memory_space<semaphore_mem>>)
    %dma_start3A_23 = arith.constant 3 : i32
    %dma_start3A_24 = arith.constant 0 : i32
    %dma_start3A_25 = tpu.memref_slice %arg5[%dma_start3A_23, %dma_start3A_24] : memref<128x50xi32, #tpu.memory_space<vmem>> -> memref<1x50xi32, #tpu.memory_space<vmem>>
    %dma_start3A_26 = tpu.memref_squeeze %dma_start3A_25 : memref<1x50xi32, #tpu.memory_space<vmem>> -> memref<50xi32, #tpu.memory_space<vmem>>
    %dma_start3A_27 = arith.constant 0 : i32
    %dma_start3A_28 = arith.constant 0 : i32
    %dma_start3A_29 = tpu.memref_slice %arg3[%dma_start3A_27, %dma_start3A_28] : memref<100000x128xf32, #tpu.memory_space<hbm>> -> memref<100000x128xf32, #tpu.memory_space<hbm>>
    tpu.enqueue_indirect_dma source(%dma_start3A_29 : memref<100000x128xf32, #tpu.memory_space<hbm>>) target(%arg9 : memref<50x128xf32, #tpu.memory_space<vmem>>) offsets(%dma_start3A_26 : memref<50xi32, #tpu.memory_space<vmem>>) semaphore(%arg17 : memref<!tpu.dma_semaphore, #tpu.memory_space<semaphore_mem>>)
    %dma_wait3A = arith.constant 0 : i32
    %dma_wait3A_30 = arith.constant 0 : i32
    %dma_wait3A_31 = tpu.memref_slice %arg5[%dma_wait3A, %dma_wait3A_30] : memref<128x50xi32, #tpu.memory_space<vmem>> -> memref<1x50xi32, #tpu.memory_space<vmem>>
    %dma_wait3A_32 = tpu.memref_squeeze %dma_wait3A_31 : memref<1x50xi32, #tpu.memory_space<vmem>> -> memref<50xi32, #tpu.memory_space<vmem>>
    %dma_wait3A_33 = arith.constant 0 : i32
    %dma_wait3A_34 = arith.constant 0 : i32
    %dma_wait3A_35 = tpu.memref_slice %arg3[%dma_wait3A_33, %dma_wait3A_34] : memref<100000x128xf32, #tpu.memory_space<hbm>> -> memref<100000x128xf32, #tpu.memory_space<hbm>>
    tpu.wait_indirect_dma semaphore(%arg14 : memref<!tpu.dma_semaphore, #tpu.memory_space<semaphore_mem>>) src(%dma_wait3A_35 : memref<100000x128xf32, #tpu.memory_space<hbm>>) dst(%arg6 : memref<50x128xf32, #tpu.memory_space<vmem>>)
    %scan3A = arith.constant 0 : i32
    %scan3A_36 = arith.constant 0 : i32
    %scan3A_37 = arith.constant 10 : i32
    %scan3A_38 = arith.addi %scan3A_36, %scan3A_37 : i32
    %scan3A_39 = arith.constant 1 : i32
    scf.for %scan3A_326 = %scan3A_36 to %scan3A_38 step %scan3A_39  : i32 {
      %mul3A_327 = arith.constant 5 : i32
      %mul3A_328 = arith.muli %scan3A_326, %mul3A_327 : i32
      %add3A_329 = arith.constant 0 : i32
      %add3A_330 = arith.addi %mul3A_328, %add3A_329 : i32
      %get3A = arith.index_cast %add3A_330 : i32 to index
      %get3A_331 = arith.constant 0 : index
      %get3A_332 = tpu.vector_load %arg6[%get3A, %get3A_331] {strides = array<i32>} : memref<50x128xf32, #tpu.memory_space<vmem>>, vector<1x16xf32>,
      %get3A_333 = vector.shape_cast %get3A_332 : vector<1x16xf32> to vector<16xf32>
      %mul3A_334 = arith.constant 8.000000e+00 : f32
      %mul3A_335 = vector.broadcast %mul3A_334 : f32 to vector<16xf32>
      %mul3A_336 = arith.mulf %get3A_333, %mul3A_335 : vector<16xf32>
      %swap3A = arith.index_cast %add3A_330 : i32 to index
      %swap3A_337 = arith.constant 0 : index
      %swap3A_338 = tpu.vector_load %arg10[%swap3A, %swap3A_337] {strides = array<i32>} : memref<50x64xf32, #tpu.memory_space<vmem>>, vector<1x16xf32>,
      %swap3A_339 = vector.shape_cast %swap3A_338 : vector<1x16xf32> to vector<16xf32>
      %swap3A_340 = vector.shape_cast %mul3A_336 : vector<16xf32> to vector<1x16xf32>
      tpu.vector_store %arg10[%swap3A, %swap3A_337], %swap3A_340 {strides = array<i32>} : memref<50x64xf32, #tpu.memory_space<vmem>>, vector<1x16xf32>,
      %get3A_341 = arith.index_cast %add3A_330 : i32 to index
      %get3A_342 = arith.constant 16 : index
      %get3A_343 = tpu.vector_load %arg6[%get3A_341, %get3A_342] {strides = array<i32>} : memref<50x128xf32, #tpu.memory_space<vmem>>, vector<1x16xf32>,
      %get3A_344 = vector.shape_cast %get3A_343 : vector<1x16xf32> to vector<16xf32>
      %mul3A_345 = arith.constant 8.000000e+00 : f32
      %mul3A_346 = vector.broadcast %mul3A_345 : f32 to vector<16xf32>
      %mul3A_347 = arith.mulf %get3A_344, %mul3A_346 : vector<16xf32>
      %swap3A_348 = arith.index_cast %add3A_330 : i32 to index
      %swap3A_349 = arith.constant 16 : index
      %swap3A_350 = tpu.vector_load %arg10[%swap3A_348, %swap3A_349] {strides = array<i32>} : memref<50x64xf32, #tpu.memory_space<vmem>>, vector<1x16xf32>,
      %swap3A_351 = vector.shape_cast %swap3A_350 : vector<1x16xf32> to vector<16xf32>
      %swap3A_352 = vector.shape_cast %mul3A_347 : vector<16xf32> to vector<1x16xf32>
      tpu.vector_store %arg10[%swap3A_348, %swap3A_349], %swap3A_352 {strides = array<i32>} : memref<50x64xf32, #tpu.memory_space<vmem>>, vector<1x16xf32>,
      %get3A_353 = arith.index_cast %add3A_330 : i32 to index
      %get3A_354 = arith.constant 32 : index
      %get3A_355 = tpu.vector_load %arg6[%get3A_353, %get3A_354] {strides = array<i32>} : memref<50x128xf32, #tpu.memory_space<vmem>>, vector<1x16xf32>,
      %get3A_356 = vector.shape_cast %get3A_355 : vector<1x16xf32> to vector<16xf32>
      %mul3A_357 = arith.constant 8.000000e+00 : f32
      %mul3A_358 = vector.broadcast %mul3A_357 : f32 to vector<16xf32>
      %mul3A_359 = arith.mulf %get3A_356, %mul3A_358 : vector<16xf32>
      %swap3A_360 = arith.index_cast %add3A_330 : i32 to index
      %swap3A_361 = arith.constant 32 : index
      %swap3A_362 = tpu.vector_load %arg10[%swap3A_360, %swap3A_361] {strides = array<i32>} : memref<50x64xf32, #tpu.memory_space<vmem>>, vector<1x16xf32>,
      %swap3A_363 = vector.shape_cast %swap3A_362 : vector<1x16xf32> to vector<16xf32>
      %swap3A_364 = vector.shape_cast %mul3A_359 : vector<16xf32> to vector<1x16xf32>
      tpu.vector_store %arg10[%swap3A_360, %swap3A_361], %swap3A_364 {strides = array<i32>} : memref<50x64xf32, #tpu.memory_space<vmem>>, vector<1x16xf32>,
      %get3A_365 = arith.index_cast %add3A_330 : i32 to index
      %get3A_366 = arith.constant 48 : index
      %get3A_367 = tpu.vector_load %arg6[%get3A_365, %get3A_366] {strides = array<i32>} : memref<50x128xf32, #tpu.memory_space<vmem>>, vector<1x16xf32>,
      %get3A_368 = vector.shape_cast %get3A_367 : vector<1x16xf32> to vector<16xf32>
      %mul3A_369 = arith.constant 8.000000e+00 : f32
      %mul3A_370 = vector.broadcast %mul3A_369 : f32 to vector<16xf32>
      %mul3A_371 = arith.mulf %get3A_368, %mul3A_370 : vector<16xf32>
      %swap3A_372 = arith.index_cast %add3A_330 : i32 to index
      %swap3A_373 = arith.constant 48 : index
      %swap3A_374 = tpu.vector_load %arg10[%swap3A_372, %swap3A_373] {strides = array<i32>} : memref<50x64xf32, #tpu.memory_space<vmem>>, vector<1x16xf32>,
      %swap3A_375 = vector.shape_cast %swap3A_374 : vector<1x16xf32> to vector<16xf32>
      %swap3A_376 = vector.shape_cast %mul3A_371 : vector<16xf32> to vector<1x16xf32>
      tpu.vector_store %arg10[%swap3A_372, %swap3A_373], %swap3A_376 {strides = array<i32>} : memref<50x64xf32, #tpu.memory_space<vmem>>, vector<1x16xf32>,
      %mul3A_377 = arith.constant 5 : i32
      %mul3A_378 = arith.muli %scan3A_326, %mul3A_377 : i32
      %add3A_379 = arith.constant 1 : i32
      %add3A_380 = arith.addi %mul3A_378, %add3A_379 : i32
      %get3A_381 = arith.index_cast %add3A_380 : i32 to index
      %get3A_382 = arith.constant 0 : index
      %get3A_383 = tpu.vector_load %arg6[%get3A_381, %get3A_382] {strides = array<i32>} : memref<50x128xf32, #tpu.memory_space<vmem>>, vector<1x16xf32>,
      %get3A_384 = vector.shape_cast %get3A_383 : vector<1x16xf32> to vector<16xf32>
      %mul3A_385 = arith.constant 8.000000e+00 : f32
      %mul3A_386 = vector.broadcast %mul3A_385 : f32 to vector<16xf32>
      %mul3A_387 = arith.mulf %get3A_384, %mul3A_386 : vector<16xf32>
      %swap3A_388 = arith.index_cast %add3A_380 : i32 to index
      %swap3A_389 = arith.constant 0 : index
      %swap3A_390 = tpu.vector_load %arg10[%swap3A_388, %swap3A_389] {strides = array<i32>} : memref<50x64xf32, #tpu.memory_space<vmem>>, vector<1x16xf32>,
      %swap3A_391 = vector.shape_cast %swap3A_390 : vector<1x16xf32> to vector<16xf32>
      %swap3A_392 = vector.shape_cast %mul3A_387 : vector<16xf32> to vector<1x16xf32>
      tpu.vector_store %arg10[%swap3A_388, %swap3A_389], %swap3A_392 {strides = array<i32>} : memref<50x64xf32, #tpu.memory_space<vmem>>, vector<1x16xf32>,
      %get3A_393 = arith.index_cast %add3A_380 : i32 to index
      %get3A_394 = arith.constant 16 : index
      %get3A_395 = tpu.vector_load %arg6[%get3A_393, %get3A_394] {strides = array<i32>} : memref<50x128xf32, #tpu.memory_space<vmem>>, vector<1x16xf32>,
      %get3A_396 = vector.shape_cast %get3A_395 : vector<1x16xf32> to vector<16xf32>
      %mul3A_397 = arith.constant 8.000000e+00 : f32
      %mul3A_398 = vector.broadcast %mul3A_397 : f32 to vector<16xf32>
      %mul3A_399 = arith.mulf %get3A_396, %mul3A_398 : vector<16xf32>
      %swap3A_400 = arith.index_cast %add3A_380 : i32 to index
      %swap3A_401 = arith.constant 16 : index
      %swap3A_402 = tpu.vector_load %arg10[%swap3A_400, %swap3A_401] {strides = array<i32>} : memref<50x64xf32, #tpu.memory_space<vmem>>, vector<1x16xf32>,
      %swap3A_403 = vector.shape_cast %swap3A_402 : vector<1x16xf32> to vector<16xf32>
      %swap3A_404 = vector.shape_cast %mul3A_399 : vector<16xf32> to vector<1x16xf32>
      tpu.vector_store %arg10[%swap3A_400, %swap3A_401], %swap3A_404 {strides = array<i32>} : memref<50x64xf32, #tpu.memory_space<vmem>>, vector<1x16xf32>,
      %get3A_405 = arith.index_cast %add3A_380 : i32 to index
      %get3A_406 = arith.constant 32 : index
      %get3A_407 = tpu.vector_load %arg6[%get3A_405, %get3A_406] {strides = array<i32>} : memref<50x128xf32, #tpu.memory_space<vmem>>, vector<1x16xf32>,
      %get3A_408 = vector.shape_cast %get3A_407 : vector<1x16xf32> to vector<16xf32>
      %mul3A_409 = arith.constant 8.000000e+00 : f32
      %mul3A_410 = vector.broadcast %mul3A_409 : f32 to vector<16xf32>
      %mul3A_411 = arith.mulf %get3A_408, %mul3A_410 : vector<16xf32>
      %swap3A_412 = arith.index_cast %add3A_380 : i32 to index
      %swap3A_413 = arith.constant 32 : index
      %swap3A_414 = tpu.vector_load %arg10[%swap3A_412, %swap3A_413] {strides = array<i32>} : memref<50x64xf32, #tpu.memory_space<vmem>>, vector<1x16xf32>,
      %swap3A_415 = vector.shape_cast %swap3A_414 : vector<1x16xf32> to vector<16xf32>
      %swap3A_416 = vector.shape_cast %mul3A_411 : vector<16xf32> to vector<1x16xf32>
      tpu.vector_store %arg10[%swap3A_412, %swap3A_413], %swap3A_416 {strides = array<i32>} : memref<50x64xf32, #tpu.memory_space<vmem>>, vector<1x16xf32>,
      %get3A_417 = arith.index_cast %add3A_380 : i32 to index
      %get3A_418 = arith.constant 48 : index
      %get3A_419 = tpu.vector_load %arg6[%get3A_417, %get3A_418] {strides = array<i32>} : memref<50x128xf32, #tpu.memory_space<vmem>>, vector<1x16xf32>,
      %get3A_420 = vector.shape_cast %get3A_419 : vector<1x16xf32> to vector<16xf32>
      %mul3A_421 = arith.constant 8.000000e+00 : f32
      %mul3A_422 = vector.broadcast %mul3A_421 : f32 to vector<16xf32>
      %mul3A_423 = arith.mulf %get3A_420, %mul3A_422 : vector<16xf32>
      %swap3A_424 = arith.index_cast %add3A_380 : i32 to index
      %swap3A_425 = arith.constant 48 : index
      %swap3A_426 = tpu.vector_load %arg10[%swap3A_424, %swap3A_425] {strides = array<i32>} : memref<50x64xf32, #tpu.memory_space<vmem>>, vector<1x16xf32>,
      %swap3A_427 = vector.shape_cast %swap3A_426 : vector<1x16xf32> to vector<16xf32>
      %swap3A_428 = vector.shape_cast %mul3A_423 : vector<16xf32> to vector<1x16xf32>
      tpu.vector_store %arg10[%swap3A_424, %swap3A_425], %swap3A_428 {strides = array<i32>} : memref<50x64xf32, #tpu.memory_space<vmem>>, vector<1x16xf32>,
      %mul3A_429 = arith.constant 5 : i32
      %mul3A_430 = arith.muli %scan3A_326, %mul3A_429 : i32
      %add3A_431 = arith.constant 2 : i32
      %add3A_432 = arith.addi %mul3A_430, %add3A_431 : i32
      %get3A_433 = arith.index_cast %add3A_432 : i32 to index
      %get3A_434 = arith.constant 0 : index
      %get3A_435 = tpu.vector_load %arg6[%get3A_433, %get3A_434] {strides = array<i32>} : memref<50x128xf32, #tpu.memory_space<vmem>>, vector<1x16xf32>,
      %get3A_436 = vector.shape_cast %get3A_435 : vector<1x16xf32> to vector<16xf32>
      %mul3A_437 = arith.constant 8.000000e+00 : f32
      %mul3A_438 = vector.broadcast %mul3A_437 : f32 to vector<16xf32>
      %mul3A_439 = arith.mulf %get3A_436, %mul3A_438 : vector<16xf32>
      %swap3A_440 = arith.index_cast %add3A_432 : i32 to index
      %swap3A_441 = arith.constant 0 : index
      %swap3A_442 = tpu.vector_load %arg10[%swap3A_440, %swap3A_441] {strides = array<i32>} : memref<50x64xf32, #tpu.memory_space<vmem>>, vector<1x16xf32>,
      %swap3A_443 = vector.shape_cast %swap3A_442 : vector<1x16xf32> to vector<16xf32>
      %swap3A_444 = vector.shape_cast %mul3A_439 : vector<16xf32> to vector<1x16xf32>
      tpu.vector_store %arg10[%swap3A_440, %swap3A_441], %swap3A_444 {strides = array<i32>} : memref<50x64xf32, #tpu.memory_space<vmem>>, vector<1x16xf32>,
      %get3A_445 = arith.index_cast %add3A_432 : i32 to index
      %get3A_446 = arith.constant 16 : index
      %get3A_447 = tpu.vector_load %arg6[%get3A_445, %get3A_446] {strides = array<i32>} : memref<50x128xf32, #tpu.memory_space<vmem>>, vector<1x16xf32>,
      %get3A_448 = vector.shape_cast %get3A_447 : vector<1x16xf32> to vector<16xf32>
      %mul3A_449 = arith.constant 8.000000e+00 : f32
      %mul3A_450 = vector.broadcast %mul3A_449 : f32 to vector<16xf32>
      %mul3A_451 = arith.mulf %get3A_448, %mul3A_450 : vector<16xf32>
      %swap3A_452 = arith.index_cast %add3A_432 : i32 to index
      %swap3A_453 = arith.constant 16 : index
      %swap3A_454 = tpu.vector_load %arg10[%swap3A_452, %swap3A_453] {strides = array<i32>} : memref<50x64xf32, #tpu.memory_space<vmem>>, vector<1x16xf32>,
      %swap3A_455 = vector.shape_cast %swap3A_454 : vector<1x16xf32> to vector<16xf32>
      %swap3A_456 = vector.shape_cast %mul3A_451 : vector<16xf32> to vector<1x16xf32>
      tpu.vector_store %arg10[%swap3A_452, %swap3A_453], %swap3A_456 {strides = array<i32>} : memref<50x64xf32, #tpu.memory_space<vmem>>, vector<1x16xf32>,
      %get3A_457 = arith.index_cast %add3A_432 : i32 to index
      %get3A_458 = arith.constant 32 : index
      %get3A_459 = tpu.vector_load %arg6[%get3A_457, %get3A_458] {strides = array<i32>} : memref<50x128xf32, #tpu.memory_space<vmem>>, vector<1x16xf32>,
      %get3A_460 = vector.shape_cast %get3A_459 : vector<1x16xf32> to vector<16xf32>
      %mul3A_461 = arith.constant 8.000000e+00 : f32
      %mul3A_462 = vector.broadcast %mul3A_461 : f32 to vector<16xf32>
      %mul3A_463 = arith.mulf %get3A_460, %mul3A_462 : vector<16xf32>
      %swap3A_464 = arith.index_cast %add3A_432 : i32 to index
      %swap3A_465 = arith.constant 32 : index
      %swap3A_466 = tpu.vector_load %arg10[%swap3A_464, %swap3A_465] {strides = array<i32>} : memref<50x64xf32, #tpu.memory_space<vmem>>, vector<1x16xf32>,
      %swap3A_467 = vector.shape_cast %swap3A_466 : vector<1x16xf32> to vector<16xf32>
      %swap3A_468 = vector.shape_cast %mul3A_463 : vector<16xf32> to vector<1x16xf32>
      tpu.vector_store %arg10[%swap3A_464, %swap3A_465], %swap3A_468 {strides = array<i32>} : memref<50x64xf32, #tpu.memory_space<vmem>>, vector<1x16xf32>,
      %get3A_469 = arith.index_cast %add3A_432 : i32 to index
      %get3A_470 = arith.constant 48 : index
      %get3A_471 = tpu.vector_load %arg6[%get3A_469, %get3A_470] {strides = array<i32>} : memref<50x128xf32, #tpu.memory_space<vmem>>, vector<1x16xf32>,
      %get3A_472 = vector.shape_cast %get3A_471 : vector<1x16xf32> to vector<16xf32>
      %mul3A_473 = arith.constant 8.000000e+00 : f32
      %mul3A_474 = vector.broadcast %mul3A_473 : f32 to vector<16xf32>
      %mul3A_475 = arith.mulf %get3A_472, %mul3A_474 : vector<16xf32>
      %swap3A_476 = arith.index_cast %add3A_432 : i32 to index
      %swap3A_477 = arith.constant 48 : index
      %swap3A_478 = tpu.vector_load %arg10[%swap3A_476, %swap3A_477] {strides = array<i32>} : memref<50x64xf32, #tpu.memory_space<vmem>>, vector<1x16xf32>,
      %swap3A_479 = vector.shape_cast %swap3A_478 : vector<1x16xf32> to vector<16xf32>
      %swap3A_480 = vector.shape_cast %mul3A_475 : vector<16xf32> to vector<1x16xf32>
      tpu.vector_store %arg10[%swap3A_476, %swap3A_477], %swap3A_480 {strides = array<i32>} : memref<50x64xf32, #tpu.memory_space<vmem>>, vector<1x16xf32>,
      %mul3A_481 = arith.constant 5 : i32
      %mul3A_482 = arith.muli %scan3A_326, %mul3A_481 : i32
      %add3A_483 = arith.constant 3 : i32
      %add3A_484 = arith.addi %mul3A_482, %add3A_483 : i32
      %get3A_485 = arith.index_cast %add3A_484 : i32 to index
      %get3A_486 = arith.constant 0 : index
      %get3A_487 = tpu.vector_load %arg6[%get3A_485, %get3A_486] {strides = array<i32>} : memref<50x128xf32, #tpu.memory_space<vmem>>, vector<1x16xf32>,
      %get3A_488 = vector.shape_cast %get3A_487 : vector<1x16xf32> to vector<16xf32>
      %mul3A_489 = arith.constant 8.000000e+00 : f32
      %mul3A_490 = vector.broadcast %mul3A_489 : f32 to vector<16xf32>
      %mul3A_491 = arith.mulf %get3A_488, %mul3A_490 : vector<16xf32>
      %swap3A_492 = arith.index_cast %add3A_484 : i32 to index
      %swap3A_493 = arith.constant 0 : index
      %swap3A_494 = tpu.vector_load %arg10[%swap3A_492, %swap3A_493] {strides = array<i32>} : memref<50x64xf32, #tpu.memory_space<vmem>>, vector<1x16xf32>,
      %swap3A_495 = vector.shape_cast %swap3A_494 : vector<1x16xf32> to vector<16xf32>
      %swap3A_496 = vector.shape_cast %mul3A_491 : vector<16xf32> to vector<1x16xf32>
      tpu.vector_store %arg10[%swap3A_492, %swap3A_493], %swap3A_496 {strides = array<i32>} : memref<50x64xf32, #tpu.memory_space<vmem>>, vector<1x16xf32>,
      %get3A_497 = arith.index_cast %add3A_484 : i32 to index
      %get3A_498 = arith.constant 16 : index
      %get3A_499 = tpu.vector_load %arg6[%get3A_497, %get3A_498] {strides = array<i32>} : memref<50x128xf32, #tpu.memory_space<vmem>>, vector<1x16xf32>,
      %get3A_500 = vector.shape_cast %get3A_499 : vector<1x16xf32> to vector<16xf32>
      %mul3A_501 = arith.constant 8.000000e+00 : f32
      %mul3A_502 = vector.broadcast %mul3A_501 : f32 to vector<16xf32>
      %mul3A_503 = arith.mulf %get3A_500, %mul3A_502 : vector<16xf32>
      %swap3A_504 = arith.index_cast %add3A_484 : i32 to index
      %swap3A_505 = arith.constant 16 : index
      %swap3A_506 = tpu.vector_load %arg10[%swap3A_504, %swap3A_505] {strides = array<i32>} : memref<50x64xf32, #tpu.memory_space<vmem>>, vector<1x16xf32>,
      %swap3A_507 = vector.shape_cast %swap3A_506 : vector<1x16xf32> to vector<16xf32>
      %swap3A_508 = vector.shape_cast %mul3A_503 : vector<16xf32> to vector<1x16xf32>
      tpu.vector_store %arg10[%swap3A_504, %swap3A_505], %swap3A_508 {strides = array<i32>} : memref<50x64xf32, #tpu.memory_space<vmem>>, vector<1x16xf32>,
      %get3A_509 = arith.index_cast %add3A_484 : i32 to index
      %get3A_510 = arith.constant 32 : index
      %get3A_511 = tpu.vector_load %arg6[%get3A_509, %get3A_510] {strides = array<i32>} : memref<50x128xf32, #tpu.memory_space<vmem>>, vector<1x16xf32>,
      %get3A_512 = vector.shape_cast %get3A_511 : vector<1x16xf32> to vector<16xf32>
      %mul3A_513 = arith.constant 8.000000e+00 : f32
      %mul3A_514 = vector.broadcast %mul3A_513 : f32 to vector<16xf32>
      %mul3A_515 = arith.mulf %get3A_512, %mul3A_514 : vector<16xf32>
      %swap3A_516 = arith.index_cast %add3A_484 : i32 to index
      %swap3A_517 = arith.constant 32 : index
      %swap3A_518 = tpu.vector_load %arg10[%swap3A_516, %swap3A_517] {strides = array<i32>} : memref<50x64xf32, #tpu.memory_space<vmem>>, vector<1x16xf32>,
      %swap3A_519 = vector.shape_cast %swap3A_518 : vector<1x16xf32> to vector<16xf32>
      %swap3A_520 = vector.shape_cast %mul3A_515 : vector<16xf32> to vector<1x16xf32>
      tpu.vector_store %arg10[%swap3A_516, %swap3A_517], %swap3A_520 {strides = array<i32>} : memref<50x64xf32, #tpu.memory_space<vmem>>, vector<1x16xf32>,
      %get3A_521 = arith.index_cast %add3A_484 : i32 to index
      %get3A_522 = arith.constant 48 : index
      %get3A_523 = tpu.vector_load %arg6[%get3A_521, %get3A_522] {strides = array<i32>} : memref<50x128xf32, #tpu.memory_space<vmem>>, vector<1x16xf32>,
      %get3A_524 = vector.shape_cast %get3A_523 : vector<1x16xf32> to vector<16xf32>
      %mul3A_525 = arith.constant 8.000000e+00 : f32
      %mul3A_526 = vector.broadcast %mul3A_525 : f32 to vector<16xf32>
      %mul3A_527 = arith.mulf %get3A_524, %mul3A_526 : vector<16xf32>
      %swap3A_528 = arith.index_cast %add3A_484 : i32 to index
      %swap3A_529 = arith.constant 48 : index
      %swap3A_530 = tpu.vector_load %arg10[%swap3A_528, %swap3A_529] {strides = array<i32>} : memref<50x64xf32, #tpu.memory_space<vmem>>, vector<1x16xf32>,
      %swap3A_531 = vector.shape_cast %swap3A_530 : vector<1x16xf32> to vector<16xf32>
      %swap3A_532 = vector.shape_cast %mul3A_527 : vector<16xf32> to vector<1x16xf32>
      tpu.vector_store %arg10[%swap3A_528, %swap3A_529], %swap3A_532 {strides = array<i32>} : memref<50x64xf32, #tpu.memory_space<vmem>>, vector<1x16xf32>,
      %mul3A_533 = arith.constant 5 : i32
      %mul3A_534 = arith.muli %scan3A_326, %mul3A_533 : i32
      %add3A_535 = arith.constant 4 : i32
      %add3A_536 = arith.addi %mul3A_534, %add3A_535 : i32
      %get3A_537 = arith.index_cast %add3A_536 : i32 to index
      %get3A_538 = arith.constant 0 : index
      %get3A_539 = tpu.vector_load %arg6[%get3A_537, %get3A_538] {strides = array<i32>} : memref<50x128xf32, #tpu.memory_space<vmem>>, vector<1x16xf32>,
      %get3A_540 = vector.shape_cast %get3A_539 : vector<1x16xf32> to vector<16xf32>
      %mul3A_541 = arith.constant 8.000000e+00 : f32
      %mul3A_542 = vector.broadcast %mul3A_541 : f32 to vector<16xf32>
      %mul3A_543 = arith.mulf %get3A_540, %mul3A_542 : vector<16xf32>
      %swap3A_544 = arith.index_cast %add3A_536 : i32 to index
      %swap3A_545 = arith.constant 0 : index
      %swap3A_546 = tpu.vector_load %arg10[%swap3A_544, %swap3A_545] {strides = array<i32>} : memref<50x64xf32, #tpu.memory_space<vmem>>, vector<1x16xf32>,
      %swap3A_547 = vector.shape_cast %swap3A_546 : vector<1x16xf32> to vector<16xf32>
      %swap3A_548 = vector.shape_cast %mul3A_543 : vector<16xf32> to vector<1x16xf32>
      tpu.vector_store %arg10[%swap3A_544, %swap3A_545], %swap3A_548 {strides = array<i32>} : memref<50x64xf32, #tpu.memory_space<vmem>>, vector<1x16xf32>,
      %get3A_549 = arith.index_cast %add3A_536 : i32 to index
      %get3A_550 = arith.constant 16 : index
      %get3A_551 = tpu.vector_load %arg6[%get3A_549, %get3A_550] {strides = array<i32>} : memref<50x128xf32, #tpu.memory_space<vmem>>, vector<1x16xf32>,
      %get3A_552 = vector.shape_cast %get3A_551 : vector<1x16xf32> to vector<16xf32>
      %mul3A_553 = arith.constant 8.000000e+00 : f32
      %mul3A_554 = vector.broadcast %mul3A_553 : f32 to vector<16xf32>
      %mul3A_555 = arith.mulf %get3A_552, %mul3A_554 : vector<16xf32>
      %swap3A_556 = arith.index_cast %add3A_536 : i32 to index
      %swap3A_557 = arith.constant 16 : index
      %swap3A_558 = tpu.vector_load %arg10[%swap3A_556, %swap3A_557] {strides = array<i32>} : memref<50x64xf32, #tpu.memory_space<vmem>>, vector<1x16xf32>,
      %swap3A_559 = vector.shape_cast %swap3A_558 : vector<1x16xf32> to vector<16xf32>
      %swap3A_560 = vector.shape_cast %mul3A_555 : vector<16xf32> to vector<1x16xf32>
      tpu.vector_store %arg10[%swap3A_556, %swap3A_557], %swap3A_560 {strides = array<i32>} : memref<50x64xf32, #tpu.memory_space<vmem>>, vector<1x16xf32>,
      %get3A_561 = arith.index_cast %add3A_536 : i32 to index
      %get3A_562 = arith.constant 32 : index
      %get3A_563 = tpu.vector_load %arg6[%get3A_561, %get3A_562] {strides = array<i32>} : memref<50x128xf32, #tpu.memory_space<vmem>>, vector<1x16xf32>,
      %get3A_564 = vector.shape_cast %get3A_563 : vector<1x16xf32> to vector<16xf32>
      %mul3A_565 = arith.constant 8.000000e+00 : f32
      %mul3A_566 = vector.broadcast %mul3A_565 : f32 to vector<16xf32>
      %mul3A_567 = arith.mulf %get3A_564, %mul3A_566 : vector<16xf32>
      %swap3A_568 = arith.index_cast %add3A_536 : i32 to index
      %swap3A_569 = arith.constant 32 : index
      %swap3A_570 = tpu.vector_load %arg10[%swap3A_568, %swap3A_569] {strides = array<i32>} : memref<50x64xf32, #tpu.memory_space<vmem>>, vector<1x16xf32>,
      %swap3A_571 = vector.shape_cast %swap3A_570 : vector<1x16xf32> to vector<16xf32>
      %swap3A_572 = vector.shape_cast %mul3A_567 : vector<16xf32> to vector<1x16xf32>
      tpu.vector_store %arg10[%swap3A_568, %swap3A_569], %swap3A_572 {strides = array<i32>} : memref<50x64xf32, #tpu.memory_space<vmem>>, vector<1x16xf32>,
      %get3A_573 = arith.index_cast %add3A_536 : i32 to index
      %get3A_574 = arith.constant 48 : index
      %get3A_575 = tpu.vector_load %arg6[%get3A_573, %get3A_574] {strides = array<i32>} : memref<50x128xf32, #tpu.memory_space<vmem>>, vector<1x16xf32>,
      %get3A_576 = vector.shape_cast %get3A_575 : vector<1x16xf32> to vector<16xf32>
      %mul3A_577 = arith.constant 8.000000e+00 : f32
      %mul3A_578 = vector.broadcast %mul3A_577 : f32 to vector<16xf32>
      %mul3A_579 = arith.mulf %get3A_576, %mul3A_578 : vector<16xf32>
      %swap3A_580 = arith.index_cast %add3A_536 : i32 to index
      %swap3A_581 = arith.constant 48 : index
      %swap3A_582 = tpu.vector_load %arg10[%swap3A_580, %swap3A_581] {strides = array<i32>} : memref<50x64xf32, #tpu.memory_space<vmem>>, vector<1x16xf32>,
      %swap3A_583 = vector.shape_cast %swap3A_582 : vector<1x16xf32> to vector<16xf32>
      %swap3A_584 = vector.shape_cast %mul3A_579 : vector<16xf32> to vector<1x16xf32>
      tpu.vector_store %arg10[%swap3A_580, %swap3A_581], %swap3A_584 {strides = array<i32>} : memref<50x64xf32, #tpu.memory_space<vmem>>, vector<1x16xf32>,
    }
    %scan3A_40 = arith.constant 10 : i32
    %dma_start3A_41 = arith.constant 4 : i32
    %dma_start3A_42 = arith.constant 0 : i32
    %dma_start3A_43 = tpu.memref_slice %arg5[%dma_start3A_41, %dma_start3A_42] : memref<128x50xi32, #tpu.memory_space<vmem>> -> memref<1x50xi32, #tpu.memory_space<vmem>>
    %dma_start3A_44 = tpu.memref_squeeze %dma_start3A_43 : memref<1x50xi32, #tpu.memory_space<vmem>> -> memref<50xi32, #tpu.memory_space<vmem>>
    %dma_start3A_45 = arith.constant 0 : i32
    %dma_start3A_46 = arith.constant 0 : i32
    %dma_start3A_47 = tpu.memref_slice %arg3[%dma_start3A_45, %dma_start3A_46] : memref<100000x128xf32, #tpu.memory_space<hbm>> -> memref<100000x128xf32, #tpu.memory_space<hbm>>
    tpu.enqueue_indirect_dma source(%dma_start3A_47 : memref<100000x128xf32, #tpu.memory_space<hbm>>) target(%arg6 : memref<50x128xf32, #tpu.memory_space<vmem>>) offsets(%dma_start3A_44 : memref<50xi32, #tpu.memory_space<vmem>>) semaphore(%arg14 : memref<!tpu.dma_semaphore, #tpu.memory_space<semaphore_mem>>)
    %add3A_48 = arith.constant 0 : i32
    %add3A_49 = arith.addi %mul3A_2, %add3A_48 : i32
    %dma_start3A_50 = arith.constant 0 : i32
    %dma_start3A_51 = arith.constant 0 : i32
    %dma_start3A_52 = tpu.memref_slice %arg4[%add3A_49, %dma_start3A_50, %dma_start3A_51] : memref<4096x50x64xf32, #tpu.memory_space<hbm>> -> memref<1x50x64xf32, #tpu.memory_space<hbm>>
    %dma_start3A_53 = tpu.memref_squeeze %dma_start3A_52 : memref<1x50x64xf32, #tpu.memory_space<hbm>> -> memref<50x64xf32, #tpu.memory_space<hbm>>
    %dma_start3A_54 = arith.constant 0 : i32
    %dma_start3A_55 = arith.constant 0 : i32
    %dma_start3A_56 = tpu.memref_slice %arg4[%add3A_49, %dma_start3A_54, %dma_start3A_55] : memref<4096x50x64xf32, #tpu.memory_space<hbm>> -> memref<1x50x64xf32, #tpu.memory_space<hbm>>
    %dma_start3A_57 = tpu.memref_squeeze %dma_start3A_56 : memref<1x50x64xf32, #tpu.memory_space<hbm>> -> memref<50x64xf32, #tpu.memory_space<hbm>>
    tpu.enqueue_dma source(%arg10 : memref<50x64xf32, #tpu.memory_space<vmem>>) target(%dma_start3A_57 : memref<50x64xf32, #tpu.memory_space<hbm>>) target_semaphore(%arg18 : memref<!tpu.dma_semaphore, #tpu.memory_space<semaphore_mem>>)
    %dma_wait3A_58 = arith.constant 1 : i32
    %dma_wait3A_59 = arith.constant 0 : i32
    %dma_wait3A_60 = tpu.memref_slice %arg5[%dma_wait3A_58, %dma_wait3A_59] : memref<128x50xi32, #tpu.memory_space<vmem>> -> memref<1x50xi32, #tpu.memory_space<vmem>>
    %dma_wait3A_61 = tpu.memref_squeeze %dma_wait3A_60 : memref<1x50xi32, #tpu.memory_space<vmem>> -> memref<50xi32, #tpu.memory_space<vmem>>
    %dma_wait3A_62 = arith.constant 0 : i32
    %dma_wait3A_63 = arith.constant 0 : i32
    %dma_wait3A_64 = tpu.memref_slice %arg3[%dma_wait3A_62, %dma_wait3A_63] : memref<100000x128xf32, #tpu.memory_space<hbm>> -> memref<100000x128xf32, #tpu.memory_space<hbm>>
    tpu.wait_indirect_dma semaphore(%arg15 : memref<!tpu.dma_semaphore, #tpu.memory_space<semaphore_mem>>) src(%dma_wait3A_64 : memref<100000x128xf32, #tpu.memory_space<hbm>>) dst(%arg7 : memref<50x128xf32, #tpu.memory_space<vmem>>)
    %scan3A_65 = arith.constant 0 : i32
    %scan3A_66 = arith.constant 0 : i32
    %scan3A_67 = arith.constant 10 : i32
    %scan3A_68 = arith.addi %scan3A_66, %scan3A_67 : i32
    %scan3A_69 = arith.constant 1 : i32
    scf.for %scan3A_326 = %scan3A_66 to %scan3A_68 step %scan3A_69  : i32 {
      %mul3A_327 = arith.constant 5 : i32
      %mul3A_328 = arith.muli %scan3A_326, %mul3A_327 : i32
      %add3A_329 = arith.constant 0 : i32
      %add3A_330 = arith.addi %mul3A_328, %add3A_329 : i32
      %get3A = arith.index_cast %add3A_330 : i32 to index
      %get3A_331 = arith.constant 0 : index
      %get3A_332 = tpu.vector_load %arg7[%get3A, %get3A_331] {strides = array<i32>} : memref<50x128xf32, #tpu.memory_space<vmem>>, vector<1x16xf32>,
      %get3A_333 = vector.shape_cast %get3A_332 : vector<1x16xf32> to vector<16xf32>
      %mul3A_334 = arith.constant 8.000000e+00 : f32
      %mul3A_335 = vector.broadcast %mul3A_334 : f32 to vector<16xf32>
      %mul3A_336 = arith.mulf %get3A_333, %mul3A_335 : vector<16xf32>
      %swap3A = arith.index_cast %add3A_330 : i32 to index
      %swap3A_337 = arith.constant 0 : index
      %swap3A_338 = tpu.vector_load %arg11[%swap3A, %swap3A_337] {strides = array<i32>} : memref<50x64xf32, #tpu.memory_space<vmem>>, vector<1x16xf32>,
      %swap3A_339 = vector.shape_cast %swap3A_338 : vector<1x16xf32> to vector<16xf32>
      %swap3A_340 = vector.shape_cast %mul3A_336 : vector<16xf32> to vector<1x16xf32>
      tpu.vector_store %arg11[%swap3A, %swap3A_337], %swap3A_340 {strides = array<i32>} : memref<50x64xf32, #tpu.memory_space<vmem>>, vector<1x16xf32>,
      %get3A_341 = arith.index_cast %add3A_330 : i32 to index
      %get3A_342 = arith.constant 16 : index
      %get3A_343 = tpu.vector_load %arg7[%get3A_341, %get3A_342] {strides = array<i32>} : memref<50x128xf32, #tpu.memory_space<vmem>>, vector<1x16xf32>,
      %get3A_344 = vector.shape_cast %get3A_343 : vector<1x16xf32> to vector<16xf32>
      %mul3A_345 = arith.constant 8.000000e+00 : f32
      %mul3A_346 = vector.broadcast %mul3A_345 : f32 to vector<16xf32>
      %mul3A_347 = arith.mulf %get3A_344, %mul3A_346 : vector<16xf32>
      %swap3A_348 = arith.index_cast %add3A_330 : i32 to index
      %swap3A_349 = arith.constant 16 : index
      %swap3A_350 = tpu.vector_load %arg11[%swap3A_348, %swap3A_349] {strides = array<i32>} : memref<50x64xf32, #tpu.memory_space<vmem>>, vector<1x16xf32>,
      %swap3A_351 = vector.shape_cast %swap3A_350 : vector<1x16xf32> to vector<16xf32>
      %swap3A_352 = vector.shape_cast %mul3A_347 : vector<16xf32> to vector<1x16xf32>
      tpu.vector_store %arg11[%swap3A_348, %swap3A_349], %swap3A_352 {strides = array<i32>} : memref<50x64xf32, #tpu.memory_space<vmem>>, vector<1x16xf32>,
      %get3A_353 = arith.index_cast %add3A_330 : i32 to index
      %get3A_354 = arith.constant 32 : index
      %get3A_355 = tpu.vector_load %arg7[%get3A_353, %get3A_354] {strides = array<i32>} : memref<50x128xf32, #tpu.memory_space<vmem>>, vector<1x16xf32>,
      %get3A_356 = vector.shape_cast %get3A_355 : vector<1x16xf32> to vector<16xf32>
      %mul3A_357 = arith.constant 8.000000e+00 : f32
      %mul3A_358 = vector.broadcast %mul3A_357 : f32 to vector<16xf32>
      %mul3A_359 = arith.mulf %get3A_356, %mul3A_358 : vector<16xf32>
      %swap3A_360 = arith.index_cast %add3A_330 : i32 to index
      %swap3A_361 = arith.constant 32 : index
      %swap3A_362 = tpu.vector_load %arg11[%swap3A_360, %swap3A_361] {strides = array<i32>} : memref<50x64xf32, #tpu.memory_space<vmem>>, vector<1x16xf32>,
      %swap3A_363 = vector.shape_cast %swap3A_362 : vector<1x16xf32> to vector<16xf32>
      %swap3A_364 = vector.shape_cast %mul3A_359 : vector<16xf32> to vector<1x16xf32>
      tpu.vector_store %arg11[%swap3A_360, %swap3A_361], %swap3A_364 {strides = array<i32>} : memref<50x64xf32, #tpu.memory_space<vmem>>, vector<1x16xf32>,
      %get3A_365 = arith.index_cast %add3A_330 : i32 to index
      %get3A_366 = arith.constant 48 : index
      %get3A_367 = tpu.vector_load %arg7[%get3A_365, %get3A_366] {strides = array<i32>} : memref<50x128xf32, #tpu.memory_space<vmem>>, vector<1x16xf32>,
      %get3A_368 = vector.shape_cast %get3A_367 : vector<1x16xf32> to vector<16xf32>
      %mul3A_369 = arith.constant 8.000000e+00 : f32
      %mul3A_370 = vector.broadcast %mul3A_369 : f32 to vector<16xf32>
      %mul3A_371 = arith.mulf %get3A_368, %mul3A_370 : vector<16xf32>
      %swap3A_372 = arith.index_cast %add3A_330 : i32 to index
      %swap3A_373 = arith.constant 48 : index
      %swap3A_374 = tpu.vector_load %arg11[%swap3A_372, %swap3A_373] {strides = array<i32>} : memref<50x64xf32, #tpu.memory_space<vmem>>, vector<1x16xf32>,
      %swap3A_375 = vector.shape_cast %swap3A_374 : vector<1x16xf32> to vector<16xf32>
      %swap3A_376 = vector.shape_cast %mul3A_371 : vector<16xf32> to vector<1x16xf32>
      tpu.vector_store %arg11[%swap3A_372, %swap3A_373], %swap3A_376 {strides = array<i32>} : memref<50x64xf32, #tpu.memory_space<vmem>>, vector<1x16xf32>,
      %mul3A_377 = arith.constant 5 : i32
      %mul3A_378 = arith.muli %scan3A_326, %mul3A_377 : i32
      %add3A_379 = arith.constant 1 : i32
      %add3A_380 = arith.addi %mul3A_378, %add3A_379 : i32
      %get3A_381 = arith.index_cast %add3A_380 : i32 to index
      %get3A_382 = arith.constant 0 : index
      %get3A_383 = tpu.vector_load %arg7[%get3A_381, %get3A_382] {strides = array<i32>} : memref<50x128xf32, #tpu.memory_space<vmem>>, vector<1x16xf32>,
      %get3A_384 = vector.shape_cast %get3A_383 : vector<1x16xf32> to vector<16xf32>
      %mul3A_385 = arith.constant 8.000000e+00 : f32
      %mul3A_386 = vector.broadcast %mul3A_385 : f32 to vector<16xf32>
      %mul3A_387 = arith.mulf %get3A_384, %mul3A_386 : vector<16xf32>
      %swap3A_388 = arith.index_cast %add3A_380 : i32 to index
      %swap3A_389 = arith.constant 0 : index
      %swap3A_390 = tpu.vector_load %arg11[%swap3A_388, %swap3A_389] {strides = array<i32>} : memref<50x64xf32, #tpu.memory_space<vmem>>, vector<1x16xf32>,
      %swap3A_391 = vector.shape_cast %swap3A_390 : vector<1x16xf32> to vector<16xf32>
      %swap3A_392 = vector.shape_cast %mul3A_387 : vector<16xf32> to vector<1x16xf32>
      tpu.vector_store %arg11[%swap3A_388, %swap3A_389], %swap3A_392 {strides = array<i32>} : memref<50x64xf32, #tpu.memory_space<vmem>>, vector<1x16xf32>,
      %get3A_393 = arith.index_cast %add3A_380 : i32 to index
      %get3A_394 = arith.constant 16 : index
      %get3A_395 = tpu.vector_load %arg7[%get3A_393, %get3A_394] {strides = array<i32>} : memref<50x128xf32, #tpu.memory_space<vmem>>, vector<1x16xf32>,
      %get3A_396 = vector.shape_cast %get3A_395 : vector<1x16xf32> to vector<16xf32>
      %mul3A_397 = arith.constant 8.000000e+00 : f32
      %mul3A_398 = vector.broadcast %mul3A_397 : f32 to vector<16xf32>
      %mul3A_399 = arith.mulf %get3A_396, %mul3A_398 : vector<16xf32>
      %swap3A_400 = arith.index_cast %add3A_380 : i32 to index
      %swap3A_401 = arith.constant 16 : index
      %swap3A_402 = tpu.vector_load %arg11[%swap3A_400, %swap3A_401] {strides = array<i32>} : memref<50x64xf32, #tpu.memory_space<vmem>>, vector<1x16xf32>,
      %swap3A_403 = vector.shape_cast %swap3A_402 : vector<1x16xf32> to vector<16xf32>
      %swap3A_404 = vector.shape_cast %mul3A_399 : vector<16xf32> to vector<1x16xf32>
      tpu.vector_store %arg11[%swap3A_400, %swap3A_401], %swap3A_404 {strides = array<i32>} : memref<50x64xf32, #tpu.memory_space<vmem>>, vector<1x16xf32>,
      %get3A_405 = arith.index_cast %add3A_380 : i32 to index
      %get3A_406 = arith.constant 32 : index
      %get3A_407 = tpu.vector_load %arg7[%get3A_405, %get3A_406] {strides = array<i32>} : memref<50x128xf32, #tpu.memory_space<vmem>>, vector<1x16xf32>,
      %get3A_408 = vector.shape_cast %get3A_407 : vector<1x16xf32> to vector<16xf32>
      %mul3A_409 = arith.constant 8.000000e+00 : f32
      %mul3A_410 = vector.broadcast %mul3A_409 : f32 to vector<16xf32>
      %mul3A_411 = arith.mulf %get3A_408, %mul3A_410 : vector<16xf32>
      %swap3A_412 = arith.index_cast %add3A_380 : i32 to index
      %swap3A_413 = arith.constant 32 : index
      %swap3A_414 = tpu.vector_load %arg11[%swap3A_412, %swap3A_413] {strides = array<i32>} : memref<50x64xf32, #tpu.memory_space<vmem>>, vector<1x16xf32>,
      %swap3A_415 = vector.shape_cast %swap3A_414 : vector<1x16xf32> to vector<16xf32>
      %swap3A_416 = vector.shape_cast %mul3A_411 : vector<16xf32> to vector<1x16xf32>
      tpu.vector_store %arg11[%swap3A_412, %swap3A_413], %swap3A_416 {strides = array<i32>} : memref<50x64xf32, #tpu.memory_space<vmem>>, vector<1x16xf32>,
      %get3A_417 = arith.index_cast %add3A_380 : i32 to index
      %get3A_418 = arith.constant 48 : index
      %get3A_419 = tpu.vector_load %arg7[%get3A_417, %get3A_418] {strides = array<i32>} : memref<50x128xf32, #tpu.memory_space<vmem>>, vector<1x16xf32>,
      %get3A_420 = vector.shape_cast %get3A_419 : vector<1x16xf32> to vector<16xf32>
      %mul3A_421 = arith.constant 8.000000e+00 : f32
      %mul3A_422 = vector.broadcast %mul3A_421 : f32 to vector<16xf32>
      %mul3A_423 = arith.mulf %get3A_420, %mul3A_422 : vector<16xf32>
      %swap3A_424 = arith.index_cast %add3A_380 : i32 to index
      %swap3A_425 = arith.constant 48 : index
      %swap3A_426 = tpu.vector_load %arg11[%swap3A_424, %swap3A_425] {strides = array<i32>} : memref<50x64xf32, #tpu.memory_space<vmem>>, vector<1x16xf32>,
      %swap3A_427 = vector.shape_cast %swap3A_426 : vector<1x16xf32> to vector<16xf32>
      %swap3A_428 = vector.shape_cast %mul3A_423 : vector<16xf32> to vector<1x16xf32>
      tpu.vector_store %arg11[%swap3A_424, %swap3A_425], %swap3A_428 {strides = array<i32>} : memref<50x64xf32, #tpu.memory_space<vmem>>, vector<1x16xf32>,
      %mul3A_429 = arith.constant 5 : i32
      %mul3A_430 = arith.muli %scan3A_326, %mul3A_429 : i32
      %add3A_431 = arith.constant 2 : i32
      %add3A_432 = arith.addi %mul3A_430, %add3A_431 : i32
      %get3A_433 = arith.index_cast %add3A_432 : i32 to index
      %get3A_434 = arith.constant 0 : index
      %get3A_435 = tpu.vector_load %arg7[%get3A_433, %get3A_434] {strides = array<i32>} : memref<50x128xf32, #tpu.memory_space<vmem>>, vector<1x16xf32>,
      %get3A_436 = vector.shape_cast %get3A_435 : vector<1x16xf32> to vector<16xf32>
      %mul3A_437 = arith.constant 8.000000e+00 : f32
      %mul3A_438 = vector.broadcast %mul3A_437 : f32 to vector<16xf32>
      %mul3A_439 = arith.mulf %get3A_436, %mul3A_438 : vector<16xf32>
      %swap3A_440 = arith.index_cast %add3A_432 : i32 to index
      %swap3A_441 = arith.constant 0 : index
      %swap3A_442 = tpu.vector_load %arg11[%swap3A_440, %swap3A_441] {strides = array<i32>} : memref<50x64xf32, #tpu.memory_space<vmem>>, vector<1x16xf32>,
      %swap3A_443 = vector.shape_cast %swap3A_442 : vector<1x16xf32> to vector<16xf32>
      %swap3A_444 = vector.shape_cast %mul3A_439 : vector<16xf32> to vector<1x16xf32>
      tpu.vector_store %arg11[%swap3A_440, %swap3A_441], %swap3A_444 {strides = array<i32>} : memref<50x64xf32, #tpu.memory_space<vmem>>, vector<1x16xf32>,
      %get3A_445 = arith.index_cast %add3A_432 : i32 to index
      %get3A_446 = arith.constant 16 : index
      %get3A_447 = tpu.vector_load %arg7[%get3A_445, %get3A_446] {strides = array<i32>} : memref<50x128xf32, #tpu.memory_space<vmem>>, vector<1x16xf32>,
      %get3A_448 = vector.shape_cast %get3A_447 : vector<1x16xf32> to vector<16xf32>
      %mul3A_449 = arith.constant 8.000000e+00 : f32
      %mul3A_450 = vector.broadcast %mul3A_449 : f32 to vector<16xf32>
      %mul3A_451 = arith.mulf %get3A_448, %mul3A_450 : vector<16xf32>
      %swap3A_452 = arith.index_cast %add3A_432 : i32 to index
      %swap3A_453 = arith.constant 16 : index
      %swap3A_454 = tpu.vector_load %arg11[%swap3A_452, %swap3A_453] {strides = array<i32>} : memref<50x64xf32, #tpu.memory_space<vmem>>, vector<1x16xf32>,
      %swap3A_455 = vector.shape_cast %swap3A_454 : vector<1x16xf32> to vector<16xf32>
      %swap3A_456 = vector.shape_cast %mul3A_451 : vector<16xf32> to vector<1x16xf32>
      tpu.vector_store %arg11[%swap3A_452, %swap3A_453], %swap3A_456 {strides = array<i32>} : memref<50x64xf32, #tpu.memory_space<vmem>>, vector<1x16xf32>,
      %get3A_457 = arith.index_cast %add3A_432 : i32 to index
      %get3A_458 = arith.constant 32 : index
      %get3A_459 = tpu.vector_load %arg7[%get3A_457, %get3A_458] {strides = array<i32>} : memref<50x128xf32, #tpu.memory_space<vmem>>, vector<1x16xf32>,
      %get3A_460 = vector.shape_cast %get3A_459 : vector<1x16xf32> to vector<16xf32>
      %mul3A_461 = arith.constant 8.000000e+00 : f32
      %mul3A_462 = vector.broadcast %mul3A_461 : f32 to vector<16xf32>
      %mul3A_463 = arith.mulf %get3A_460, %mul3A_462 : vector<16xf32>
      %swap3A_464 = arith.index_cast %add3A_432 : i32 to index
      %swap3A_465 = arith.constant 32 : index
      %swap3A_466 = tpu.vector_load %arg11[%swap3A_464, %swap3A_465] {strides = array<i32>} : memref<50x64xf32, #tpu.memory_space<vmem>>, vector<1x16xf32>,
      %swap3A_467 = vector.shape_cast %swap3A_466 : vector<1x16xf32> to vector<16xf32>
      %swap3A_468 = vector.shape_cast %mul3A_463 : vector<16xf32> to vector<1x16xf32>
      tpu.vector_store %arg11[%swap3A_464, %swap3A_465], %swap3A_468 {strides = array<i32>} : memref<50x64xf32, #tpu.memory_space<vmem>>, vector<1x16xf32>,
      %get3A_469 = arith.index_cast %add3A_432 : i32 to index
      %get3A_470 = arith.constant 48 : index
      %get3A_471 = tpu.vector_load %arg7[%get3A_469, %get3A_470] {strides = array<i32>} : memref<50x128xf32, #tpu.memory_space<vmem>>, vector<1x16xf32>,
      %get3A_472 = vector.shape_cast %get3A_471 : vector<1x16xf32> to vector<16xf32>
      %mul3A_473 = arith.constant 8.000000e+00 : f32
      %mul3A_474 = vector.broadcast %mul3A_473 : f32 to vector<16xf32>
      %mul3A_475 = arith.mulf %get3A_472, %mul3A_474 : vector<16xf32>
      %swap3A_476 = arith.index_cast %add3A_432 : i32 to index
      %swap3A_477 = arith.constant 48 : index
      %swap3A_478 = tpu.vector_load %arg11[%swap3A_476, %swap3A_477] {strides = array<i32>} : memref<50x64xf32, #tpu.memory_space<vmem>>, vector<1x16xf32>,
      %swap3A_479 = vector.shape_cast %swap3A_478 : vector<1x16xf32> to vector<16xf32>
      %swap3A_480 = vector.shape_cast %mul3A_475 : vector<16xf32> to vector<1x16xf32>
      tpu.vector_store %arg11[%swap3A_476, %swap3A_477], %swap3A_480 {strides = array<i32>} : memref<50x64xf32, #tpu.memory_space<vmem>>, vector<1x16xf32>,
      %mul3A_481 = arith.constant 5 : i32
      %mul3A_482 = arith.muli %scan3A_326, %mul3A_481 : i32
      %add3A_483 = arith.constant 3 : i32
      %add3A_484 = arith.addi %mul3A_482, %add3A_483 : i32
      %get3A_485 = arith.index_cast %add3A_484 : i32 to index
      %get3A_486 = arith.constant 0 : index
      %get3A_487 = tpu.vector_load %arg7[%get3A_485, %get3A_486] {strides = array<i32>} : memref<50x128xf32, #tpu.memory_space<vmem>>, vector<1x16xf32>,
      %get3A_488 = vector.shape_cast %get3A_487 : vector<1x16xf32> to vector<16xf32>
      %mul3A_489 = arith.constant 8.000000e+00 : f32
      %mul3A_490 = vector.broadcast %mul3A_489 : f32 to vector<16xf32>
      %mul3A_491 = arith.mulf %get3A_488, %mul3A_490 : vector<16xf32>
      %swap3A_492 = arith.index_cast %add3A_484 : i32 to index
      %swap3A_493 = arith.constant 0 : index
      %swap3A_494 = tpu.vector_load %arg11[%swap3A_492, %swap3A_493] {strides = array<i32>} : memref<50x64xf32, #tpu.memory_space<vmem>>, vector<1x16xf32>,
      %swap3A_495 = vector.shape_cast %swap3A_494 : vector<1x16xf32> to vector<16xf32>
      %swap3A_496 = vector.shape_cast %mul3A_491 : vector<16xf32> to vector<1x16xf32>
      tpu.vector_store %arg11[%swap3A_492, %swap3A_493], %swap3A_496 {strides = array<i32>} : memref<50x64xf32, #tpu.memory_space<vmem>>, vector<1x16xf32>,
      %get3A_497 = arith.index_cast %add3A_484 : i32 to index
      %get3A_498 = arith.constant 16 : index
      %get3A_499 = tpu.vector_load %arg7[%get3A_497, %get3A_498] {strides = array<i32>} : memref<50x128xf32, #tpu.memory_space<vmem>>, vector<1x16xf32>,
      %get3A_500 = vector.shape_cast %get3A_499 : vector<1x16xf32> to vector<16xf32>
      %mul3A_501 = arith.constant 8.000000e+00 : f32
      %mul3A_502 = vector.broadcast %mul3A_501 : f32 to vector<16xf32>
      %mul3A_503 = arith.mulf %get3A_500, %mul3A_502 : vector<16xf32>
      %swap3A_504 = arith.index_cast %add3A_484 : i32 to index
      %swap3A_505 = arith.constant 16 : index
      %swap3A_506 = tpu.vector_load %arg11[%swap3A_504, %swap3A_505] {strides = array<i32>} : memref<50x64xf32, #tpu.memory_space<vmem>>, vector<1x16xf32>,
      %swap3A_507 = vector.shape_cast %swap3A_506 : vector<1x16xf32> to vector<16xf32>
      %swap3A_508 = vector.shape_cast %mul3A_503 : vector<16xf32> to vector<1x16xf32>
      tpu.vector_store %arg11[%swap3A_504, %swap3A_505], %swap3A_508 {strides = array<i32>} : memref<50x64xf32, #tpu.memory_space<vmem>>, vector<1x16xf32>,
      %get3A_509 = arith.index_cast %add3A_484 : i32 to index
      %get3A_510 = arith.constant 32 : index
      %get3A_511 = tpu.vector_load %arg7[%get3A_509, %get3A_510] {strides = array<i32>} : memref<50x128xf32, #tpu.memory_space<vmem>>, vector<1x16xf32>,
      %get3A_512 = vector.shape_cast %get3A_511 : vector<1x16xf32> to vector<16xf32>
      %mul3A_513 = arith.constant 8.000000e+00 : f32
      %mul3A_514 = vector.broadcast %mul3A_513 : f32 to vector<16xf32>
      %mul3A_515 = arith.mulf %get3A_512, %mul3A_514 : vector<16xf32>
      %swap3A_516 = arith.index_cast %add3A_484 : i32 to index
      %swap3A_517 = arith.constant 32 : index
      %swap3A_518 = tpu.vector_load %arg11[%swap3A_516, %swap3A_517] {strides = array<i32>} : memref<50x64xf32, #tpu.memory_space<vmem>>, vector<1x16xf32>,
      %swap3A_519 = vector.shape_cast %swap3A_518 : vector<1x16xf32> to vector<16xf32>
      %swap3A_520 = vector.shape_cast %mul3A_515 : vector<16xf32> to vector<1x16xf32>
      tpu.vector_store %arg11[%swap3A_516, %swap3A_517], %swap3A_520 {strides = array<i32>} : memref<50x64xf32, #tpu.memory_space<vmem>>, vector<1x16xf32>,
      %get3A_521 = arith.index_cast %add3A_484 : i32 to index
      %get3A_522 = arith.constant 48 : index
      %get3A_523 = tpu.vector_load %arg7[%get3A_521, %get3A_522] {strides = array<i32>} : memref<50x128xf32, #tpu.memory_space<vmem>>, vector<1x16xf32>,
      %get3A_524 = vector.shape_cast %get3A_523 : vector<1x16xf32> to vector<16xf32>
      %mul3A_525 = arith.constant 8.000000e+00 : f32
      %mul3A_526 = vector.broadcast %mul3A_525 : f32 to vector<16xf32>
      %mul3A_527 = arith.mulf %get3A_524, %mul3A_526 : vector<16xf32>
      %swap3A_528 = arith.index_cast %add3A_484 : i32 to index
      %swap3A_529 = arith.constant 48 : index
      %swap3A_530 = tpu.vector_load %arg11[%swap3A_528, %swap3A_529] {strides = array<i32>} : memref<50x64xf32, #tpu.memory_space<vmem>>, vector<1x16xf32>,
      %swap3A_531 = vector.shape_cast %swap3A_530 : vector<1x16xf32> to vector<16xf32>
      %swap3A_532 = vector.shape_cast %mul3A_527 : vector<16xf32> to vector<1x16xf32>
      tpu.vector_store %arg11[%swap3A_528, %swap3A_529], %swap3A_532 {strides = array<i32>} : memref<50x64xf32, #tpu.memory_space<vmem>>, vector<1x16xf32>,
      %mul3A_533 = arith.constant 5 : i32
      %mul3A_534 = arith.muli %scan3A_326, %mul3A_533 : i32
      %add3A_535 = arith.constant 4 : i32
      %add3A_536 = arith.addi %mul3A_534, %add3A_535 : i32
      %get3A_537 = arith.index_cast %add3A_536 : i32 to index
      %get3A_538 = arith.constant 0 : index
      %get3A_539 = tpu.vector_load %arg7[%get3A_537, %get3A_538] {strides = array<i32>} : memref<50x128xf32, #tpu.memory_space<vmem>>, vector<1x16xf32>,
      %get3A_540 = vector.shape_cast %get3A_539 : vector<1x16xf32> to vector<16xf32>
      %mul3A_541 = arith.constant 8.000000e+00 : f32
      %mul3A_542 = vector.broadcast %mul3A_541 : f32 to vector<16xf32>
      %mul3A_543 = arith.mulf %get3A_540, %mul3A_542 : vector<16xf32>
      %swap3A_544 = arith.index_cast %add3A_536 : i32 to index
      %swap3A_545 = arith.constant 0 : index
      %swap3A_546 = tpu.vector_load %arg11[%swap3A_544, %swap3A_545] {strides = array<i32>} : memref<50x64xf32, #tpu.memory_space<vmem>>, vector<1x16xf32>,
      %swap3A_547 = vector.shape_cast %swap3A_546 : vector<1x16xf32> to vector<16xf32>
      %swap3A_548 = vector.shape_cast %mul3A_543 : vector<16xf32> to vector<1x16xf32>
      tpu.vector_store %arg11[%swap3A_544, %swap3A_545], %swap3A_548 {strides = array<i32>} : memref<50x64xf32, #tpu.memory_space<vmem>>, vector<1x16xf32>,
      %get3A_549 = arith.index_cast %add3A_536 : i32 to index
      %get3A_550 = arith.constant 16 : index
      %get3A_551 = tpu.vector_load %arg7[%get3A_549, %get3A_550] {strides = array<i32>} : memref<50x128xf32, #tpu.memory_space<vmem>>, vector<1x16xf32>,
      %get3A_552 = vector.shape_cast %get3A_551 : vector<1x16xf32> to vector<16xf32>
      %mul3A_553 = arith.constant 8.000000e+00 : f32
      %mul3A_554 = vector.broadcast %mul3A_553 : f32 to vector<16xf32>
      %mul3A_555 = arith.mulf %get3A_552, %mul3A_554 : vector<16xf32>
      %swap3A_556 = arith.index_cast %add3A_536 : i32 to index
      %swap3A_557 = arith.constant 16 : index
      %swap3A_558 = tpu.vector_load %arg11[%swap3A_556, %swap3A_557] {strides = array<i32>} : memref<50x64xf32, #tpu.memory_space<vmem>>, vector<1x16xf32>,
      %swap3A_559 = vector.shape_cast %swap3A_558 : vector<1x16xf32> to vector<16xf32>
      %swap3A_560 = vector.shape_cast %mul3A_555 : vector<16xf32> to vector<1x16xf32>
      tpu.vector_store %arg11[%swap3A_556, %swap3A_557], %swap3A_560 {strides = array<i32>} : memref<50x64xf32, #tpu.memory_space<vmem>>, vector<1x16xf32>,
      %get3A_561 = arith.index_cast %add3A_536 : i32 to index
      %get3A_562 = arith.constant 32 : index
      %get3A_563 = tpu.vector_load %arg7[%get3A_561, %get3A_562] {strides = array<i32>} : memref<50x128xf32, #tpu.memory_space<vmem>>, vector<1x16xf32>,
      %get3A_564 = vector.shape_cast %get3A_563 : vector<1x16xf32> to vector<16xf32>
      %mul3A_565 = arith.constant 8.000000e+00 : f32
      %mul3A_566 = vector.broadcast %mul3A_565 : f32 to vector<16xf32>
      %mul3A_567 = arith.mulf %get3A_564, %mul3A_566 : vector<16xf32>
      %swap3A_568 = arith.index_cast %add3A_536 : i32 to index
      %swap3A_569 = arith.constant 32 : index
      %swap3A_570 = tpu.vector_load %arg11[%swap3A_568, %swap3A_569] {strides = array<i32>} : memref<50x64xf32, #tpu.memory_space<vmem>>, vector<1x16xf32>,
      %swap3A_571 = vector.shape_cast %swap3A_570 : vector<1x16xf32> to vector<16xf32>
      %swap3A_572 = vector.shape_cast %mul3A_567 : vector<16xf32> to vector<1x16xf32>
      tpu.vector_store %arg11[%swap3A_568, %swap3A_569], %swap3A_572 {strides = array<i32>} : memref<50x64xf32, #tpu.memory_space<vmem>>, vector<1x16xf32>,
      %get3A_573 = arith.index_cast %add3A_536 : i32 to index
      %get3A_574 = arith.constant 48 : index
      %get3A_575 = tpu.vector_load %arg7[%get3A_573, %get3A_574] {strides = array<i32>} : memref<50x128xf32, #tpu.memory_space<vmem>>, vector<1x16xf32>,
      %get3A_576 = vector.shape_cast %get3A_575 : vector<1x16xf32> to vector<16xf32>
      %mul3A_577 = arith.constant 8.000000e+00 : f32
      %mul3A_578 = vector.broadcast %mul3A_577 : f32 to vector<16xf32>
      %mul3A_579 = arith.mulf %get3A_576, %mul3A_578 : vector<16xf32>
      %swap3A_580 = arith.index_cast %add3A_536 : i32 to index
      %swap3A_581 = arith.constant 48 : index
      %swap3A_582 = tpu.vector_load %arg11[%swap3A_580, %swap3A_581] {strides = array<i32>} : memref<50x64xf32, #tpu.memory_space<vmem>>, vector<1x16xf32>,
      %swap3A_583 = vector.shape_cast %swap3A_582 : vector<1x16xf32> to vector<16xf32>
      %swap3A_584 = vector.shape_cast %mul3A_579 : vector<16xf32> to vector<1x16xf32>
      tpu.vector_store %arg11[%swap3A_580, %swap3A_581], %swap3A_584 {strides = array<i32>} : memref<50x64xf32, #tpu.memory_space<vmem>>, vector<1x16xf32>,
    }
    %scan3A_70 = arith.constant 10 : i32
    %dma_start3A_71 = arith.constant 5 : i32
    %dma_start3A_72 = arith.constant 0 : i32
    %dma_start3A_73 = tpu.memref_slice %arg5[%dma_start3A_71, %dma_start3A_72] : memref<128x50xi32, #tpu.memory_space<vmem>> -> memref<1x50xi32, #tpu.memory_space<vmem>>
    %dma_start3A_74 = tpu.memref_squeeze %dma_start3A_73 : memref<1x50xi32, #tpu.memory_space<vmem>> -> memref<50xi32, #tpu.memory_space<vmem>>
    %dma_start3A_75 = arith.constant 0 : i32
    %dma_start3A_76 = arith.constant 0 : i32
    %dma_start3A_77 = tpu.memref_slice %arg3[%dma_start3A_75, %dma_start3A_76] : memref<100000x128xf32, #tpu.memory_space<hbm>> -> memref<100000x128xf32, #tpu.memory_space<hbm>>
    tpu.enqueue_indirect_dma source(%dma_start3A_77 : memref<100000x128xf32, #tpu.memory_space<hbm>>) target(%arg7 : memref<50x128xf32, #tpu.memory_space<vmem>>) offsets(%dma_start3A_74 : memref<50xi32, #tpu.memory_space<vmem>>) semaphore(%arg15 : memref<!tpu.dma_semaphore, #tpu.memory_space<semaphore_mem>>)
    %add3A_78 = arith.constant 1 : i32
    %add3A_79 = arith.addi %mul3A_2, %add3A_78 : i32
    %dma_start3A_80 = arith.constant 0 : i32
    %dma_start3A_81 = arith.constant 0 : i32
    %dma_start3A_82 = tpu.memref_slice %arg4[%add3A_79, %dma_start3A_80, %dma_start3A_81] : memref<4096x50x64xf32, #tpu.memory_space<hbm>> -> memref<1x50x64xf32, #tpu.memory_space<hbm>>
    %dma_start3A_83 = tpu.memref_squeeze %dma_start3A_82 : memref<1x50x64xf32, #tpu.memory_space<hbm>> -> memref<50x64xf32, #tpu.memory_space<hbm>>
    %dma_start3A_84 = arith.constant 0 : i32
    %dma_start3A_85 = arith.constant 0 : i32
    %dma_start3A_86 = tpu.memref_slice %arg4[%add3A_79, %dma_start3A_84, %dma_start3A_85] : memref<4096x50x64xf32, #tpu.memory_space<hbm>> -> memref<1x50x64xf32, #tpu.memory_space<hbm>>
    %dma_start3A_87 = tpu.memref_squeeze %dma_start3A_86 : memref<1x50x64xf32, #tpu.memory_space<hbm>> -> memref<50x64xf32, #tpu.memory_space<hbm>>
    tpu.enqueue_dma source(%arg11 : memref<50x64xf32, #tpu.memory_space<vmem>>) target(%dma_start3A_87 : memref<50x64xf32, #tpu.memory_space<hbm>>) target_semaphore(%arg19 : memref<!tpu.dma_semaphore, #tpu.memory_space<semaphore_mem>>)
    %dma_wait3A_88 = arith.constant 2 : i32
    %dma_wait3A_89 = arith.constant 0 : i32
    %dma_wait3A_90 = tpu.memref_slice %arg5[%dma_wait3A_88, %dma_wait3A_89] : memref<128x50xi32, #tpu.memory_space<vmem>> -> memref<1x50xi32, #tpu.memory_space<vmem>>
    %dma_wait3A_91 = tpu.memref_squeeze %dma_wait3A_90 : memref<1x50xi32, #tpu.memory_space<vmem>> -> memref<50xi32, #tpu.memory_space<vmem>>
    %dma_wait3A_92 = arith.constant 0 : i32
    %dma_wait3A_93 = arith.constant 0 : i32
    %dma_wait3A_94 = tpu.memref_slice %arg3[%dma_wait3A_92, %dma_wait3A_93] : memref<100000x128xf32, #tpu.memory_space<hbm>> -> memref<100000x128xf32, #tpu.memory_space<hbm>>
    tpu.wait_indirect_dma semaphore(%arg16 : memref<!tpu.dma_semaphore, #tpu.memory_space<semaphore_mem>>) src(%dma_wait3A_94 : memref<100000x128xf32, #tpu.memory_space<hbm>>) dst(%arg8 : memref<50x128xf32, #tpu.memory_space<vmem>>)
    %scan3A_95 = arith.constant 0 : i32
    %scan3A_96 = arith.constant 0 : i32
    %scan3A_97 = arith.constant 10 : i32
    %scan3A_98 = arith.addi %scan3A_96, %scan3A_97 : i32
    %scan3A_99 = arith.constant 1 : i32
    scf.for %scan3A_326 = %scan3A_96 to %scan3A_98 step %scan3A_99  : i32 {
      %mul3A_327 = arith.constant 5 : i32
      %mul3A_328 = arith.muli %scan3A_326, %mul3A_327 : i32
      %add3A_329 = arith.constant 0 : i32
      %add3A_330 = arith.addi %mul3A_328, %add3A_329 : i32
      %get3A = arith.index_cast %add3A_330 : i32 to index
      %get3A_331 = arith.constant 0 : index
      %get3A_332 = tpu.vector_load %arg8[%get3A, %get3A_331] {strides = array<i32>} : memref<50x128xf32, #tpu.memory_space<vmem>>, vector<1x16xf32>,
      %get3A_333 = vector.shape_cast %get3A_332 : vector<1x16xf32> to vector<16xf32>
      %mul3A_334 = arith.constant 8.000000e+00 : f32
      %mul3A_335 = vector.broadcast %mul3A_334 : f32 to vector<16xf32>
      %mul3A_336 = arith.mulf %get3A_333, %mul3A_335 : vector<16xf32>
      %swap3A = arith.index_cast %add3A_330 : i32 to index
      %swap3A_337 = arith.constant 0 : index
      %swap3A_338 = tpu.vector_load %arg12[%swap3A, %swap3A_337] {strides = array<i32>} : memref<50x64xf32, #tpu.memory_space<vmem>>, vector<1x16xf32>,
      %swap3A_339 = vector.shape_cast %swap3A_338 : vector<1x16xf32> to vector<16xf32>
      %swap3A_340 = vector.shape_cast %mul3A_336 : vector<16xf32> to vector<1x16xf32>
      tpu.vector_store %arg12[%swap3A, %swap3A_337], %swap3A_340 {strides = array<i32>} : memref<50x64xf32, #tpu.memory_space<vmem>>, vector<1x16xf32>,
      %get3A_341 = arith.index_cast %add3A_330 : i32 to index
      %get3A_342 = arith.constant 16 : index
      %get3A_343 = tpu.vector_load %arg8[%get3A_341, %get3A_342] {strides = array<i32>} : memref<50x128xf32, #tpu.memory_space<vmem>>, vector<1x16xf32>,
      %get3A_344 = vector.shape_cast %get3A_343 : vector<1x16xf32> to vector<16xf32>
      %mul3A_345 = arith.constant 8.000000e+00 : f32
      %mul3A_346 = vector.broadcast %mul3A_345 : f32 to vector<16xf32>
      %mul3A_347 = arith.mulf %get3A_344, %mul3A_346 : vector<16xf32>
      %swap3A_348 = arith.index_cast %add3A_330 : i32 to index
      %swap3A_349 = arith.constant 16 : index
      %swap3A_350 = tpu.vector_load %arg12[%swap3A_348, %swap3A_349] {strides = array<i32>} : memref<50x64xf32, #tpu.memory_space<vmem>>, vector<1x16xf32>,
      %swap3A_351 = vector.shape_cast %swap3A_350 : vector<1x16xf32> to vector<16xf32>
      %swap3A_352 = vector.shape_cast %mul3A_347 : vector<16xf32> to vector<1x16xf32>
      tpu.vector_store %arg12[%swap3A_348, %swap3A_349], %swap3A_352 {strides = array<i32>} : memref<50x64xf32, #tpu.memory_space<vmem>>, vector<1x16xf32>,
      %get3A_353 = arith.index_cast %add3A_330 : i32 to index
      %get3A_354 = arith.constant 32 : index
      %get3A_355 = tpu.vector_load %arg8[%get3A_353, %get3A_354] {strides = array<i32>} : memref<50x128xf32, #tpu.memory_space<vmem>>, vector<1x16xf32>,
      %get3A_356 = vector.shape_cast %get3A_355 : vector<1x16xf32> to vector<16xf32>
      %mul3A_357 = arith.constant 8.000000e+00 : f32
      %mul3A_358 = vector.broadcast %mul3A_357 : f32 to vector<16xf32>
      %mul3A_359 = arith.mulf %get3A_356, %mul3A_358 : vector<16xf32>
      %swap3A_360 = arith.index_cast %add3A_330 : i32 to index
      %swap3A_361 = arith.constant 32 : index
      %swap3A_362 = tpu.vector_load %arg12[%swap3A_360, %swap3A_361] {strides = array<i32>} : memref<50x64xf32, #tpu.memory_space<vmem>>, vector<1x16xf32>,
      %swap3A_363 = vector.shape_cast %swap3A_362 : vector<1x16xf32> to vector<16xf32>
      %swap3A_364 = vector.shape_cast %mul3A_359 : vector<16xf32> to vector<1x16xf32>
      tpu.vector_store %arg12[%swap3A_360, %swap3A_361], %swap3A_364 {strides = array<i32>} : memref<50x64xf32, #tpu.memory_space<vmem>>, vector<1x16xf32>,
      %get3A_365 = arith.index_cast %add3A_330 : i32 to index
      %get3A_366 = arith.constant 48 : index
      %get3A_367 = tpu.vector_load %arg8[%get3A_365, %get3A_366] {strides = array<i32>} : memref<50x128xf32, #tpu.memory_space<vmem>>, vector<1x16xf32>,
      %get3A_368 = vector.shape_cast %get3A_367 : vector<1x16xf32> to vector<16xf32>
      %mul3A_369 = arith.constant 8.000000e+00 : f32
      %mul3A_370 = vector.broadcast %mul3A_369 : f32 to vector<16xf32>
      %mul3A_371 = arith.mulf %get3A_368, %mul3A_370 : vector<16xf32>
      %swap3A_372 = arith.index_cast %add3A_330 : i32 to index
      %swap3A_373 = arith.constant 48 : index
      %swap3A_374 = tpu.vector_load %arg12[%swap3A_372, %swap3A_373] {strides = array<i32>} : memref<50x64xf32, #tpu.memory_space<vmem>>, vector<1x16xf32>,
      %swap3A_375 = vector.shape_cast %swap3A_374 : vector<1x16xf32> to vector<16xf32>
      %swap3A_376 = vector.shape_cast %mul3A_371 : vector<16xf32> to vector<1x16xf32>
      tpu.vector_store %arg12[%swap3A_372, %swap3A_373], %swap3A_376 {strides = array<i32>} : memref<50x64xf32, #tpu.memory_space<vmem>>, vector<1x16xf32>,
      %mul3A_377 = arith.constant 5 : i32
      %mul3A_378 = arith.muli %scan3A_326, %mul3A_377 : i32
      %add3A_379 = arith.constant 1 : i32
      %add3A_380 = arith.addi %mul3A_378, %add3A_379 : i32
      %get3A_381 = arith.index_cast %add3A_380 : i32 to index
      %get3A_382 = arith.constant 0 : index
      %get3A_383 = tpu.vector_load %arg8[%get3A_381, %get3A_382] {strides = array<i32>} : memref<50x128xf32, #tpu.memory_space<vmem>>, vector<1x16xf32>,
      %get3A_384 = vector.shape_cast %get3A_383 : vector<1x16xf32> to vector<16xf32>
      %mul3A_385 = arith.constant 8.000000e+00 : f32
      %mul3A_386 = vector.broadcast %mul3A_385 : f32 to vector<16xf32>
      %mul3A_387 = arith.mulf %get3A_384, %mul3A_386 : vector<16xf32>
      %swap3A_388 = arith.index_cast %add3A_380 : i32 to index
      %swap3A_389 = arith.constant 0 : index
      %swap3A_390 = tpu.vector_load %arg12[%swap3A_388, %swap3A_389] {strides = array<i32>} : memref<50x64xf32, #tpu.memory_space<vmem>>, vector<1x16xf32>,
      %swap3A_391 = vector.shape_cast %swap3A_390 : vector<1x16xf32> to vector<16xf32>
      %swap3A_392 = vector.shape_cast %mul3A_387 : vector<16xf32> to vector<1x16xf32>
      tpu.vector_store %arg12[%swap3A_388, %swap3A_389], %swap3A_392 {strides = array<i32>} : memref<50x64xf32, #tpu.memory_space<vmem>>, vector<1x16xf32>,
      %get3A_393 = arith.index_cast %add3A_380 : i32 to index
      %get3A_394 = arith.constant 16 : index
      %get3A_395 = tpu.vector_load %arg8[%get3A_393, %get3A_394] {strides = array<i32>} : memref<50x128xf32, #tpu.memory_space<vmem>>, vector<1x16xf32>,
      %get3A_396 = vector.shape_cast %get3A_395 : vector<1x16xf32> to vector<16xf32>
      %mul3A_397 = arith.constant 8.000000e+00 : f32
      %mul3A_398 = vector.broadcast %mul3A_397 : f32 to vector<16xf32>
      %mul3A_399 = arith.mulf %get3A_396, %mul3A_398 : vector<16xf32>
      %swap3A_400 = arith.index_cast %add3A_380 : i32 to index
      %swap3A_401 = arith.constant 16 : index
      %swap3A_402 = tpu.vector_load %arg12[%swap3A_400, %swap3A_401] {strides = array<i32>} : memref<50x64xf32, #tpu.memory_space<vmem>>, vector<1x16xf32>,
      %swap3A_403 = vector.shape_cast %swap3A_402 : vector<1x16xf32> to vector<16xf32>
      %swap3A_404 = vector.shape_cast %mul3A_399 : vector<16xf32> to vector<1x16xf32>
      tpu.vector_store %arg12[%swap3A_400, %swap3A_401], %swap3A_404 {strides = array<i32>} : memref<50x64xf32, #tpu.memory_space<vmem>>, vector<1x16xf32>,
      %get3A_405 = arith.index_cast %add3A_380 : i32 to index
      %get3A_406 = arith.constant 32 : index
      %get3A_407 = tpu.vector_load %arg8[%get3A_405, %get3A_406] {strides = array<i32>} : memref<50x128xf32, #tpu.memory_space<vmem>>, vector<1x16xf32>,
      %get3A_408 = vector.shape_cast %get3A_407 : vector<1x16xf32> to vector<16xf32>
      %mul3A_409 = arith.constant 8.000000e+00 : f32
      %mul3A_410 = vector.broadcast %mul3A_409 : f32 to vector<16xf32>
      %mul3A_411 = arith.mulf %get3A_408, %mul3A_410 : vector<16xf32>
      %swap3A_412 = arith.index_cast %add3A_380 : i32 to index
      %swap3A_413 = arith.constant 32 : index
      %swap3A_414 = tpu.vector_load %arg12[%swap3A_412, %swap3A_413] {strides = array<i32>} : memref<50x64xf32, #tpu.memory_space<vmem>>, vector<1x16xf32>,
      %swap3A_415 = vector.shape_cast %swap3A_414 : vector<1x16xf32> to vector<16xf32>
      %swap3A_416 = vector.shape_cast %mul3A_411 : vector<16xf32> to vector<1x16xf32>
      tpu.vector_store %arg12[%swap3A_412, %swap3A_413], %swap3A_416 {strides = array<i32>} : memref<50x64xf32, #tpu.memory_space<vmem>>, vector<1x16xf32>,
      %get3A_417 = arith.index_cast %add3A_380 : i32 to index
      %get3A_418 = arith.constant 48 : index
      %get3A_419 = tpu.vector_load %arg8[%get3A_417, %get3A_418] {strides = array<i32>} : memref<50x128xf32, #tpu.memory_space<vmem>>, vector<1x16xf32>,
      %get3A_420 = vector.shape_cast %get3A_419 : vector<1x16xf32> to vector<16xf32>
      %mul3A_421 = arith.constant 8.000000e+00 : f32
      %mul3A_422 = vector.broadcast %mul3A_421 : f32 to vector<16xf32>
      %mul3A_423 = arith.mulf %get3A_420, %mul3A_422 : vector<16xf32>
      %swap3A_424 = arith.index_cast %add3A_380 : i32 to index
      %swap3A_425 = arith.constant 48 : index
      %swap3A_426 = tpu.vector_load %arg12[%swap3A_424, %swap3A_425] {strides = array<i32>} : memref<50x64xf32, #tpu.memory_space<vmem>>, vector<1x16xf32>,
      %swap3A_427 = vector.shape_cast %swap3A_426 : vector<1x16xf32> to vector<16xf32>
      %swap3A_428 = vector.shape_cast %mul3A_423 : vector<16xf32> to vector<1x16xf32>
      tpu.vector_store %arg12[%swap3A_424, %swap3A_425], %swap3A_428 {strides = array<i32>} : memref<50x64xf32, #tpu.memory_space<vmem>>, vector<1x16xf32>,
      %mul3A_429 = arith.constant 5 : i32
      %mul3A_430 = arith.muli %scan3A_326, %mul3A_429 : i32
      %add3A_431 = arith.constant 2 : i32
      %add3A_432 = arith.addi %mul3A_430, %add3A_431 : i32
      %get3A_433 = arith.index_cast %add3A_432 : i32 to index
      %get3A_434 = arith.constant 0 : index
      %get3A_435 = tpu.vector_load %arg8[%get3A_433, %get3A_434] {strides = array<i32>} : memref<50x128xf32, #tpu.memory_space<vmem>>, vector<1x16xf32>,
      %get3A_436 = vector.shape_cast %get3A_435 : vector<1x16xf32> to vector<16xf32>
      %mul3A_437 = arith.constant 8.000000e+00 : f32
      %mul3A_438 = vector.broadcast %mul3A_437 : f32 to vector<16xf32>
      %mul3A_439 = arith.mulf %get3A_436, %mul3A_438 : vector<16xf32>
      %swap3A_440 = arith.index_cast %add3A_432 : i32 to index
      %swap3A_441 = arith.constant 0 : index
      %swap3A_442 = tpu.vector_load %arg12[%swap3A_440, %swap3A_441] {strides = array<i32>} : memref<50x64xf32, #tpu.memory_space<vmem>>, vector<1x16xf32>,
      %swap3A_443 = vector.shape_cast %swap3A_442 : vector<1x16xf32> to vector<16xf32>
      %swap3A_444 = vector.shape_cast %mul3A_439 : vector<16xf32> to vector<1x16xf32>
      tpu.vector_store %arg12[%swap3A_440, %swap3A_441], %swap3A_444 {strides = array<i32>} : memref<50x64xf32, #tpu.memory_space<vmem>>, vector<1x16xf32>,
      %get3A_445 = arith.index_cast %add3A_432 : i32 to index
      %get3A_446 = arith.constant 16 : index
      %get3A_447 = tpu.vector_load %arg8[%get3A_445, %get3A_446] {strides = array<i32>} : memref<50x128xf32, #tpu.memory_space<vmem>>, vector<1x16xf32>,
      %get3A_448 = vector.shape_cast %get3A_447 : vector<1x16xf32> to vector<16xf32>
      %mul3A_449 = arith.constant 8.000000e+00 : f32
      %mul3A_450 = vector.broadcast %mul3A_449 : f32 to vector<16xf32>
      %mul3A_451 = arith.mulf %get3A_448, %mul3A_450 : vector<16xf32>
      %swap3A_452 = arith.index_cast %add3A_432 : i32 to index
      %swap3A_453 = arith.constant 16 : index
      %swap3A_454 = tpu.vector_load %arg12[%swap3A_452, %swap3A_453] {strides = array<i32>} : memref<50x64xf32, #tpu.memory_space<vmem>>, vector<1x16xf32>,
      %swap3A_455 = vector.shape_cast %swap3A_454 : vector<1x16xf32> to vector<16xf32>
      %swap3A_456 = vector.shape_cast %mul3A_451 : vector<16xf32> to vector<1x16xf32>
      tpu.vector_store %arg12[%swap3A_452, %swap3A_453], %swap3A_456 {strides = array<i32>} : memref<50x64xf32, #tpu.memory_space<vmem>>, vector<1x16xf32>,
      %get3A_457 = arith.index_cast %add3A_432 : i32 to index
      %get3A_458 = arith.constant 32 : index
      %get3A_459 = tpu.vector_load %arg8[%get3A_457, %get3A_458] {strides = array<i32>} : memref<50x128xf32, #tpu.memory_space<vmem>>, vector<1x16xf32>,
      %get3A_460 = vector.shape_cast %get3A_459 : vector<1x16xf32> to vector<16xf32>
      %mul3A_461 = arith.constant 8.000000e+00 : f32
      %mul3A_462 = vector.broadcast %mul3A_461 : f32 to vector<16xf32>
      %mul3A_463 = arith.mulf %get3A_460, %mul3A_462 : vector<16xf32>
      %swap3A_464 = arith.index_cast %add3A_432 : i32 to index
      %swap3A_465 = arith.constant 32 : index
      %swap3A_466 = tpu.vector_load %arg12[%swap3A_464, %swap3A_465] {strides = array<i32>} : memref<50x64xf32, #tpu.memory_space<vmem>>, vector<1x16xf32>,
      %swap3A_467 = vector.shape_cast %swap3A_466 : vector<1x16xf32> to vector<16xf32>
      %swap3A_468 = vector.shape_cast %mul3A_463 : vector<16xf32> to vector<1x16xf32>
      tpu.vector_store %arg12[%swap3A_464, %swap3A_465], %swap3A_468 {strides = array<i32>} : memref<50x64xf32, #tpu.memory_space<vmem>>, vector<1x16xf32>,
      %get3A_469 = arith.index_cast %add3A_432 : i32 to index
      %get3A_470 = arith.constant 48 : index
      %get3A_471 = tpu.vector_load %arg8[%get3A_469, %get3A_470] {strides = array<i32>} : memref<50x128xf32, #tpu.memory_space<vmem>>, vector<1x16xf32>,
      %get3A_472 = vector.shape_cast %get3A_471 : vector<1x16xf32> to vector<16xf32>
      %mul3A_473 = arith.constant 8.000000e+00 : f32
      %mul3A_474 = vector.broadcast %mul3A_473 : f32 to vector<16xf32>
      %mul3A_475 = arith.mulf %get3A_472, %mul3A_474 : vector<16xf32>
      %swap3A_476 = arith.index_cast %add3A_432 : i32 to index
      %swap3A_477 = arith.constant 48 : index
      %swap3A_478 = tpu.vector_load %arg12[%swap3A_476, %swap3A_477] {strides = array<i32>} : memref<50x64xf32, #tpu.memory_space<vmem>>, vector<1x16xf32>,
      %swap3A_479 = vector.shape_cast %swap3A_478 : vector<1x16xf32> to vector<16xf32>
      %swap3A_480 = vector.shape_cast %mul3A_475 : vector<16xf32> to vector<1x16xf32>
      tpu.vector_store %arg12[%swap3A_476, %swap3A_477], %swap3A_480 {strides = array<i32>} : memref<50x64xf32, #tpu.memory_space<vmem>>, vector<1x16xf32>,
      %mul3A_481 = arith.constant 5 : i32
      %mul3A_482 = arith.muli %scan3A_326, %mul3A_481 : i32
      %add3A_483 = arith.constant 3 : i32
      %add3A_484 = arith.addi %mul3A_482, %add3A_483 : i32
      %get3A_485 = arith.index_cast %add3A_484 : i32 to index
      %get3A_486 = arith.constant 0 : index
      %get3A_487 = tpu.vector_load %arg8[%get3A_485, %get3A_486] {strides = array<i32>} : memref<50x128xf32, #tpu.memory_space<vmem>>, vector<1x16xf32>,
      %get3A_488 = vector.shape_cast %get3A_487 : vector<1x16xf32> to vector<16xf32>
      %mul3A_489 = arith.constant 8.000000e+00 : f32
      %mul3A_490 = vector.broadcast %mul3A_489 : f32 to vector<16xf32>
      %mul3A_491 = arith.mulf %get3A_488, %mul3A_490 : vector<16xf32>
      %swap3A_492 = arith.index_cast %add3A_484 : i32 to index
      %swap3A_493 = arith.constant 0 : index
      %swap3A_494 = tpu.vector_load %arg12[%swap3A_492, %swap3A_493] {strides = array<i32>} : memref<50x64xf32, #tpu.memory_space<vmem>>, vector<1x16xf32>,
      %swap3A_495 = vector.shape_cast %swap3A_494 : vector<1x16xf32> to vector<16xf32>
      %swap3A_496 = vector.shape_cast %mul3A_491 : vector<16xf32> to vector<1x16xf32>
      tpu.vector_store %arg12[%swap3A_492, %swap3A_493], %swap3A_496 {strides = array<i32>} : memref<50x64xf32, #tpu.memory_space<vmem>>, vector<1x16xf32>,
      %get3A_497 = arith.index_cast %add3A_484 : i32 to index
      %get3A_498 = arith.constant 16 : index
      %get3A_499 = tpu.vector_load %arg8[%get3A_497, %get3A_498] {strides = array<i32>} : memref<50x128xf32, #tpu.memory_space<vmem>>, vector<1x16xf32>,
      %get3A_500 = vector.shape_cast %get3A_499 : vector<1x16xf32> to vector<16xf32>
      %mul3A_501 = arith.constant 8.000000e+00 : f32
      %mul3A_502 = vector.broadcast %mul3A_501 : f32 to vector<16xf32>
      %mul3A_503 = arith.mulf %get3A_500, %mul3A_502 : vector<16xf32>
      %swap3A_504 = arith.index_cast %add3A_484 : i32 to index
      %swap3A_505 = arith.constant 16 : index
      %swap3A_506 = tpu.vector_load %arg12[%swap3A_504, %swap3A_505] {strides = array<i32>} : memref<50x64xf32, #tpu.memory_space<vmem>>, vector<1x16xf32>,
      %swap3A_507 = vector.shape_cast %swap3A_506 : vector<1x16xf32> to vector<16xf32>
      %swap3A_508 = vector.shape_cast %mul3A_503 : vector<16xf32> to vector<1x16xf32>
      tpu.vector_store %arg12[%swap3A_504, %swap3A_505], %swap3A_508 {strides = array<i32>} : memref<50x64xf32, #tpu.memory_space<vmem>>, vector<1x16xf32>,
      %get3A_509 = arith.index_cast %add3A_484 : i32 to index
      %get3A_510 = arith.constant 32 : index
      %get3A_511 = tpu.vector_load %arg8[%get3A_509, %get3A_510] {strides = array<i32>} : memref<50x128xf32, #tpu.memory_space<vmem>>, vector<1x16xf32>,
      %get3A_512 = vector.shape_cast %get3A_511 : vector<1x16xf32> to vector<16xf32>
      %mul3A_513 = arith.constant 8.000000e+00 : f32
      %mul3A_514 = vector.broadcast %mul3A_513 : f32 to vector<16xf32>
      %mul3A_515 = arith.mulf %get3A_512, %mul3A_514 : vector<16xf32>
      %swap3A_516 = arith.index_cast %add3A_484 : i32 to index
      %swap3A_517 = arith.constant 32 : index
      %swap3A_518 = tpu.vector_load %arg12[%swap3A_516, %swap3A_517] {strides = array<i32>} : memref<50x64xf32, #tpu.memory_space<vmem>>, vector<1x16xf32>,
      %swap3A_519 = vector.shape_cast %swap3A_518 : vector<1x16xf32> to vector<16xf32>
      %swap3A_520 = vector.shape_cast %mul3A_515 : vector<16xf32> to vector<1x16xf32>
      tpu.vector_store %arg12[%swap3A_516, %swap3A_517], %swap3A_520 {strides = array<i32>} : memref<50x64xf32, #tpu.memory_space<vmem>>, vector<1x16xf32>,
      %get3A_521 = arith.index_cast %add3A_484 : i32 to index
      %get3A_522 = arith.constant 48 : index
      %get3A_523 = tpu.vector_load %arg8[%get3A_521, %get3A_522] {strides = array<i32>} : memref<50x128xf32, #tpu.memory_space<vmem>>, vector<1x16xf32>,
      %get3A_524 = vector.shape_cast %get3A_523 : vector<1x16xf32> to vector<16xf32>
      %mul3A_525 = arith.constant 8.000000e+00 : f32
      %mul3A_526 = vector.broadcast %mul3A_525 : f32 to vector<16xf32>
      %mul3A_527 = arith.mulf %get3A_524, %mul3A_526 : vector<16xf32>
      %swap3A_528 = arith.index_cast %add3A_484 : i32 to index
      %swap3A_529 = arith.constant 48 : index
      %swap3A_530 = tpu.vector_load %arg12[%swap3A_528, %swap3A_529] {strides = array<i32>} : memref<50x64xf32, #tpu.memory_space<vmem>>, vector<1x16xf32>,
      %swap3A_531 = vector.shape_cast %swap3A_530 : vector<1x16xf32> to vector<16xf32>
      %swap3A_532 = vector.shape_cast %mul3A_527 : vector<16xf32> to vector<1x16xf32>
      tpu.vector_store %arg12[%swap3A_528, %swap3A_529], %swap3A_532 {strides = array<i32>} : memref<50x64xf32, #tpu.memory_space<vmem>>, vector<1x16xf32>,
      %mul3A_533 = arith.constant 5 : i32
      %mul3A_534 = arith.muli %scan3A_326, %mul3A_533 : i32
      %add3A_535 = arith.constant 4 : i32
      %add3A_536 = arith.addi %mul3A_534, %add3A_535 : i32
      %get3A_537 = arith.index_cast %add3A_536 : i32 to index
      %get3A_538 = arith.constant 0 : index
      %get3A_539 = tpu.vector_load %arg8[%get3A_537, %get3A_538] {strides = array<i32>} : memref<50x128xf32, #tpu.memory_space<vmem>>, vector<1x16xf32>,
      %get3A_540 = vector.shape_cast %get3A_539 : vector<1x16xf32> to vector<16xf32>
      %mul3A_541 = arith.constant 8.000000e+00 : f32
      %mul3A_542 = vector.broadcast %mul3A_541 : f32 to vector<16xf32>
      %mul3A_543 = arith.mulf %get3A_540, %mul3A_542 : vector<16xf32>
      %swap3A_544 = arith.index_cast %add3A_536 : i32 to index
      %swap3A_545 = arith.constant 0 : index
      %swap3A_546 = tpu.vector_load %arg12[%swap3A_544, %swap3A_545] {strides = array<i32>} : memref<50x64xf32, #tpu.memory_space<vmem>>, vector<1x16xf32>,
      %swap3A_547 = vector.shape_cast %swap3A_546 : vector<1x16xf32> to vector<16xf32>
      %swap3A_548 = vector.shape_cast %mul3A_543 : vector<16xf32> to vector<1x16xf32>
      tpu.vector_store %arg12[%swap3A_544, %swap3A_545], %swap3A_548 {strides = array<i32>} : memref<50x64xf32, #tpu.memory_space<vmem>>, vector<1x16xf32>,
      %get3A_549 = arith.index_cast %add3A_536 : i32 to index
      %get3A_550 = arith.constant 16 : index
      %get3A_551 = tpu.vector_load %arg8[%get3A_549, %get3A_550] {strides = array<i32>} : memref<50x128xf32, #tpu.memory_space<vmem>>, vector<1x16xf32>,
      %get3A_552 = vector.shape_cast %get3A_551 : vector<1x16xf32> to vector<16xf32>
      %mul3A_553 = arith.constant 8.000000e+00 : f32
      %mul3A_554 = vector.broadcast %mul3A_553 : f32 to vector<16xf32>
      %mul3A_555 = arith.mulf %get3A_552, %mul3A_554 : vector<16xf32>
      %swap3A_556 = arith.index_cast %add3A_536 : i32 to index
      %swap3A_557 = arith.constant 16 : index
      %swap3A_558 = tpu.vector_load %arg12[%swap3A_556, %swap3A_557] {strides = array<i32>} : memref<50x64xf32, #tpu.memory_space<vmem>>, vector<1x16xf32>,
      %swap3A_559 = vector.shape_cast %swap3A_558 : vector<1x16xf32> to vector<16xf32>
      %swap3A_560 = vector.shape_cast %mul3A_555 : vector<16xf32> to vector<1x16xf32>
      tpu.vector_store %arg12[%swap3A_556, %swap3A_557], %swap3A_560 {strides = array<i32>} : memref<50x64xf32, #tpu.memory_space<vmem>>, vector<1x16xf32>,
      %get3A_561 = arith.index_cast %add3A_536 : i32 to index
      %get3A_562 = arith.constant 32 : index
      %get3A_563 = tpu.vector_load %arg8[%get3A_561, %get3A_562] {strides = array<i32>} : memref<50x128xf32, #tpu.memory_space<vmem>>, vector<1x16xf32>,
      %get3A_564 = vector.shape_cast %get3A_563 : vector<1x16xf32> to vector<16xf32>
      %mul3A_565 = arith.constant 8.000000e+00 : f32
      %mul3A_566 = vector.broadcast %mul3A_565 : f32 to vector<16xf32>
      %mul3A_567 = arith.mulf %get3A_564, %mul3A_566 : vector<16xf32>
      %swap3A_568 = arith.index_cast %add3A_536 : i32 to index
      %swap3A_569 = arith.constant 32 : index
      %swap3A_570 = tpu.vector_load %arg12[%swap3A_568, %swap3A_569] {strides = array<i32>} : memref<50x64xf32, #tpu.memory_space<vmem>>, vector<1x16xf32>,
      %swap3A_571 = vector.shape_cast %swap3A_570 : vector<1x16xf32> to vector<16xf32>
      %swap3A_572 = vector.shape_cast %mul3A_567 : vector<16xf32> to vector<1x16xf32>
      tpu.vector_store %arg12[%swap3A_568, %swap3A_569], %swap3A_572 {strides = array<i32>} : memref<50x64xf32, #tpu.memory_space<vmem>>, vector<1x16xf32>,
      %get3A_573 = arith.index_cast %add3A_536 : i32 to index
      %get3A_574 = arith.constant 48 : index
      %get3A_575 = tpu.vector_load %arg8[%get3A_573, %get3A_574] {strides = array<i32>} : memref<50x128xf32, #tpu.memory_space<vmem>>, vector<1x16xf32>,
      %get3A_576 = vector.shape_cast %get3A_575 : vector<1x16xf32> to vector<16xf32>
      %mul3A_577 = arith.constant 8.000000e+00 : f32
      %mul3A_578 = vector.broadcast %mul3A_577 : f32 to vector<16xf32>
      %mul3A_579 = arith.mulf %get3A_576, %mul3A_578 : vector<16xf32>
      %swap3A_580 = arith.index_cast %add3A_536 : i32 to index
      %swap3A_581 = arith.constant 48 : index
      %swap3A_582 = tpu.vector_load %arg12[%swap3A_580, %swap3A_581] {strides = array<i32>} : memref<50x64xf32, #tpu.memory_space<vmem>>, vector<1x16xf32>,
      %swap3A_583 = vector.shape_cast %swap3A_582 : vector<1x16xf32> to vector<16xf32>
      %swap3A_584 = vector.shape_cast %mul3A_579 : vector<16xf32> to vector<1x16xf32>
      tpu.vector_store %arg12[%swap3A_580, %swap3A_581], %swap3A_584 {strides = array<i32>} : memref<50x64xf32, #tpu.memory_space<vmem>>, vector<1x16xf32>,
    }
    %scan3A_100 = arith.constant 10 : i32
    %dma_start3A_101 = arith.constant 6 : i32
    %dma_start3A_102 = arith.constant 0 : i32
    %dma_start3A_103 = tpu.memref_slice %arg5[%dma_start3A_101, %dma_start3A_102] : memref<128x50xi32, #tpu.memory_space<vmem>> -> memref<1x50xi32, #tpu.memory_space<vmem>>
    %dma_start3A_104 = tpu.memref_squeeze %dma_start3A_103 : memref<1x50xi32, #tpu.memory_space<vmem>> -> memref<50xi32, #tpu.memory_space<vmem>>
    %dma_start3A_105 = arith.constant 0 : i32
    %dma_start3A_106 = arith.constant 0 : i32
    %dma_start3A_107 = tpu.memref_slice %arg3[%dma_start3A_105, %dma_start3A_106] : memref<100000x128xf32, #tpu.memory_space<hbm>> -> memref<100000x128xf32, #tpu.memory_space<hbm>>
    tpu.enqueue_indirect_dma source(%dma_start3A_107 : memref<100000x128xf32, #tpu.memory_space<hbm>>) target(%arg8 : memref<50x128xf32, #tpu.memory_space<vmem>>) offsets(%dma_start3A_104 : memref<50xi32, #tpu.memory_space<vmem>>) semaphore(%arg16 : memref<!tpu.dma_semaphore, #tpu.memory_space<semaphore_mem>>)
    %add3A_108 = arith.constant 2 : i32
    %add3A_109 = arith.addi %mul3A_2, %add3A_108 : i32
    %dma_start3A_110 = arith.constant 0 : i32
    %dma_start3A_111 = arith.constant 0 : i32
    %dma_start3A_112 = tpu.memref_slice %arg4[%add3A_109, %dma_start3A_110, %dma_start3A_111] : memref<4096x50x64xf32, #tpu.memory_space<hbm>> -> memref<1x50x64xf32, #tpu.memory_space<hbm>>
    %dma_start3A_113 = tpu.memref_squeeze %dma_start3A_112 : memref<1x50x64xf32, #tpu.memory_space<hbm>> -> memref<50x64xf32, #tpu.memory_space<hbm>>
    %dma_start3A_114 = arith.constant 0 : i32
    %dma_start3A_115 = arith.constant 0 : i32
    %dma_start3A_116 = tpu.memref_slice %arg4[%add3A_109, %dma_start3A_114, %dma_start3A_115] : memref<4096x50x64xf32, #tpu.memory_space<hbm>> -> memref<1x50x64xf32, #tpu.memory_space<hbm>>
    %dma_start3A_117 = tpu.memref_squeeze %dma_start3A_116 : memref<1x50x64xf32, #tpu.memory_space<hbm>> -> memref<50x64xf32, #tpu.memory_space<hbm>>
    tpu.enqueue_dma source(%arg12 : memref<50x64xf32, #tpu.memory_space<vmem>>) target(%dma_start3A_117 : memref<50x64xf32, #tpu.memory_space<hbm>>) target_semaphore(%arg20 : memref<!tpu.dma_semaphore, #tpu.memory_space<semaphore_mem>>)
    %dma_wait3A_118 = arith.constant 3 : i32
    %dma_wait3A_119 = arith.constant 0 : i32
    %dma_wait3A_120 = tpu.memref_slice %arg5[%dma_wait3A_118, %dma_wait3A_119] : memref<128x50xi32, #tpu.memory_space<vmem>> -> memref<1x50xi32, #tpu.memory_space<vmem>>
    %dma_wait3A_121 = tpu.memref_squeeze %dma_wait3A_120 : memref<1x50xi32, #tpu.memory_space<vmem>> -> memref<50xi32, #tpu.memory_space<vmem>>
    %dma_wait3A_122 = arith.constant 0 : i32
    %dma_wait3A_123 = arith.constant 0 : i32
    %dma_wait3A_124 = tpu.memref_slice %arg3[%dma_wait3A_122, %dma_wait3A_123] : memref<100000x128xf32, #tpu.memory_space<hbm>> -> memref<100000x128xf32, #tpu.memory_space<hbm>>
    tpu.wait_indirect_dma semaphore(%arg17 : memref<!tpu.dma_semaphore, #tpu.memory_space<semaphore_mem>>) src(%dma_wait3A_124 : memref<100000x128xf32, #tpu.memory_space<hbm>>) dst(%arg9 : memref<50x128xf32, #tpu.memory_space<vmem>>)
    %scan3A_125 = arith.constant 0 : i32
    %scan3A_126 = arith.constant 0 : i32
    %scan3A_127 = arith.constant 10 : i32
    %scan3A_128 = arith.addi %scan3A_126, %scan3A_127 : i32
    %scan3A_129 = arith.constant 1 : i32
    scf.for %scan3A_326 = %scan3A_126 to %scan3A_128 step %scan3A_129  : i32 {
      %mul3A_327 = arith.constant 5 : i32
      %mul3A_328 = arith.muli %scan3A_326, %mul3A_327 : i32
      %add3A_329 = arith.constant 0 : i32
      %add3A_330 = arith.addi %mul3A_328, %add3A_329 : i32
      %get3A = arith.index_cast %add3A_330 : i32 to index
      %get3A_331 = arith.constant 0 : index
      %get3A_332 = tpu.vector_load %arg9[%get3A, %get3A_331] {strides = array<i32>} : memref<50x128xf32, #tpu.memory_space<vmem>>, vector<1x16xf32>,
      %get3A_333 = vector.shape_cast %get3A_332 : vector<1x16xf32> to vector<16xf32>
      %mul3A_334 = arith.constant 8.000000e+00 : f32
      %mul3A_335 = vector.broadcast %mul3A_334 : f32 to vector<16xf32>
      %mul3A_336 = arith.mulf %get3A_333, %mul3A_335 : vector<16xf32>
      %swap3A = arith.index_cast %add3A_330 : i32 to index
      %swap3A_337 = arith.constant 0 : index
      %swap3A_338 = tpu.vector_load %arg13[%swap3A, %swap3A_337] {strides = array<i32>} : memref<50x64xf32, #tpu.memory_space<vmem>>, vector<1x16xf32>,
      %swap3A_339 = vector.shape_cast %swap3A_338 : vector<1x16xf32> to vector<16xf32>
      %swap3A_340 = vector.shape_cast %mul3A_336 : vector<16xf32> to vector<1x16xf32>
      tpu.vector_store %arg13[%swap3A, %swap3A_337], %swap3A_340 {strides = array<i32>} : memref<50x64xf32, #tpu.memory_space<vmem>>, vector<1x16xf32>,
      %get3A_341 = arith.index_cast %add3A_330 : i32 to index
      %get3A_342 = arith.constant 16 : index
      %get3A_343 = tpu.vector_load %arg9[%get3A_341, %get3A_342] {strides = array<i32>} : memref<50x128xf32, #tpu.memory_space<vmem>>, vector<1x16xf32>,
      %get3A_344 = vector.shape_cast %get3A_343 : vector<1x16xf32> to vector<16xf32>
      %mul3A_345 = arith.constant 8.000000e+00 : f32
      %mul3A_346 = vector.broadcast %mul3A_345 : f32 to vector<16xf32>
      %mul3A_347 = arith.mulf %get3A_344, %mul3A_346 : vector<16xf32>
      %swap3A_348 = arith.index_cast %add3A_330 : i32 to index
      %swap3A_349 = arith.constant 16 : index
      %swap3A_350 = tpu.vector_load %arg13[%swap3A_348, %swap3A_349] {strides = array<i32>} : memref<50x64xf32, #tpu.memory_space<vmem>>, vector<1x16xf32>,
      %swap3A_351 = vector.shape_cast %swap3A_350 : vector<1x16xf32> to vector<16xf32>
      %swap3A_352 = vector.shape_cast %mul3A_347 : vector<16xf32> to vector<1x16xf32>
      tpu.vector_store %arg13[%swap3A_348, %swap3A_349], %swap3A_352 {strides = array<i32>} : memref<50x64xf32, #tpu.memory_space<vmem>>, vector<1x16xf32>,
      %get3A_353 = arith.index_cast %add3A_330 : i32 to index
      %get3A_354 = arith.constant 32 : index
      %get3A_355 = tpu.vector_load %arg9[%get3A_353, %get3A_354] {strides = array<i32>} : memref<50x128xf32, #tpu.memory_space<vmem>>, vector<1x16xf32>,
      %get3A_356 = vector.shape_cast %get3A_355 : vector<1x16xf32> to vector<16xf32>
      %mul3A_357 = arith.constant 8.000000e+00 : f32
      %mul3A_358 = vector.broadcast %mul3A_357 : f32 to vector<16xf32>
      %mul3A_359 = arith.mulf %get3A_356, %mul3A_358 : vector<16xf32>
      %swap3A_360 = arith.index_cast %add3A_330 : i32 to index
      %swap3A_361 = arith.constant 32 : index
      %swap3A_362 = tpu.vector_load %arg13[%swap3A_360, %swap3A_361] {strides = array<i32>} : memref<50x64xf32, #tpu.memory_space<vmem>>, vector<1x16xf32>,
      %swap3A_363 = vector.shape_cast %swap3A_362 : vector<1x16xf32> to vector<16xf32>
      %swap3A_364 = vector.shape_cast %mul3A_359 : vector<16xf32> to vector<1x16xf32>
      tpu.vector_store %arg13[%swap3A_360, %swap3A_361], %swap3A_364 {strides = array<i32>} : memref<50x64xf32, #tpu.memory_space<vmem>>, vector<1x16xf32>,
      %get3A_365 = arith.index_cast %add3A_330 : i32 to index
      %get3A_366 = arith.constant 48 : index
      %get3A_367 = tpu.vector_load %arg9[%get3A_365, %get3A_366] {strides = array<i32>} : memref<50x128xf32, #tpu.memory_space<vmem>>, vector<1x16xf32>,
      %get3A_368 = vector.shape_cast %get3A_367 : vector<1x16xf32> to vector<16xf32>
      %mul3A_369 = arith.constant 8.000000e+00 : f32
      %mul3A_370 = vector.broadcast %mul3A_369 : f32 to vector<16xf32>
      %mul3A_371 = arith.mulf %get3A_368, %mul3A_370 : vector<16xf32>
      %swap3A_372 = arith.index_cast %add3A_330 : i32 to index
      %swap3A_373 = arith.constant 48 : index
      %swap3A_374 = tpu.vector_load %arg13[%swap3A_372, %swap3A_373] {strides = array<i32>} : memref<50x64xf32, #tpu.memory_space<vmem>>, vector<1x16xf32>,
      %swap3A_375 = vector.shape_cast %swap3A_374 : vector<1x16xf32> to vector<16xf32>
      %swap3A_376 = vector.shape_cast %mul3A_371 : vector<16xf32> to vector<1x16xf32>
      tpu.vector_store %arg13[%swap3A_372, %swap3A_373], %swap3A_376 {strides = array<i32>} : memref<50x64xf32, #tpu.memory_space<vmem>>, vector<1x16xf32>,
      %mul3A_377 = arith.constant 5 : i32
      %mul3A_378 = arith.muli %scan3A_326, %mul3A_377 : i32
      %add3A_379 = arith.constant 1 : i32
      %add3A_380 = arith.addi %mul3A_378, %add3A_379 : i32
      %get3A_381 = arith.index_cast %add3A_380 : i32 to index
      %get3A_382 = arith.constant 0 : index
      %get3A_383 = tpu.vector_load %arg9[%get3A_381, %get3A_382] {strides = array<i32>} : memref<50x128xf32, #tpu.memory_space<vmem>>, vector<1x16xf32>,
      %get3A_384 = vector.shape_cast %get3A_383 : vector<1x16xf32> to vector<16xf32>
      %mul3A_385 = arith.constant 8.000000e+00 : f32
      %mul3A_386 = vector.broadcast %mul3A_385 : f32 to vector<16xf32>
      %mul3A_387 = arith.mulf %get3A_384, %mul3A_386 : vector<16xf32>
      %swap3A_388 = arith.index_cast %add3A_380 : i32 to index
      %swap3A_389 = arith.constant 0 : index
      %swap3A_390 = tpu.vector_load %arg13[%swap3A_388, %swap3A_389] {strides = array<i32>} : memref<50x64xf32, #tpu.memory_space<vmem>>, vector<1x16xf32>,
      %swap3A_391 = vector.shape_cast %swap3A_390 : vector<1x16xf32> to vector<16xf32>
      %swap3A_392 = vector.shape_cast %mul3A_387 : vector<16xf32> to vector<1x16xf32>
      tpu.vector_store %arg13[%swap3A_388, %swap3A_389], %swap3A_392 {strides = array<i32>} : memref<50x64xf32, #tpu.memory_space<vmem>>, vector<1x16xf32>,
      %get3A_393 = arith.index_cast %add3A_380 : i32 to index
      %get3A_394 = arith.constant 16 : index
      %get3A_395 = tpu.vector_load %arg9[%get3A_393, %get3A_394] {strides = array<i32>} : memref<50x128xf32, #tpu.memory_space<vmem>>, vector<1x16xf32>,
      %get3A_396 = vector.shape_cast %get3A_395 : vector<1x16xf32> to vector<16xf32>
      %mul3A_397 = arith.constant 8.000000e+00 : f32
      %mul3A_398 = vector.broadcast %mul3A_397 : f32 to vector<16xf32>
      %mul3A_399 = arith.mulf %get3A_396, %mul3A_398 : vector<16xf32>
      %swap3A_400 = arith.index_cast %add3A_380 : i32 to index
      %swap3A_401 = arith.constant 16 : index
      %swap3A_402 = tpu.vector_load %arg13[%swap3A_400, %swap3A_401] {strides = array<i32>} : memref<50x64xf32, #tpu.memory_space<vmem>>, vector<1x16xf32>,
      %swap3A_403 = vector.shape_cast %swap3A_402 : vector<1x16xf32> to vector<16xf32>
      %swap3A_404 = vector.shape_cast %mul3A_399 : vector<16xf32> to vector<1x16xf32>
      tpu.vector_store %arg13[%swap3A_400, %swap3A_401], %swap3A_404 {strides = array<i32>} : memref<50x64xf32, #tpu.memory_space<vmem>>, vector<1x16xf32>,
      %get3A_405 = arith.index_cast %add3A_380 : i32 to index
      %get3A_406 = arith.constant 32 : index
      %get3A_407 = tpu.vector_load %arg9[%get3A_405, %get3A_406] {strides = array<i32>} : memref<50x128xf32, #tpu.memory_space<vmem>>, vector<1x16xf32>,
      %get3A_408 = vector.shape_cast %get3A_407 : vector<1x16xf32> to vector<16xf32>
      %mul3A_409 = arith.constant 8.000000e+00 : f32
      %mul3A_410 = vector.broadcast %mul3A_409 : f32 to vector<16xf32>
      %mul3A_411 = arith.mulf %get3A_408, %mul3A_410 : vector<16xf32>
      %swap3A_412 = arith.index_cast %add3A_380 : i32 to index
      %swap3A_413 = arith.constant 32 : index
      %swap3A_414 = tpu.vector_load %arg13[%swap3A_412, %swap3A_413] {strides = array<i32>} : memref<50x64xf32, #tpu.memory_space<vmem>>, vector<1x16xf32>,
      %swap3A_415 = vector.shape_cast %swap3A_414 : vector<1x16xf32> to vector<16xf32>
      %swap3A_416 = vector.shape_cast %mul3A_411 : vector<16xf32> to vector<1x16xf32>
      tpu.vector_store %arg13[%swap3A_412, %swap3A_413], %swap3A_416 {strides = array<i32>} : memref<50x64xf32, #tpu.memory_space<vmem>>, vector<1x16xf32>,
      %get3A_417 = arith.index_cast %add3A_380 : i32 to index
      %get3A_418 = arith.constant 48 : index
      %get3A_419 = tpu.vector_load %arg9[%get3A_417, %get3A_418] {strides = array<i32>} : memref<50x128xf32, #tpu.memory_space<vmem>>, vector<1x16xf32>,
      %get3A_420 = vector.shape_cast %get3A_419 : vector<1x16xf32> to vector<16xf32>
      %mul3A_421 = arith.constant 8.000000e+00 : f32
      %mul3A_422 = vector.broadcast %mul3A_421 : f32 to vector<16xf32>
      %mul3A_423 = arith.mulf %get3A_420, %mul3A_422 : vector<16xf32>
      %swap3A_424 = arith.index_cast %add3A_380 : i32 to index
      %swap3A_425 = arith.constant 48 : index
      %swap3A_426 = tpu.vector_load %arg13[%swap3A_424, %swap3A_425] {strides = array<i32>} : memref<50x64xf32, #tpu.memory_space<vmem>>, vector<1x16xf32>,
      %swap3A_427 = vector.shape_cast %swap3A_426 : vector<1x16xf32> to vector<16xf32>
      %swap3A_428 = vector.shape_cast %mul3A_423 : vector<16xf32> to vector<1x16xf32>
      tpu.vector_store %arg13[%swap3A_424, %swap3A_425], %swap3A_428 {strides = array<i32>} : memref<50x64xf32, #tpu.memory_space<vmem>>, vector<1x16xf32>,
      %mul3A_429 = arith.constant 5 : i32
      %mul3A_430 = arith.muli %scan3A_326, %mul3A_429 : i32
      %add3A_431 = arith.constant 2 : i32
      %add3A_432 = arith.addi %mul3A_430, %add3A_431 : i32
      %get3A_433 = arith.index_cast %add3A_432 : i32 to index
      %get3A_434 = arith.constant 0 : index
      %get3A_435 = tpu.vector_load %arg9[%get3A_433, %get3A_434] {strides = array<i32>} : memref<50x128xf32, #tpu.memory_space<vmem>>, vector<1x16xf32>,
      %get3A_436 = vector.shape_cast %get3A_435 : vector<1x16xf32> to vector<16xf32>
      %mul3A_437 = arith.constant 8.000000e+00 : f32
      %mul3A_438 = vector.broadcast %mul3A_437 : f32 to vector<16xf32>
      %mul3A_439 = arith.mulf %get3A_436, %mul3A_438 : vector<16xf32>
      %swap3A_440 = arith.index_cast %add3A_432 : i32 to index
      %swap3A_441 = arith.constant 0 : index
      %swap3A_442 = tpu.vector_load %arg13[%swap3A_440, %swap3A_441] {strides = array<i32>} : memref<50x64xf32, #tpu.memory_space<vmem>>, vector<1x16xf32>,
      %swap3A_443 = vector.shape_cast %swap3A_442 : vector<1x16xf32> to vector<16xf32>
      %swap3A_444 = vector.shape_cast %mul3A_439 : vector<16xf32> to vector<1x16xf32>
      tpu.vector_store %arg13[%swap3A_440, %swap3A_441], %swap3A_444 {strides = array<i32>} : memref<50x64xf32, #tpu.memory_space<vmem>>, vector<1x16xf32>,
      %get3A_445 = arith.index_cast %add3A_432 : i32 to index
      %get3A_446 = arith.constant 16 : index
      %get3A_447 = tpu.vector_load %arg9[%get3A_445, %get3A_446] {strides = array<i32>} : memref<50x128xf32, #tpu.memory_space<vmem>>, vector<1x16xf32>,
      %get3A_448 = vector.shape_cast %get3A_447 : vector<1x16xf32> to vector<16xf32>
      %mul3A_449 = arith.constant 8.000000e+00 : f32
      %mul3A_450 = vector.broadcast %mul3A_449 : f32 to vector<16xf32>
      %mul3A_451 = arith.mulf %get3A_448, %mul3A_450 : vector<16xf32>
      %swap3A_452 = arith.index_cast %add3A_432 : i32 to index
      %swap3A_453 = arith.constant 16 : index
      %swap3A_454 = tpu.vector_load %arg13[%swap3A_452, %swap3A_453] {strides = array<i32>} : memref<50x64xf32, #tpu.memory_space<vmem>>, vector<1x16xf32>,
      %swap3A_455 = vector.shape_cast %swap3A_454 : vector<1x16xf32> to vector<16xf32>
      %swap3A_456 = vector.shape_cast %mul3A_451 : vector<16xf32> to vector<1x16xf32>
      tpu.vector_store %arg13[%swap3A_452, %swap3A_453], %swap3A_456 {strides = array<i32>} : memref<50x64xf32, #tpu.memory_space<vmem>>, vector<1x16xf32>,
      %get3A_457 = arith.index_cast %add3A_432 : i32 to index
      %get3A_458 = arith.constant 32 : index
      %get3A_459 = tpu.vector_load %arg9[%get3A_457, %get3A_458] {strides = array<i32>} : memref<50x128xf32, #tpu.memory_space<vmem>>, vector<1x16xf32>,
      %get3A_460 = vector.shape_cast %get3A_459 : vector<1x16xf32> to vector<16xf32>
      %mul3A_461 = arith.constant 8.000000e+00 : f32
      %mul3A_462 = vector.broadcast %mul3A_461 : f32 to vector<16xf32>
      %mul3A_463 = arith.mulf %get3A_460, %mul3A_462 : vector<16xf32>
      %swap3A_464 = arith.index_cast %add3A_432 : i32 to index
      %swap3A_465 = arith.constant 32 : index
      %swap3A_466 = tpu.vector_load %arg13[%swap3A_464, %swap3A_465] {strides = array<i32>} : memref<50x64xf32, #tpu.memory_space<vmem>>, vector<1x16xf32>,
      %swap3A_467 = vector.shape_cast %swap3A_466 : vector<1x16xf32> to vector<16xf32>
      %swap3A_468 = vector.shape_cast %mul3A_463 : vector<16xf32> to vector<1x16xf32>
      tpu.vector_store %arg13[%swap3A_464, %swap3A_465], %swap3A_468 {strides = array<i32>} : memref<50x64xf32, #tpu.memory_space<vmem>>, vector<1x16xf32>,
      %get3A_469 = arith.index_cast %add3A_432 : i32 to index
      %get3A_470 = arith.constant 48 : index
      %get3A_471 = tpu.vector_load %arg9[%get3A_469, %get3A_470] {strides = array<i32>} : memref<50x128xf32, #tpu.memory_space<vmem>>, vector<1x16xf32>,
      %get3A_472 = vector.shape_cast %get3A_471 : vector<1x16xf32> to vector<16xf32>
      %mul3A_473 = arith.constant 8.000000e+00 : f32
      %mul3A_474 = vector.broadcast %mul3A_473 : f32 to vector<16xf32>
      %mul3A_475 = arith.mulf %get3A_472, %mul3A_474 : vector<16xf32>
      %swap3A_476 = arith.index_cast %add3A_432 : i32 to index
      %swap3A_477 = arith.constant 48 : index
      %swap3A_478 = tpu.vector_load %arg13[%swap3A_476, %swap3A_477] {strides = array<i32>} : memref<50x64xf32, #tpu.memory_space<vmem>>, vector<1x16xf32>,
      %swap3A_479 = vector.shape_cast %swap3A_478 : vector<1x16xf32> to vector<16xf32>
      %swap3A_480 = vector.shape_cast %mul3A_475 : vector<16xf32> to vector<1x16xf32>
      tpu.vector_store %arg13[%swap3A_476, %swap3A_477], %swap3A_480 {strides = array<i32>} : memref<50x64xf32, #tpu.memory_space<vmem>>, vector<1x16xf32>,
      %mul3A_481 = arith.constant 5 : i32
      %mul3A_482 = arith.muli %scan3A_326, %mul3A_481 : i32
      %add3A_483 = arith.constant 3 : i32
      %add3A_484 = arith.addi %mul3A_482, %add3A_483 : i32
      %get3A_485 = arith.index_cast %add3A_484 : i32 to index
      %get3A_486 = arith.constant 0 : index
      %get3A_487 = tpu.vector_load %arg9[%get3A_485, %get3A_486] {strides = array<i32>} : memref<50x128xf32, #tpu.memory_space<vmem>>, vector<1x16xf32>,
      %get3A_488 = vector.shape_cast %get3A_487 : vector<1x16xf32> to vector<16xf32>
      %mul3A_489 = arith.constant 8.000000e+00 : f32
      %mul3A_490 = vector.broadcast %mul3A_489 : f32 to vector<16xf32>
      %mul3A_491 = arith.mulf %get3A_488, %mul3A_490 : vector<16xf32>
      %swap3A_492 = arith.index_cast %add3A_484 : i32 to index
      %swap3A_493 = arith.constant 0 : index
      %swap3A_494 = tpu.vector_load %arg13[%swap3A_492, %swap3A_493] {strides = array<i32>} : memref<50x64xf32, #tpu.memory_space<vmem>>, vector<1x16xf32>,
      %swap3A_495 = vector.shape_cast %swap3A_494 : vector<1x16xf32> to vector<16xf32>
      %swap3A_496 = vector.shape_cast %mul3A_491 : vector<16xf32> to vector<1x16xf32>
      tpu.vector_store %arg13[%swap3A_492, %swap3A_493], %swap3A_496 {strides = array<i32>} : memref<50x64xf32, #tpu.memory_space<vmem>>, vector<1x16xf32>,
      %get3A_497 = arith.index_cast %add3A_484 : i32 to index
      %get3A_498 = arith.constant 16 : index
      %get3A_499 = tpu.vector_load %arg9[%get3A_497, %get3A_498] {strides = array<i32>} : memref<50x128xf32, #tpu.memory_space<vmem>>, vector<1x16xf32>,
      %get3A_500 = vector.shape_cast %get3A_499 : vector<1x16xf32> to vector<16xf32>
      %mul3A_501 = arith.constant 8.000000e+00 : f32
      %mul3A_502 = vector.broadcast %mul3A_501 : f32 to vector<16xf32>
      %mul3A_503 = arith.mulf %get3A_500, %mul3A_502 : vector<16xf32>
      %swap3A_504 = arith.index_cast %add3A_484 : i32 to index
      %swap3A_505 = arith.constant 16 : index
      %swap3A_506 = tpu.vector_load %arg13[%swap3A_504, %swap3A_505] {strides = array<i32>} : memref<50x64xf32, #tpu.memory_space<vmem>>, vector<1x16xf32>,
      %swap3A_507 = vector.shape_cast %swap3A_506 : vector<1x16xf32> to vector<16xf32>
      %swap3A_508 = vector.shape_cast %mul3A_503 : vector<16xf32> to vector<1x16xf32>
      tpu.vector_store %arg13[%swap3A_504, %swap3A_505], %swap3A_508 {strides = array<i32>} : memref<50x64xf32, #tpu.memory_space<vmem>>, vector<1x16xf32>,
      %get3A_509 = arith.index_cast %add3A_484 : i32 to index
      %get3A_510 = arith.constant 32 : index
      %get3A_511 = tpu.vector_load %arg9[%get3A_509, %get3A_510] {strides = array<i32>} : memref<50x128xf32, #tpu.memory_space<vmem>>, vector<1x16xf32>,
      %get3A_512 = vector.shape_cast %get3A_511 : vector<1x16xf32> to vector<16xf32>
      %mul3A_513 = arith.constant 8.000000e+00 : f32
      %mul3A_514 = vector.broadcast %mul3A_513 : f32 to vector<16xf32>
      %mul3A_515 = arith.mulf %get3A_512, %mul3A_514 : vector<16xf32>
      %swap3A_516 = arith.index_cast %add3A_484 : i32 to index
      %swap3A_517 = arith.constant 32 : index
      %swap3A_518 = tpu.vector_load %arg13[%swap3A_516, %swap3A_517] {strides = array<i32>} : memref<50x64xf32, #tpu.memory_space<vmem>>, vector<1x16xf32>,
      %swap3A_519 = vector.shape_cast %swap3A_518 : vector<1x16xf32> to vector<16xf32>
      %swap3A_520 = vector.shape_cast %mul3A_515 : vector<16xf32> to vector<1x16xf32>
      tpu.vector_store %arg13[%swap3A_516, %swap3A_517], %swap3A_520 {strides = array<i32>} : memref<50x64xf32, #tpu.memory_space<vmem>>, vector<1x16xf32>,
      %get3A_521 = arith.index_cast %add3A_484 : i32 to index
      %get3A_522 = arith.constant 48 : index
      %get3A_523 = tpu.vector_load %arg9[%get3A_521, %get3A_522] {strides = array<i32>} : memref<50x128xf32, #tpu.memory_space<vmem>>, vector<1x16xf32>,
      %get3A_524 = vector.shape_cast %get3A_523 : vector<1x16xf32> to vector<16xf32>
      %mul3A_525 = arith.constant 8.000000e+00 : f32
      %mul3A_526 = vector.broadcast %mul3A_525 : f32 to vector<16xf32>
      %mul3A_527 = arith.mulf %get3A_524, %mul3A_526 : vector<16xf32>
      %swap3A_528 = arith.index_cast %add3A_484 : i32 to index
      %swap3A_529 = arith.constant 48 : index
      %swap3A_530 = tpu.vector_load %arg13[%swap3A_528, %swap3A_529] {strides = array<i32>} : memref<50x64xf32, #tpu.memory_space<vmem>>, vector<1x16xf32>,
      %swap3A_531 = vector.shape_cast %swap3A_530 : vector<1x16xf32> to vector<16xf32>
      %swap3A_532 = vector.shape_cast %mul3A_527 : vector<16xf32> to vector<1x16xf32>
      tpu.vector_store %arg13[%swap3A_528, %swap3A_529], %swap3A_532 {strides = array<i32>} : memref<50x64xf32, #tpu.memory_space<vmem>>, vector<1x16xf32>,
      %mul3A_533 = arith.constant 5 : i32
      %mul3A_534 = arith.muli %scan3A_326, %mul3A_533 : i32
      %add3A_535 = arith.constant 4 : i32
      %add3A_536 = arith.addi %mul3A_534, %add3A_535 : i32
      %get3A_537 = arith.index_cast %add3A_536 : i32 to index
      %get3A_538 = arith.constant 0 : index
      %get3A_539 = tpu.vector_load %arg9[%get3A_537, %get3A_538] {strides = array<i32>} : memref<50x128xf32, #tpu.memory_space<vmem>>, vector<1x16xf32>,
      %get3A_540 = vector.shape_cast %get3A_539 : vector<1x16xf32> to vector<16xf32>
      %mul3A_541 = arith.constant 8.000000e+00 : f32
      %mul3A_542 = vector.broadcast %mul3A_541 : f32 to vector<16xf32>
      %mul3A_543 = arith.mulf %get3A_540, %mul3A_542 : vector<16xf32>
      %swap3A_544 = arith.index_cast %add3A_536 : i32 to index
      %swap3A_545 = arith.constant 0 : index
      %swap3A_546 = tpu.vector_load %arg13[%swap3A_544, %swap3A_545] {strides = array<i32>} : memref<50x64xf32, #tpu.memory_space<vmem>>, vector<1x16xf32>,
      %swap3A_547 = vector.shape_cast %swap3A_546 : vector<1x16xf32> to vector<16xf32>
      %swap3A_548 = vector.shape_cast %mul3A_543 : vector<16xf32> to vector<1x16xf32>
      tpu.vector_store %arg13[%swap3A_544, %swap3A_545], %swap3A_548 {strides = array<i32>} : memref<50x64xf32, #tpu.memory_space<vmem>>, vector<1x16xf32>,
      %get3A_549 = arith.index_cast %add3A_536 : i32 to index
      %get3A_550 = arith.constant 16 : index
      %get3A_551 = tpu.vector_load %arg9[%get3A_549, %get3A_550] {strides = array<i32>} : memref<50x128xf32, #tpu.memory_space<vmem>>, vector<1x16xf32>,
      %get3A_552 = vector.shape_cast %get3A_551 : vector<1x16xf32> to vector<16xf32>
      %mul3A_553 = arith.constant 8.000000e+00 : f32
      %mul3A_554 = vector.broadcast %mul3A_553 : f32 to vector<16xf32>
      %mul3A_555 = arith.mulf %get3A_552, %mul3A_554 : vector<16xf32>
      %swap3A_556 = arith.index_cast %add3A_536 : i32 to index
      %swap3A_557 = arith.constant 16 : index
      %swap3A_558 = tpu.vector_load %arg13[%swap3A_556, %swap3A_557] {strides = array<i32>} : memref<50x64xf32, #tpu.memory_space<vmem>>, vector<1x16xf32>,
      %swap3A_559 = vector.shape_cast %swap3A_558 : vector<1x16xf32> to vector<16xf32>
      %swap3A_560 = vector.shape_cast %mul3A_555 : vector<16xf32> to vector<1x16xf32>
      tpu.vector_store %arg13[%swap3A_556, %swap3A_557], %swap3A_560 {strides = array<i32>} : memref<50x64xf32, #tpu.memory_space<vmem>>, vector<1x16xf32>,
      %get3A_561 = arith.index_cast %add3A_536 : i32 to index
      %get3A_562 = arith.constant 32 : index
      %get3A_563 = tpu.vector_load %arg9[%get3A_561, %get3A_562] {strides = array<i32>} : memref<50x128xf32, #tpu.memory_space<vmem>>, vector<1x16xf32>,
      %get3A_564 = vector.shape_cast %get3A_563 : vector<1x16xf32> to vector<16xf32>
      %mul3A_565 = arith.constant 8.000000e+00 : f32
      %mul3A_566 = vector.broadcast %mul3A_565 : f32 to vector<16xf32>
      %mul3A_567 = arith.mulf %get3A_564, %mul3A_566 : vector<16xf32>
      %swap3A_568 = arith.index_cast %add3A_536 : i32 to index
      %swap3A_569 = arith.constant 32 : index
      %swap3A_570 = tpu.vector_load %arg13[%swap3A_568, %swap3A_569] {strides = array<i32>} : memref<50x64xf32, #tpu.memory_space<vmem>>, vector<1x16xf32>,
      %swap3A_571 = vector.shape_cast %swap3A_570 : vector<1x16xf32> to vector<16xf32>
      %swap3A_572 = vector.shape_cast %mul3A_567 : vector<16xf32> to vector<1x16xf32>
      tpu.vector_store %arg13[%swap3A_568, %swap3A_569], %swap3A_572 {strides = array<i32>} : memref<50x64xf32, #tpu.memory_space<vmem>>, vector<1x16xf32>,
      %get3A_573 = arith.index_cast %add3A_536 : i32 to index
      %get3A_574 = arith.constant 48 : index
      %get3A_575 = tpu.vector_load %arg9[%get3A_573, %get3A_574] {strides = array<i32>} : memref<50x128xf32, #tpu.memory_space<vmem>>, vector<1x16xf32>,
      %get3A_576 = vector.shape_cast %get3A_575 : vector<1x16xf32> to vector<16xf32>
      %mul3A_577 = arith.constant 8.000000e+00 : f32
      %mul3A_578 = vector.broadcast %mul3A_577 : f32 to vector<16xf32>
      %mul3A_579 = arith.mulf %get3A_576, %mul3A_578 : vector<16xf32>
      %swap3A_580 = arith.index_cast %add3A_536 : i32 to index
      %swap3A_581 = arith.constant 48 : index
      %swap3A_582 = tpu.vector_load %arg13[%swap3A_580, %swap3A_581] {strides = array<i32>} : memref<50x64xf32, #tpu.memory_space<vmem>>, vector<1x16xf32>,
      %swap3A_583 = vector.shape_cast %swap3A_582 : vector<1x16xf32> to vector<16xf32>
      %swap3A_584 = vector.shape_cast %mul3A_579 : vector<16xf32> to vector<1x16xf32>
      tpu.vector_store %arg13[%swap3A_580, %swap3A_581], %swap3A_584 {strides = array<i32>} : memref<50x64xf32, #tpu.memory_space<vmem>>, vector<1x16xf32>,
    }
    %scan3A_130 = arith.constant 10 : i32
    %dma_start3A_131 = arith.constant 7 : i32
    %dma_start3A_132 = arith.constant 0 : i32
    %dma_start3A_133 = tpu.memref_slice %arg5[%dma_start3A_131, %dma_start3A_132] : memref<128x50xi32, #tpu.memory_space<vmem>> -> memref<1x50xi32, #tpu.memory_space<vmem>>
    %dma_start3A_134 = tpu.memref_squeeze %dma_start3A_133 : memref<1x50xi32, #tpu.memory_space<vmem>> -> memref<50xi32, #tpu.memory_space<vmem>>
    %dma_start3A_135 = arith.constant 0 : i32
    %dma_start3A_136 = arith.constant 0 : i32
    %dma_start3A_137 = tpu.memref_slice %arg3[%dma_start3A_135, %dma_start3A_136] : memref<100000x128xf32, #tpu.memory_space<hbm>> -> memref<100000x128xf32, #tpu.memory_space<hbm>>
    tpu.enqueue_indirect_dma source(%dma_start3A_137 : memref<100000x128xf32, #tpu.memory_space<hbm>>) target(%arg9 : memref<50x128xf32, #tpu.memory_space<vmem>>) offsets(%dma_start3A_134 : memref<50xi32, #tpu.memory_space<vmem>>) semaphore(%arg17 : memref<!tpu.dma_semaphore, #tpu.memory_space<semaphore_mem>>)
    %add3A_138 = arith.constant 3 : i32
    %add3A_139 = arith.addi %mul3A_2, %add3A_138 : i32
    %dma_start3A_140 = arith.constant 0 : i32
    %dma_start3A_141 = arith.constant 0 : i32
    %dma_start3A_142 = tpu.memref_slice %arg4[%add3A_139, %dma_start3A_140, %dma_start3A_141] : memref<4096x50x64xf32, #tpu.memory_space<hbm>> -> memref<1x50x64xf32, #tpu.memory_space<hbm>>
    %dma_start3A_143 = tpu.memref_squeeze %dma_start3A_142 : memref<1x50x64xf32, #tpu.memory_space<hbm>> -> memref<50x64xf32, #tpu.memory_space<hbm>>
    %dma_start3A_144 = arith.constant 0 : i32
    %dma_start3A_145 = arith.constant 0 : i32
    %dma_start3A_146 = tpu.memref_slice %arg4[%add3A_139, %dma_start3A_144, %dma_start3A_145] : memref<4096x50x64xf32, #tpu.memory_space<hbm>> -> memref<1x50x64xf32, #tpu.memory_space<hbm>>
    %dma_start3A_147 = tpu.memref_squeeze %dma_start3A_146 : memref<1x50x64xf32, #tpu.memory_space<hbm>> -> memref<50x64xf32, #tpu.memory_space<hbm>>
    tpu.enqueue_dma source(%arg13 : memref<50x64xf32, #tpu.memory_space<vmem>>) target(%dma_start3A_147 : memref<50x64xf32, #tpu.memory_space<hbm>>) target_semaphore(%arg21 : memref<!tpu.dma_semaphore, #tpu.memory_space<semaphore_mem>>)
    %scan3A_148 = arith.constant 0 : i32
    %scan3A_149 = arith.constant 1 : i32
    %scan3A_150 = arith.constant 30 : i32
    %scan3A_151 = arith.addi %scan3A_149, %scan3A_150 : i32
    %scan3A_152 = arith.constant 1 : i32
    scf.for %scan3A_326 = %scan3A_149 to %scan3A_151 step %scan3A_152  : i32 {
      %mul3A_327 = arith.constant 4 : i32
      %mul3A_328 = arith.muli %scan3A_326, %mul3A_327 : i32
      %add3A_329 = arith.constant 0 : i32
      %add3A_330 = arith.addi %mul3A_328, %add3A_329 : i32
      %dma_wait3A_331 = arith.constant 0 : i32
      %dma_wait3A_332 = tpu.memref_slice %arg5[%add3A_330, %dma_wait3A_331] : memref<128x50xi32, #tpu.memory_space<vmem>> -> memref<1x50xi32, #tpu.memory_space<vmem>>
      %dma_wait3A_333 = tpu.memref_squeeze %dma_wait3A_332 : memref<1x50xi32, #tpu.memory_space<vmem>> -> memref<50xi32, #tpu.memory_space<vmem>>
      %dma_wait3A_334 = arith.constant 0 : i32
      %dma_wait3A_335 = arith.constant 0 : i32
      %dma_wait3A_336 = tpu.memref_slice %arg3[%dma_wait3A_334, %dma_wait3A_335] : memref<100000x128xf32, #tpu.memory_space<hbm>> -> memref<100000x128xf32, #tpu.memory_space<hbm>>
      tpu.wait_indirect_dma semaphore(%arg14 : memref<!tpu.dma_semaphore, #tpu.memory_space<semaphore_mem>>) src(%dma_wait3A_336 : memref<100000x128xf32, #tpu.memory_space<hbm>>) dst(%arg6 : memref<50x128xf32, #tpu.memory_space<vmem>>)
      %sub3A = arith.constant 4 : i32
      %sub3A_337 = arith.subi %mul3A_328, %sub3A : i32
      %add3A_338 = arith.constant 0 : i32
      %add3A_339 = arith.addi %sub3A_337, %add3A_338 : i32
      %add3A_340 = arith.addi %mul3A_2, %add3A_339 : i32
      %dma_wait3A_341 = arith.constant 0 : i32
      %dma_wait3A_342 = arith.constant 0 : i32
      %dma_wait3A_343 = tpu.memref_slice %arg4[%add3A_340, %dma_wait3A_341, %dma_wait3A_342] : memref<4096x50x64xf32, #tpu.memory_space<hbm>> -> memref<1x50x64xf32, #tpu.memory_space<hbm>>
      %dma_wait3A_344 = tpu.memref_squeeze %dma_wait3A_343 : memref<1x50x64xf32, #tpu.memory_space<hbm>> -> memref<50x64xf32, #tpu.memory_space<hbm>>
      %dma_wait3A_345 = arith.constant 0 : i32
      %dma_wait3A_346 = arith.constant 0 : i32
      %dma_wait3A_347 = tpu.memref_slice %arg4[%add3A_340, %dma_wait3A_345, %dma_wait3A_346] : memref<4096x50x64xf32, #tpu.memory_space<hbm>> -> memref<1x50x64xf32, #tpu.memory_space<hbm>>
      %dma_wait3A_348 = tpu.memref_squeeze %dma_wait3A_347 : memref<1x50x64xf32, #tpu.memory_space<hbm>> -> memref<50x64xf32, #tpu.memory_space<hbm>>
      tpu.wait_dma2 semaphore(%arg18 : memref<!tpu.dma_semaphore, #tpu.memory_space<semaphore_mem>>) src(%arg10 : memref<50x64xf32, #tpu.memory_space<vmem>>) dst(%dma_wait3A_348 : memref<50x64xf32, #tpu.memory_space<hbm>>)
      %scan3A_349 = arith.constant 0 : i32
      %scan3A_350 = arith.constant 0 : i32
      %scan3A_351 = arith.constant 10 : i32
      %scan3A_352 = arith.addi %scan3A_350, %scan3A_351 : i32
      %scan3A_353 = arith.constant 1 : i32
      scf.for %scan3A_520 = %scan3A_350 to %scan3A_352 step %scan3A_353  : i32 {
        %mul3A_521 = arith.constant 5 : i32
        %mul3A_522 = arith.muli %scan3A_520, %mul3A_521 : i32
        %add3A_523 = arith.constant 0 : i32
        %add3A_524 = arith.addi %mul3A_522, %add3A_523 : i32
        %get3A = arith.index_cast %add3A_524 : i32 to index
        %get3A_525 = arith.constant 0 : index
        %get3A_526 = tpu.vector_load %arg6[%get3A, %get3A_525] {strides = array<i32>} : memref<50x128xf32, #tpu.memory_space<vmem>>, vector<1x16xf32>,
        %get3A_527 = vector.shape_cast %get3A_526 : vector<1x16xf32> to vector<16xf32>
        %mul3A_528 = arith.constant 8.000000e+00 : f32
        %mul3A_529 = vector.broadcast %mul3A_528 : f32 to vector<16xf32>
        %mul3A_530 = arith.mulf %get3A_527, %mul3A_529 : vector<16xf32>
        %swap3A = arith.index_cast %add3A_524 : i32 to index
        %swap3A_531 = arith.constant 0 : index
        %swap3A_532 = tpu.vector_load %arg10[%swap3A, %swap3A_531] {strides = array<i32>} : memref<50x64xf32, #tpu.memory_space<vmem>>, vector<1x16xf32>,
        %swap3A_533 = vector.shape_cast %swap3A_532 : vector<1x16xf32> to vector<16xf32>
        %swap3A_534 = vector.shape_cast %mul3A_530 : vector<16xf32> to vector<1x16xf32>
        tpu.vector_store %arg10[%swap3A, %swap3A_531], %swap3A_534 {strides = array<i32>} : memref<50x64xf32, #tpu.memory_space<vmem>>, vector<1x16xf32>,
        %get3A_535 = arith.index_cast %add3A_524 : i32 to index
        %get3A_536 = arith.constant 16 : index
        %get3A_537 = tpu.vector_load %arg6[%get3A_535, %get3A_536] {strides = array<i32>} : memref<50x128xf32, #tpu.memory_space<vmem>>, vector<1x16xf32>,
        %get3A_538 = vector.shape_cast %get3A_537 : vector<1x16xf32> to vector<16xf32>
        %mul3A_539 = arith.constant 8.000000e+00 : f32
        %mul3A_540 = vector.broadcast %mul3A_539 : f32 to vector<16xf32>
        %mul3A_541 = arith.mulf %get3A_538, %mul3A_540 : vector<16xf32>
        %swap3A_542 = arith.index_cast %add3A_524 : i32 to index
        %swap3A_543 = arith.constant 16 : index
        %swap3A_544 = tpu.vector_load %arg10[%swap3A_542, %swap3A_543] {strides = array<i32>} : memref<50x64xf32, #tpu.memory_space<vmem>>, vector<1x16xf32>,
        %swap3A_545 = vector.shape_cast %swap3A_544 : vector<1x16xf32> to vector<16xf32>
        %swap3A_546 = vector.shape_cast %mul3A_541 : vector<16xf32> to vector<1x16xf32>
        tpu.vector_store %arg10[%swap3A_542, %swap3A_543], %swap3A_546 {strides = array<i32>} : memref<50x64xf32, #tpu.memory_space<vmem>>, vector<1x16xf32>,
        %get3A_547 = arith.index_cast %add3A_524 : i32 to index
        %get3A_548 = arith.constant 32 : index
        %get3A_549 = tpu.vector_load %arg6[%get3A_547, %get3A_548] {strides = array<i32>} : memref<50x128xf32, #tpu.memory_space<vmem>>, vector<1x16xf32>,
        %get3A_550 = vector.shape_cast %get3A_549 : vector<1x16xf32> to vector<16xf32>
        %mul3A_551 = arith.constant 8.000000e+00 : f32
        %mul3A_552 = vector.broadcast %mul3A_551 : f32 to vector<16xf32>
        %mul3A_553 = arith.mulf %get3A_550, %mul3A_552 : vector<16xf32>
        %swap3A_554 = arith.index_cast %add3A_524 : i32 to index
        %swap3A_555 = arith.constant 32 : index
        %swap3A_556 = tpu.vector_load %arg10[%swap3A_554, %swap3A_555] {strides = array<i32>} : memref<50x64xf32, #tpu.memory_space<vmem>>, vector<1x16xf32>,
        %swap3A_557 = vector.shape_cast %swap3A_556 : vector<1x16xf32> to vector<16xf32>
        %swap3A_558 = vector.shape_cast %mul3A_553 : vector<16xf32> to vector<1x16xf32>
        tpu.vector_store %arg10[%swap3A_554, %swap3A_555], %swap3A_558 {strides = array<i32>} : memref<50x64xf32, #tpu.memory_space<vmem>>, vector<1x16xf32>,
        %get3A_559 = arith.index_cast %add3A_524 : i32 to index
        %get3A_560 = arith.constant 48 : index
        %get3A_561 = tpu.vector_load %arg6[%get3A_559, %get3A_560] {strides = array<i32>} : memref<50x128xf32, #tpu.memory_space<vmem>>, vector<1x16xf32>,
        %get3A_562 = vector.shape_cast %get3A_561 : vector<1x16xf32> to vector<16xf32>
        %mul3A_563 = arith.constant 8.000000e+00 : f32
        %mul3A_564 = vector.broadcast %mul3A_563 : f32 to vector<16xf32>
        %mul3A_565 = arith.mulf %get3A_562, %mul3A_564 : vector<16xf32>
        %swap3A_566 = arith.index_cast %add3A_524 : i32 to index
        %swap3A_567 = arith.constant 48 : index
        %swap3A_568 = tpu.vector_load %arg10[%swap3A_566, %swap3A_567] {strides = array<i32>} : memref<50x64xf32, #tpu.memory_space<vmem>>, vector<1x16xf32>,
        %swap3A_569 = vector.shape_cast %swap3A_568 : vector<1x16xf32> to vector<16xf32>
        %swap3A_570 = vector.shape_cast %mul3A_565 : vector<16xf32> to vector<1x16xf32>
        tpu.vector_store %arg10[%swap3A_566, %swap3A_567], %swap3A_570 {strides = array<i32>} : memref<50x64xf32, #tpu.memory_space<vmem>>, vector<1x16xf32>,
        %mul3A_571 = arith.constant 5 : i32
        %mul3A_572 = arith.muli %scan3A_520, %mul3A_571 : i32
        %add3A_573 = arith.constant 1 : i32
        %add3A_574 = arith.addi %mul3A_572, %add3A_573 : i32
        %get3A_575 = arith.index_cast %add3A_574 : i32 to index
        %get3A_576 = arith.constant 0 : index
        %get3A_577 = tpu.vector_load %arg6[%get3A_575, %get3A_576] {strides = array<i32>} : memref<50x128xf32, #tpu.memory_space<vmem>>, vector<1x16xf32>,
        %get3A_578 = vector.shape_cast %get3A_577 : vector<1x16xf32> to vector<16xf32>
        %mul3A_579 = arith.constant 8.000000e+00 : f32
        %mul3A_580 = vector.broadcast %mul3A_579 : f32 to vector<16xf32>
        %mul3A_581 = arith.mulf %get3A_578, %mul3A_580 : vector<16xf32>
        %swap3A_582 = arith.index_cast %add3A_574 : i32 to index
        %swap3A_583 = arith.constant 0 : index
        %swap3A_584 = tpu.vector_load %arg10[%swap3A_582, %swap3A_583] {strides = array<i32>} : memref<50x64xf32, #tpu.memory_space<vmem>>, vector<1x16xf32>,
        %swap3A_585 = vector.shape_cast %swap3A_584 : vector<1x16xf32> to vector<16xf32>
        %swap3A_586 = vector.shape_cast %mul3A_581 : vector<16xf32> to vector<1x16xf32>
        tpu.vector_store %arg10[%swap3A_582, %swap3A_583], %swap3A_586 {strides = array<i32>} : memref<50x64xf32, #tpu.memory_space<vmem>>, vector<1x16xf32>,
        %get3A_587 = arith.index_cast %add3A_574 : i32 to index
        %get3A_588 = arith.constant 16 : index
        %get3A_589 = tpu.vector_load %arg6[%get3A_587, %get3A_588] {strides = array<i32>} : memref<50x128xf32, #tpu.memory_space<vmem>>, vector<1x16xf32>,
        %get3A_590 = vector.shape_cast %get3A_589 : vector<1x16xf32> to vector<16xf32>
        %mul3A_591 = arith.constant 8.000000e+00 : f32
        %mul3A_592 = vector.broadcast %mul3A_591 : f32 to vector<16xf32>
        %mul3A_593 = arith.mulf %get3A_590, %mul3A_592 : vector<16xf32>
        %swap3A_594 = arith.index_cast %add3A_574 : i32 to index
        %swap3A_595 = arith.constant 16 : index
        %swap3A_596 = tpu.vector_load %arg10[%swap3A_594, %swap3A_595] {strides = array<i32>} : memref<50x64xf32, #tpu.memory_space<vmem>>, vector<1x16xf32>,
        %swap3A_597 = vector.shape_cast %swap3A_596 : vector<1x16xf32> to vector<16xf32>
        %swap3A_598 = vector.shape_cast %mul3A_593 : vector<16xf32> to vector<1x16xf32>
        tpu.vector_store %arg10[%swap3A_594, %swap3A_595], %swap3A_598 {strides = array<i32>} : memref<50x64xf32, #tpu.memory_space<vmem>>, vector<1x16xf32>,
        %get3A_599 = arith.index_cast %add3A_574 : i32 to index
        %get3A_600 = arith.constant 32 : index
        %get3A_601 = tpu.vector_load %arg6[%get3A_599, %get3A_600] {strides = array<i32>} : memref<50x128xf32, #tpu.memory_space<vmem>>, vector<1x16xf32>,
        %get3A_602 = vector.shape_cast %get3A_601 : vector<1x16xf32> to vector<16xf32>
        %mul3A_603 = arith.constant 8.000000e+00 : f32
        %mul3A_604 = vector.broadcast %mul3A_603 : f32 to vector<16xf32>
        %mul3A_605 = arith.mulf %get3A_602, %mul3A_604 : vector<16xf32>
        %swap3A_606 = arith.index_cast %add3A_574 : i32 to index
        %swap3A_607 = arith.constant 32 : index
        %swap3A_608 = tpu.vector_load %arg10[%swap3A_606, %swap3A_607] {strides = array<i32>} : memref<50x64xf32, #tpu.memory_space<vmem>>, vector<1x16xf32>,
        %swap3A_609 = vector.shape_cast %swap3A_608 : vector<1x16xf32> to vector<16xf32>
        %swap3A_610 = vector.shape_cast %mul3A_605 : vector<16xf32> to vector<1x16xf32>
        tpu.vector_store %arg10[%swap3A_606, %swap3A_607], %swap3A_610 {strides = array<i32>} : memref<50x64xf32, #tpu.memory_space<vmem>>, vector<1x16xf32>,
        %get3A_611 = arith.index_cast %add3A_574 : i32 to index
        %get3A_612 = arith.constant 48 : index
        %get3A_613 = tpu.vector_load %arg6[%get3A_611, %get3A_612] {strides = array<i32>} : memref<50x128xf32, #tpu.memory_space<vmem>>, vector<1x16xf32>,
        %get3A_614 = vector.shape_cast %get3A_613 : vector<1x16xf32> to vector<16xf32>
        %mul3A_615 = arith.constant 8.000000e+00 : f32
        %mul3A_616 = vector.broadcast %mul3A_615 : f32 to vector<16xf32>
        %mul3A_617 = arith.mulf %get3A_614, %mul3A_616 : vector<16xf32>
        %swap3A_618 = arith.index_cast %add3A_574 : i32 to index
        %swap3A_619 = arith.constant 48 : index
        %swap3A_620 = tpu.vector_load %arg10[%swap3A_618, %swap3A_619] {strides = array<i32>} : memref<50x64xf32, #tpu.memory_space<vmem>>, vector<1x16xf32>,
        %swap3A_621 = vector.shape_cast %swap3A_620 : vector<1x16xf32> to vector<16xf32>
        %swap3A_622 = vector.shape_cast %mul3A_617 : vector<16xf32> to vector<1x16xf32>
        tpu.vector_store %arg10[%swap3A_618, %swap3A_619], %swap3A_622 {strides = array<i32>} : memref<50x64xf32, #tpu.memory_space<vmem>>, vector<1x16xf32>,
        %mul3A_623 = arith.constant 5 : i32
        %mul3A_624 = arith.muli %scan3A_520, %mul3A_623 : i32
        %add3A_625 = arith.constant 2 : i32
        %add3A_626 = arith.addi %mul3A_624, %add3A_625 : i32
        %get3A_627 = arith.index_cast %add3A_626 : i32 to index
        %get3A_628 = arith.constant 0 : index
        %get3A_629 = tpu.vector_load %arg6[%get3A_627, %get3A_628] {strides = array<i32>} : memref<50x128xf32, #tpu.memory_space<vmem>>, vector<1x16xf32>,
        %get3A_630 = vector.shape_cast %get3A_629 : vector<1x16xf32> to vector<16xf32>
        %mul3A_631 = arith.constant 8.000000e+00 : f32
        %mul3A_632 = vector.broadcast %mul3A_631 : f32 to vector<16xf32>
        %mul3A_633 = arith.mulf %get3A_630, %mul3A_632 : vector<16xf32>
        %swap3A_634 = arith.index_cast %add3A_626 : i32 to index
        %swap3A_635 = arith.constant 0 : index
        %swap3A_636 = tpu.vector_load %arg10[%swap3A_634, %swap3A_635] {strides = array<i32>} : memref<50x64xf32, #tpu.memory_space<vmem>>, vector<1x16xf32>,
        %swap3A_637 = vector.shape_cast %swap3A_636 : vector<1x16xf32> to vector<16xf32>
        %swap3A_638 = vector.shape_cast %mul3A_633 : vector<16xf32> to vector<1x16xf32>
        tpu.vector_store %arg10[%swap3A_634, %swap3A_635], %swap3A_638 {strides = array<i32>} : memref<50x64xf32, #tpu.memory_space<vmem>>, vector<1x16xf32>,
        %get3A_639 = arith.index_cast %add3A_626 : i32 to index
        %get3A_640 = arith.constant 16 : index
        %get3A_641 = tpu.vector_load %arg6[%get3A_639, %get3A_640] {strides = array<i32>} : memref<50x128xf32, #tpu.memory_space<vmem>>, vector<1x16xf32>,
        %get3A_642 = vector.shape_cast %get3A_641 : vector<1x16xf32> to vector<16xf32>
        %mul3A_643 = arith.constant 8.000000e+00 : f32
        %mul3A_644 = vector.broadcast %mul3A_643 : f32 to vector<16xf32>
        %mul3A_645 = arith.mulf %get3A_642, %mul3A_644 : vector<16xf32>
        %swap3A_646 = arith.index_cast %add3A_626 : i32 to index
        %swap3A_647 = arith.constant 16 : index
        %swap3A_648 = tpu.vector_load %arg10[%swap3A_646, %swap3A_647] {strides = array<i32>} : memref<50x64xf32, #tpu.memory_space<vmem>>, vector<1x16xf32>,
        %swap3A_649 = vector.shape_cast %swap3A_648 : vector<1x16xf32> to vector<16xf32>
        %swap3A_650 = vector.shape_cast %mul3A_645 : vector<16xf32> to vector<1x16xf32>
        tpu.vector_store %arg10[%swap3A_646, %swap3A_647], %swap3A_650 {strides = array<i32>} : memref<50x64xf32, #tpu.memory_space<vmem>>, vector<1x16xf32>,
        %get3A_651 = arith.index_cast %add3A_626 : i32 to index
        %get3A_652 = arith.constant 32 : index
        %get3A_653 = tpu.vector_load %arg6[%get3A_651, %get3A_652] {strides = array<i32>} : memref<50x128xf32, #tpu.memory_space<vmem>>, vector<1x16xf32>,
        %get3A_654 = vector.shape_cast %get3A_653 : vector<1x16xf32> to vector<16xf32>
        %mul3A_655 = arith.constant 8.000000e+00 : f32
        %mul3A_656 = vector.broadcast %mul3A_655 : f32 to vector<16xf32>
        %mul3A_657 = arith.mulf %get3A_654, %mul3A_656 : vector<16xf32>
        %swap3A_658 = arith.index_cast %add3A_626 : i32 to index
        %swap3A_659 = arith.constant 32 : index
        %swap3A_660 = tpu.vector_load %arg10[%swap3A_658, %swap3A_659] {strides = array<i32>} : memref<50x64xf32, #tpu.memory_space<vmem>>, vector<1x16xf32>,
        %swap3A_661 = vector.shape_cast %swap3A_660 : vector<1x16xf32> to vector<16xf32>
        %swap3A_662 = vector.shape_cast %mul3A_657 : vector<16xf32> to vector<1x16xf32>
        tpu.vector_store %arg10[%swap3A_658, %swap3A_659], %swap3A_662 {strides = array<i32>} : memref<50x64xf32, #tpu.memory_space<vmem>>, vector<1x16xf32>,
        %get3A_663 = arith.index_cast %add3A_626 : i32 to index
        %get3A_664 = arith.constant 48 : index
        %get3A_665 = tpu.vector_load %arg6[%get3A_663, %get3A_664] {strides = array<i32>} : memref<50x128xf32, #tpu.memory_space<vmem>>, vector<1x16xf32>,
        %get3A_666 = vector.shape_cast %get3A_665 : vector<1x16xf32> to vector<16xf32>
        %mul3A_667 = arith.constant 8.000000e+00 : f32
        %mul3A_668 = vector.broadcast %mul3A_667 : f32 to vector<16xf32>
        %mul3A_669 = arith.mulf %get3A_666, %mul3A_668 : vector<16xf32>
        %swap3A_670 = arith.index_cast %add3A_626 : i32 to index
        %swap3A_671 = arith.constant 48 : index
        %swap3A_672 = tpu.vector_load %arg10[%swap3A_670, %swap3A_671] {strides = array<i32>} : memref<50x64xf32, #tpu.memory_space<vmem>>, vector<1x16xf32>,
        %swap3A_673 = vector.shape_cast %swap3A_672 : vector<1x16xf32> to vector<16xf32>
        %swap3A_674 = vector.shape_cast %mul3A_669 : vector<16xf32> to vector<1x16xf32>
        tpu.vector_store %arg10[%swap3A_670, %swap3A_671], %swap3A_674 {strides = array<i32>} : memref<50x64xf32, #tpu.memory_space<vmem>>, vector<1x16xf32>,
        %mul3A_675 = arith.constant 5 : i32
        %mul3A_676 = arith.muli %scan3A_520, %mul3A_675 : i32
        %add3A_677 = arith.constant 3 : i32
        %add3A_678 = arith.addi %mul3A_676, %add3A_677 : i32
        %get3A_679 = arith.index_cast %add3A_678 : i32 to index
        %get3A_680 = arith.constant 0 : index
        %get3A_681 = tpu.vector_load %arg6[%get3A_679, %get3A_680] {strides = array<i32>} : memref<50x128xf32, #tpu.memory_space<vmem>>, vector<1x16xf32>,
        %get3A_682 = vector.shape_cast %get3A_681 : vector<1x16xf32> to vector<16xf32>
        %mul3A_683 = arith.constant 8.000000e+00 : f32
        %mul3A_684 = vector.broadcast %mul3A_683 : f32 to vector<16xf32>
        %mul3A_685 = arith.mulf %get3A_682, %mul3A_684 : vector<16xf32>
        %swap3A_686 = arith.index_cast %add3A_678 : i32 to index
        %swap3A_687 = arith.constant 0 : index
        %swap3A_688 = tpu.vector_load %arg10[%swap3A_686, %swap3A_687] {strides = array<i32>} : memref<50x64xf32, #tpu.memory_space<vmem>>, vector<1x16xf32>,
        %swap3A_689 = vector.shape_cast %swap3A_688 : vector<1x16xf32> to vector<16xf32>
        %swap3A_690 = vector.shape_cast %mul3A_685 : vector<16xf32> to vector<1x16xf32>
        tpu.vector_store %arg10[%swap3A_686, %swap3A_687], %swap3A_690 {strides = array<i32>} : memref<50x64xf32, #tpu.memory_space<vmem>>, vector<1x16xf32>,
        %get3A_691 = arith.index_cast %add3A_678 : i32 to index
        %get3A_692 = arith.constant 16 : index
        %get3A_693 = tpu.vector_load %arg6[%get3A_691, %get3A_692] {strides = array<i32>} : memref<50x128xf32, #tpu.memory_space<vmem>>, vector<1x16xf32>,
        %get3A_694 = vector.shape_cast %get3A_693 : vector<1x16xf32> to vector<16xf32>
        %mul3A_695 = arith.constant 8.000000e+00 : f32
        %mul3A_696 = vector.broadcast %mul3A_695 : f32 to vector<16xf32>
        %mul3A_697 = arith.mulf %get3A_694, %mul3A_696 : vector<16xf32>
        %swap3A_698 = arith.index_cast %add3A_678 : i32 to index
        %swap3A_699 = arith.constant 16 : index
        %swap3A_700 = tpu.vector_load %arg10[%swap3A_698, %swap3A_699] {strides = array<i32>} : memref<50x64xf32, #tpu.memory_space<vmem>>, vector<1x16xf32>,
        %swap3A_701 = vector.shape_cast %swap3A_700 : vector<1x16xf32> to vector<16xf32>
        %swap3A_702 = vector.shape_cast %mul3A_697 : vector<16xf32> to vector<1x16xf32>
        tpu.vector_store %arg10[%swap3A_698, %swap3A_699], %swap3A_702 {strides = array<i32>} : memref<50x64xf32, #tpu.memory_space<vmem>>, vector<1x16xf32>,
        %get3A_703 = arith.index_cast %add3A_678 : i32 to index
        %get3A_704 = arith.constant 32 : index
        %get3A_705 = tpu.vector_load %arg6[%get3A_703, %get3A_704] {strides = array<i32>} : memref<50x128xf32, #tpu.memory_space<vmem>>, vector<1x16xf32>,
        %get3A_706 = vector.shape_cast %get3A_705 : vector<1x16xf32> to vector<16xf32>
        %mul3A_707 = arith.constant 8.000000e+00 : f32
        %mul3A_708 = vector.broadcast %mul3A_707 : f32 to vector<16xf32>
        %mul3A_709 = arith.mulf %get3A_706, %mul3A_708 : vector<16xf32>
        %swap3A_710 = arith.index_cast %add3A_678 : i32 to index
        %swap3A_711 = arith.constant 32 : index
        %swap3A_712 = tpu.vector_load %arg10[%swap3A_710, %swap3A_711] {strides = array<i32>} : memref<50x64xf32, #tpu.memory_space<vmem>>, vector<1x16xf32>,
        %swap3A_713 = vector.shape_cast %swap3A_712 : vector<1x16xf32> to vector<16xf32>
        %swap3A_714 = vector.shape_cast %mul3A_709 : vector<16xf32> to vector<1x16xf32>
        tpu.vector_store %arg10[%swap3A_710, %swap3A_711], %swap3A_714 {strides = array<i32>} : memref<50x64xf32, #tpu.memory_space<vmem>>, vector<1x16xf32>,
        %get3A_715 = arith.index_cast %add3A_678 : i32 to index
        %get3A_716 = arith.constant 48 : index
        %get3A_717 = tpu.vector_load %arg6[%get3A_715, %get3A_716] {strides = array<i32>} : memref<50x128xf32, #tpu.memory_space<vmem>>, vector<1x16xf32>,
        %get3A_718 = vector.shape_cast %get3A_717 : vector<1x16xf32> to vector<16xf32>
        %mul3A_719 = arith.constant 8.000000e+00 : f32
        %mul3A_720 = vector.broadcast %mul3A_719 : f32 to vector<16xf32>
        %mul3A_721 = arith.mulf %get3A_718, %mul3A_720 : vector<16xf32>
        %swap3A_722 = arith.index_cast %add3A_678 : i32 to index
        %swap3A_723 = arith.constant 48 : index
        %swap3A_724 = tpu.vector_load %arg10[%swap3A_722, %swap3A_723] {strides = array<i32>} : memref<50x64xf32, #tpu.memory_space<vmem>>, vector<1x16xf32>,
        %swap3A_725 = vector.shape_cast %swap3A_724 : vector<1x16xf32> to vector<16xf32>
        %swap3A_726 = vector.shape_cast %mul3A_721 : vector<16xf32> to vector<1x16xf32>
        tpu.vector_store %arg10[%swap3A_722, %swap3A_723], %swap3A_726 {strides = array<i32>} : memref<50x64xf32, #tpu.memory_space<vmem>>, vector<1x16xf32>,
        %mul3A_727 = arith.constant 5 : i32
        %mul3A_728 = arith.muli %scan3A_520, %mul3A_727 : i32
        %add3A_729 = arith.constant 4 : i32
        %add3A_730 = arith.addi %mul3A_728, %add3A_729 : i32
        %get3A_731 = arith.index_cast %add3A_730 : i32 to index
        %get3A_732 = arith.constant 0 : index
        %get3A_733 = tpu.vector_load %arg6[%get3A_731, %get3A_732] {strides = array<i32>} : memref<50x128xf32, #tpu.memory_space<vmem>>, vector<1x16xf32>,
        %get3A_734 = vector.shape_cast %get3A_733 : vector<1x16xf32> to vector<16xf32>
        %mul3A_735 = arith.constant 8.000000e+00 : f32
        %mul3A_736 = vector.broadcast %mul3A_735 : f32 to vector<16xf32>
        %mul3A_737 = arith.mulf %get3A_734, %mul3A_736 : vector<16xf32>
        %swap3A_738 = arith.index_cast %add3A_730 : i32 to index
        %swap3A_739 = arith.constant 0 : index
        %swap3A_740 = tpu.vector_load %arg10[%swap3A_738, %swap3A_739] {strides = array<i32>} : memref<50x64xf32, #tpu.memory_space<vmem>>, vector<1x16xf32>,
        %swap3A_741 = vector.shape_cast %swap3A_740 : vector<1x16xf32> to vector<16xf32>
        %swap3A_742 = vector.shape_cast %mul3A_737 : vector<16xf32> to vector<1x16xf32>
        tpu.vector_store %arg10[%swap3A_738, %swap3A_739], %swap3A_742 {strides = array<i32>} : memref<50x64xf32, #tpu.memory_space<vmem>>, vector<1x16xf32>,
        %get3A_743 = arith.index_cast %add3A_730 : i32 to index
        %get3A_744 = arith.constant 16 : index
        %get3A_745 = tpu.vector_load %arg6[%get3A_743, %get3A_744] {strides = array<i32>} : memref<50x128xf32, #tpu.memory_space<vmem>>, vector<1x16xf32>,
        %get3A_746 = vector.shape_cast %get3A_745 : vector<1x16xf32> to vector<16xf32>
        %mul3A_747 = arith.constant 8.000000e+00 : f32
        %mul3A_748 = vector.broadcast %mul3A_747 : f32 to vector<16xf32>
        %mul3A_749 = arith.mulf %get3A_746, %mul3A_748 : vector<16xf32>
        %swap3A_750 = arith.index_cast %add3A_730 : i32 to index
        %swap3A_751 = arith.constant 16 : index
        %swap3A_752 = tpu.vector_load %arg10[%swap3A_750, %swap3A_751] {strides = array<i32>} : memref<50x64xf32, #tpu.memory_space<vmem>>, vector<1x16xf32>,
        %swap3A_753 = vector.shape_cast %swap3A_752 : vector<1x16xf32> to vector<16xf32>
        %swap3A_754 = vector.shape_cast %mul3A_749 : vector<16xf32> to vector<1x16xf32>
        tpu.vector_store %arg10[%swap3A_750, %swap3A_751], %swap3A_754 {strides = array<i32>} : memref<50x64xf32, #tpu.memory_space<vmem>>, vector<1x16xf32>,
        %get3A_755 = arith.index_cast %add3A_730 : i32 to index
        %get3A_756 = arith.constant 32 : index
        %get3A_757 = tpu.vector_load %arg6[%get3A_755, %get3A_756] {strides = array<i32>} : memref<50x128xf32, #tpu.memory_space<vmem>>, vector<1x16xf32>,
        %get3A_758 = vector.shape_cast %get3A_757 : vector<1x16xf32> to vector<16xf32>
        %mul3A_759 = arith.constant 8.000000e+00 : f32
        %mul3A_760 = vector.broadcast %mul3A_759 : f32 to vector<16xf32>
        %mul3A_761 = arith.mulf %get3A_758, %mul3A_760 : vector<16xf32>
        %swap3A_762 = arith.index_cast %add3A_730 : i32 to index
        %swap3A_763 = arith.constant 32 : index
        %swap3A_764 = tpu.vector_load %arg10[%swap3A_762, %swap3A_763] {strides = array<i32>} : memref<50x64xf32, #tpu.memory_space<vmem>>, vector<1x16xf32>,
        %swap3A_765 = vector.shape_cast %swap3A_764 : vector<1x16xf32> to vector<16xf32>
        %swap3A_766 = vector.shape_cast %mul3A_761 : vector<16xf32> to vector<1x16xf32>
        tpu.vector_store %arg10[%swap3A_762, %swap3A_763], %swap3A_766 {strides = array<i32>} : memref<50x64xf32, #tpu.memory_space<vmem>>, vector<1x16xf32>,
        %get3A_767 = arith.index_cast %add3A_730 : i32 to index
        %get3A_768 = arith.constant 48 : index
        %get3A_769 = tpu.vector_load %arg6[%get3A_767, %get3A_768] {strides = array<i32>} : memref<50x128xf32, #tpu.memory_space<vmem>>, vector<1x16xf32>,
        %get3A_770 = vector.shape_cast %get3A_769 : vector<1x16xf32> to vector<16xf32>
        %mul3A_771 = arith.constant 8.000000e+00 : f32
        %mul3A_772 = vector.broadcast %mul3A_771 : f32 to vector<16xf32>
        %mul3A_773 = arith.mulf %get3A_770, %mul3A_772 : vector<16xf32>
        %swap3A_774 = arith.index_cast %add3A_730 : i32 to index
        %swap3A_775 = arith.constant 48 : index
        %swap3A_776 = tpu.vector_load %arg10[%swap3A_774, %swap3A_775] {strides = array<i32>} : memref<50x64xf32, #tpu.memory_space<vmem>>, vector<1x16xf32>,
        %swap3A_777 = vector.shape_cast %swap3A_776 : vector<1x16xf32> to vector<16xf32>
        %swap3A_778 = vector.shape_cast %mul3A_773 : vector<16xf32> to vector<1x16xf32>
        tpu.vector_store %arg10[%swap3A_774, %swap3A_775], %swap3A_778 {strides = array<i32>} : memref<50x64xf32, #tpu.memory_space<vmem>>, vector<1x16xf32>,
      }
      %scan3A_354 = arith.constant 10 : i32
      %add3A_355 = arith.constant 4 : i32
      %add3A_356 = arith.addi %mul3A_328, %add3A_355 : i32
      %add3A_357 = arith.constant 0 : i32
      %add3A_358 = arith.addi %add3A_356, %add3A_357 : i32
      %dma_start3A_359 = arith.constant 0 : i32
      %dma_start3A_360 = tpu.memref_slice %arg5[%add3A_358, %dma_start3A_359] : memref<128x50xi32, #tpu.memory_space<vmem>> -> memref<1x50xi32, #tpu.memory_space<vmem>>
      %dma_start3A_361 = tpu.memref_squeeze %dma_start3A_360 : memref<1x50xi32, #tpu.memory_space<vmem>> -> memref<50xi32, #tpu.memory_space<vmem>>
      %dma_start3A_362 = arith.constant 0 : i32
      %dma_start3A_363 = arith.constant 0 : i32
      %dma_start3A_364 = tpu.memref_slice %arg3[%dma_start3A_362, %dma_start3A_363] : memref<100000x128xf32, #tpu.memory_space<hbm>> -> memref<100000x128xf32, #tpu.memory_space<hbm>>
      tpu.enqueue_indirect_dma source(%dma_start3A_364 : memref<100000x128xf32, #tpu.memory_space<hbm>>) target(%arg6 : memref<50x128xf32, #tpu.memory_space<vmem>>) offsets(%dma_start3A_361 : memref<50xi32, #tpu.memory_space<vmem>>) semaphore(%arg14 : memref<!tpu.dma_semaphore, #tpu.memory_space<semaphore_mem>>)
      %add3A_365 = arith.constant 0 : i32
      %add3A_366 = arith.addi %mul3A_328, %add3A_365 : i32
      %add3A_367 = arith.addi %mul3A_2, %add3A_366 : i32
      %dma_start3A_368 = arith.constant 0 : i32
      %dma_start3A_369 = arith.constant 0 : i32
      %dma_start3A_370 = tpu.memref_slice %arg4[%add3A_367, %dma_start3A_368, %dma_start3A_369] : memref<4096x50x64xf32, #tpu.memory_space<hbm>> -> memref<1x50x64xf32, #tpu.memory_space<hbm>>
      %dma_start3A_371 = tpu.memref_squeeze %dma_start3A_370 : memref<1x50x64xf32, #tpu.memory_space<hbm>> -> memref<50x64xf32, #tpu.memory_space<hbm>>
      %dma_start3A_372 = arith.constant 0 : i32
      %dma_start3A_373 = arith.constant 0 : i32
      %dma_start3A_374 = tpu.memref_slice %arg4[%add3A_367, %dma_start3A_372, %dma_start3A_373] : memref<4096x50x64xf32, #tpu.memory_space<hbm>> -> memref<1x50x64xf32, #tpu.memory_space<hbm>>
      %dma_start3A_375 = tpu.memref_squeeze %dma_start3A_374 : memref<1x50x64xf32, #tpu.memory_space<hbm>> -> memref<50x64xf32, #tpu.memory_space<hbm>>
      tpu.enqueue_dma source(%arg10 : memref<50x64xf32, #tpu.memory_space<vmem>>) target(%dma_start3A_375 : memref<50x64xf32, #tpu.memory_space<hbm>>) target_semaphore(%arg18 : memref<!tpu.dma_semaphore, #tpu.memory_space<semaphore_mem>>)
      %add3A_376 = arith.constant 1 : i32
      %add3A_377 = arith.addi %mul3A_328, %add3A_376 : i32
      %dma_wait3A_378 = arith.constant 0 : i32
      %dma_wait3A_379 = tpu.memref_slice %arg5[%add3A_377, %dma_wait3A_378] : memref<128x50xi32, #tpu.memory_space<vmem>> -> memref<1x50xi32, #tpu.memory_space<vmem>>
      %dma_wait3A_380 = tpu.memref_squeeze %dma_wait3A_379 : memref<1x50xi32, #tpu.memory_space<vmem>> -> memref<50xi32, #tpu.memory_space<vmem>>
      %dma_wait3A_381 = arith.constant 0 : i32
      %dma_wait3A_382 = arith.constant 0 : i32
      %dma_wait3A_383 = tpu.memref_slice %arg3[%dma_wait3A_381, %dma_wait3A_382] : memref<100000x128xf32, #tpu.memory_space<hbm>> -> memref<100000x128xf32, #tpu.memory_space<hbm>>
      tpu.wait_indirect_dma semaphore(%arg15 : memref<!tpu.dma_semaphore, #tpu.memory_space<semaphore_mem>>) src(%dma_wait3A_383 : memref<100000x128xf32, #tpu.memory_space<hbm>>) dst(%arg7 : memref<50x128xf32, #tpu.memory_space<vmem>>)
      %sub3A_384 = arith.constant 4 : i32
      %sub3A_385 = arith.subi %mul3A_328, %sub3A_384 : i32
      %add3A_386 = arith.constant 1 : i32
      %add3A_387 = arith.addi %sub3A_385, %add3A_386 : i32
      %add3A_388 = arith.addi %mul3A_2, %add3A_387 : i32
      %dma_wait3A_389 = arith.constant 0 : i32
      %dma_wait3A_390 = arith.constant 0 : i32
      %dma_wait3A_391 = tpu.memref_slice %arg4[%add3A_388, %dma_wait3A_389, %dma_wait3A_390] : memref<4096x50x64xf32, #tpu.memory_space<hbm>> -> memref<1x50x64xf32, #tpu.memory_space<hbm>>
      %dma_wait3A_392 = tpu.memref_squeeze %dma_wait3A_391 : memref<1x50x64xf32, #tpu.memory_space<hbm>> -> memref<50x64xf32, #tpu.memory_space<hbm>>
      %dma_wait3A_393 = arith.constant 0 : i32
      %dma_wait3A_394 = arith.constant 0 : i32
      %dma_wait3A_395 = tpu.memref_slice %arg4[%add3A_388, %dma_wait3A_393, %dma_wait3A_394] : memref<4096x50x64xf32, #tpu.memory_space<hbm>> -> memref<1x50x64xf32, #tpu.memory_space<hbm>>
      %dma_wait3A_396 = tpu.memref_squeeze %dma_wait3A_395 : memref<1x50x64xf32, #tpu.memory_space<hbm>> -> memref<50x64xf32, #tpu.memory_space<hbm>>
      tpu.wait_dma2 semaphore(%arg19 : memref<!tpu.dma_semaphore, #tpu.memory_space<semaphore_mem>>) src(%arg11 : memref<50x64xf32, #tpu.memory_space<vmem>>) dst(%dma_wait3A_396 : memref<50x64xf32, #tpu.memory_space<hbm>>)
      %scan3A_397 = arith.constant 0 : i32
      %scan3A_398 = arith.constant 0 : i32
      %scan3A_399 = arith.constant 10 : i32
      %scan3A_400 = arith.addi %scan3A_398, %scan3A_399 : i32
      %scan3A_401 = arith.constant 1 : i32
      scf.for %scan3A_520 = %scan3A_398 to %scan3A_400 step %scan3A_401  : i32 {
        %mul3A_521 = arith.constant 5 : i32
        %mul3A_522 = arith.muli %scan3A_520, %mul3A_521 : i32
        %add3A_523 = arith.constant 0 : i32
        %add3A_524 = arith.addi %mul3A_522, %add3A_523 : i32
        %get3A = arith.index_cast %add3A_524 : i32 to index
        %get3A_525 = arith.constant 0 : index
        %get3A_526 = tpu.vector_load %arg7[%get3A, %get3A_525] {strides = array<i32>} : memref<50x128xf32, #tpu.memory_space<vmem>>, vector<1x16xf32>,
        %get3A_527 = vector.shape_cast %get3A_526 : vector<1x16xf32> to vector<16xf32>
        %mul3A_528 = arith.constant 8.000000e+00 : f32
        %mul3A_529 = vector.broadcast %mul3A_528 : f32 to vector<16xf32>
        %mul3A_530 = arith.mulf %get3A_527, %mul3A_529 : vector<16xf32>
        %swap3A = arith.index_cast %add3A_524 : i32 to index
        %swap3A_531 = arith.constant 0 : index
        %swap3A_532 = tpu.vector_load %arg11[%swap3A, %swap3A_531] {strides = array<i32>} : memref<50x64xf32, #tpu.memory_space<vmem>>, vector<1x16xf32>,
        %swap3A_533 = vector.shape_cast %swap3A_532 : vector<1x16xf32> to vector<16xf32>
        %swap3A_534 = vector.shape_cast %mul3A_530 : vector<16xf32> to vector<1x16xf32>
        tpu.vector_store %arg11[%swap3A, %swap3A_531], %swap3A_534 {strides = array<i32>} : memref<50x64xf32, #tpu.memory_space<vmem>>, vector<1x16xf32>,
        %get3A_535 = arith.index_cast %add3A_524 : i32 to index
        %get3A_536 = arith.constant 16 : index
        %get3A_537 = tpu.vector_load %arg7[%get3A_535, %get3A_536] {strides = array<i32>} : memref<50x128xf32, #tpu.memory_space<vmem>>, vector<1x16xf32>,
        %get3A_538 = vector.shape_cast %get3A_537 : vector<1x16xf32> to vector<16xf32>
        %mul3A_539 = arith.constant 8.000000e+00 : f32
        %mul3A_540 = vector.broadcast %mul3A_539 : f32 to vector<16xf32>
        %mul3A_541 = arith.mulf %get3A_538, %mul3A_540 : vector<16xf32>
        %swap3A_542 = arith.index_cast %add3A_524 : i32 to index
        %swap3A_543 = arith.constant 16 : index
        %swap3A_544 = tpu.vector_load %arg11[%swap3A_542, %swap3A_543] {strides = array<i32>} : memref<50x64xf32, #tpu.memory_space<vmem>>, vector<1x16xf32>,
        %swap3A_545 = vector.shape_cast %swap3A_544 : vector<1x16xf32> to vector<16xf32>
        %swap3A_546 = vector.shape_cast %mul3A_541 : vector<16xf32> to vector<1x16xf32>
        tpu.vector_store %arg11[%swap3A_542, %swap3A_543], %swap3A_546 {strides = array<i32>} : memref<50x64xf32, #tpu.memory_space<vmem>>, vector<1x16xf32>,
        %get3A_547 = arith.index_cast %add3A_524 : i32 to index
        %get3A_548 = arith.constant 32 : index
        %get3A_549 = tpu.vector_load %arg7[%get3A_547, %get3A_548] {strides = array<i32>} : memref<50x128xf32, #tpu.memory_space<vmem>>, vector<1x16xf32>,
        %get3A_550 = vector.shape_cast %get3A_549 : vector<1x16xf32> to vector<16xf32>
        %mul3A_551 = arith.constant 8.000000e+00 : f32
        %mul3A_552 = vector.broadcast %mul3A_551 : f32 to vector<16xf32>
        %mul3A_553 = arith.mulf %get3A_550, %mul3A_552 : vector<16xf32>
        %swap3A_554 = arith.index_cast %add3A_524 : i32 to index
        %swap3A_555 = arith.constant 32 : index
        %swap3A_556 = tpu.vector_load %arg11[%swap3A_554, %swap3A_555] {strides = array<i32>} : memref<50x64xf32, #tpu.memory_space<vmem>>, vector<1x16xf32>,
        %swap3A_557 = vector.shape_cast %swap3A_556 : vector<1x16xf32> to vector<16xf32>
        %swap3A_558 = vector.shape_cast %mul3A_553 : vector<16xf32> to vector<1x16xf32>
        tpu.vector_store %arg11[%swap3A_554, %swap3A_555], %swap3A_558 {strides = array<i32>} : memref<50x64xf32, #tpu.memory_space<vmem>>, vector<1x16xf32>,
        %get3A_559 = arith.index_cast %add3A_524 : i32 to index
        %get3A_560 = arith.constant 48 : index
        %get3A_561 = tpu.vector_load %arg7[%get3A_559, %get3A_560] {strides = array<i32>} : memref<50x128xf32, #tpu.memory_space<vmem>>, vector<1x16xf32>,
        %get3A_562 = vector.shape_cast %get3A_561 : vector<1x16xf32> to vector<16xf32>
        %mul3A_563 = arith.constant 8.000000e+00 : f32
        %mul3A_564 = vector.broadcast %mul3A_563 : f32 to vector<16xf32>
        %mul3A_565 = arith.mulf %get3A_562, %mul3A_564 : vector<16xf32>
        %swap3A_566 = arith.index_cast %add3A_524 : i32 to index
        %swap3A_567 = arith.constant 48 : index
        %swap3A_568 = tpu.vector_load %arg11[%swap3A_566, %swap3A_567] {strides = array<i32>} : memref<50x64xf32, #tpu.memory_space<vmem>>, vector<1x16xf32>,
        %swap3A_569 = vector.shape_cast %swap3A_568 : vector<1x16xf32> to vector<16xf32>
        %swap3A_570 = vector.shape_cast %mul3A_565 : vector<16xf32> to vector<1x16xf32>
        tpu.vector_store %arg11[%swap3A_566, %swap3A_567], %swap3A_570 {strides = array<i32>} : memref<50x64xf32, #tpu.memory_space<vmem>>, vector<1x16xf32>,
        %mul3A_571 = arith.constant 5 : i32
        %mul3A_572 = arith.muli %scan3A_520, %mul3A_571 : i32
        %add3A_573 = arith.constant 1 : i32
        %add3A_574 = arith.addi %mul3A_572, %add3A_573 : i32
        %get3A_575 = arith.index_cast %add3A_574 : i32 to index
        %get3A_576 = arith.constant 0 : index
        %get3A_577 = tpu.vector_load %arg7[%get3A_575, %get3A_576] {strides = array<i32>} : memref<50x128xf32, #tpu.memory_space<vmem>>, vector<1x16xf32>,
        %get3A_578 = vector.shape_cast %get3A_577 : vector<1x16xf32> to vector<16xf32>
        %mul3A_579 = arith.constant 8.000000e+00 : f32
        %mul3A_580 = vector.broadcast %mul3A_579 : f32 to vector<16xf32>
        %mul3A_581 = arith.mulf %get3A_578, %mul3A_580 : vector<16xf32>
        %swap3A_582 = arith.index_cast %add3A_574 : i32 to index
        %swap3A_583 = arith.constant 0 : index
        %swap3A_584 = tpu.vector_load %arg11[%swap3A_582, %swap3A_583] {strides = array<i32>} : memref<50x64xf32, #tpu.memory_space<vmem>>, vector<1x16xf32>,
        %swap3A_585 = vector.shape_cast %swap3A_584 : vector<1x16xf32> to vector<16xf32>
        %swap3A_586 = vector.shape_cast %mul3A_581 : vector<16xf32> to vector<1x16xf32>
        tpu.vector_store %arg11[%swap3A_582, %swap3A_583], %swap3A_586 {strides = array<i32>} : memref<50x64xf32, #tpu.memory_space<vmem>>, vector<1x16xf32>,
        %get3A_587 = arith.index_cast %add3A_574 : i32 to index
        %get3A_588 = arith.constant 16 : index
        %get3A_589 = tpu.vector_load %arg7[%get3A_587, %get3A_588] {strides = array<i32>} : memref<50x128xf32, #tpu.memory_space<vmem>>, vector<1x16xf32>,
        %get3A_590 = vector.shape_cast %get3A_589 : vector<1x16xf32> to vector<16xf32>
        %mul3A_591 = arith.constant 8.000000e+00 : f32
        %mul3A_592 = vector.broadcast %mul3A_591 : f32 to vector<16xf32>
        %mul3A_593 = arith.mulf %get3A_590, %mul3A_592 : vector<16xf32>
        %swap3A_594 = arith.index_cast %add3A_574 : i32 to index
        %swap3A_595 = arith.constant 16 : index
        %swap3A_596 = tpu.vector_load %arg11[%swap3A_594, %swap3A_595] {strides = array<i32>} : memref<50x64xf32, #tpu.memory_space<vmem>>, vector<1x16xf32>,
        %swap3A_597 = vector.shape_cast %swap3A_596 : vector<1x16xf32> to vector<16xf32>
        %swap3A_598 = vector.shape_cast %mul3A_593 : vector<16xf32> to vector<1x16xf32>
        tpu.vector_store %arg11[%swap3A_594, %swap3A_595], %swap3A_598 {strides = array<i32>} : memref<50x64xf32, #tpu.memory_space<vmem>>, vector<1x16xf32>,
        %get3A_599 = arith.index_cast %add3A_574 : i32 to index
        %get3A_600 = arith.constant 32 : index
        %get3A_601 = tpu.vector_load %arg7[%get3A_599, %get3A_600] {strides = array<i32>} : memref<50x128xf32, #tpu.memory_space<vmem>>, vector<1x16xf32>,
        %get3A_602 = vector.shape_cast %get3A_601 : vector<1x16xf32> to vector<16xf32>
        %mul3A_603 = arith.constant 8.000000e+00 : f32
        %mul3A_604 = vector.broadcast %mul3A_603 : f32 to vector<16xf32>
        %mul3A_605 = arith.mulf %get3A_602, %mul3A_604 : vector<16xf32>
        %swap3A_606 = arith.index_cast %add3A_574 : i32 to index
        %swap3A_607 = arith.constant 32 : index
        %swap3A_608 = tpu.vector_load %arg11[%swap3A_606, %swap3A_607] {strides = array<i32>} : memref<50x64xf32, #tpu.memory_space<vmem>>, vector<1x16xf32>,
        %swap3A_609 = vector.shape_cast %swap3A_608 : vector<1x16xf32> to vector<16xf32>
        %swap3A_610 = vector.shape_cast %mul3A_605 : vector<16xf32> to vector<1x16xf32>
        tpu.vector_store %arg11[%swap3A_606, %swap3A_607], %swap3A_610 {strides = array<i32>} : memref<50x64xf32, #tpu.memory_space<vmem>>, vector<1x16xf32>,
        %get3A_611 = arith.index_cast %add3A_574 : i32 to index
        %get3A_612 = arith.constant 48 : index
        %get3A_613 = tpu.vector_load %arg7[%get3A_611, %get3A_612] {strides = array<i32>} : memref<50x128xf32, #tpu.memory_space<vmem>>, vector<1x16xf32>,
        %get3A_614 = vector.shape_cast %get3A_613 : vector<1x16xf32> to vector<16xf32>
        %mul3A_615 = arith.constant 8.000000e+00 : f32
        %mul3A_616 = vector.broadcast %mul3A_615 : f32 to vector<16xf32>
        %mul3A_617 = arith.mulf %get3A_614, %mul3A_616 : vector<16xf32>
        %swap3A_618 = arith.index_cast %add3A_574 : i32 to index
        %swap3A_619 = arith.constant 48 : index
        %swap3A_620 = tpu.vector_load %arg11[%swap3A_618, %swap3A_619] {strides = array<i32>} : memref<50x64xf32, #tpu.memory_space<vmem>>, vector<1x16xf32>,
        %swap3A_621 = vector.shape_cast %swap3A_620 : vector<1x16xf32> to vector<16xf32>
        %swap3A_622 = vector.shape_cast %mul3A_617 : vector<16xf32> to vector<1x16xf32>
        tpu.vector_store %arg11[%swap3A_618, %swap3A_619], %swap3A_622 {strides = array<i32>} : memref<50x64xf32, #tpu.memory_space<vmem>>, vector<1x16xf32>,
        %mul3A_623 = arith.constant 5 : i32
        %mul3A_624 = arith.muli %scan3A_520, %mul3A_623 : i32
        %add3A_625 = arith.constant 2 : i32
        %add3A_626 = arith.addi %mul3A_624, %add3A_625 : i32
        %get3A_627 = arith.index_cast %add3A_626 : i32 to index
        %get3A_628 = arith.constant 0 : index
        %get3A_629 = tpu.vector_load %arg7[%get3A_627, %get3A_628] {strides = array<i32>} : memref<50x128xf32, #tpu.memory_space<vmem>>, vector<1x16xf32>,
        %get3A_630 = vector.shape_cast %get3A_629 : vector<1x16xf32> to vector<16xf32>
        %mul3A_631 = arith.constant 8.000000e+00 : f32
        %mul3A_632 = vector.broadcast %mul3A_631 : f32 to vector<16xf32>
        %mul3A_633 = arith.mulf %get3A_630, %mul3A_632 : vector<16xf32>
        %swap3A_634 = arith.index_cast %add3A_626 : i32 to index
        %swap3A_635 = arith.constant 0 : index
        %swap3A_636 = tpu.vector_load %arg11[%swap3A_634, %swap3A_635] {strides = array<i32>} : memref<50x64xf32, #tpu.memory_space<vmem>>, vector<1x16xf32>,
        %swap3A_637 = vector.shape_cast %swap3A_636 : vector<1x16xf32> to vector<16xf32>
        %swap3A_638 = vector.shape_cast %mul3A_633 : vector<16xf32> to vector<1x16xf32>
        tpu.vector_store %arg11[%swap3A_634, %swap3A_635], %swap3A_638 {strides = array<i32>} : memref<50x64xf32, #tpu.memory_space<vmem>>, vector<1x16xf32>,
        %get3A_639 = arith.index_cast %add3A_626 : i32 to index
        %get3A_640 = arith.constant 16 : index
        %get3A_641 = tpu.vector_load %arg7[%get3A_639, %get3A_640] {strides = array<i32>} : memref<50x128xf32, #tpu.memory_space<vmem>>, vector<1x16xf32>,
        %get3A_642 = vector.shape_cast %get3A_641 : vector<1x16xf32> to vector<16xf32>
        %mul3A_643 = arith.constant 8.000000e+00 : f32
        %mul3A_644 = vector.broadcast %mul3A_643 : f32 to vector<16xf32>
        %mul3A_645 = arith.mulf %get3A_642, %mul3A_644 : vector<16xf32>
        %swap3A_646 = arith.index_cast %add3A_626 : i32 to index
        %swap3A_647 = arith.constant 16 : index
        %swap3A_648 = tpu.vector_load %arg11[%swap3A_646, %swap3A_647] {strides = array<i32>} : memref<50x64xf32, #tpu.memory_space<vmem>>, vector<1x16xf32>,
        %swap3A_649 = vector.shape_cast %swap3A_648 : vector<1x16xf32> to vector<16xf32>
        %swap3A_650 = vector.shape_cast %mul3A_645 : vector<16xf32> to vector<1x16xf32>
        tpu.vector_store %arg11[%swap3A_646, %swap3A_647], %swap3A_650 {strides = array<i32>} : memref<50x64xf32, #tpu.memory_space<vmem>>, vector<1x16xf32>,
        %get3A_651 = arith.index_cast %add3A_626 : i32 to index
        %get3A_652 = arith.constant 32 : index
        %get3A_653 = tpu.vector_load %arg7[%get3A_651, %get3A_652] {strides = array<i32>} : memref<50x128xf32, #tpu.memory_space<vmem>>, vector<1x16xf32>,
        %get3A_654 = vector.shape_cast %get3A_653 : vector<1x16xf32> to vector<16xf32>
        %mul3A_655 = arith.constant 8.000000e+00 : f32
        %mul3A_656 = vector.broadcast %mul3A_655 : f32 to vector<16xf32>
        %mul3A_657 = arith.mulf %get3A_654, %mul3A_656 : vector<16xf32>
        %swap3A_658 = arith.index_cast %add3A_626 : i32 to index
        %swap3A_659 = arith.constant 32 : index
        %swap3A_660 = tpu.vector_load %arg11[%swap3A_658, %swap3A_659] {strides = array<i32>} : memref<50x64xf32, #tpu.memory_space<vmem>>, vector<1x16xf32>,
        %swap3A_661 = vector.shape_cast %swap3A_660 : vector<1x16xf32> to vector<16xf32>
        %swap3A_662 = vector.shape_cast %mul3A_657 : vector<16xf32> to vector<1x16xf32>
        tpu.vector_store %arg11[%swap3A_658, %swap3A_659], %swap3A_662 {strides = array<i32>} : memref<50x64xf32, #tpu.memory_space<vmem>>, vector<1x16xf32>,
        %get3A_663 = arith.index_cast %add3A_626 : i32 to index
        %get3A_664 = arith.constant 48 : index
        %get3A_665 = tpu.vector_load %arg7[%get3A_663, %get3A_664] {strides = array<i32>} : memref<50x128xf32, #tpu.memory_space<vmem>>, vector<1x16xf32>,
        %get3A_666 = vector.shape_cast %get3A_665 : vector<1x16xf32> to vector<16xf32>
        %mul3A_667 = arith.constant 8.000000e+00 : f32
        %mul3A_668 = vector.broadcast %mul3A_667 : f32 to vector<16xf32>
        %mul3A_669 = arith.mulf %get3A_666, %mul3A_668 : vector<16xf32>
        %swap3A_670 = arith.index_cast %add3A_626 : i32 to index
        %swap3A_671 = arith.constant 48 : index
        %swap3A_672 = tpu.vector_load %arg11[%swap3A_670, %swap3A_671] {strides = array<i32>} : memref<50x64xf32, #tpu.memory_space<vmem>>, vector<1x16xf32>,
        %swap3A_673 = vector.shape_cast %swap3A_672 : vector<1x16xf32> to vector<16xf32>
        %swap3A_674 = vector.shape_cast %mul3A_669 : vector<16xf32> to vector<1x16xf32>
        tpu.vector_store %arg11[%swap3A_670, %swap3A_671], %swap3A_674 {strides = array<i32>} : memref<50x64xf32, #tpu.memory_space<vmem>>, vector<1x16xf32>,
        %mul3A_675 = arith.constant 5 : i32
        %mul3A_676 = arith.muli %scan3A_520, %mul3A_675 : i32
        %add3A_677 = arith.constant 3 : i32
        %add3A_678 = arith.addi %mul3A_676, %add3A_677 : i32
        %get3A_679 = arith.index_cast %add3A_678 : i32 to index
        %get3A_680 = arith.constant 0 : index
        %get3A_681 = tpu.vector_load %arg7[%get3A_679, %get3A_680] {strides = array<i32>} : memref<50x128xf32, #tpu.memory_space<vmem>>, vector<1x16xf32>,
        %get3A_682 = vector.shape_cast %get3A_681 : vector<1x16xf32> to vector<16xf32>
        %mul3A_683 = arith.constant 8.000000e+00 : f32
        %mul3A_684 = vector.broadcast %mul3A_683 : f32 to vector<16xf32>
        %mul3A_685 = arith.mulf %get3A_682, %mul3A_684 : vector<16xf32>
        %swap3A_686 = arith.index_cast %add3A_678 : i32 to index
        %swap3A_687 = arith.constant 0 : index
        %swap3A_688 = tpu.vector_load %arg11[%swap3A_686, %swap3A_687] {strides = array<i32>} : memref<50x64xf32, #tpu.memory_space<vmem>>, vector<1x16xf32>,
        %swap3A_689 = vector.shape_cast %swap3A_688 : vector<1x16xf32> to vector<16xf32>
        %swap3A_690 = vector.shape_cast %mul3A_685 : vector<16xf32> to vector<1x16xf32>
        tpu.vector_store %arg11[%swap3A_686, %swap3A_687], %swap3A_690 {strides = array<i32>} : memref<50x64xf32, #tpu.memory_space<vmem>>, vector<1x16xf32>,
        %get3A_691 = arith.index_cast %add3A_678 : i32 to index
        %get3A_692 = arith.constant 16 : index
        %get3A_693 = tpu.vector_load %arg7[%get3A_691, %get3A_692] {strides = array<i32>} : memref<50x128xf32, #tpu.memory_space<vmem>>, vector<1x16xf32>,
        %get3A_694 = vector.shape_cast %get3A_693 : vector<1x16xf32> to vector<16xf32>
        %mul3A_695 = arith.constant 8.000000e+00 : f32
        %mul3A_696 = vector.broadcast %mul3A_695 : f32 to vector<16xf32>
        %mul3A_697 = arith.mulf %get3A_694, %mul3A_696 : vector<16xf32>
        %swap3A_698 = arith.index_cast %add3A_678 : i32 to index
        %swap3A_699 = arith.constant 16 : index
        %swap3A_700 = tpu.vector_load %arg11[%swap3A_698, %swap3A_699] {strides = array<i32>} : memref<50x64xf32, #tpu.memory_space<vmem>>, vector<1x16xf32>,
        %swap3A_701 = vector.shape_cast %swap3A_700 : vector<1x16xf32> to vector<16xf32>
        %swap3A_702 = vector.shape_cast %mul3A_697 : vector<16xf32> to vector<1x16xf32>
        tpu.vector_store %arg11[%swap3A_698, %swap3A_699], %swap3A_702 {strides = array<i32>} : memref<50x64xf32, #tpu.memory_space<vmem>>, vector<1x16xf32>,
        %get3A_703 = arith.index_cast %add3A_678 : i32 to index
        %get3A_704 = arith.constant 32 : index
        %get3A_705 = tpu.vector_load %arg7[%get3A_703, %get3A_704] {strides = array<i32>} : memref<50x128xf32, #tpu.memory_space<vmem>>, vector<1x16xf32>,
        %get3A_706 = vector.shape_cast %get3A_705 : vector<1x16xf32> to vector<16xf32>
        %mul3A_707 = arith.constant 8.000000e+00 : f32
        %mul3A_708 = vector.broadcast %mul3A_707 : f32 to vector<16xf32>
        %mul3A_709 = arith.mulf %get3A_706, %mul3A_708 : vector<16xf32>
        %swap3A_710 = arith.index_cast %add3A_678 : i32 to index
        %swap3A_711 = arith.constant 32 : index
        %swap3A_712 = tpu.vector_load %arg11[%swap3A_710, %swap3A_711] {strides = array<i32>} : memref<50x64xf32, #tpu.memory_space<vmem>>, vector<1x16xf32>,
        %swap3A_713 = vector.shape_cast %swap3A_712 : vector<1x16xf32> to vector<16xf32>
        %swap3A_714 = vector.shape_cast %mul3A_709 : vector<16xf32> to vector<1x16xf32>
        tpu.vector_store %arg11[%swap3A_710, %swap3A_711], %swap3A_714 {strides = array<i32>} : memref<50x64xf32, #tpu.memory_space<vmem>>, vector<1x16xf32>,
        %get3A_715 = arith.index_cast %add3A_678 : i32 to index
        %get3A_716 = arith.constant 48 : index
        %get3A_717 = tpu.vector_load %arg7[%get3A_715, %get3A_716] {strides = array<i32>} : memref<50x128xf32, #tpu.memory_space<vmem>>, vector<1x16xf32>,
        %get3A_718 = vector.shape_cast %get3A_717 : vector<1x16xf32> to vector<16xf32>
        %mul3A_719 = arith.constant 8.000000e+00 : f32
        %mul3A_720 = vector.broadcast %mul3A_719 : f32 to vector<16xf32>
        %mul3A_721 = arith.mulf %get3A_718, %mul3A_720 : vector<16xf32>
        %swap3A_722 = arith.index_cast %add3A_678 : i32 to index
        %swap3A_723 = arith.constant 48 : index
        %swap3A_724 = tpu.vector_load %arg11[%swap3A_722, %swap3A_723] {strides = array<i32>} : memref<50x64xf32, #tpu.memory_space<vmem>>, vector<1x16xf32>,
        %swap3A_725 = vector.shape_cast %swap3A_724 : vector<1x16xf32> to vector<16xf32>
        %swap3A_726 = vector.shape_cast %mul3A_721 : vector<16xf32> to vector<1x16xf32>
        tpu.vector_store %arg11[%swap3A_722, %swap3A_723], %swap3A_726 {strides = array<i32>} : memref<50x64xf32, #tpu.memory_space<vmem>>, vector<1x16xf32>,
        %mul3A_727 = arith.constant 5 : i32
        %mul3A_728 = arith.muli %scan3A_520, %mul3A_727 : i32
        %add3A_729 = arith.constant 4 : i32
        %add3A_730 = arith.addi %mul3A_728, %add3A_729 : i32
        %get3A_731 = arith.index_cast %add3A_730 : i32 to index
        %get3A_732 = arith.constant 0 : index
        %get3A_733 = tpu.vector_load %arg7[%get3A_731, %get3A_732] {strides = array<i32>} : memref<50x128xf32, #tpu.memory_space<vmem>>, vector<1x16xf32>,
        %get3A_734 = vector.shape_cast %get3A_733 : vector<1x16xf32> to vector<16xf32>
        %mul3A_735 = arith.constant 8.000000e+00 : f32
        %mul3A_736 = vector.broadcast %mul3A_735 : f32 to vector<16xf32>
        %mul3A_737 = arith.mulf %get3A_734, %mul3A_736 : vector<16xf32>
        %swap3A_738 = arith.index_cast %add3A_730 : i32 to index
        %swap3A_739 = arith.constant 0 : index
        %swap3A_740 = tpu.vector_load %arg11[%swap3A_738, %swap3A_739] {strides = array<i32>} : memref<50x64xf32, #tpu.memory_space<vmem>>, vector<1x16xf32>,
        %swap3A_741 = vector.shape_cast %swap3A_740 : vector<1x16xf32> to vector<16xf32>
        %swap3A_742 = vector.shape_cast %mul3A_737 : vector<16xf32> to vector<1x16xf32>
        tpu.vector_store %arg11[%swap3A_738, %swap3A_739], %swap3A_742 {strides = array<i32>} : memref<50x64xf32, #tpu.memory_space<vmem>>, vector<1x16xf32>,
        %get3A_743 = arith.index_cast %add3A_730 : i32 to index
        %get3A_744 = arith.constant 16 : index
        %get3A_745 = tpu.vector_load %arg7[%get3A_743, %get3A_744] {strides = array<i32>} : memref<50x128xf32, #tpu.memory_space<vmem>>, vector<1x16xf32>,
        %get3A_746 = vector.shape_cast %get3A_745 : vector<1x16xf32> to vector<16xf32>
        %mul3A_747 = arith.constant 8.000000e+00 : f32
        %mul3A_748 = vector.broadcast %mul3A_747 : f32 to vector<16xf32>
        %mul3A_749 = arith.mulf %get3A_746, %mul3A_748 : vector<16xf32>
        %swap3A_750 = arith.index_cast %add3A_730 : i32 to index
        %swap3A_751 = arith.constant 16 : index
        %swap3A_752 = tpu.vector_load %arg11[%swap3A_750, %swap3A_751] {strides = array<i32>} : memref<50x64xf32, #tpu.memory_space<vmem>>, vector<1x16xf32>,
        %swap3A_753 = vector.shape_cast %swap3A_752 : vector<1x16xf32> to vector<16xf32>
        %swap3A_754 = vector.shape_cast %mul3A_749 : vector<16xf32> to vector<1x16xf32>
        tpu.vector_store %arg11[%swap3A_750, %swap3A_751], %swap3A_754 {strides = array<i32>} : memref<50x64xf32, #tpu.memory_space<vmem>>, vector<1x16xf32>,
        %get3A_755 = arith.index_cast %add3A_730 : i32 to index
        %get3A_756 = arith.constant 32 : index
        %get3A_757 = tpu.vector_load %arg7[%get3A_755, %get3A_756] {strides = array<i32>} : memref<50x128xf32, #tpu.memory_space<vmem>>, vector<1x16xf32>,
        %get3A_758 = vector.shape_cast %get3A_757 : vector<1x16xf32> to vector<16xf32>
        %mul3A_759 = arith.constant 8.000000e+00 : f32
        %mul3A_760 = vector.broadcast %mul3A_759 : f32 to vector<16xf32>
        %mul3A_761 = arith.mulf %get3A_758, %mul3A_760 : vector<16xf32>
        %swap3A_762 = arith.index_cast %add3A_730 : i32 to index
        %swap3A_763 = arith.constant 32 : index
        %swap3A_764 = tpu.vector_load %arg11[%swap3A_762, %swap3A_763] {strides = array<i32>} : memref<50x64xf32, #tpu.memory_space<vmem>>, vector<1x16xf32>,
        %swap3A_765 = vector.shape_cast %swap3A_764 : vector<1x16xf32> to vector<16xf32>
        %swap3A_766 = vector.shape_cast %mul3A_761 : vector<16xf32> to vector<1x16xf32>
        tpu.vector_store %arg11[%swap3A_762, %swap3A_763], %swap3A_766 {strides = array<i32>} : memref<50x64xf32, #tpu.memory_space<vmem>>, vector<1x16xf32>,
        %get3A_767 = arith.index_cast %add3A_730 : i32 to index
        %get3A_768 = arith.constant 48 : index
        %get3A_769 = tpu.vector_load %arg7[%get3A_767, %get3A_768] {strides = array<i32>} : memref<50x128xf32, #tpu.memory_space<vmem>>, vector<1x16xf32>,
        %get3A_770 = vector.shape_cast %get3A_769 : vector<1x16xf32> to vector<16xf32>
        %mul3A_771 = arith.constant 8.000000e+00 : f32
        %mul3A_772 = vector.broadcast %mul3A_771 : f32 to vector<16xf32>
        %mul3A_773 = arith.mulf %get3A_770, %mul3A_772 : vector<16xf32>
        %swap3A_774 = arith.index_cast %add3A_730 : i32 to index
        %swap3A_775 = arith.constant 48 : index
        %swap3A_776 = tpu.vector_load %arg11[%swap3A_774, %swap3A_775] {strides = array<i32>} : memref<50x64xf32, #tpu.memory_space<vmem>>, vector<1x16xf32>,
        %swap3A_777 = vector.shape_cast %swap3A_776 : vector<1x16xf32> to vector<16xf32>
        %swap3A_778 = vector.shape_cast %mul3A_773 : vector<16xf32> to vector<1x16xf32>
        tpu.vector_store %arg11[%swap3A_774, %swap3A_775], %swap3A_778 {strides = array<i32>} : memref<50x64xf32, #tpu.memory_space<vmem>>, vector<1x16xf32>,
      }
      %scan3A_402 = arith.constant 10 : i32
      %add3A_403 = arith.constant 4 : i32
      %add3A_404 = arith.addi %mul3A_328, %add3A_403 : i32
      %add3A_405 = arith.constant 1 : i32
      %add3A_406 = arith.addi %add3A_404, %add3A_405 : i32
      %dma_start3A_407 = arith.constant 0 : i32
      %dma_start3A_408 = tpu.memref_slice %arg5[%add3A_406, %dma_start3A_407] : memref<128x50xi32, #tpu.memory_space<vmem>> -> memref<1x50xi32, #tpu.memory_space<vmem>>
      %dma_start3A_409 = tpu.memref_squeeze %dma_start3A_408 : memref<1x50xi32, #tpu.memory_space<vmem>> -> memref<50xi32, #tpu.memory_space<vmem>>
      %dma_start3A_410 = arith.constant 0 : i32
      %dma_start3A_411 = arith.constant 0 : i32
      %dma_start3A_412 = tpu.memref_slice %arg3[%dma_start3A_410, %dma_start3A_411] : memref<100000x128xf32, #tpu.memory_space<hbm>> -> memref<100000x128xf32, #tpu.memory_space<hbm>>
      tpu.enqueue_indirect_dma source(%dma_start3A_412 : memref<100000x128xf32, #tpu.memory_space<hbm>>) target(%arg7 : memref<50x128xf32, #tpu.memory_space<vmem>>) offsets(%dma_start3A_409 : memref<50xi32, #tpu.memory_space<vmem>>) semaphore(%arg15 : memref<!tpu.dma_semaphore, #tpu.memory_space<semaphore_mem>>)
      %add3A_413 = arith.constant 1 : i32
      %add3A_414 = arith.addi %mul3A_328, %add3A_413 : i32
      %add3A_415 = arith.addi %mul3A_2, %add3A_414 : i32
      %dma_start3A_416 = arith.constant 0 : i32
      %dma_start3A_417 = arith.constant 0 : i32
      %dma_start3A_418 = tpu.memref_slice %arg4[%add3A_415, %dma_start3A_416, %dma_start3A_417] : memref<4096x50x64xf32, #tpu.memory_space<hbm>> -> memref<1x50x64xf32, #tpu.memory_space<hbm>>
      %dma_start3A_419 = tpu.memref_squeeze %dma_start3A_418 : memref<1x50x64xf32, #tpu.memory_space<hbm>> -> memref<50x64xf32, #tpu.memory_space<hbm>>
      %dma_start3A_420 = arith.constant 0 : i32
      %dma_start3A_421 = arith.constant 0 : i32
      %dma_start3A_422 = tpu.memref_slice %arg4[%add3A_415, %dma_start3A_420, %dma_start3A_421] : memref<4096x50x64xf32, #tpu.memory_space<hbm>> -> memref<1x50x64xf32, #tpu.memory_space<hbm>>
      %dma_start3A_423 = tpu.memref_squeeze %dma_start3A_422 : memref<1x50x64xf32, #tpu.memory_space<hbm>> -> memref<50x64xf32, #tpu.memory_space<hbm>>
      tpu.enqueue_dma source(%arg11 : memref<50x64xf32, #tpu.memory_space<vmem>>) target(%dma_start3A_423 : memref<50x64xf32, #tpu.memory_space<hbm>>) target_semaphore(%arg19 : memref<!tpu.dma_semaphore, #tpu.memory_space<semaphore_mem>>)
      %add3A_424 = arith.constant 2 : i32
      %add3A_425 = arith.addi %mul3A_328, %add3A_424 : i32
      %dma_wait3A_426 = arith.constant 0 : i32
      %dma_wait3A_427 = tpu.memref_slice %arg5[%add3A_425, %dma_wait3A_426] : memref<128x50xi32, #tpu.memory_space<vmem>> -> memref<1x50xi32, #tpu.memory_space<vmem>>
      %dma_wait3A_428 = tpu.memref_squeeze %dma_wait3A_427 : memref<1x50xi32, #tpu.memory_space<vmem>> -> memref<50xi32, #tpu.memory_space<vmem>>
      %dma_wait3A_429 = arith.constant 0 : i32
      %dma_wait3A_430 = arith.constant 0 : i32
      %dma_wait3A_431 = tpu.memref_slice %arg3[%dma_wait3A_429, %dma_wait3A_430] : memref<100000x128xf32, #tpu.memory_space<hbm>> -> memref<100000x128xf32, #tpu.memory_space<hbm>>
      tpu.wait_indirect_dma semaphore(%arg16 : memref<!tpu.dma_semaphore, #tpu.memory_space<semaphore_mem>>) src(%dma_wait3A_431 : memref<100000x128xf32, #tpu.memory_space<hbm>>) dst(%arg8 : memref<50x128xf32, #tpu.memory_space<vmem>>)
      %sub3A_432 = arith.constant 4 : i32
      %sub3A_433 = arith.subi %mul3A_328, %sub3A_432 : i32
      %add3A_434 = arith.constant 2 : i32
      %add3A_435 = arith.addi %sub3A_433, %add3A_434 : i32
      %add3A_436 = arith.addi %mul3A_2, %add3A_435 : i32
      %dma_wait3A_437 = arith.constant 0 : i32
      %dma_wait3A_438 = arith.constant 0 : i32
      %dma_wait3A_439 = tpu.memref_slice %arg4[%add3A_436, %dma_wait3A_437, %dma_wait3A_438] : memref<4096x50x64xf32, #tpu.memory_space<hbm>> -> memref<1x50x64xf32, #tpu.memory_space<hbm>>
      %dma_wait3A_440 = tpu.memref_squeeze %dma_wait3A_439 : memref<1x50x64xf32, #tpu.memory_space<hbm>> -> memref<50x64xf32, #tpu.memory_space<hbm>>
      %dma_wait3A_441 = arith.constant 0 : i32
      %dma_wait3A_442 = arith.constant 0 : i32
      %dma_wait3A_443 = tpu.memref_slice %arg4[%add3A_436, %dma_wait3A_441, %dma_wait3A_442] : memref<4096x50x64xf32, #tpu.memory_space<hbm>> -> memref<1x50x64xf32, #tpu.memory_space<hbm>>
      %dma_wait3A_444 = tpu.memref_squeeze %dma_wait3A_443 : memref<1x50x64xf32, #tpu.memory_space<hbm>> -> memref<50x64xf32, #tpu.memory_space<hbm>>
      tpu.wait_dma2 semaphore(%arg20 : memref<!tpu.dma_semaphore, #tpu.memory_space<semaphore_mem>>) src(%arg12 : memref<50x64xf32, #tpu.memory_space<vmem>>) dst(%dma_wait3A_444 : memref<50x64xf32, #tpu.memory_space<hbm>>)
      %scan3A_445 = arith.constant 0 : i32
      %scan3A_446 = arith.constant 0 : i32
      %scan3A_447 = arith.constant 10 : i32
      %scan3A_448 = arith.addi %scan3A_446, %scan3A_447 : i32
      %scan3A_449 = arith.constant 1 : i32
      scf.for %scan3A_520 = %scan3A_446 to %scan3A_448 step %scan3A_449  : i32 {
        %mul3A_521 = arith.constant 5 : i32
        %mul3A_522 = arith.muli %scan3A_520, %mul3A_521 : i32
        %add3A_523 = arith.constant 0 : i32
        %add3A_524 = arith.addi %mul3A_522, %add3A_523 : i32
        %get3A = arith.index_cast %add3A_524 : i32 to index
        %get3A_525 = arith.constant 0 : index
        %get3A_526 = tpu.vector_load %arg8[%get3A, %get3A_525] {strides = array<i32>} : memref<50x128xf32, #tpu.memory_space<vmem>>, vector<1x16xf32>,
        %get3A_527 = vector.shape_cast %get3A_526 : vector<1x16xf32> to vector<16xf32>
        %mul3A_528 = arith.constant 8.000000e+00 : f32
        %mul3A_529 = vector.broadcast %mul3A_528 : f32 to vector<16xf32>
        %mul3A_530 = arith.mulf %get3A_527, %mul3A_529 : vector<16xf32>
        %swap3A = arith.index_cast %add3A_524 : i32 to index
        %swap3A_531 = arith.constant 0 : index
        %swap3A_532 = tpu.vector_load %arg12[%swap3A, %swap3A_531] {strides = array<i32>} : memref<50x64xf32, #tpu.memory_space<vmem>>, vector<1x16xf32>,
        %swap3A_533 = vector.shape_cast %swap3A_532 : vector<1x16xf32> to vector<16xf32>
        %swap3A_534 = vector.shape_cast %mul3A_530 : vector<16xf32> to vector<1x16xf32>
        tpu.vector_store %arg12[%swap3A, %swap3A_531], %swap3A_534 {strides = array<i32>} : memref<50x64xf32, #tpu.memory_space<vmem>>, vector<1x16xf32>,
        %get3A_535 = arith.index_cast %add3A_524 : i32 to index
        %get3A_536 = arith.constant 16 : index
        %get3A_537 = tpu.vector_load %arg8[%get3A_535, %get3A_536] {strides = array<i32>} : memref<50x128xf32, #tpu.memory_space<vmem>>, vector<1x16xf32>,
        %get3A_538 = vector.shape_cast %get3A_537 : vector<1x16xf32> to vector<16xf32>
        %mul3A_539 = arith.constant 8.000000e+00 : f32
        %mul3A_540 = vector.broadcast %mul3A_539 : f32 to vector<16xf32>
        %mul3A_541 = arith.mulf %get3A_538, %mul3A_540 : vector<16xf32>
        %swap3A_542 = arith.index_cast %add3A_524 : i32 to index
        %swap3A_543 = arith.constant 16 : index
        %swap3A_544 = tpu.vector_load %arg12[%swap3A_542, %swap3A_543] {strides = array<i32>} : memref<50x64xf32, #tpu.memory_space<vmem>>, vector<1x16xf32>,
        %swap3A_545 = vector.shape_cast %swap3A_544 : vector<1x16xf32> to vector<16xf32>
        %swap3A_546 = vector.shape_cast %mul3A_541 : vector<16xf32> to vector<1x16xf32>
        tpu.vector_store %arg12[%swap3A_542, %swap3A_543], %swap3A_546 {strides = array<i32>} : memref<50x64xf32, #tpu.memory_space<vmem>>, vector<1x16xf32>,
        %get3A_547 = arith.index_cast %add3A_524 : i32 to index
        %get3A_548 = arith.constant 32 : index
        %get3A_549 = tpu.vector_load %arg8[%get3A_547, %get3A_548] {strides = array<i32>} : memref<50x128xf32, #tpu.memory_space<vmem>>, vector<1x16xf32>,
        %get3A_550 = vector.shape_cast %get3A_549 : vector<1x16xf32> to vector<16xf32>
        %mul3A_551 = arith.constant 8.000000e+00 : f32
        %mul3A_552 = vector.broadcast %mul3A_551 : f32 to vector<16xf32>
        %mul3A_553 = arith.mulf %get3A_550, %mul3A_552 : vector<16xf32>
        %swap3A_554 = arith.index_cast %add3A_524 : i32 to index
        %swap3A_555 = arith.constant 32 : index
        %swap3A_556 = tpu.vector_load %arg12[%swap3A_554, %swap3A_555] {strides = array<i32>} : memref<50x64xf32, #tpu.memory_space<vmem>>, vector<1x16xf32>,
        %swap3A_557 = vector.shape_cast %swap3A_556 : vector<1x16xf32> to vector<16xf32>
        %swap3A_558 = vector.shape_cast %mul3A_553 : vector<16xf32> to vector<1x16xf32>
        tpu.vector_store %arg12[%swap3A_554, %swap3A_555], %swap3A_558 {strides = array<i32>} : memref<50x64xf32, #tpu.memory_space<vmem>>, vector<1x16xf32>,
        %get3A_559 = arith.index_cast %add3A_524 : i32 to index
        %get3A_560 = arith.constant 48 : index
        %get3A_561 = tpu.vector_load %arg8[%get3A_559, %get3A_560] {strides = array<i32>} : memref<50x128xf32, #tpu.memory_space<vmem>>, vector<1x16xf32>,
        %get3A_562 = vector.shape_cast %get3A_561 : vector<1x16xf32> to vector<16xf32>
        %mul3A_563 = arith.constant 8.000000e+00 : f32
        %mul3A_564 = vector.broadcast %mul3A_563 : f32 to vector<16xf32>
        %mul3A_565 = arith.mulf %get3A_562, %mul3A_564 : vector<16xf32>
        %swap3A_566 = arith.index_cast %add3A_524 : i32 to index
        %swap3A_567 = arith.constant 48 : index
        %swap3A_568 = tpu.vector_load %arg12[%swap3A_566, %swap3A_567] {strides = array<i32>} : memref<50x64xf32, #tpu.memory_space<vmem>>, vector<1x16xf32>,
        %swap3A_569 = vector.shape_cast %swap3A_568 : vector<1x16xf32> to vector<16xf32>
        %swap3A_570 = vector.shape_cast %mul3A_565 : vector<16xf32> to vector<1x16xf32>
        tpu.vector_store %arg12[%swap3A_566, %swap3A_567], %swap3A_570 {strides = array<i32>} : memref<50x64xf32, #tpu.memory_space<vmem>>, vector<1x16xf32>,
        %mul3A_571 = arith.constant 5 : i32
        %mul3A_572 = arith.muli %scan3A_520, %mul3A_571 : i32
        %add3A_573 = arith.constant 1 : i32
        %add3A_574 = arith.addi %mul3A_572, %add3A_573 : i32
        %get3A_575 = arith.index_cast %add3A_574 : i32 to index
        %get3A_576 = arith.constant 0 : index
        %get3A_577 = tpu.vector_load %arg8[%get3A_575, %get3A_576] {strides = array<i32>} : memref<50x128xf32, #tpu.memory_space<vmem>>, vector<1x16xf32>,
        %get3A_578 = vector.shape_cast %get3A_577 : vector<1x16xf32> to vector<16xf32>
        %mul3A_579 = arith.constant 8.000000e+00 : f32
        %mul3A_580 = vector.broadcast %mul3A_579 : f32 to vector<16xf32>
        %mul3A_581 = arith.mulf %get3A_578, %mul3A_580 : vector<16xf32>
        %swap3A_582 = arith.index_cast %add3A_574 : i32 to index
        %swap3A_583 = arith.constant 0 : index
        %swap3A_584 = tpu.vector_load %arg12[%swap3A_582, %swap3A_583] {strides = array<i32>} : memref<50x64xf32, #tpu.memory_space<vmem>>, vector<1x16xf32>,
        %swap3A_585 = vector.shape_cast %swap3A_584 : vector<1x16xf32> to vector<16xf32>
        %swap3A_586 = vector.shape_cast %mul3A_581 : vector<16xf32> to vector<1x16xf32>
        tpu.vector_store %arg12[%swap3A_582, %swap3A_583], %swap3A_586 {strides = array<i32>} : memref<50x64xf32, #tpu.memory_space<vmem>>, vector<1x16xf32>,
        %get3A_587 = arith.index_cast %add3A_574 : i32 to index
        %get3A_588 = arith.constant 16 : index
        %get3A_589 = tpu.vector_load %arg8[%get3A_587, %get3A_588] {strides = array<i32>} : memref<50x128xf32, #tpu.memory_space<vmem>>, vector<1x16xf32>,
        %get3A_590 = vector.shape_cast %get3A_589 : vector<1x16xf32> to vector<16xf32>
        %mul3A_591 = arith.constant 8.000000e+00 : f32
        %mul3A_592 = vector.broadcast %mul3A_591 : f32 to vector<16xf32>
        %mul3A_593 = arith.mulf %get3A_590, %mul3A_592 : vector<16xf32>
        %swap3A_594 = arith.index_cast %add3A_574 : i32 to index
        %swap3A_595 = arith.constant 16 : index
        %swap3A_596 = tpu.vector_load %arg12[%swap3A_594, %swap3A_595] {strides = array<i32>} : memref<50x64xf32, #tpu.memory_space<vmem>>, vector<1x16xf32>,
        %swap3A_597 = vector.shape_cast %swap3A_596 : vector<1x16xf32> to vector<16xf32>
        %swap3A_598 = vector.shape_cast %mul3A_593 : vector<16xf32> to vector<1x16xf32>
        tpu.vector_store %arg12[%swap3A_594, %swap3A_595], %swap3A_598 {strides = array<i32>} : memref<50x64xf32, #tpu.memory_space<vmem>>, vector<1x16xf32>,
        %get3A_599 = arith.index_cast %add3A_574 : i32 to index
        %get3A_600 = arith.constant 32 : index
        %get3A_601 = tpu.vector_load %arg8[%get3A_599, %get3A_600] {strides = array<i32>} : memref<50x128xf32, #tpu.memory_space<vmem>>, vector<1x16xf32>,
        %get3A_602 = vector.shape_cast %get3A_601 : vector<1x16xf32> to vector<16xf32>
        %mul3A_603 = arith.constant 8.000000e+00 : f32
        %mul3A_604 = vector.broadcast %mul3A_603 : f32 to vector<16xf32>
        %mul3A_605 = arith.mulf %get3A_602, %mul3A_604 : vector<16xf32>
        %swap3A_606 = arith.index_cast %add3A_574 : i32 to index
        %swap3A_607 = arith.constant 32 : index
        %swap3A_608 = tpu.vector_load %arg12[%swap3A_606, %swap3A_607] {strides = array<i32>} : memref<50x64xf32, #tpu.memory_space<vmem>>, vector<1x16xf32>,
        %swap3A_609 = vector.shape_cast %swap3A_608 : vector<1x16xf32> to vector<16xf32>
        %swap3A_610 = vector.shape_cast %mul3A_605 : vector<16xf32> to vector<1x16xf32>
        tpu.vector_store %arg12[%swap3A_606, %swap3A_607], %swap3A_610 {strides = array<i32>} : memref<50x64xf32, #tpu.memory_space<vmem>>, vector<1x16xf32>,
        %get3A_611 = arith.index_cast %add3A_574 : i32 to index
        %get3A_612 = arith.constant 48 : index
        %get3A_613 = tpu.vector_load %arg8[%get3A_611, %get3A_612] {strides = array<i32>} : memref<50x128xf32, #tpu.memory_space<vmem>>, vector<1x16xf32>,
        %get3A_614 = vector.shape_cast %get3A_613 : vector<1x16xf32> to vector<16xf32>
        %mul3A_615 = arith.constant 8.000000e+00 : f32
        %mul3A_616 = vector.broadcast %mul3A_615 : f32 to vector<16xf32>
        %mul3A_617 = arith.mulf %get3A_614, %mul3A_616 : vector<16xf32>
        %swap3A_618 = arith.index_cast %add3A_574 : i32 to index
        %swap3A_619 = arith.constant 48 : index
        %swap3A_620 = tpu.vector_load %arg12[%swap3A_618, %swap3A_619] {strides = array<i32>} : memref<50x64xf32, #tpu.memory_space<vmem>>, vector<1x16xf32>,
        %swap3A_621 = vector.shape_cast %swap3A_620 : vector<1x16xf32> to vector<16xf32>
        %swap3A_622 = vector.shape_cast %mul3A_617 : vector<16xf32> to vector<1x16xf32>
        tpu.vector_store %arg12[%swap3A_618, %swap3A_619], %swap3A_622 {strides = array<i32>} : memref<50x64xf32, #tpu.memory_space<vmem>>, vector<1x16xf32>,
        %mul3A_623 = arith.constant 5 : i32
        %mul3A_624 = arith.muli %scan3A_520, %mul3A_623 : i32
        %add3A_625 = arith.constant 2 : i32
        %add3A_626 = arith.addi %mul3A_624, %add3A_625 : i32
        %get3A_627 = arith.index_cast %add3A_626 : i32 to index
        %get3A_628 = arith.constant 0 : index
        %get3A_629 = tpu.vector_load %arg8[%get3A_627, %get3A_628] {strides = array<i32>} : memref<50x128xf32, #tpu.memory_space<vmem>>, vector<1x16xf32>,
        %get3A_630 = vector.shape_cast %get3A_629 : vector<1x16xf32> to vector<16xf32>
        %mul3A_631 = arith.constant 8.000000e+00 : f32
        %mul3A_632 = vector.broadcast %mul3A_631 : f32 to vector<16xf32>
        %mul3A_633 = arith.mulf %get3A_630, %mul3A_632 : vector<16xf32>
        %swap3A_634 = arith.index_cast %add3A_626 : i32 to index
        %swap3A_635 = arith.constant 0 : index
        %swap3A_636 = tpu.vector_load %arg12[%swap3A_634, %swap3A_635] {strides = array<i32>} : memref<50x64xf32, #tpu.memory_space<vmem>>, vector<1x16xf32>,
        %swap3A_637 = vector.shape_cast %swap3A_636 : vector<1x16xf32> to vector<16xf32>
        %swap3A_638 = vector.shape_cast %mul3A_633 : vector<16xf32> to vector<1x16xf32>
        tpu.vector_store %arg12[%swap3A_634, %swap3A_635], %swap3A_638 {strides = array<i32>} : memref<50x64xf32, #tpu.memory_space<vmem>>, vector<1x16xf32>,
        %get3A_639 = arith.index_cast %add3A_626 : i32 to index
        %get3A_640 = arith.constant 16 : index
        %get3A_641 = tpu.vector_load %arg8[%get3A_639, %get3A_640] {strides = array<i32>} : memref<50x128xf32, #tpu.memory_space<vmem>>, vector<1x16xf32>,
        %get3A_642 = vector.shape_cast %get3A_641 : vector<1x16xf32> to vector<16xf32>
        %mul3A_643 = arith.constant 8.000000e+00 : f32
        %mul3A_644 = vector.broadcast %mul3A_643 : f32 to vector<16xf32>
        %mul3A_645 = arith.mulf %get3A_642, %mul3A_644 : vector<16xf32>
        %swap3A_646 = arith.index_cast %add3A_626 : i32 to index
        %swap3A_647 = arith.constant 16 : index
        %swap3A_648 = tpu.vector_load %arg12[%swap3A_646, %swap3A_647] {strides = array<i32>} : memref<50x64xf32, #tpu.memory_space<vmem>>, vector<1x16xf32>,
        %swap3A_649 = vector.shape_cast %swap3A_648 : vector<1x16xf32> to vector<16xf32>
        %swap3A_650 = vector.shape_cast %mul3A_645 : vector<16xf32> to vector<1x16xf32>
        tpu.vector_store %arg12[%swap3A_646, %swap3A_647], %swap3A_650 {strides = array<i32>} : memref<50x64xf32, #tpu.memory_space<vmem>>, vector<1x16xf32>,
        %get3A_651 = arith.index_cast %add3A_626 : i32 to index
        %get3A_652 = arith.constant 32 : index
        %get3A_653 = tpu.vector_load %arg8[%get3A_651, %get3A_652] {strides = array<i32>} : memref<50x128xf32, #tpu.memory_space<vmem>>, vector<1x16xf32>,
        %get3A_654 = vector.shape_cast %get3A_653 : vector<1x16xf32> to vector<16xf32>
        %mul3A_655 = arith.constant 8.000000e+00 : f32
        %mul3A_656 = vector.broadcast %mul3A_655 : f32 to vector<16xf32>
        %mul3A_657 = arith.mulf %get3A_654, %mul3A_656 : vector<16xf32>
        %swap3A_658 = arith.index_cast %add3A_626 : i32 to index
        %swap3A_659 = arith.constant 32 : index
        %swap3A_660 = tpu.vector_load %arg12[%swap3A_658, %swap3A_659] {strides = array<i32>} : memref<50x64xf32, #tpu.memory_space<vmem>>, vector<1x16xf32>,
        %swap3A_661 = vector.shape_cast %swap3A_660 : vector<1x16xf32> to vector<16xf32>
        %swap3A_662 = vector.shape_cast %mul3A_657 : vector<16xf32> to vector<1x16xf32>
        tpu.vector_store %arg12[%swap3A_658, %swap3A_659], %swap3A_662 {strides = array<i32>} : memref<50x64xf32, #tpu.memory_space<vmem>>, vector<1x16xf32>,
        %get3A_663 = arith.index_cast %add3A_626 : i32 to index
        %get3A_664 = arith.constant 48 : index
        %get3A_665 = tpu.vector_load %arg8[%get3A_663, %get3A_664] {strides = array<i32>} : memref<50x128xf32, #tpu.memory_space<vmem>>, vector<1x16xf32>,
        %get3A_666 = vector.shape_cast %get3A_665 : vector<1x16xf32> to vector<16xf32>
        %mul3A_667 = arith.constant 8.000000e+00 : f32
        %mul3A_668 = vector.broadcast %mul3A_667 : f32 to vector<16xf32>
        %mul3A_669 = arith.mulf %get3A_666, %mul3A_668 : vector<16xf32>
        %swap3A_670 = arith.index_cast %add3A_626 : i32 to index
        %swap3A_671 = arith.constant 48 : index
        %swap3A_672 = tpu.vector_load %arg12[%swap3A_670, %swap3A_671] {strides = array<i32>} : memref<50x64xf32, #tpu.memory_space<vmem>>, vector<1x16xf32>,
        %swap3A_673 = vector.shape_cast %swap3A_672 : vector<1x16xf32> to vector<16xf32>
        %swap3A_674 = vector.shape_cast %mul3A_669 : vector<16xf32> to vector<1x16xf32>
        tpu.vector_store %arg12[%swap3A_670, %swap3A_671], %swap3A_674 {strides = array<i32>} : memref<50x64xf32, #tpu.memory_space<vmem>>, vector<1x16xf32>,
        %mul3A_675 = arith.constant 5 : i32
        %mul3A_676 = arith.muli %scan3A_520, %mul3A_675 : i32
        %add3A_677 = arith.constant 3 : i32
        %add3A_678 = arith.addi %mul3A_676, %add3A_677 : i32
        %get3A_679 = arith.index_cast %add3A_678 : i32 to index
        %get3A_680 = arith.constant 0 : index
        %get3A_681 = tpu.vector_load %arg8[%get3A_679, %get3A_680] {strides = array<i32>} : memref<50x128xf32, #tpu.memory_space<vmem>>, vector<1x16xf32>,
        %get3A_682 = vector.shape_cast %get3A_681 : vector<1x16xf32> to vector<16xf32>
        %mul3A_683 = arith.constant 8.000000e+00 : f32
        %mul3A_684 = vector.broadcast %mul3A_683 : f32 to vector<16xf32>
        %mul3A_685 = arith.mulf %get3A_682, %mul3A_684 : vector<16xf32>
        %swap3A_686 = arith.index_cast %add3A_678 : i32 to index
        %swap3A_687 = arith.constant 0 : index
        %swap3A_688 = tpu.vector_load %arg12[%swap3A_686, %swap3A_687] {strides = array<i32>} : memref<50x64xf32, #tpu.memory_space<vmem>>, vector<1x16xf32>,
        %swap3A_689 = vector.shape_cast %swap3A_688 : vector<1x16xf32> to vector<16xf32>
        %swap3A_690 = vector.shape_cast %mul3A_685 : vector<16xf32> to vector<1x16xf32>
        tpu.vector_store %arg12[%swap3A_686, %swap3A_687], %swap3A_690 {strides = array<i32>} : memref<50x64xf32, #tpu.memory_space<vmem>>, vector<1x16xf32>,
        %get3A_691 = arith.index_cast %add3A_678 : i32 to index
        %get3A_692 = arith.constant 16 : index
        %get3A_693 = tpu.vector_load %arg8[%get3A_691, %get3A_692] {strides = array<i32>} : memref<50x128xf32, #tpu.memory_space<vmem>>, vector<1x16xf32>,
        %get3A_694 = vector.shape_cast %get3A_693 : vector<1x16xf32> to vector<16xf32>
        %mul3A_695 = arith.constant 8.000000e+00 : f32
        %mul3A_696 = vector.broadcast %mul3A_695 : f32 to vector<16xf32>
        %mul3A_697 = arith.mulf %get3A_694, %mul3A_696 : vector<16xf32>
        %swap3A_698 = arith.index_cast %add3A_678 : i32 to index
        %swap3A_699 = arith.constant 16 : index
        %swap3A_700 = tpu.vector_load %arg12[%swap3A_698, %swap3A_699] {strides = array<i32>} : memref<50x64xf32, #tpu.memory_space<vmem>>, vector<1x16xf32>,
        %swap3A_701 = vector.shape_cast %swap3A_700 : vector<1x16xf32> to vector<16xf32>
        %swap3A_702 = vector.shape_cast %mul3A_697 : vector<16xf32> to vector<1x16xf32>
        tpu.vector_store %arg12[%swap3A_698, %swap3A_699], %swap3A_702 {strides = array<i32>} : memref<50x64xf32, #tpu.memory_space<vmem>>, vector<1x16xf32>,
        %get3A_703 = arith.index_cast %add3A_678 : i32 to index
        %get3A_704 = arith.constant 32 : index
        %get3A_705 = tpu.vector_load %arg8[%get3A_703, %get3A_704] {strides = array<i32>} : memref<50x128xf32, #tpu.memory_space<vmem>>, vector<1x16xf32>,
        %get3A_706 = vector.shape_cast %get3A_705 : vector<1x16xf32> to vector<16xf32>
        %mul3A_707 = arith.constant 8.000000e+00 : f32
        %mul3A_708 = vector.broadcast %mul3A_707 : f32 to vector<16xf32>
        %mul3A_709 = arith.mulf %get3A_706, %mul3A_708 : vector<16xf32>
        %swap3A_710 = arith.index_cast %add3A_678 : i32 to index
        %swap3A_711 = arith.constant 32 : index
        %swap3A_712 = tpu.vector_load %arg12[%swap3A_710, %swap3A_711] {strides = array<i32>} : memref<50x64xf32, #tpu.memory_space<vmem>>, vector<1x16xf32>,
        %swap3A_713 = vector.shape_cast %swap3A_712 : vector<1x16xf32> to vector<16xf32>
        %swap3A_714 = vector.shape_cast %mul3A_709 : vector<16xf32> to vector<1x16xf32>
        tpu.vector_store %arg12[%swap3A_710, %swap3A_711], %swap3A_714 {strides = array<i32>} : memref<50x64xf32, #tpu.memory_space<vmem>>, vector<1x16xf32>,
        %get3A_715 = arith.index_cast %add3A_678 : i32 to index
        %get3A_716 = arith.constant 48 : index
        %get3A_717 = tpu.vector_load %arg8[%get3A_715, %get3A_716] {strides = array<i32>} : memref<50x128xf32, #tpu.memory_space<vmem>>, vector<1x16xf32>,
        %get3A_718 = vector.shape_cast %get3A_717 : vector<1x16xf32> to vector<16xf32>
        %mul3A_719 = arith.constant 8.000000e+00 : f32
        %mul3A_720 = vector.broadcast %mul3A_719 : f32 to vector<16xf32>
        %mul3A_721 = arith.mulf %get3A_718, %mul3A_720 : vector<16xf32>
        %swap3A_722 = arith.index_cast %add3A_678 : i32 to index
        %swap3A_723 = arith.constant 48 : index
        %swap3A_724 = tpu.vector_load %arg12[%swap3A_722, %swap3A_723] {strides = array<i32>} : memref<50x64xf32, #tpu.memory_space<vmem>>, vector<1x16xf32>,
        %swap3A_725 = vector.shape_cast %swap3A_724 : vector<1x16xf32> to vector<16xf32>
        %swap3A_726 = vector.shape_cast %mul3A_721 : vector<16xf32> to vector<1x16xf32>
        tpu.vector_store %arg12[%swap3A_722, %swap3A_723], %swap3A_726 {strides = array<i32>} : memref<50x64xf32, #tpu.memory_space<vmem>>, vector<1x16xf32>,
        %mul3A_727 = arith.constant 5 : i32
        %mul3A_728 = arith.muli %scan3A_520, %mul3A_727 : i32
        %add3A_729 = arith.constant 4 : i32
        %add3A_730 = arith.addi %mul3A_728, %add3A_729 : i32
        %get3A_731 = arith.index_cast %add3A_730 : i32 to index
        %get3A_732 = arith.constant 0 : index
        %get3A_733 = tpu.vector_load %arg8[%get3A_731, %get3A_732] {strides = array<i32>} : memref<50x128xf32, #tpu.memory_space<vmem>>, vector<1x16xf32>,
        %get3A_734 = vector.shape_cast %get3A_733 : vector<1x16xf32> to vector<16xf32>
        %mul3A_735 = arith.constant 8.000000e+00 : f32
        %mul3A_736 = vector.broadcast %mul3A_735 : f32 to vector<16xf32>
        %mul3A_737 = arith.mulf %get3A_734, %mul3A_736 : vector<16xf32>
        %swap3A_738 = arith.index_cast %add3A_730 : i32 to index
        %swap3A_739 = arith.constant 0 : index
        %swap3A_740 = tpu.vector_load %arg12[%swap3A_738, %swap3A_739] {strides = array<i32>} : memref<50x64xf32, #tpu.memory_space<vmem>>, vector<1x16xf32>,
        %swap3A_741 = vector.shape_cast %swap3A_740 : vector<1x16xf32> to vector<16xf32>
        %swap3A_742 = vector.shape_cast %mul3A_737 : vector<16xf32> to vector<1x16xf32>
        tpu.vector_store %arg12[%swap3A_738, %swap3A_739], %swap3A_742 {strides = array<i32>} : memref<50x64xf32, #tpu.memory_space<vmem>>, vector<1x16xf32>,
        %get3A_743 = arith.index_cast %add3A_730 : i32 to index
        %get3A_744 = arith.constant 16 : index
        %get3A_745 = tpu.vector_load %arg8[%get3A_743, %get3A_744] {strides = array<i32>} : memref<50x128xf32, #tpu.memory_space<vmem>>, vector<1x16xf32>,
        %get3A_746 = vector.shape_cast %get3A_745 : vector<1x16xf32> to vector<16xf32>
        %mul3A_747 = arith.constant 8.000000e+00 : f32
        %mul3A_748 = vector.broadcast %mul3A_747 : f32 to vector<16xf32>
        %mul3A_749 = arith.mulf %get3A_746, %mul3A_748 : vector<16xf32>
        %swap3A_750 = arith.index_cast %add3A_730 : i32 to index
        %swap3A_751 = arith.constant 16 : index
        %swap3A_752 = tpu.vector_load %arg12[%swap3A_750, %swap3A_751] {strides = array<i32>} : memref<50x64xf32, #tpu.memory_space<vmem>>, vector<1x16xf32>,
        %swap3A_753 = vector.shape_cast %swap3A_752 : vector<1x16xf32> to vector<16xf32>
        %swap3A_754 = vector.shape_cast %mul3A_749 : vector<16xf32> to vector<1x16xf32>
        tpu.vector_store %arg12[%swap3A_750, %swap3A_751], %swap3A_754 {strides = array<i32>} : memref<50x64xf32, #tpu.memory_space<vmem>>, vector<1x16xf32>,
        %get3A_755 = arith.index_cast %add3A_730 : i32 to index
        %get3A_756 = arith.constant 32 : index
        %get3A_757 = tpu.vector_load %arg8[%get3A_755, %get3A_756] {strides = array<i32>} : memref<50x128xf32, #tpu.memory_space<vmem>>, vector<1x16xf32>,
        %get3A_758 = vector.shape_cast %get3A_757 : vector<1x16xf32> to vector<16xf32>
        %mul3A_759 = arith.constant 8.000000e+00 : f32
        %mul3A_760 = vector.broadcast %mul3A_759 : f32 to vector<16xf32>
        %mul3A_761 = arith.mulf %get3A_758, %mul3A_760 : vector<16xf32>
        %swap3A_762 = arith.index_cast %add3A_730 : i32 to index
        %swap3A_763 = arith.constant 32 : index
        %swap3A_764 = tpu.vector_load %arg12[%swap3A_762, %swap3A_763] {strides = array<i32>} : memref<50x64xf32, #tpu.memory_space<vmem>>, vector<1x16xf32>,
        %swap3A_765 = vector.shape_cast %swap3A_764 : vector<1x16xf32> to vector<16xf32>
        %swap3A_766 = vector.shape_cast %mul3A_761 : vector<16xf32> to vector<1x16xf32>
        tpu.vector_store %arg12[%swap3A_762, %swap3A_763], %swap3A_766 {strides = array<i32>} : memref<50x64xf32, #tpu.memory_space<vmem>>, vector<1x16xf32>,
        %get3A_767 = arith.index_cast %add3A_730 : i32 to index
        %get3A_768 = arith.constant 48 : index
        %get3A_769 = tpu.vector_load %arg8[%get3A_767, %get3A_768] {strides = array<i32>} : memref<50x128xf32, #tpu.memory_space<vmem>>, vector<1x16xf32>,
        %get3A_770 = vector.shape_cast %get3A_769 : vector<1x16xf32> to vector<16xf32>
        %mul3A_771 = arith.constant 8.000000e+00 : f32
        %mul3A_772 = vector.broadcast %mul3A_771 : f32 to vector<16xf32>
        %mul3A_773 = arith.mulf %get3A_770, %mul3A_772 : vector<16xf32>
        %swap3A_774 = arith.index_cast %add3A_730 : i32 to index
        %swap3A_775 = arith.constant 48 : index
        %swap3A_776 = tpu.vector_load %arg12[%swap3A_774, %swap3A_775] {strides = array<i32>} : memref<50x64xf32, #tpu.memory_space<vmem>>, vector<1x16xf32>,
        %swap3A_777 = vector.shape_cast %swap3A_776 : vector<1x16xf32> to vector<16xf32>
        %swap3A_778 = vector.shape_cast %mul3A_773 : vector<16xf32> to vector<1x16xf32>
        tpu.vector_store %arg12[%swap3A_774, %swap3A_775], %swap3A_778 {strides = array<i32>} : memref<50x64xf32, #tpu.memory_space<vmem>>, vector<1x16xf32>,
      }
      %scan3A_450 = arith.constant 10 : i32
      %add3A_451 = arith.constant 4 : i32
      %add3A_452 = arith.addi %mul3A_328, %add3A_451 : i32
      %add3A_453 = arith.constant 2 : i32
      %add3A_454 = arith.addi %add3A_452, %add3A_453 : i32
      %dma_start3A_455 = arith.constant 0 : i32
      %dma_start3A_456 = tpu.memref_slice %arg5[%add3A_454, %dma_start3A_455] : memref<128x50xi32, #tpu.memory_space<vmem>> -> memref<1x50xi32, #tpu.memory_space<vmem>>
      %dma_start3A_457 = tpu.memref_squeeze %dma_start3A_456 : memref<1x50xi32, #tpu.memory_space<vmem>> -> memref<50xi32, #tpu.memory_space<vmem>>
      %dma_start3A_458 = arith.constant 0 : i32
      %dma_start3A_459 = arith.constant 0 : i32
      %dma_start3A_460 = tpu.memref_slice %arg3[%dma_start3A_458, %dma_start3A_459] : memref<100000x128xf32, #tpu.memory_space<hbm>> -> memref<100000x128xf32, #tpu.memory_space<hbm>>
      tpu.enqueue_indirect_dma source(%dma_start3A_460 : memref<100000x128xf32, #tpu.memory_space<hbm>>) target(%arg8 : memref<50x128xf32, #tpu.memory_space<vmem>>) offsets(%dma_start3A_457 : memref<50xi32, #tpu.memory_space<vmem>>) semaphore(%arg16 : memref<!tpu.dma_semaphore, #tpu.memory_space<semaphore_mem>>)
      %add3A_461 = arith.constant 2 : i32
      %add3A_462 = arith.addi %mul3A_328, %add3A_461 : i32
      %add3A_463 = arith.addi %mul3A_2, %add3A_462 : i32
      %dma_start3A_464 = arith.constant 0 : i32
      %dma_start3A_465 = arith.constant 0 : i32
      %dma_start3A_466 = tpu.memref_slice %arg4[%add3A_463, %dma_start3A_464, %dma_start3A_465] : memref<4096x50x64xf32, #tpu.memory_space<hbm>> -> memref<1x50x64xf32, #tpu.memory_space<hbm>>
      %dma_start3A_467 = tpu.memref_squeeze %dma_start3A_466 : memref<1x50x64xf32, #tpu.memory_space<hbm>> -> memref<50x64xf32, #tpu.memory_space<hbm>>
      %dma_start3A_468 = arith.constant 0 : i32
      %dma_start3A_469 = arith.constant 0 : i32
      %dma_start3A_470 = tpu.memref_slice %arg4[%add3A_463, %dma_start3A_468, %dma_start3A_469] : memref<4096x50x64xf32, #tpu.memory_space<hbm>> -> memref<1x50x64xf32, #tpu.memory_space<hbm>>
      %dma_start3A_471 = tpu.memref_squeeze %dma_start3A_470 : memref<1x50x64xf32, #tpu.memory_space<hbm>> -> memref<50x64xf32, #tpu.memory_space<hbm>>
      tpu.enqueue_dma source(%arg12 : memref<50x64xf32, #tpu.memory_space<vmem>>) target(%dma_start3A_471 : memref<50x64xf32, #tpu.memory_space<hbm>>) target_semaphore(%arg20 : memref<!tpu.dma_semaphore, #tpu.memory_space<semaphore_mem>>)
      %add3A_472 = arith.constant 3 : i32
      %add3A_473 = arith.addi %mul3A_328, %add3A_472 : i32
      %dma_wait3A_474 = arith.constant 0 : i32
      %dma_wait3A_475 = tpu.memref_slice %arg5[%add3A_473, %dma_wait3A_474] : memref<128x50xi32, #tpu.memory_space<vmem>> -> memref<1x50xi32, #tpu.memory_space<vmem>>
      %dma_wait3A_476 = tpu.memref_squeeze %dma_wait3A_475 : memref<1x50xi32, #tpu.memory_space<vmem>> -> memref<50xi32, #tpu.memory_space<vmem>>
      %dma_wait3A_477 = arith.constant 0 : i32
      %dma_wait3A_478 = arith.constant 0 : i32
      %dma_wait3A_479 = tpu.memref_slice %arg3[%dma_wait3A_477, %dma_wait3A_478] : memref<100000x128xf32, #tpu.memory_space<hbm>> -> memref<100000x128xf32, #tpu.memory_space<hbm>>
      tpu.wait_indirect_dma semaphore(%arg17 : memref<!tpu.dma_semaphore, #tpu.memory_space<semaphore_mem>>) src(%dma_wait3A_479 : memref<100000x128xf32, #tpu.memory_space<hbm>>) dst(%arg9 : memref<50x128xf32, #tpu.memory_space<vmem>>)
      %sub3A_480 = arith.constant 4 : i32
      %sub3A_481 = arith.subi %mul3A_328, %sub3A_480 : i32
      %add3A_482 = arith.constant 3 : i32
      %add3A_483 = arith.addi %sub3A_481, %add3A_482 : i32
      %add3A_484 = arith.addi %mul3A_2, %add3A_483 : i32
      %dma_wait3A_485 = arith.constant 0 : i32
      %dma_wait3A_486 = arith.constant 0 : i32
      %dma_wait3A_487 = tpu.memref_slice %arg4[%add3A_484, %dma_wait3A_485, %dma_wait3A_486] : memref<4096x50x64xf32, #tpu.memory_space<hbm>> -> memref<1x50x64xf32, #tpu.memory_space<hbm>>
      %dma_wait3A_488 = tpu.memref_squeeze %dma_wait3A_487 : memref<1x50x64xf32, #tpu.memory_space<hbm>> -> memref<50x64xf32, #tpu.memory_space<hbm>>
      %dma_wait3A_489 = arith.constant 0 : i32
      %dma_wait3A_490 = arith.constant 0 : i32
      %dma_wait3A_491 = tpu.memref_slice %arg4[%add3A_484, %dma_wait3A_489, %dma_wait3A_490] : memref<4096x50x64xf32, #tpu.memory_space<hbm>> -> memref<1x50x64xf32, #tpu.memory_space<hbm>>
      %dma_wait3A_492 = tpu.memref_squeeze %dma_wait3A_491 : memref<1x50x64xf32, #tpu.memory_space<hbm>> -> memref<50x64xf32, #tpu.memory_space<hbm>>
      tpu.wait_dma2 semaphore(%arg21 : memref<!tpu.dma_semaphore, #tpu.memory_space<semaphore_mem>>) src(%arg13 : memref<50x64xf32, #tpu.memory_space<vmem>>) dst(%dma_wait3A_492 : memref<50x64xf32, #tpu.memory_space<hbm>>)
      %scan3A_493 = arith.constant 0 : i32
      %scan3A_494 = arith.constant 0 : i32
      %scan3A_495 = arith.constant 10 : i32
      %scan3A_496 = arith.addi %scan3A_494, %scan3A_495 : i32
      %scan3A_497 = arith.constant 1 : i32
      scf.for %scan3A_520 = %scan3A_494 to %scan3A_496 step %scan3A_497  : i32 {
        %mul3A_521 = arith.constant 5 : i32
        %mul3A_522 = arith.muli %scan3A_520, %mul3A_521 : i32
        %add3A_523 = arith.constant 0 : i32
        %add3A_524 = arith.addi %mul3A_522, %add3A_523 : i32
        %get3A = arith.index_cast %add3A_524 : i32 to index
        %get3A_525 = arith.constant 0 : index
        %get3A_526 = tpu.vector_load %arg9[%get3A, %get3A_525] {strides = array<i32>} : memref<50x128xf32, #tpu.memory_space<vmem>>, vector<1x16xf32>,
        %get3A_527 = vector.shape_cast %get3A_526 : vector<1x16xf32> to vector<16xf32>
        %mul3A_528 = arith.constant 8.000000e+00 : f32
        %mul3A_529 = vector.broadcast %mul3A_528 : f32 to vector<16xf32>
        %mul3A_530 = arith.mulf %get3A_527, %mul3A_529 : vector<16xf32>
        %swap3A = arith.index_cast %add3A_524 : i32 to index
        %swap3A_531 = arith.constant 0 : index
        %swap3A_532 = tpu.vector_load %arg13[%swap3A, %swap3A_531] {strides = array<i32>} : memref<50x64xf32, #tpu.memory_space<vmem>>, vector<1x16xf32>,
        %swap3A_533 = vector.shape_cast %swap3A_532 : vector<1x16xf32> to vector<16xf32>
        %swap3A_534 = vector.shape_cast %mul3A_530 : vector<16xf32> to vector<1x16xf32>
        tpu.vector_store %arg13[%swap3A, %swap3A_531], %swap3A_534 {strides = array<i32>} : memref<50x64xf32, #tpu.memory_space<vmem>>, vector<1x16xf32>,
        %get3A_535 = arith.index_cast %add3A_524 : i32 to index
        %get3A_536 = arith.constant 16 : index
        %get3A_537 = tpu.vector_load %arg9[%get3A_535, %get3A_536] {strides = array<i32>} : memref<50x128xf32, #tpu.memory_space<vmem>>, vector<1x16xf32>,
        %get3A_538 = vector.shape_cast %get3A_537 : vector<1x16xf32> to vector<16xf32>
        %mul3A_539 = arith.constant 8.000000e+00 : f32
        %mul3A_540 = vector.broadcast %mul3A_539 : f32 to vector<16xf32>
        %mul3A_541 = arith.mulf %get3A_538, %mul3A_540 : vector<16xf32>
        %swap3A_542 = arith.index_cast %add3A_524 : i32 to index
        %swap3A_543 = arith.constant 16 : index
        %swap3A_544 = tpu.vector_load %arg13[%swap3A_542, %swap3A_543] {strides = array<i32>} : memref<50x64xf32, #tpu.memory_space<vmem>>, vector<1x16xf32>,
        %swap3A_545 = vector.shape_cast %swap3A_544 : vector<1x16xf32> to vector<16xf32>
        %swap3A_546 = vector.shape_cast %mul3A_541 : vector<16xf32> to vector<1x16xf32>
        tpu.vector_store %arg13[%swap3A_542, %swap3A_543], %swap3A_546 {strides = array<i32>} : memref<50x64xf32, #tpu.memory_space<vmem>>, vector<1x16xf32>,
        %get3A_547 = arith.index_cast %add3A_524 : i32 to index
        %get3A_548 = arith.constant 32 : index
        %get3A_549 = tpu.vector_load %arg9[%get3A_547, %get3A_548] {strides = array<i32>} : memref<50x128xf32, #tpu.memory_space<vmem>>, vector<1x16xf32>,
        %get3A_550 = vector.shape_cast %get3A_549 : vector<1x16xf32> to vector<16xf32>
        %mul3A_551 = arith.constant 8.000000e+00 : f32
        %mul3A_552 = vector.broadcast %mul3A_551 : f32 to vector<16xf32>
        %mul3A_553 = arith.mulf %get3A_550, %mul3A_552 : vector<16xf32>
        %swap3A_554 = arith.index_cast %add3A_524 : i32 to index
        %swap3A_555 = arith.constant 32 : index
        %swap3A_556 = tpu.vector_load %arg13[%swap3A_554, %swap3A_555] {strides = array<i32>} : memref<50x64xf32, #tpu.memory_space<vmem>>, vector<1x16xf32>,
        %swap3A_557 = vector.shape_cast %swap3A_556 : vector<1x16xf32> to vector<16xf32>
        %swap3A_558 = vector.shape_cast %mul3A_553 : vector<16xf32> to vector<1x16xf32>
        tpu.vector_store %arg13[%swap3A_554, %swap3A_555], %swap3A_558 {strides = array<i32>} : memref<50x64xf32, #tpu.memory_space<vmem>>, vector<1x16xf32>,
        %get3A_559 = arith.index_cast %add3A_524 : i32 to index
        %get3A_560 = arith.constant 48 : index
        %get3A_561 = tpu.vector_load %arg9[%get3A_559, %get3A_560] {strides = array<i32>} : memref<50x128xf32, #tpu.memory_space<vmem>>, vector<1x16xf32>,
        %get3A_562 = vector.shape_cast %get3A_561 : vector<1x16xf32> to vector<16xf32>
        %mul3A_563 = arith.constant 8.000000e+00 : f32
        %mul3A_564 = vector.broadcast %mul3A_563 : f32 to vector<16xf32>
        %mul3A_565 = arith.mulf %get3A_562, %mul3A_564 : vector<16xf32>
        %swap3A_566 = arith.index_cast %add3A_524 : i32 to index
        %swap3A_567 = arith.constant 48 : index
        %swap3A_568 = tpu.vector_load %arg13[%swap3A_566, %swap3A_567] {strides = array<i32>} : memref<50x64xf32, #tpu.memory_space<vmem>>, vector<1x16xf32>,
        %swap3A_569 = vector.shape_cast %swap3A_568 : vector<1x16xf32> to vector<16xf32>
        %swap3A_570 = vector.shape_cast %mul3A_565 : vector<16xf32> to vector<1x16xf32>
        tpu.vector_store %arg13[%swap3A_566, %swap3A_567], %swap3A_570 {strides = array<i32>} : memref<50x64xf32, #tpu.memory_space<vmem>>, vector<1x16xf32>,
        %mul3A_571 = arith.constant 5 : i32
        %mul3A_572 = arith.muli %scan3A_520, %mul3A_571 : i32
        %add3A_573 = arith.constant 1 : i32
        %add3A_574 = arith.addi %mul3A_572, %add3A_573 : i32
        %get3A_575 = arith.index_cast %add3A_574 : i32 to index
        %get3A_576 = arith.constant 0 : index
        %get3A_577 = tpu.vector_load %arg9[%get3A_575, %get3A_576] {strides = array<i32>} : memref<50x128xf32, #tpu.memory_space<vmem>>, vector<1x16xf32>,
        %get3A_578 = vector.shape_cast %get3A_577 : vector<1x16xf32> to vector<16xf32>
        %mul3A_579 = arith.constant 8.000000e+00 : f32
        %mul3A_580 = vector.broadcast %mul3A_579 : f32 to vector<16xf32>
        %mul3A_581 = arith.mulf %get3A_578, %mul3A_580 : vector<16xf32>
        %swap3A_582 = arith.index_cast %add3A_574 : i32 to index
        %swap3A_583 = arith.constant 0 : index
        %swap3A_584 = tpu.vector_load %arg13[%swap3A_582, %swap3A_583] {strides = array<i32>} : memref<50x64xf32, #tpu.memory_space<vmem>>, vector<1x16xf32>,
        %swap3A_585 = vector.shape_cast %swap3A_584 : vector<1x16xf32> to vector<16xf32>
        %swap3A_586 = vector.shape_cast %mul3A_581 : vector<16xf32> to vector<1x16xf32>
        tpu.vector_store %arg13[%swap3A_582, %swap3A_583], %swap3A_586 {strides = array<i32>} : memref<50x64xf32, #tpu.memory_space<vmem>>, vector<1x16xf32>,
        %get3A_587 = arith.index_cast %add3A_574 : i32 to index
        %get3A_588 = arith.constant 16 : index
        %get3A_589 = tpu.vector_load %arg9[%get3A_587, %get3A_588] {strides = array<i32>} : memref<50x128xf32, #tpu.memory_space<vmem>>, vector<1x16xf32>,
        %get3A_590 = vector.shape_cast %get3A_589 : vector<1x16xf32> to vector<16xf32>
        %mul3A_591 = arith.constant 8.000000e+00 : f32
        %mul3A_592 = vector.broadcast %mul3A_591 : f32 to vector<16xf32>
        %mul3A_593 = arith.mulf %get3A_590, %mul3A_592 : vector<16xf32>
        %swap3A_594 = arith.index_cast %add3A_574 : i32 to index
        %swap3A_595 = arith.constant 16 : index
        %swap3A_596 = tpu.vector_load %arg13[%swap3A_594, %swap3A_595] {strides = array<i32>} : memref<50x64xf32, #tpu.memory_space<vmem>>, vector<1x16xf32>,
        %swap3A_597 = vector.shape_cast %swap3A_596 : vector<1x16xf32> to vector<16xf32>
        %swap3A_598 = vector.shape_cast %mul3A_593 : vector<16xf32> to vector<1x16xf32>
        tpu.vector_store %arg13[%swap3A_594, %swap3A_595], %swap3A_598 {strides = array<i32>} : memref<50x64xf32, #tpu.memory_space<vmem>>, vector<1x16xf32>,
        %get3A_599 = arith.index_cast %add3A_574 : i32 to index
        %get3A_600 = arith.constant 32 : index
        %get3A_601 = tpu.vector_load %arg9[%get3A_599, %get3A_600] {strides = array<i32>} : memref<50x128xf32, #tpu.memory_space<vmem>>, vector<1x16xf32>,
        %get3A_602 = vector.shape_cast %get3A_601 : vector<1x16xf32> to vector<16xf32>
        %mul3A_603 = arith.constant 8.000000e+00 : f32
        %mul3A_604 = vector.broadcast %mul3A_603 : f32 to vector<16xf32>
        %mul3A_605 = arith.mulf %get3A_602, %mul3A_604 : vector<16xf32>
        %swap3A_606 = arith.index_cast %add3A_574 : i32 to index
        %swap3A_607 = arith.constant 32 : index
        %swap3A_608 = tpu.vector_load %arg13[%swap3A_606, %swap3A_607] {strides = array<i32>} : memref<50x64xf32, #tpu.memory_space<vmem>>, vector<1x16xf32>,
        %swap3A_609 = vector.shape_cast %swap3A_608 : vector<1x16xf32> to vector<16xf32>
        %swap3A_610 = vector.shape_cast %mul3A_605 : vector<16xf32> to vector<1x16xf32>
        tpu.vector_store %arg13[%swap3A_606, %swap3A_607], %swap3A_610 {strides = array<i32>} : memref<50x64xf32, #tpu.memory_space<vmem>>, vector<1x16xf32>,
        %get3A_611 = arith.index_cast %add3A_574 : i32 to index
        %get3A_612 = arith.constant 48 : index
        %get3A_613 = tpu.vector_load %arg9[%get3A_611, %get3A_612] {strides = array<i32>} : memref<50x128xf32, #tpu.memory_space<vmem>>, vector<1x16xf32>,
        %get3A_614 = vector.shape_cast %get3A_613 : vector<1x16xf32> to vector<16xf32>
        %mul3A_615 = arith.constant 8.000000e+00 : f32
        %mul3A_616 = vector.broadcast %mul3A_615 : f32 to vector<16xf32>
        %mul3A_617 = arith.mulf %get3A_614, %mul3A_616 : vector<16xf32>
        %swap3A_618 = arith.index_cast %add3A_574 : i32 to index
        %swap3A_619 = arith.constant 48 : index
        %swap3A_620 = tpu.vector_load %arg13[%swap3A_618, %swap3A_619] {strides = array<i32>} : memref<50x64xf32, #tpu.memory_space<vmem>>, vector<1x16xf32>,
        %swap3A_621 = vector.shape_cast %swap3A_620 : vector<1x16xf32> to vector<16xf32>
        %swap3A_622 = vector.shape_cast %mul3A_617 : vector<16xf32> to vector<1x16xf32>
        tpu.vector_store %arg13[%swap3A_618, %swap3A_619], %swap3A_622 {strides = array<i32>} : memref<50x64xf32, #tpu.memory_space<vmem>>, vector<1x16xf32>,
        %mul3A_623 = arith.constant 5 : i32
        %mul3A_624 = arith.muli %scan3A_520, %mul3A_623 : i32
        %add3A_625 = arith.constant 2 : i32
        %add3A_626 = arith.addi %mul3A_624, %add3A_625 : i32
        %get3A_627 = arith.index_cast %add3A_626 : i32 to index
        %get3A_628 = arith.constant 0 : index
        %get3A_629 = tpu.vector_load %arg9[%get3A_627, %get3A_628] {strides = array<i32>} : memref<50x128xf32, #tpu.memory_space<vmem>>, vector<1x16xf32>,
        %get3A_630 = vector.shape_cast %get3A_629 : vector<1x16xf32> to vector<16xf32>
        %mul3A_631 = arith.constant 8.000000e+00 : f32
        %mul3A_632 = vector.broadcast %mul3A_631 : f32 to vector<16xf32>
        %mul3A_633 = arith.mulf %get3A_630, %mul3A_632 : vector<16xf32>
        %swap3A_634 = arith.index_cast %add3A_626 : i32 to index
        %swap3A_635 = arith.constant 0 : index
        %swap3A_636 = tpu.vector_load %arg13[%swap3A_634, %swap3A_635] {strides = array<i32>} : memref<50x64xf32, #tpu.memory_space<vmem>>, vector<1x16xf32>,
        %swap3A_637 = vector.shape_cast %swap3A_636 : vector<1x16xf32> to vector<16xf32>
        %swap3A_638 = vector.shape_cast %mul3A_633 : vector<16xf32> to vector<1x16xf32>
        tpu.vector_store %arg13[%swap3A_634, %swap3A_635], %swap3A_638 {strides = array<i32>} : memref<50x64xf32, #tpu.memory_space<vmem>>, vector<1x16xf32>,
        %get3A_639 = arith.index_cast %add3A_626 : i32 to index
        %get3A_640 = arith.constant 16 : index
        %get3A_641 = tpu.vector_load %arg9[%get3A_639, %get3A_640] {strides = array<i32>} : memref<50x128xf32, #tpu.memory_space<vmem>>, vector<1x16xf32>,
        %get3A_642 = vector.shape_cast %get3A_641 : vector<1x16xf32> to vector<16xf32>
        %mul3A_643 = arith.constant 8.000000e+00 : f32
        %mul3A_644 = vector.broadcast %mul3A_643 : f32 to vector<16xf32>
        %mul3A_645 = arith.mulf %get3A_642, %mul3A_644 : vector<16xf32>
        %swap3A_646 = arith.index_cast %add3A_626 : i32 to index
        %swap3A_647 = arith.constant 16 : index
        %swap3A_648 = tpu.vector_load %arg13[%swap3A_646, %swap3A_647] {strides = array<i32>} : memref<50x64xf32, #tpu.memory_space<vmem>>, vector<1x16xf32>,
        %swap3A_649 = vector.shape_cast %swap3A_648 : vector<1x16xf32> to vector<16xf32>
        %swap3A_650 = vector.shape_cast %mul3A_645 : vector<16xf32> to vector<1x16xf32>
        tpu.vector_store %arg13[%swap3A_646, %swap3A_647], %swap3A_650 {strides = array<i32>} : memref<50x64xf32, #tpu.memory_space<vmem>>, vector<1x16xf32>,
        %get3A_651 = arith.index_cast %add3A_626 : i32 to index
        %get3A_652 = arith.constant 32 : index
        %get3A_653 = tpu.vector_load %arg9[%get3A_651, %get3A_652] {strides = array<i32>} : memref<50x128xf32, #tpu.memory_space<vmem>>, vector<1x16xf32>,
        %get3A_654 = vector.shape_cast %get3A_653 : vector<1x16xf32> to vector<16xf32>
        %mul3A_655 = arith.constant 8.000000e+00 : f32
        %mul3A_656 = vector.broadcast %mul3A_655 : f32 to vector<16xf32>
        %mul3A_657 = arith.mulf %get3A_654, %mul3A_656 : vector<16xf32>
        %swap3A_658 = arith.index_cast %add3A_626 : i32 to index
        %swap3A_659 = arith.constant 32 : index
        %swap3A_660 = tpu.vector_load %arg13[%swap3A_658, %swap3A_659] {strides = array<i32>} : memref<50x64xf32, #tpu.memory_space<vmem>>, vector<1x16xf32>,
        %swap3A_661 = vector.shape_cast %swap3A_660 : vector<1x16xf32> to vector<16xf32>
        %swap3A_662 = vector.shape_cast %mul3A_657 : vector<16xf32> to vector<1x16xf32>
        tpu.vector_store %arg13[%swap3A_658, %swap3A_659], %swap3A_662 {strides = array<i32>} : memref<50x64xf32, #tpu.memory_space<vmem>>, vector<1x16xf32>,
        %get3A_663 = arith.index_cast %add3A_626 : i32 to index
        %get3A_664 = arith.constant 48 : index
        %get3A_665 = tpu.vector_load %arg9[%get3A_663, %get3A_664] {strides = array<i32>} : memref<50x128xf32, #tpu.memory_space<vmem>>, vector<1x16xf32>,
        %get3A_666 = vector.shape_cast %get3A_665 : vector<1x16xf32> to vector<16xf32>
        %mul3A_667 = arith.constant 8.000000e+00 : f32
        %mul3A_668 = vector.broadcast %mul3A_667 : f32 to vector<16xf32>
        %mul3A_669 = arith.mulf %get3A_666, %mul3A_668 : vector<16xf32>
        %swap3A_670 = arith.index_cast %add3A_626 : i32 to index
        %swap3A_671 = arith.constant 48 : index
        %swap3A_672 = tpu.vector_load %arg13[%swap3A_670, %swap3A_671] {strides = array<i32>} : memref<50x64xf32, #tpu.memory_space<vmem>>, vector<1x16xf32>,
        %swap3A_673 = vector.shape_cast %swap3A_672 : vector<1x16xf32> to vector<16xf32>
        %swap3A_674 = vector.shape_cast %mul3A_669 : vector<16xf32> to vector<1x16xf32>
        tpu.vector_store %arg13[%swap3A_670, %swap3A_671], %swap3A_674 {strides = array<i32>} : memref<50x64xf32, #tpu.memory_space<vmem>>, vector<1x16xf32>,
        %mul3A_675 = arith.constant 5 : i32
        %mul3A_676 = arith.muli %scan3A_520, %mul3A_675 : i32
        %add3A_677 = arith.constant 3 : i32
        %add3A_678 = arith.addi %mul3A_676, %add3A_677 : i32
        %get3A_679 = arith.index_cast %add3A_678 : i32 to index
        %get3A_680 = arith.constant 0 : index
        %get3A_681 = tpu.vector_load %arg9[%get3A_679, %get3A_680] {strides = array<i32>} : memref<50x128xf32, #tpu.memory_space<vmem>>, vector<1x16xf32>,
        %get3A_682 = vector.shape_cast %get3A_681 : vector<1x16xf32> to vector<16xf32>
        %mul3A_683 = arith.constant 8.000000e+00 : f32
        %mul3A_684 = vector.broadcast %mul3A_683 : f32 to vector<16xf32>
        %mul3A_685 = arith.mulf %get3A_682, %mul3A_684 : vector<16xf32>
        %swap3A_686 = arith.index_cast %add3A_678 : i32 to index
        %swap3A_687 = arith.constant 0 : index
        %swap3A_688 = tpu.vector_load %arg13[%swap3A_686, %swap3A_687] {strides = array<i32>} : memref<50x64xf32, #tpu.memory_space<vmem>>, vector<1x16xf32>,
        %swap3A_689 = vector.shape_cast %swap3A_688 : vector<1x16xf32> to vector<16xf32>
        %swap3A_690 = vector.shape_cast %mul3A_685 : vector<16xf32> to vector<1x16xf32>
        tpu.vector_store %arg13[%swap3A_686, %swap3A_687], %swap3A_690 {strides = array<i32>} : memref<50x64xf32, #tpu.memory_space<vmem>>, vector<1x16xf32>,
        %get3A_691 = arith.index_cast %add3A_678 : i32 to index
        %get3A_692 = arith.constant 16 : index
        %get3A_693 = tpu.vector_load %arg9[%get3A_691, %get3A_692] {strides = array<i32>} : memref<50x128xf32, #tpu.memory_space<vmem>>, vector<1x16xf32>,
        %get3A_694 = vector.shape_cast %get3A_693 : vector<1x16xf32> to vector<16xf32>
        %mul3A_695 = arith.constant 8.000000e+00 : f32
        %mul3A_696 = vector.broadcast %mul3A_695 : f32 to vector<16xf32>
        %mul3A_697 = arith.mulf %get3A_694, %mul3A_696 : vector<16xf32>
        %swap3A_698 = arith.index_cast %add3A_678 : i32 to index
        %swap3A_699 = arith.constant 16 : index
        %swap3A_700 = tpu.vector_load %arg13[%swap3A_698, %swap3A_699] {strides = array<i32>} : memref<50x64xf32, #tpu.memory_space<vmem>>, vector<1x16xf32>,
        %swap3A_701 = vector.shape_cast %swap3A_700 : vector<1x16xf32> to vector<16xf32>
        %swap3A_702 = vector.shape_cast %mul3A_697 : vector<16xf32> to vector<1x16xf32>
        tpu.vector_store %arg13[%swap3A_698, %swap3A_699], %swap3A_702 {strides = array<i32>} : memref<50x64xf32, #tpu.memory_space<vmem>>, vector<1x16xf32>,
        %get3A_703 = arith.index_cast %add3A_678 : i32 to index
        %get3A_704 = arith.constant 32 : index
        %get3A_705 = tpu.vector_load %arg9[%get3A_703, %get3A_704] {strides = array<i32>} : memref<50x128xf32, #tpu.memory_space<vmem>>, vector<1x16xf32>,
        %get3A_706 = vector.shape_cast %get3A_705 : vector<1x16xf32> to vector<16xf32>
        %mul3A_707 = arith.constant 8.000000e+00 : f32
        %mul3A_708 = vector.broadcast %mul3A_707 : f32 to vector<16xf32>
        %mul3A_709 = arith.mulf %get3A_706, %mul3A_708 : vector<16xf32>
        %swap3A_710 = arith.index_cast %add3A_678 : i32 to index
        %swap3A_711 = arith.constant 32 : index
        %swap3A_712 = tpu.vector_load %arg13[%swap3A_710, %swap3A_711] {strides = array<i32>} : memref<50x64xf32, #tpu.memory_space<vmem>>, vector<1x16xf32>,
        %swap3A_713 = vector.shape_cast %swap3A_712 : vector<1x16xf32> to vector<16xf32>
        %swap3A_714 = vector.shape_cast %mul3A_709 : vector<16xf32> to vector<1x16xf32>
        tpu.vector_store %arg13[%swap3A_710, %swap3A_711], %swap3A_714 {strides = array<i32>} : memref<50x64xf32, #tpu.memory_space<vmem>>, vector<1x16xf32>,
        %get3A_715 = arith.index_cast %add3A_678 : i32 to index
        %get3A_716 = arith.constant 48 : index
        %get3A_717 = tpu.vector_load %arg9[%get3A_715, %get3A_716] {strides = array<i32>} : memref<50x128xf32, #tpu.memory_space<vmem>>, vector<1x16xf32>,
        %get3A_718 = vector.shape_cast %get3A_717 : vector<1x16xf32> to vector<16xf32>
        %mul3A_719 = arith.constant 8.000000e+00 : f32
        %mul3A_720 = vector.broadcast %mul3A_719 : f32 to vector<16xf32>
        %mul3A_721 = arith.mulf %get3A_718, %mul3A_720 : vector<16xf32>
        %swap3A_722 = arith.index_cast %add3A_678 : i32 to index
        %swap3A_723 = arith.constant 48 : index
        %swap3A_724 = tpu.vector_load %arg13[%swap3A_722, %swap3A_723] {strides = array<i32>} : memref<50x64xf32, #tpu.memory_space<vmem>>, vector<1x16xf32>,
        %swap3A_725 = vector.shape_cast %swap3A_724 : vector<1x16xf32> to vector<16xf32>
        %swap3A_726 = vector.shape_cast %mul3A_721 : vector<16xf32> to vector<1x16xf32>
        tpu.vector_store %arg13[%swap3A_722, %swap3A_723], %swap3A_726 {strides = array<i32>} : memref<50x64xf32, #tpu.memory_space<vmem>>, vector<1x16xf32>,
        %mul3A_727 = arith.constant 5 : i32
        %mul3A_728 = arith.muli %scan3A_520, %mul3A_727 : i32
        %add3A_729 = arith.constant 4 : i32
        %add3A_730 = arith.addi %mul3A_728, %add3A_729 : i32
        %get3A_731 = arith.index_cast %add3A_730 : i32 to index
        %get3A_732 = arith.constant 0 : index
        %get3A_733 = tpu.vector_load %arg9[%get3A_731, %get3A_732] {strides = array<i32>} : memref<50x128xf32, #tpu.memory_space<vmem>>, vector<1x16xf32>,
        %get3A_734 = vector.shape_cast %get3A_733 : vector<1x16xf32> to vector<16xf32>
        %mul3A_735 = arith.constant 8.000000e+00 : f32
        %mul3A_736 = vector.broadcast %mul3A_735 : f32 to vector<16xf32>
        %mul3A_737 = arith.mulf %get3A_734, %mul3A_736 : vector<16xf32>
        %swap3A_738 = arith.index_cast %add3A_730 : i32 to index
        %swap3A_739 = arith.constant 0 : index
        %swap3A_740 = tpu.vector_load %arg13[%swap3A_738, %swap3A_739] {strides = array<i32>} : memref<50x64xf32, #tpu.memory_space<vmem>>, vector<1x16xf32>,
        %swap3A_741 = vector.shape_cast %swap3A_740 : vector<1x16xf32> to vector<16xf32>
        %swap3A_742 = vector.shape_cast %mul3A_737 : vector<16xf32> to vector<1x16xf32>
        tpu.vector_store %arg13[%swap3A_738, %swap3A_739], %swap3A_742 {strides = array<i32>} : memref<50x64xf32, #tpu.memory_space<vmem>>, vector<1x16xf32>,
        %get3A_743 = arith.index_cast %add3A_730 : i32 to index
        %get3A_744 = arith.constant 16 : index
        %get3A_745 = tpu.vector_load %arg9[%get3A_743, %get3A_744] {strides = array<i32>} : memref<50x128xf32, #tpu.memory_space<vmem>>, vector<1x16xf32>,
        %get3A_746 = vector.shape_cast %get3A_745 : vector<1x16xf32> to vector<16xf32>
        %mul3A_747 = arith.constant 8.000000e+00 : f32
        %mul3A_748 = vector.broadcast %mul3A_747 : f32 to vector<16xf32>
        %mul3A_749 = arith.mulf %get3A_746, %mul3A_748 : vector<16xf32>
        %swap3A_750 = arith.index_cast %add3A_730 : i32 to index
        %swap3A_751 = arith.constant 16 : index
        %swap3A_752 = tpu.vector_load %arg13[%swap3A_750, %swap3A_751] {strides = array<i32>} : memref<50x64xf32, #tpu.memory_space<vmem>>, vector<1x16xf32>,
        %swap3A_753 = vector.shape_cast %swap3A_752 : vector<1x16xf32> to vector<16xf32>
        %swap3A_754 = vector.shape_cast %mul3A_749 : vector<16xf32> to vector<1x16xf32>
        tpu.vector_store %arg13[%swap3A_750, %swap3A_751], %swap3A_754 {strides = array<i32>} : memref<50x64xf32, #tpu.memory_space<vmem>>, vector<1x16xf32>,
        %get3A_755 = arith.index_cast %add3A_730 : i32 to index
        %get3A_756 = arith.constant 32 : index
        %get3A_757 = tpu.vector_load %arg9[%get3A_755, %get3A_756] {strides = array<i32>} : memref<50x128xf32, #tpu.memory_space<vmem>>, vector<1x16xf32>,
        %get3A_758 = vector.shape_cast %get3A_757 : vector<1x16xf32> to vector<16xf32>
        %mul3A_759 = arith.constant 8.000000e+00 : f32
        %mul3A_760 = vector.broadcast %mul3A_759 : f32 to vector<16xf32>
        %mul3A_761 = arith.mulf %get3A_758, %mul3A_760 : vector<16xf32>
        %swap3A_762 = arith.index_cast %add3A_730 : i32 to index
        %swap3A_763 = arith.constant 32 : index
        %swap3A_764 = tpu.vector_load %arg13[%swap3A_762, %swap3A_763] {strides = array<i32>} : memref<50x64xf32, #tpu.memory_space<vmem>>, vector<1x16xf32>,
        %swap3A_765 = vector.shape_cast %swap3A_764 : vector<1x16xf32> to vector<16xf32>
        %swap3A_766 = vector.shape_cast %mul3A_761 : vector<16xf32> to vector<1x16xf32>
        tpu.vector_store %arg13[%swap3A_762, %swap3A_763], %swap3A_766 {strides = array<i32>} : memref<50x64xf32, #tpu.memory_space<vmem>>, vector<1x16xf32>,
        %get3A_767 = arith.index_cast %add3A_730 : i32 to index
        %get3A_768 = arith.constant 48 : index
        %get3A_769 = tpu.vector_load %arg9[%get3A_767, %get3A_768] {strides = array<i32>} : memref<50x128xf32, #tpu.memory_space<vmem>>, vector<1x16xf32>,
        %get3A_770 = vector.shape_cast %get3A_769 : vector<1x16xf32> to vector<16xf32>
        %mul3A_771 = arith.constant 8.000000e+00 : f32
        %mul3A_772 = vector.broadcast %mul3A_771 : f32 to vector<16xf32>
        %mul3A_773 = arith.mulf %get3A_770, %mul3A_772 : vector<16xf32>
        %swap3A_774 = arith.index_cast %add3A_730 : i32 to index
        %swap3A_775 = arith.constant 48 : index
        %swap3A_776 = tpu.vector_load %arg13[%swap3A_774, %swap3A_775] {strides = array<i32>} : memref<50x64xf32, #tpu.memory_space<vmem>>, vector<1x16xf32>,
        %swap3A_777 = vector.shape_cast %swap3A_776 : vector<1x16xf32> to vector<16xf32>
        %swap3A_778 = vector.shape_cast %mul3A_773 : vector<16xf32> to vector<1x16xf32>
        tpu.vector_store %arg13[%swap3A_774, %swap3A_775], %swap3A_778 {strides = array<i32>} : memref<50x64xf32, #tpu.memory_space<vmem>>, vector<1x16xf32>,
      }
      %scan3A_498 = arith.constant 10 : i32
      %add3A_499 = arith.constant 4 : i32
      %add3A_500 = arith.addi %mul3A_328, %add3A_499 : i32
      %add3A_501 = arith.constant 3 : i32
      %add3A_502 = arith.addi %add3A_500, %add3A_501 : i32
      %dma_start3A_503 = arith.constant 0 : i32
      %dma_start3A_504 = tpu.memref_slice %arg5[%add3A_502, %dma_start3A_503] : memref<128x50xi32, #tpu.memory_space<vmem>> -> memref<1x50xi32, #tpu.memory_space<vmem>>
      %dma_start3A_505 = tpu.memref_squeeze %dma_start3A_504 : memref<1x50xi32, #tpu.memory_space<vmem>> -> memref<50xi32, #tpu.memory_space<vmem>>
      %dma_start3A_506 = arith.constant 0 : i32
      %dma_start3A_507 = arith.constant 0 : i32
      %dma_start3A_508 = tpu.memref_slice %arg3[%dma_start3A_506, %dma_start3A_507] : memref<100000x128xf32, #tpu.memory_space<hbm>> -> memref<100000x128xf32, #tpu.memory_space<hbm>>
      tpu.enqueue_indirect_dma source(%dma_start3A_508 : memref<100000x128xf32, #tpu.memory_space<hbm>>) target(%arg9 : memref<50x128xf32, #tpu.memory_space<vmem>>) offsets(%dma_start3A_505 : memref<50xi32, #tpu.memory_space<vmem>>) semaphore(%arg17 : memref<!tpu.dma_semaphore, #tpu.memory_space<semaphore_mem>>)
      %add3A_509 = arith.constant 3 : i32
      %add3A_510 = arith.addi %mul3A_328, %add3A_509 : i32
      %add3A_511 = arith.addi %mul3A_2, %add3A_510 : i32
      %dma_start3A_512 = arith.constant 0 : i32
      %dma_start3A_513 = arith.constant 0 : i32
      %dma_start3A_514 = tpu.memref_slice %arg4[%add3A_511, %dma_start3A_512, %dma_start3A_513] : memref<4096x50x64xf32, #tpu.memory_space<hbm>> -> memref<1x50x64xf32, #tpu.memory_space<hbm>>
      %dma_start3A_515 = tpu.memref_squeeze %dma_start3A_514 : memref<1x50x64xf32, #tpu.memory_space<hbm>> -> memref<50x64xf32, #tpu.memory_space<hbm>>
      %dma_start3A_516 = arith.constant 0 : i32
      %dma_start3A_517 = arith.constant 0 : i32
      %dma_start3A_518 = tpu.memref_slice %arg4[%add3A_511, %dma_start3A_516, %dma_start3A_517] : memref<4096x50x64xf32, #tpu.memory_space<hbm>> -> memref<1x50x64xf32, #tpu.memory_space<hbm>>
      %dma_start3A_519 = tpu.memref_squeeze %dma_start3A_518 : memref<1x50x64xf32, #tpu.memory_space<hbm>> -> memref<50x64xf32, #tpu.memory_space<hbm>>
      tpu.enqueue_dma source(%arg13 : memref<50x64xf32, #tpu.memory_space<vmem>>) target(%dma_start3A_519 : memref<50x64xf32, #tpu.memory_space<hbm>>) target_semaphore(%arg21 : memref<!tpu.dma_semaphore, #tpu.memory_space<semaphore_mem>>)
    }
    %scan3A_153 = arith.constant 30 : i32
    %dma_wait3A_154 = arith.constant 124 : i32
    %dma_wait3A_155 = arith.constant 0 : i32
    %dma_wait3A_156 = tpu.memref_slice %arg5[%dma_wait3A_154, %dma_wait3A_155] : memref<128x50xi32, #tpu.memory_space<vmem>> -> memref<1x50xi32, #tpu.memory_space<vmem>>
    %dma_wait3A_157 = tpu.memref_squeeze %dma_wait3A_156 : memref<1x50xi32, #tpu.memory_space<vmem>> -> memref<50xi32, #tpu.memory_space<vmem>>
    %dma_wait3A_158 = arith.constant 0 : i32
    %dma_wait3A_159 = arith.constant 0 : i32
    %dma_wait3A_160 = tpu.memref_slice %arg3[%dma_wait3A_158, %dma_wait3A_159] : memref<100000x128xf32, #tpu.memory_space<hbm>> -> memref<100000x128xf32, #tpu.memory_space<hbm>>
    tpu.wait_indirect_dma semaphore(%arg14 : memref<!tpu.dma_semaphore, #tpu.memory_space<semaphore_mem>>) src(%dma_wait3A_160 : memref<100000x128xf32, #tpu.memory_space<hbm>>) dst(%arg6 : memref<50x128xf32, #tpu.memory_space<vmem>>)
    %add3A_161 = arith.constant 120 : i32
    %add3A_162 = arith.addi %mul3A_2, %add3A_161 : i32
    %dma_wait3A_163 = arith.constant 0 : i32
    %dma_wait3A_164 = arith.constant 0 : i32
    %dma_wait3A_165 = tpu.memref_slice %arg4[%add3A_162, %dma_wait3A_163, %dma_wait3A_164] : memref<4096x50x64xf32, #tpu.memory_space<hbm>> -> memref<1x50x64xf32, #tpu.memory_space<hbm>>
    %dma_wait3A_166 = tpu.memref_squeeze %dma_wait3A_165 : memref<1x50x64xf32, #tpu.memory_space<hbm>> -> memref<50x64xf32, #tpu.memory_space<hbm>>
    %dma_wait3A_167 = arith.constant 0 : i32
    %dma_wait3A_168 = arith.constant 0 : i32
    %dma_wait3A_169 = tpu.memref_slice %arg4[%add3A_162, %dma_wait3A_167, %dma_wait3A_168] : memref<4096x50x64xf32, #tpu.memory_space<hbm>> -> memref<1x50x64xf32, #tpu.memory_space<hbm>>
    %dma_wait3A_170 = tpu.memref_squeeze %dma_wait3A_169 : memref<1x50x64xf32, #tpu.memory_space<hbm>> -> memref<50x64xf32, #tpu.memory_space<hbm>>
    tpu.wait_dma2 semaphore(%arg18 : memref<!tpu.dma_semaphore, #tpu.memory_space<semaphore_mem>>) src(%arg10 : memref<50x64xf32, #tpu.memory_space<vmem>>) dst(%dma_wait3A_170 : memref<50x64xf32, #tpu.memory_space<hbm>>)
    %scan3A_171 = arith.constant 0 : i32
    %scan3A_172 = arith.constant 0 : i32
    %scan3A_173 = arith.constant 10 : i32
    %scan3A_174 = arith.addi %scan3A_172, %scan3A_173 : i32
    %scan3A_175 = arith.constant 1 : i32
    scf.for %scan3A_326 = %scan3A_172 to %scan3A_174 step %scan3A_175  : i32 {
      %mul3A_327 = arith.constant 5 : i32
      %mul3A_328 = arith.muli %scan3A_326, %mul3A_327 : i32
      %add3A_329 = arith.constant 0 : i32
      %add3A_330 = arith.addi %mul3A_328, %add3A_329 : i32
      %get3A = arith.index_cast %add3A_330 : i32 to index
      %get3A_331 = arith.constant 0 : index
      %get3A_332 = tpu.vector_load %arg6[%get3A, %get3A_331] {strides = array<i32>} : memref<50x128xf32, #tpu.memory_space<vmem>>, vector<1x16xf32>,
      %get3A_333 = vector.shape_cast %get3A_332 : vector<1x16xf32> to vector<16xf32>
      %mul3A_334 = arith.constant 8.000000e+00 : f32
      %mul3A_335 = vector.broadcast %mul3A_334 : f32 to vector<16xf32>
      %mul3A_336 = arith.mulf %get3A_333, %mul3A_335 : vector<16xf32>
      %swap3A = arith.index_cast %add3A_330 : i32 to index
      %swap3A_337 = arith.constant 0 : index
      %swap3A_338 = tpu.vector_load %arg10[%swap3A, %swap3A_337] {strides = array<i32>} : memref<50x64xf32, #tpu.memory_space<vmem>>, vector<1x16xf32>,
      %swap3A_339 = vector.shape_cast %swap3A_338 : vector<1x16xf32> to vector<16xf32>
      %swap3A_340 = vector.shape_cast %mul3A_336 : vector<16xf32> to vector<1x16xf32>
      tpu.vector_store %arg10[%swap3A, %swap3A_337], %swap3A_340 {strides = array<i32>} : memref<50x64xf32, #tpu.memory_space<vmem>>, vector<1x16xf32>,
      %get3A_341 = arith.index_cast %add3A_330 : i32 to index
      %get3A_342 = arith.constant 16 : index
      %get3A_343 = tpu.vector_load %arg6[%get3A_341, %get3A_342] {strides = array<i32>} : memref<50x128xf32, #tpu.memory_space<vmem>>, vector<1x16xf32>,
      %get3A_344 = vector.shape_cast %get3A_343 : vector<1x16xf32> to vector<16xf32>
      %mul3A_345 = arith.constant 8.000000e+00 : f32
      %mul3A_346 = vector.broadcast %mul3A_345 : f32 to vector<16xf32>
      %mul3A_347 = arith.mulf %get3A_344, %mul3A_346 : vector<16xf32>
      %swap3A_348 = arith.index_cast %add3A_330 : i32 to index
      %swap3A_349 = arith.constant 16 : index
      %swap3A_350 = tpu.vector_load %arg10[%swap3A_348, %swap3A_349] {strides = array<i32>} : memref<50x64xf32, #tpu.memory_space<vmem>>, vector<1x16xf32>,
      %swap3A_351 = vector.shape_cast %swap3A_350 : vector<1x16xf32> to vector<16xf32>
      %swap3A_352 = vector.shape_cast %mul3A_347 : vector<16xf32> to vector<1x16xf32>
      tpu.vector_store %arg10[%swap3A_348, %swap3A_349], %swap3A_352 {strides = array<i32>} : memref<50x64xf32, #tpu.memory_space<vmem>>, vector<1x16xf32>,
      %get3A_353 = arith.index_cast %add3A_330 : i32 to index
      %get3A_354 = arith.constant 32 : index
      %get3A_355 = tpu.vector_load %arg6[%get3A_353, %get3A_354] {strides = array<i32>} : memref<50x128xf32, #tpu.memory_space<vmem>>, vector<1x16xf32>,
      %get3A_356 = vector.shape_cast %get3A_355 : vector<1x16xf32> to vector<16xf32>
      %mul3A_357 = arith.constant 8.000000e+00 : f32
      %mul3A_358 = vector.broadcast %mul3A_357 : f32 to vector<16xf32>
      %mul3A_359 = arith.mulf %get3A_356, %mul3A_358 : vector<16xf32>
      %swap3A_360 = arith.index_cast %add3A_330 : i32 to index
      %swap3A_361 = arith.constant 32 : index
      %swap3A_362 = tpu.vector_load %arg10[%swap3A_360, %swap3A_361] {strides = array<i32>} : memref<50x64xf32, #tpu.memory_space<vmem>>, vector<1x16xf32>,
      %swap3A_363 = vector.shape_cast %swap3A_362 : vector<1x16xf32> to vector<16xf32>
      %swap3A_364 = vector.shape_cast %mul3A_359 : vector<16xf32> to vector<1x16xf32>
      tpu.vector_store %arg10[%swap3A_360, %swap3A_361], %swap3A_364 {strides = array<i32>} : memref<50x64xf32, #tpu.memory_space<vmem>>, vector<1x16xf32>,
      %get3A_365 = arith.index_cast %add3A_330 : i32 to index
      %get3A_366 = arith.constant 48 : index
      %get3A_367 = tpu.vector_load %arg6[%get3A_365, %get3A_366] {strides = array<i32>} : memref<50x128xf32, #tpu.memory_space<vmem>>, vector<1x16xf32>,
      %get3A_368 = vector.shape_cast %get3A_367 : vector<1x16xf32> to vector<16xf32>
      %mul3A_369 = arith.constant 8.000000e+00 : f32
      %mul3A_370 = vector.broadcast %mul3A_369 : f32 to vector<16xf32>
      %mul3A_371 = arith.mulf %get3A_368, %mul3A_370 : vector<16xf32>
      %swap3A_372 = arith.index_cast %add3A_330 : i32 to index
      %swap3A_373 = arith.constant 48 : index
      %swap3A_374 = tpu.vector_load %arg10[%swap3A_372, %swap3A_373] {strides = array<i32>} : memref<50x64xf32, #tpu.memory_space<vmem>>, vector<1x16xf32>,
      %swap3A_375 = vector.shape_cast %swap3A_374 : vector<1x16xf32> to vector<16xf32>
      %swap3A_376 = vector.shape_cast %mul3A_371 : vector<16xf32> to vector<1x16xf32>
      tpu.vector_store %arg10[%swap3A_372, %swap3A_373], %swap3A_376 {strides = array<i32>} : memref<50x64xf32, #tpu.memory_space<vmem>>, vector<1x16xf32>,
      %mul3A_377 = arith.constant 5 : i32
      %mul3A_378 = arith.muli %scan3A_326, %mul3A_377 : i32
      %add3A_379 = arith.constant 1 : i32
      %add3A_380 = arith.addi %mul3A_378, %add3A_379 : i32
      %get3A_381 = arith.index_cast %add3A_380 : i32 to index
      %get3A_382 = arith.constant 0 : index
      %get3A_383 = tpu.vector_load %arg6[%get3A_381, %get3A_382] {strides = array<i32>} : memref<50x128xf32, #tpu.memory_space<vmem>>, vector<1x16xf32>,
      %get3A_384 = vector.shape_cast %get3A_383 : vector<1x16xf32> to vector<16xf32>
      %mul3A_385 = arith.constant 8.000000e+00 : f32
      %mul3A_386 = vector.broadcast %mul3A_385 : f32 to vector<16xf32>
      %mul3A_387 = arith.mulf %get3A_384, %mul3A_386 : vector<16xf32>
      %swap3A_388 = arith.index_cast %add3A_380 : i32 to index
      %swap3A_389 = arith.constant 0 : index
      %swap3A_390 = tpu.vector_load %arg10[%swap3A_388, %swap3A_389] {strides = array<i32>} : memref<50x64xf32, #tpu.memory_space<vmem>>, vector<1x16xf32>,
      %swap3A_391 = vector.shape_cast %swap3A_390 : vector<1x16xf32> to vector<16xf32>
      %swap3A_392 = vector.shape_cast %mul3A_387 : vector<16xf32> to vector<1x16xf32>
      tpu.vector_store %arg10[%swap3A_388, %swap3A_389], %swap3A_392 {strides = array<i32>} : memref<50x64xf32, #tpu.memory_space<vmem>>, vector<1x16xf32>,
      %get3A_393 = arith.index_cast %add3A_380 : i32 to index
      %get3A_394 = arith.constant 16 : index
      %get3A_395 = tpu.vector_load %arg6[%get3A_393, %get3A_394] {strides = array<i32>} : memref<50x128xf32, #tpu.memory_space<vmem>>, vector<1x16xf32>,
      %get3A_396 = vector.shape_cast %get3A_395 : vector<1x16xf32> to vector<16xf32>
      %mul3A_397 = arith.constant 8.000000e+00 : f32
      %mul3A_398 = vector.broadcast %mul3A_397 : f32 to vector<16xf32>
      %mul3A_399 = arith.mulf %get3A_396, %mul3A_398 : vector<16xf32>
      %swap3A_400 = arith.index_cast %add3A_380 : i32 to index
      %swap3A_401 = arith.constant 16 : index
      %swap3A_402 = tpu.vector_load %arg10[%swap3A_400, %swap3A_401] {strides = array<i32>} : memref<50x64xf32, #tpu.memory_space<vmem>>, vector<1x16xf32>,
      %swap3A_403 = vector.shape_cast %swap3A_402 : vector<1x16xf32> to vector<16xf32>
      %swap3A_404 = vector.shape_cast %mul3A_399 : vector<16xf32> to vector<1x16xf32>
      tpu.vector_store %arg10[%swap3A_400, %swap3A_401], %swap3A_404 {strides = array<i32>} : memref<50x64xf32, #tpu.memory_space<vmem>>, vector<1x16xf32>,
      %get3A_405 = arith.index_cast %add3A_380 : i32 to index
      %get3A_406 = arith.constant 32 : index
      %get3A_407 = tpu.vector_load %arg6[%get3A_405, %get3A_406] {strides = array<i32>} : memref<50x128xf32, #tpu.memory_space<vmem>>, vector<1x16xf32>,
      %get3A_408 = vector.shape_cast %get3A_407 : vector<1x16xf32> to vector<16xf32>
      %mul3A_409 = arith.constant 8.000000e+00 : f32
      %mul3A_410 = vector.broadcast %mul3A_409 : f32 to vector<16xf32>
      %mul3A_411 = arith.mulf %get3A_408, %mul3A_410 : vector<16xf32>
      %swap3A_412 = arith.index_cast %add3A_380 : i32 to index
      %swap3A_413 = arith.constant 32 : index
      %swap3A_414 = tpu.vector_load %arg10[%swap3A_412, %swap3A_413] {strides = array<i32>} : memref<50x64xf32, #tpu.memory_space<vmem>>, vector<1x16xf32>,
      %swap3A_415 = vector.shape_cast %swap3A_414 : vector<1x16xf32> to vector<16xf32>
      %swap3A_416 = vector.shape_cast %mul3A_411 : vector<16xf32> to vector<1x16xf32>
      tpu.vector_store %arg10[%swap3A_412, %swap3A_413], %swap3A_416 {strides = array<i32>} : memref<50x64xf32, #tpu.memory_space<vmem>>, vector<1x16xf32>,
      %get3A_417 = arith.index_cast %add3A_380 : i32 to index
      %get3A_418 = arith.constant 48 : index
      %get3A_419 = tpu.vector_load %arg6[%get3A_417, %get3A_418] {strides = array<i32>} : memref<50x128xf32, #tpu.memory_space<vmem>>, vector<1x16xf32>,
      %get3A_420 = vector.shape_cast %get3A_419 : vector<1x16xf32> to vector<16xf32>
      %mul3A_421 = arith.constant 8.000000e+00 : f32
      %mul3A_422 = vector.broadcast %mul3A_421 : f32 to vector<16xf32>
      %mul3A_423 = arith.mulf %get3A_420, %mul3A_422 : vector<16xf32>
      %swap3A_424 = arith.index_cast %add3A_380 : i32 to index
      %swap3A_425 = arith.constant 48 : index
      %swap3A_426 = tpu.vector_load %arg10[%swap3A_424, %swap3A_425] {strides = array<i32>} : memref<50x64xf32, #tpu.memory_space<vmem>>, vector<1x16xf32>,
      %swap3A_427 = vector.shape_cast %swap3A_426 : vector<1x16xf32> to vector<16xf32>
      %swap3A_428 = vector.shape_cast %mul3A_423 : vector<16xf32> to vector<1x16xf32>
      tpu.vector_store %arg10[%swap3A_424, %swap3A_425], %swap3A_428 {strides = array<i32>} : memref<50x64xf32, #tpu.memory_space<vmem>>, vector<1x16xf32>,
      %mul3A_429 = arith.constant 5 : i32
      %mul3A_430 = arith.muli %scan3A_326, %mul3A_429 : i32
      %add3A_431 = arith.constant 2 : i32
      %add3A_432 = arith.addi %mul3A_430, %add3A_431 : i32
      %get3A_433 = arith.index_cast %add3A_432 : i32 to index
      %get3A_434 = arith.constant 0 : index
      %get3A_435 = tpu.vector_load %arg6[%get3A_433, %get3A_434] {strides = array<i32>} : memref<50x128xf32, #tpu.memory_space<vmem>>, vector<1x16xf32>,
      %get3A_436 = vector.shape_cast %get3A_435 : vector<1x16xf32> to vector<16xf32>
      %mul3A_437 = arith.constant 8.000000e+00 : f32
      %mul3A_438 = vector.broadcast %mul3A_437 : f32 to vector<16xf32>
      %mul3A_439 = arith.mulf %get3A_436, %mul3A_438 : vector<16xf32>
      %swap3A_440 = arith.index_cast %add3A_432 : i32 to index
      %swap3A_441 = arith.constant 0 : index
      %swap3A_442 = tpu.vector_load %arg10[%swap3A_440, %swap3A_441] {strides = array<i32>} : memref<50x64xf32, #tpu.memory_space<vmem>>, vector<1x16xf32>,
      %swap3A_443 = vector.shape_cast %swap3A_442 : vector<1x16xf32> to vector<16xf32>
      %swap3A_444 = vector.shape_cast %mul3A_439 : vector<16xf32> to vector<1x16xf32>
      tpu.vector_store %arg10[%swap3A_440, %swap3A_441], %swap3A_444 {strides = array<i32>} : memref<50x64xf32, #tpu.memory_space<vmem>>, vector<1x16xf32>,
      %get3A_445 = arith.index_cast %add3A_432 : i32 to index
      %get3A_446 = arith.constant 16 : index
      %get3A_447 = tpu.vector_load %arg6[%get3A_445, %get3A_446] {strides = array<i32>} : memref<50x128xf32, #tpu.memory_space<vmem>>, vector<1x16xf32>,
      %get3A_448 = vector.shape_cast %get3A_447 : vector<1x16xf32> to vector<16xf32>
      %mul3A_449 = arith.constant 8.000000e+00 : f32
      %mul3A_450 = vector.broadcast %mul3A_449 : f32 to vector<16xf32>
      %mul3A_451 = arith.mulf %get3A_448, %mul3A_450 : vector<16xf32>
      %swap3A_452 = arith.index_cast %add3A_432 : i32 to index
      %swap3A_453 = arith.constant 16 : index
      %swap3A_454 = tpu.vector_load %arg10[%swap3A_452, %swap3A_453] {strides = array<i32>} : memref<50x64xf32, #tpu.memory_space<vmem>>, vector<1x16xf32>,
      %swap3A_455 = vector.shape_cast %swap3A_454 : vector<1x16xf32> to vector<16xf32>
      %swap3A_456 = vector.shape_cast %mul3A_451 : vector<16xf32> to vector<1x16xf32>
      tpu.vector_store %arg10[%swap3A_452, %swap3A_453], %swap3A_456 {strides = array<i32>} : memref<50x64xf32, #tpu.memory_space<vmem>>, vector<1x16xf32>,
      %get3A_457 = arith.index_cast %add3A_432 : i32 to index
      %get3A_458 = arith.constant 32 : index
      %get3A_459 = tpu.vector_load %arg6[%get3A_457, %get3A_458] {strides = array<i32>} : memref<50x128xf32, #tpu.memory_space<vmem>>, vector<1x16xf32>,
      %get3A_460 = vector.shape_cast %get3A_459 : vector<1x16xf32> to vector<16xf32>
      %mul3A_461 = arith.constant 8.000000e+00 : f32
      %mul3A_462 = vector.broadcast %mul3A_461 : f32 to vector<16xf32>
      %mul3A_463 = arith.mulf %get3A_460, %mul3A_462 : vector<16xf32>
      %swap3A_464 = arith.index_cast %add3A_432 : i32 to index
      %swap3A_465 = arith.constant 32 : index
      %swap3A_466 = tpu.vector_load %arg10[%swap3A_464, %swap3A_465] {strides = array<i32>} : memref<50x64xf32, #tpu.memory_space<vmem>>, vector<1x16xf32>,
      %swap3A_467 = vector.shape_cast %swap3A_466 : vector<1x16xf32> to vector<16xf32>
      %swap3A_468 = vector.shape_cast %mul3A_463 : vector<16xf32> to vector<1x16xf32>
      tpu.vector_store %arg10[%swap3A_464, %swap3A_465], %swap3A_468 {strides = array<i32>} : memref<50x64xf32, #tpu.memory_space<vmem>>, vector<1x16xf32>,
      %get3A_469 = arith.index_cast %add3A_432 : i32 to index
      %get3A_470 = arith.constant 48 : index
      %get3A_471 = tpu.vector_load %arg6[%get3A_469, %get3A_470] {strides = array<i32>} : memref<50x128xf32, #tpu.memory_space<vmem>>, vector<1x16xf32>,
      %get3A_472 = vector.shape_cast %get3A_471 : vector<1x16xf32> to vector<16xf32>
      %mul3A_473 = arith.constant 8.000000e+00 : f32
      %mul3A_474 = vector.broadcast %mul3A_473 : f32 to vector<16xf32>
      %mul3A_475 = arith.mulf %get3A_472, %mul3A_474 : vector<16xf32>
      %swap3A_476 = arith.index_cast %add3A_432 : i32 to index
      %swap3A_477 = arith.constant 48 : index
      %swap3A_478 = tpu.vector_load %arg10[%swap3A_476, %swap3A_477] {strides = array<i32>} : memref<50x64xf32, #tpu.memory_space<vmem>>, vector<1x16xf32>,
      %swap3A_479 = vector.shape_cast %swap3A_478 : vector<1x16xf32> to vector<16xf32>
      %swap3A_480 = vector.shape_cast %mul3A_475 : vector<16xf32> to vector<1x16xf32>
      tpu.vector_store %arg10[%swap3A_476, %swap3A_477], %swap3A_480 {strides = array<i32>} : memref<50x64xf32, #tpu.memory_space<vmem>>, vector<1x16xf32>,
      %mul3A_481 = arith.constant 5 : i32
      %mul3A_482 = arith.muli %scan3A_326, %mul3A_481 : i32
      %add3A_483 = arith.constant 3 : i32
      %add3A_484 = arith.addi %mul3A_482, %add3A_483 : i32
      %get3A_485 = arith.index_cast %add3A_484 : i32 to index
      %get3A_486 = arith.constant 0 : index
      %get3A_487 = tpu.vector_load %arg6[%get3A_485, %get3A_486] {strides = array<i32>} : memref<50x128xf32, #tpu.memory_space<vmem>>, vector<1x16xf32>,
      %get3A_488 = vector.shape_cast %get3A_487 : vector<1x16xf32> to vector<16xf32>
      %mul3A_489 = arith.constant 8.000000e+00 : f32
      %mul3A_490 = vector.broadcast %mul3A_489 : f32 to vector<16xf32>
      %mul3A_491 = arith.mulf %get3A_488, %mul3A_490 : vector<16xf32>
      %swap3A_492 = arith.index_cast %add3A_484 : i32 to index
      %swap3A_493 = arith.constant 0 : index
      %swap3A_494 = tpu.vector_load %arg10[%swap3A_492, %swap3A_493] {strides = array<i32>} : memref<50x64xf32, #tpu.memory_space<vmem>>, vector<1x16xf32>,
      %swap3A_495 = vector.shape_cast %swap3A_494 : vector<1x16xf32> to vector<16xf32>
      %swap3A_496 = vector.shape_cast %mul3A_491 : vector<16xf32> to vector<1x16xf32>
      tpu.vector_store %arg10[%swap3A_492, %swap3A_493], %swap3A_496 {strides = array<i32>} : memref<50x64xf32, #tpu.memory_space<vmem>>, vector<1x16xf32>,
      %get3A_497 = arith.index_cast %add3A_484 : i32 to index
      %get3A_498 = arith.constant 16 : index
      %get3A_499 = tpu.vector_load %arg6[%get3A_497, %get3A_498] {strides = array<i32>} : memref<50x128xf32, #tpu.memory_space<vmem>>, vector<1x16xf32>,
      %get3A_500 = vector.shape_cast %get3A_499 : vector<1x16xf32> to vector<16xf32>
      %mul3A_501 = arith.constant 8.000000e+00 : f32
      %mul3A_502 = vector.broadcast %mul3A_501 : f32 to vector<16xf32>
      %mul3A_503 = arith.mulf %get3A_500, %mul3A_502 : vector<16xf32>
      %swap3A_504 = arith.index_cast %add3A_484 : i32 to index
      %swap3A_505 = arith.constant 16 : index
      %swap3A_506 = tpu.vector_load %arg10[%swap3A_504, %swap3A_505] {strides = array<i32>} : memref<50x64xf32, #tpu.memory_space<vmem>>, vector<1x16xf32>,
      %swap3A_507 = vector.shape_cast %swap3A_506 : vector<1x16xf32> to vector<16xf32>
      %swap3A_508 = vector.shape_cast %mul3A_503 : vector<16xf32> to vector<1x16xf32>
      tpu.vector_store %arg10[%swap3A_504, %swap3A_505], %swap3A_508 {strides = array<i32>} : memref<50x64xf32, #tpu.memory_space<vmem>>, vector<1x16xf32>,
      %get3A_509 = arith.index_cast %add3A_484 : i32 to index
      %get3A_510 = arith.constant 32 : index
      %get3A_511 = tpu.vector_load %arg6[%get3A_509, %get3A_510] {strides = array<i32>} : memref<50x128xf32, #tpu.memory_space<vmem>>, vector<1x16xf32>,
      %get3A_512 = vector.shape_cast %get3A_511 : vector<1x16xf32> to vector<16xf32>
      %mul3A_513 = arith.constant 8.000000e+00 : f32
      %mul3A_514 = vector.broadcast %mul3A_513 : f32 to vector<16xf32>
      %mul3A_515 = arith.mulf %get3A_512, %mul3A_514 : vector<16xf32>
      %swap3A_516 = arith.index_cast %add3A_484 : i32 to index
      %swap3A_517 = arith.constant 32 : index
      %swap3A_518 = tpu.vector_load %arg10[%swap3A_516, %swap3A_517] {strides = array<i32>} : memref<50x64xf32, #tpu.memory_space<vmem>>, vector<1x16xf32>,
      %swap3A_519 = vector.shape_cast %swap3A_518 : vector<1x16xf32> to vector<16xf32>
      %swap3A_520 = vector.shape_cast %mul3A_515 : vector<16xf32> to vector<1x16xf32>
      tpu.vector_store %arg10[%swap3A_516, %swap3A_517], %swap3A_520 {strides = array<i32>} : memref<50x64xf32, #tpu.memory_space<vmem>>, vector<1x16xf32>,
      %get3A_521 = arith.index_cast %add3A_484 : i32 to index
      %get3A_522 = arith.constant 48 : index
      %get3A_523 = tpu.vector_load %arg6[%get3A_521, %get3A_522] {strides = array<i32>} : memref<50x128xf32, #tpu.memory_space<vmem>>, vector<1x16xf32>,
      %get3A_524 = vector.shape_cast %get3A_523 : vector<1x16xf32> to vector<16xf32>
      %mul3A_525 = arith.constant 8.000000e+00 : f32
      %mul3A_526 = vector.broadcast %mul3A_525 : f32 to vector<16xf32>
      %mul3A_527 = arith.mulf %get3A_524, %mul3A_526 : vector<16xf32>
      %swap3A_528 = arith.index_cast %add3A_484 : i32 to index
      %swap3A_529 = arith.constant 48 : index
      %swap3A_530 = tpu.vector_load %arg10[%swap3A_528, %swap3A_529] {strides = array<i32>} : memref<50x64xf32, #tpu.memory_space<vmem>>, vector<1x16xf32>,
      %swap3A_531 = vector.shape_cast %swap3A_530 : vector<1x16xf32> to vector<16xf32>
      %swap3A_532 = vector.shape_cast %mul3A_527 : vector<16xf32> to vector<1x16xf32>
      tpu.vector_store %arg10[%swap3A_528, %swap3A_529], %swap3A_532 {strides = array<i32>} : memref<50x64xf32, #tpu.memory_space<vmem>>, vector<1x16xf32>,
      %mul3A_533 = arith.constant 5 : i32
      %mul3A_534 = arith.muli %scan3A_326, %mul3A_533 : i32
      %add3A_535 = arith.constant 4 : i32
      %add3A_536 = arith.addi %mul3A_534, %add3A_535 : i32
      %get3A_537 = arith.index_cast %add3A_536 : i32 to index
      %get3A_538 = arith.constant 0 : index
      %get3A_539 = tpu.vector_load %arg6[%get3A_537, %get3A_538] {strides = array<i32>} : memref<50x128xf32, #tpu.memory_space<vmem>>, vector<1x16xf32>,
      %get3A_540 = vector.shape_cast %get3A_539 : vector<1x16xf32> to vector<16xf32>
      %mul3A_541 = arith.constant 8.000000e+00 : f32
      %mul3A_542 = vector.broadcast %mul3A_541 : f32 to vector<16xf32>
      %mul3A_543 = arith.mulf %get3A_540, %mul3A_542 : vector<16xf32>
      %swap3A_544 = arith.index_cast %add3A_536 : i32 to index
      %swap3A_545 = arith.constant 0 : index
      %swap3A_546 = tpu.vector_load %arg10[%swap3A_544, %swap3A_545] {strides = array<i32>} : memref<50x64xf32, #tpu.memory_space<vmem>>, vector<1x16xf32>,
      %swap3A_547 = vector.shape_cast %swap3A_546 : vector<1x16xf32> to vector<16xf32>
      %swap3A_548 = vector.shape_cast %mul3A_543 : vector<16xf32> to vector<1x16xf32>
      tpu.vector_store %arg10[%swap3A_544, %swap3A_545], %swap3A_548 {strides = array<i32>} : memref<50x64xf32, #tpu.memory_space<vmem>>, vector<1x16xf32>,
      %get3A_549 = arith.index_cast %add3A_536 : i32 to index
      %get3A_550 = arith.constant 16 : index
      %get3A_551 = tpu.vector_load %arg6[%get3A_549, %get3A_550] {strides = array<i32>} : memref<50x128xf32, #tpu.memory_space<vmem>>, vector<1x16xf32>,
      %get3A_552 = vector.shape_cast %get3A_551 : vector<1x16xf32> to vector<16xf32>
      %mul3A_553 = arith.constant 8.000000e+00 : f32
      %mul3A_554 = vector.broadcast %mul3A_553 : f32 to vector<16xf32>
      %mul3A_555 = arith.mulf %get3A_552, %mul3A_554 : vector<16xf32>
      %swap3A_556 = arith.index_cast %add3A_536 : i32 to index
      %swap3A_557 = arith.constant 16 : index
      %swap3A_558 = tpu.vector_load %arg10[%swap3A_556, %swap3A_557] {strides = array<i32>} : memref<50x64xf32, #tpu.memory_space<vmem>>, vector<1x16xf32>,
      %swap3A_559 = vector.shape_cast %swap3A_558 : vector<1x16xf32> to vector<16xf32>
      %swap3A_560 = vector.shape_cast %mul3A_555 : vector<16xf32> to vector<1x16xf32>
      tpu.vector_store %arg10[%swap3A_556, %swap3A_557], %swap3A_560 {strides = array<i32>} : memref<50x64xf32, #tpu.memory_space<vmem>>, vector<1x16xf32>,
      %get3A_561 = arith.index_cast %add3A_536 : i32 to index
      %get3A_562 = arith.constant 32 : index
      %get3A_563 = tpu.vector_load %arg6[%get3A_561, %get3A_562] {strides = array<i32>} : memref<50x128xf32, #tpu.memory_space<vmem>>, vector<1x16xf32>,
      %get3A_564 = vector.shape_cast %get3A_563 : vector<1x16xf32> to vector<16xf32>
      %mul3A_565 = arith.constant 8.000000e+00 : f32
      %mul3A_566 = vector.broadcast %mul3A_565 : f32 to vector<16xf32>
      %mul3A_567 = arith.mulf %get3A_564, %mul3A_566 : vector<16xf32>
      %swap3A_568 = arith.index_cast %add3A_536 : i32 to index
      %swap3A_569 = arith.constant 32 : index
      %swap3A_570 = tpu.vector_load %arg10[%swap3A_568, %swap3A_569] {strides = array<i32>} : memref<50x64xf32, #tpu.memory_space<vmem>>, vector<1x16xf32>,
      %swap3A_571 = vector.shape_cast %swap3A_570 : vector<1x16xf32> to vector<16xf32>
      %swap3A_572 = vector.shape_cast %mul3A_567 : vector<16xf32> to vector<1x16xf32>
      tpu.vector_store %arg10[%swap3A_568, %swap3A_569], %swap3A_572 {strides = array<i32>} : memref<50x64xf32, #tpu.memory_space<vmem>>, vector<1x16xf32>,
      %get3A_573 = arith.index_cast %add3A_536 : i32 to index
      %get3A_574 = arith.constant 48 : index
      %get3A_575 = tpu.vector_load %arg6[%get3A_573, %get3A_574] {strides = array<i32>} : memref<50x128xf32, #tpu.memory_space<vmem>>, vector<1x16xf32>,
      %get3A_576 = vector.shape_cast %get3A_575 : vector<1x16xf32> to vector<16xf32>
      %mul3A_577 = arith.constant 8.000000e+00 : f32
      %mul3A_578 = vector.broadcast %mul3A_577 : f32 to vector<16xf32>
      %mul3A_579 = arith.mulf %get3A_576, %mul3A_578 : vector<16xf32>
      %swap3A_580 = arith.index_cast %add3A_536 : i32 to index
      %swap3A_581 = arith.constant 48 : index
      %swap3A_582 = tpu.vector_load %arg10[%swap3A_580, %swap3A_581] {strides = array<i32>} : memref<50x64xf32, #tpu.memory_space<vmem>>, vector<1x16xf32>,
      %swap3A_583 = vector.shape_cast %swap3A_582 : vector<1x16xf32> to vector<16xf32>
      %swap3A_584 = vector.shape_cast %mul3A_579 : vector<16xf32> to vector<1x16xf32>
      tpu.vector_store %arg10[%swap3A_580, %swap3A_581], %swap3A_584 {strides = array<i32>} : memref<50x64xf32, #tpu.memory_space<vmem>>, vector<1x16xf32>,
    }
    %scan3A_176 = arith.constant 10 : i32
    %add3A_177 = arith.constant 124 : i32
    %add3A_178 = arith.addi %mul3A_2, %add3A_177 : i32
    %dma_start3A_179 = arith.constant 0 : i32
    %dma_start3A_180 = arith.constant 0 : i32
    %dma_start3A_181 = tpu.memref_slice %arg4[%add3A_178, %dma_start3A_179, %dma_start3A_180] : memref<4096x50x64xf32, #tpu.memory_space<hbm>> -> memref<1x50x64xf32, #tpu.memory_space<hbm>>
    %dma_start3A_182 = tpu.memref_squeeze %dma_start3A_181 : memref<1x50x64xf32, #tpu.memory_space<hbm>> -> memref<50x64xf32, #tpu.memory_space<hbm>>
    %dma_start3A_183 = arith.constant 0 : i32
    %dma_start3A_184 = arith.constant 0 : i32
    %dma_start3A_185 = tpu.memref_slice %arg4[%add3A_178, %dma_start3A_183, %dma_start3A_184] : memref<4096x50x64xf32, #tpu.memory_space<hbm>> -> memref<1x50x64xf32, #tpu.memory_space<hbm>>
    %dma_start3A_186 = tpu.memref_squeeze %dma_start3A_185 : memref<1x50x64xf32, #tpu.memory_space<hbm>> -> memref<50x64xf32, #tpu.memory_space<hbm>>
    tpu.enqueue_dma source(%arg10 : memref<50x64xf32, #tpu.memory_space<vmem>>) target(%dma_start3A_186 : memref<50x64xf32, #tpu.memory_space<hbm>>) target_semaphore(%arg18 : memref<!tpu.dma_semaphore, #tpu.memory_space<semaphore_mem>>)
    %dma_wait3A_187 = arith.constant 125 : i32
    %dma_wait3A_188 = arith.constant 0 : i32
    %dma_wait3A_189 = tpu.memref_slice %arg5[%dma_wait3A_187, %dma_wait3A_188] : memref<128x50xi32, #tpu.memory_space<vmem>> -> memref<1x50xi32, #tpu.memory_space<vmem>>
    %dma_wait3A_190 = tpu.memref_squeeze %dma_wait3A_189 : memref<1x50xi32, #tpu.memory_space<vmem>> -> memref<50xi32, #tpu.memory_space<vmem>>
    %dma_wait3A_191 = arith.constant 0 : i32
    %dma_wait3A_192 = arith.constant 0 : i32
    %dma_wait3A_193 = tpu.memref_slice %arg3[%dma_wait3A_191, %dma_wait3A_192] : memref<100000x128xf32, #tpu.memory_space<hbm>> -> memref<100000x128xf32, #tpu.memory_space<hbm>>
    tpu.wait_indirect_dma semaphore(%arg15 : memref<!tpu.dma_semaphore, #tpu.memory_space<semaphore_mem>>) src(%dma_wait3A_193 : memref<100000x128xf32, #tpu.memory_space<hbm>>) dst(%arg7 : memref<50x128xf32, #tpu.memory_space<vmem>>)
    %add3A_194 = arith.constant 121 : i32
    %add3A_195 = arith.addi %mul3A_2, %add3A_194 : i32
    %dma_wait3A_196 = arith.constant 0 : i32
    %dma_wait3A_197 = arith.constant 0 : i32
    %dma_wait3A_198 = tpu.memref_slice %arg4[%add3A_195, %dma_wait3A_196, %dma_wait3A_197] : memref<4096x50x64xf32, #tpu.memory_space<hbm>> -> memref<1x50x64xf32, #tpu.memory_space<hbm>>
    %dma_wait3A_199 = tpu.memref_squeeze %dma_wait3A_198 : memref<1x50x64xf32, #tpu.memory_space<hbm>> -> memref<50x64xf32, #tpu.memory_space<hbm>>
    %dma_wait3A_200 = arith.constant 0 : i32
    %dma_wait3A_201 = arith.constant 0 : i32
    %dma_wait3A_202 = tpu.memref_slice %arg4[%add3A_195, %dma_wait3A_200, %dma_wait3A_201] : memref<4096x50x64xf32, #tpu.memory_space<hbm>> -> memref<1x50x64xf32, #tpu.memory_space<hbm>>
    %dma_wait3A_203 = tpu.memref_squeeze %dma_wait3A_202 : memref<1x50x64xf32, #tpu.memory_space<hbm>> -> memref<50x64xf32, #tpu.memory_space<hbm>>
    tpu.wait_dma2 semaphore(%arg19 : memref<!tpu.dma_semaphore, #tpu.memory_space<semaphore_mem>>) src(%arg11 : memref<50x64xf32, #tpu.memory_space<vmem>>) dst(%dma_wait3A_203 : memref<50x64xf32, #tpu.memory_space<hbm>>)
    %scan3A_204 = arith.constant 0 : i32
    %scan3A_205 = arith.constant 0 : i32
    %scan3A_206 = arith.constant 10 : i32
    %scan3A_207 = arith.addi %scan3A_205, %scan3A_206 : i32
    %scan3A_208 = arith.constant 1 : i32
    scf.for %scan3A_326 = %scan3A_205 to %scan3A_207 step %scan3A_208  : i32 {
      %mul3A_327 = arith.constant 5 : i32
      %mul3A_328 = arith.muli %scan3A_326, %mul3A_327 : i32
      %add3A_329 = arith.constant 0 : i32
      %add3A_330 = arith.addi %mul3A_328, %add3A_329 : i32
      %get3A = arith.index_cast %add3A_330 : i32 to index
      %get3A_331 = arith.constant 0 : index
      %get3A_332 = tpu.vector_load %arg7[%get3A, %get3A_331] {strides = array<i32>} : memref<50x128xf32, #tpu.memory_space<vmem>>, vector<1x16xf32>,
      %get3A_333 = vector.shape_cast %get3A_332 : vector<1x16xf32> to vector<16xf32>
      %mul3A_334 = arith.constant 8.000000e+00 : f32
      %mul3A_335 = vector.broadcast %mul3A_334 : f32 to vector<16xf32>
      %mul3A_336 = arith.mulf %get3A_333, %mul3A_335 : vector<16xf32>
      %swap3A = arith.index_cast %add3A_330 : i32 to index
      %swap3A_337 = arith.constant 0 : index
      %swap3A_338 = tpu.vector_load %arg11[%swap3A, %swap3A_337] {strides = array<i32>} : memref<50x64xf32, #tpu.memory_space<vmem>>, vector<1x16xf32>,
      %swap3A_339 = vector.shape_cast %swap3A_338 : vector<1x16xf32> to vector<16xf32>
      %swap3A_340 = vector.shape_cast %mul3A_336 : vector<16xf32> to vector<1x16xf32>
      tpu.vector_store %arg11[%swap3A, %swap3A_337], %swap3A_340 {strides = array<i32>} : memref<50x64xf32, #tpu.memory_space<vmem>>, vector<1x16xf32>,
      %get3A_341 = arith.index_cast %add3A_330 : i32 to index
      %get3A_342 = arith.constant 16 : index
      %get3A_343 = tpu.vector_load %arg7[%get3A_341, %get3A_342] {strides = array<i32>} : memref<50x128xf32, #tpu.memory_space<vmem>>, vector<1x16xf32>,
      %get3A_344 = vector.shape_cast %get3A_343 : vector<1x16xf32> to vector<16xf32>
      %mul3A_345 = arith.constant 8.000000e+00 : f32
      %mul3A_346 = vector.broadcast %mul3A_345 : f32 to vector<16xf32>
      %mul3A_347 = arith.mulf %get3A_344, %mul3A_346 : vector<16xf32>
      %swap3A_348 = arith.index_cast %add3A_330 : i32 to index
      %swap3A_349 = arith.constant 16 : index
      %swap3A_350 = tpu.vector_load %arg11[%swap3A_348, %swap3A_349] {strides = array<i32>} : memref<50x64xf32, #tpu.memory_space<vmem>>, vector<1x16xf32>,
      %swap3A_351 = vector.shape_cast %swap3A_350 : vector<1x16xf32> to vector<16xf32>
      %swap3A_352 = vector.shape_cast %mul3A_347 : vector<16xf32> to vector<1x16xf32>
      tpu.vector_store %arg11[%swap3A_348, %swap3A_349], %swap3A_352 {strides = array<i32>} : memref<50x64xf32, #tpu.memory_space<vmem>>, vector<1x16xf32>,
      %get3A_353 = arith.index_cast %add3A_330 : i32 to index
      %get3A_354 = arith.constant 32 : index
      %get3A_355 = tpu.vector_load %arg7[%get3A_353, %get3A_354] {strides = array<i32>} : memref<50x128xf32, #tpu.memory_space<vmem>>, vector<1x16xf32>,
      %get3A_356 = vector.shape_cast %get3A_355 : vector<1x16xf32> to vector<16xf32>
      %mul3A_357 = arith.constant 8.000000e+00 : f32
      %mul3A_358 = vector.broadcast %mul3A_357 : f32 to vector<16xf32>
      %mul3A_359 = arith.mulf %get3A_356, %mul3A_358 : vector<16xf32>
      %swap3A_360 = arith.index_cast %add3A_330 : i32 to index
      %swap3A_361 = arith.constant 32 : index
      %swap3A_362 = tpu.vector_load %arg11[%swap3A_360, %swap3A_361] {strides = array<i32>} : memref<50x64xf32, #tpu.memory_space<vmem>>, vector<1x16xf32>,
      %swap3A_363 = vector.shape_cast %swap3A_362 : vector<1x16xf32> to vector<16xf32>
      %swap3A_364 = vector.shape_cast %mul3A_359 : vector<16xf32> to vector<1x16xf32>
      tpu.vector_store %arg11[%swap3A_360, %swap3A_361], %swap3A_364 {strides = array<i32>} : memref<50x64xf32, #tpu.memory_space<vmem>>, vector<1x16xf32>,
      %get3A_365 = arith.index_cast %add3A_330 : i32 to index
      %get3A_366 = arith.constant 48 : index
      %get3A_367 = tpu.vector_load %arg7[%get3A_365, %get3A_366] {strides = array<i32>} : memref<50x128xf32, #tpu.memory_space<vmem>>, vector<1x16xf32>,
      %get3A_368 = vector.shape_cast %get3A_367 : vector<1x16xf32> to vector<16xf32>
      %mul3A_369 = arith.constant 8.000000e+00 : f32
      %mul3A_370 = vector.broadcast %mul3A_369 : f32 to vector<16xf32>
      %mul3A_371 = arith.mulf %get3A_368, %mul3A_370 : vector<16xf32>
      %swap3A_372 = arith.index_cast %add3A_330 : i32 to index
      %swap3A_373 = arith.constant 48 : index
      %swap3A_374 = tpu.vector_load %arg11[%swap3A_372, %swap3A_373] {strides = array<i32>} : memref<50x64xf32, #tpu.memory_space<vmem>>, vector<1x16xf32>,
      %swap3A_375 = vector.shape_cast %swap3A_374 : vector<1x16xf32> to vector<16xf32>
      %swap3A_376 = vector.shape_cast %mul3A_371 : vector<16xf32> to vector<1x16xf32>
      tpu.vector_store %arg11[%swap3A_372, %swap3A_373], %swap3A_376 {strides = array<i32>} : memref<50x64xf32, #tpu.memory_space<vmem>>, vector<1x16xf32>,
      %mul3A_377 = arith.constant 5 : i32
      %mul3A_378 = arith.muli %scan3A_326, %mul3A_377 : i32
      %add3A_379 = arith.constant 1 : i32
      %add3A_380 = arith.addi %mul3A_378, %add3A_379 : i32
      %get3A_381 = arith.index_cast %add3A_380 : i32 to index
      %get3A_382 = arith.constant 0 : index
      %get3A_383 = tpu.vector_load %arg7[%get3A_381, %get3A_382] {strides = array<i32>} : memref<50x128xf32, #tpu.memory_space<vmem>>, vector<1x16xf32>,
      %get3A_384 = vector.shape_cast %get3A_383 : vector<1x16xf32> to vector<16xf32>
      %mul3A_385 = arith.constant 8.000000e+00 : f32
      %mul3A_386 = vector.broadcast %mul3A_385 : f32 to vector<16xf32>
      %mul3A_387 = arith.mulf %get3A_384, %mul3A_386 : vector<16xf32>
      %swap3A_388 = arith.index_cast %add3A_380 : i32 to index
      %swap3A_389 = arith.constant 0 : index
      %swap3A_390 = tpu.vector_load %arg11[%swap3A_388, %swap3A_389] {strides = array<i32>} : memref<50x64xf32, #tpu.memory_space<vmem>>, vector<1x16xf32>,
      %swap3A_391 = vector.shape_cast %swap3A_390 : vector<1x16xf32> to vector<16xf32>
      %swap3A_392 = vector.shape_cast %mul3A_387 : vector<16xf32> to vector<1x16xf32>
      tpu.vector_store %arg11[%swap3A_388, %swap3A_389], %swap3A_392 {strides = array<i32>} : memref<50x64xf32, #tpu.memory_space<vmem>>, vector<1x16xf32>,
      %get3A_393 = arith.index_cast %add3A_380 : i32 to index
      %get3A_394 = arith.constant 16 : index
      %get3A_395 = tpu.vector_load %arg7[%get3A_393, %get3A_394] {strides = array<i32>} : memref<50x128xf32, #tpu.memory_space<vmem>>, vector<1x16xf32>,
      %get3A_396 = vector.shape_cast %get3A_395 : vector<1x16xf32> to vector<16xf32>
      %mul3A_397 = arith.constant 8.000000e+00 : f32
      %mul3A_398 = vector.broadcast %mul3A_397 : f32 to vector<16xf32>
      %mul3A_399 = arith.mulf %get3A_396, %mul3A_398 : vector<16xf32>
      %swap3A_400 = arith.index_cast %add3A_380 : i32 to index
      %swap3A_401 = arith.constant 16 : index
      %swap3A_402 = tpu.vector_load %arg11[%swap3A_400, %swap3A_401] {strides = array<i32>} : memref<50x64xf32, #tpu.memory_space<vmem>>, vector<1x16xf32>,
      %swap3A_403 = vector.shape_cast %swap3A_402 : vector<1x16xf32> to vector<16xf32>
      %swap3A_404 = vector.shape_cast %mul3A_399 : vector<16xf32> to vector<1x16xf32>
      tpu.vector_store %arg11[%swap3A_400, %swap3A_401], %swap3A_404 {strides = array<i32>} : memref<50x64xf32, #tpu.memory_space<vmem>>, vector<1x16xf32>,
      %get3A_405 = arith.index_cast %add3A_380 : i32 to index
      %get3A_406 = arith.constant 32 : index
      %get3A_407 = tpu.vector_load %arg7[%get3A_405, %get3A_406] {strides = array<i32>} : memref<50x128xf32, #tpu.memory_space<vmem>>, vector<1x16xf32>,
      %get3A_408 = vector.shape_cast %get3A_407 : vector<1x16xf32> to vector<16xf32>
      %mul3A_409 = arith.constant 8.000000e+00 : f32
      %mul3A_410 = vector.broadcast %mul3A_409 : f32 to vector<16xf32>
      %mul3A_411 = arith.mulf %get3A_408, %mul3A_410 : vector<16xf32>
      %swap3A_412 = arith.index_cast %add3A_380 : i32 to index
      %swap3A_413 = arith.constant 32 : index
      %swap3A_414 = tpu.vector_load %arg11[%swap3A_412, %swap3A_413] {strides = array<i32>} : memref<50x64xf32, #tpu.memory_space<vmem>>, vector<1x16xf32>,
      %swap3A_415 = vector.shape_cast %swap3A_414 : vector<1x16xf32> to vector<16xf32>
      %swap3A_416 = vector.shape_cast %mul3A_411 : vector<16xf32> to vector<1x16xf32>
      tpu.vector_store %arg11[%swap3A_412, %swap3A_413], %swap3A_416 {strides = array<i32>} : memref<50x64xf32, #tpu.memory_space<vmem>>, vector<1x16xf32>,
      %get3A_417 = arith.index_cast %add3A_380 : i32 to index
      %get3A_418 = arith.constant 48 : index
      %get3A_419 = tpu.vector_load %arg7[%get3A_417, %get3A_418] {strides = array<i32>} : memref<50x128xf32, #tpu.memory_space<vmem>>, vector<1x16xf32>,
      %get3A_420 = vector.shape_cast %get3A_419 : vector<1x16xf32> to vector<16xf32>
      %mul3A_421 = arith.constant 8.000000e+00 : f32
      %mul3A_422 = vector.broadcast %mul3A_421 : f32 to vector<16xf32>
      %mul3A_423 = arith.mulf %get3A_420, %mul3A_422 : vector<16xf32>
      %swap3A_424 = arith.index_cast %add3A_380 : i32 to index
      %swap3A_425 = arith.constant 48 : index
      %swap3A_426 = tpu.vector_load %arg11[%swap3A_424, %swap3A_425] {strides = array<i32>} : memref<50x64xf32, #tpu.memory_space<vmem>>, vector<1x16xf32>,
      %swap3A_427 = vector.shape_cast %swap3A_426 : vector<1x16xf32> to vector<16xf32>
      %swap3A_428 = vector.shape_cast %mul3A_423 : vector<16xf32> to vector<1x16xf32>
      tpu.vector_store %arg11[%swap3A_424, %swap3A_425], %swap3A_428 {strides = array<i32>} : memref<50x64xf32, #tpu.memory_space<vmem>>, vector<1x16xf32>,
      %mul3A_429 = arith.constant 5 : i32
      %mul3A_430 = arith.muli %scan3A_326, %mul3A_429 : i32
      %add3A_431 = arith.constant 2 : i32
      %add3A_432 = arith.addi %mul3A_430, %add3A_431 : i32
      %get3A_433 = arith.index_cast %add3A_432 : i32 to index
      %get3A_434 = arith.constant 0 : index
      %get3A_435 = tpu.vector_load %arg7[%get3A_433, %get3A_434] {strides = array<i32>} : memref<50x128xf32, #tpu.memory_space<vmem>>, vector<1x16xf32>,
      %get3A_436 = vector.shape_cast %get3A_435 : vector<1x16xf32> to vector<16xf32>
      %mul3A_437 = arith.constant 8.000000e+00 : f32
      %mul3A_438 = vector.broadcast %mul3A_437 : f32 to vector<16xf32>
      %mul3A_439 = arith.mulf %get3A_436, %mul3A_438 : vector<16xf32>
      %swap3A_440 = arith.index_cast %add3A_432 : i32 to index
      %swap3A_441 = arith.constant 0 : index
      %swap3A_442 = tpu.vector_load %arg11[%swap3A_440, %swap3A_441] {strides = array<i32>} : memref<50x64xf32, #tpu.memory_space<vmem>>, vector<1x16xf32>,
      %swap3A_443 = vector.shape_cast %swap3A_442 : vector<1x16xf32> to vector<16xf32>
      %swap3A_444 = vector.shape_cast %mul3A_439 : vector<16xf32> to vector<1x16xf32>
      tpu.vector_store %arg11[%swap3A_440, %swap3A_441], %swap3A_444 {strides = array<i32>} : memref<50x64xf32, #tpu.memory_space<vmem>>, vector<1x16xf32>,
      %get3A_445 = arith.index_cast %add3A_432 : i32 to index
      %get3A_446 = arith.constant 16 : index
      %get3A_447 = tpu.vector_load %arg7[%get3A_445, %get3A_446] {strides = array<i32>} : memref<50x128xf32, #tpu.memory_space<vmem>>, vector<1x16xf32>,
      %get3A_448 = vector.shape_cast %get3A_447 : vector<1x16xf32> to vector<16xf32>
      %mul3A_449 = arith.constant 8.000000e+00 : f32
      %mul3A_450 = vector.broadcast %mul3A_449 : f32 to vector<16xf32>
      %mul3A_451 = arith.mulf %get3A_448, %mul3A_450 : vector<16xf32>
      %swap3A_452 = arith.index_cast %add3A_432 : i32 to index
      %swap3A_453 = arith.constant 16 : index
      %swap3A_454 = tpu.vector_load %arg11[%swap3A_452, %swap3A_453] {strides = array<i32>} : memref<50x64xf32, #tpu.memory_space<vmem>>, vector<1x16xf32>,
      %swap3A_455 = vector.shape_cast %swap3A_454 : vector<1x16xf32> to vector<16xf32>
      %swap3A_456 = vector.shape_cast %mul3A_451 : vector<16xf32> to vector<1x16xf32>
      tpu.vector_store %arg11[%swap3A_452, %swap3A_453], %swap3A_456 {strides = array<i32>} : memref<50x64xf32, #tpu.memory_space<vmem>>, vector<1x16xf32>,
      %get3A_457 = arith.index_cast %add3A_432 : i32 to index
      %get3A_458 = arith.constant 32 : index
      %get3A_459 = tpu.vector_load %arg7[%get3A_457, %get3A_458] {strides = array<i32>} : memref<50x128xf32, #tpu.memory_space<vmem>>, vector<1x16xf32>,
      %get3A_460 = vector.shape_cast %get3A_459 : vector<1x16xf32> to vector<16xf32>
      %mul3A_461 = arith.constant 8.000000e+00 : f32
      %mul3A_462 = vector.broadcast %mul3A_461 : f32 to vector<16xf32>
      %mul3A_463 = arith.mulf %get3A_460, %mul3A_462 : vector<16xf32>
      %swap3A_464 = arith.index_cast %add3A_432 : i32 to index
      %swap3A_465 = arith.constant 32 : index
      %swap3A_466 = tpu.vector_load %arg11[%swap3A_464, %swap3A_465] {strides = array<i32>} : memref<50x64xf32, #tpu.memory_space<vmem>>, vector<1x16xf32>,
      %swap3A_467 = vector.shape_cast %swap3A_466 : vector<1x16xf32> to vector<16xf32>
      %swap3A_468 = vector.shape_cast %mul3A_463 : vector<16xf32> to vector<1x16xf32>
      tpu.vector_store %arg11[%swap3A_464, %swap3A_465], %swap3A_468 {strides = array<i32>} : memref<50x64xf32, #tpu.memory_space<vmem>>, vector<1x16xf32>,
      %get3A_469 = arith.index_cast %add3A_432 : i32 to index
      %get3A_470 = arith.constant 48 : index
      %get3A_471 = tpu.vector_load %arg7[%get3A_469, %get3A_470] {strides = array<i32>} : memref<50x128xf32, #tpu.memory_space<vmem>>, vector<1x16xf32>,
      %get3A_472 = vector.shape_cast %get3A_471 : vector<1x16xf32> to vector<16xf32>
      %mul3A_473 = arith.constant 8.000000e+00 : f32
      %mul3A_474 = vector.broadcast %mul3A_473 : f32 to vector<16xf32>
      %mul3A_475 = arith.mulf %get3A_472, %mul3A_474 : vector<16xf32>
      %swap3A_476 = arith.index_cast %add3A_432 : i32 to index
      %swap3A_477 = arith.constant 48 : index
      %swap3A_478 = tpu.vector_load %arg11[%swap3A_476, %swap3A_477] {strides = array<i32>} : memref<50x64xf32, #tpu.memory_space<vmem>>, vector<1x16xf32>,
      %swap3A_479 = vector.shape_cast %swap3A_478 : vector<1x16xf32> to vector<16xf32>
      %swap3A_480 = vector.shape_cast %mul3A_475 : vector<16xf32> to vector<1x16xf32>
      tpu.vector_store %arg11[%swap3A_476, %swap3A_477], %swap3A_480 {strides = array<i32>} : memref<50x64xf32, #tpu.memory_space<vmem>>, vector<1x16xf32>,
      %mul3A_481 = arith.constant 5 : i32
      %mul3A_482 = arith.muli %scan3A_326, %mul3A_481 : i32
      %add3A_483 = arith.constant 3 : i32
      %add3A_484 = arith.addi %mul3A_482, %add3A_483 : i32
      %get3A_485 = arith.index_cast %add3A_484 : i32 to index
      %get3A_486 = arith.constant 0 : index
      %get3A_487 = tpu.vector_load %arg7[%get3A_485, %get3A_486] {strides = array<i32>} : memref<50x128xf32, #tpu.memory_space<vmem>>, vector<1x16xf32>,
      %get3A_488 = vector.shape_cast %get3A_487 : vector<1x16xf32> to vector<16xf32>
      %mul3A_489 = arith.constant 8.000000e+00 : f32
      %mul3A_490 = vector.broadcast %mul3A_489 : f32 to vector<16xf32>
      %mul3A_491 = arith.mulf %get3A_488, %mul3A_490 : vector<16xf32>
      %swap3A_492 = arith.index_cast %add3A_484 : i32 to index
      %swap3A_493 = arith.constant 0 : index
      %swap3A_494 = tpu.vector_load %arg11[%swap3A_492, %swap3A_493] {strides = array<i32>} : memref<50x64xf32, #tpu.memory_space<vmem>>, vector<1x16xf32>,
      %swap3A_495 = vector.shape_cast %swap3A_494 : vector<1x16xf32> to vector<16xf32>
      %swap3A_496 = vector.shape_cast %mul3A_491 : vector<16xf32> to vector<1x16xf32>
      tpu.vector_store %arg11[%swap3A_492, %swap3A_493], %swap3A_496 {strides = array<i32>} : memref<50x64xf32, #tpu.memory_space<vmem>>, vector<1x16xf32>,
      %get3A_497 = arith.index_cast %add3A_484 : i32 to index
      %get3A_498 = arith.constant 16 : index
      %get3A_499 = tpu.vector_load %arg7[%get3A_497, %get3A_498] {strides = array<i32>} : memref<50x128xf32, #tpu.memory_space<vmem>>, vector<1x16xf32>,
      %get3A_500 = vector.shape_cast %get3A_499 : vector<1x16xf32> to vector<16xf32>
      %mul3A_501 = arith.constant 8.000000e+00 : f32
      %mul3A_502 = vector.broadcast %mul3A_501 : f32 to vector<16xf32>
      %mul3A_503 = arith.mulf %get3A_500, %mul3A_502 : vector<16xf32>
      %swap3A_504 = arith.index_cast %add3A_484 : i32 to index
      %swap3A_505 = arith.constant 16 : index
      %swap3A_506 = tpu.vector_load %arg11[%swap3A_504, %swap3A_505] {strides = array<i32>} : memref<50x64xf32, #tpu.memory_space<vmem>>, vector<1x16xf32>,
      %swap3A_507 = vector.shape_cast %swap3A_506 : vector<1x16xf32> to vector<16xf32>
      %swap3A_508 = vector.shape_cast %mul3A_503 : vector<16xf32> to vector<1x16xf32>
      tpu.vector_store %arg11[%swap3A_504, %swap3A_505], %swap3A_508 {strides = array<i32>} : memref<50x64xf32, #tpu.memory_space<vmem>>, vector<1x16xf32>,
      %get3A_509 = arith.index_cast %add3A_484 : i32 to index
      %get3A_510 = arith.constant 32 : index
      %get3A_511 = tpu.vector_load %arg7[%get3A_509, %get3A_510] {strides = array<i32>} : memref<50x128xf32, #tpu.memory_space<vmem>>, vector<1x16xf32>,
      %get3A_512 = vector.shape_cast %get3A_511 : vector<1x16xf32> to vector<16xf32>
      %mul3A_513 = arith.constant 8.000000e+00 : f32
      %mul3A_514 = vector.broadcast %mul3A_513 : f32 to vector<16xf32>
      %mul3A_515 = arith.mulf %get3A_512, %mul3A_514 : vector<16xf32>
      %swap3A_516 = arith.index_cast %add3A_484 : i32 to index
      %swap3A_517 = arith.constant 32 : index
      %swap3A_518 = tpu.vector_load %arg11[%swap3A_516, %swap3A_517] {strides = array<i32>} : memref<50x64xf32, #tpu.memory_space<vmem>>, vector<1x16xf32>,
      %swap3A_519 = vector.shape_cast %swap3A_518 : vector<1x16xf32> to vector<16xf32>
      %swap3A_520 = vector.shape_cast %mul3A_515 : vector<16xf32> to vector<1x16xf32>
      tpu.vector_store %arg11[%swap3A_516, %swap3A_517], %swap3A_520 {strides = array<i32>} : memref<50x64xf32, #tpu.memory_space<vmem>>, vector<1x16xf32>,
      %get3A_521 = arith.index_cast %add3A_484 : i32 to index
      %get3A_522 = arith.constant 48 : index
      %get3A_523 = tpu.vector_load %arg7[%get3A_521, %get3A_522] {strides = array<i32>} : memref<50x128xf32, #tpu.memory_space<vmem>>, vector<1x16xf32>,
      %get3A_524 = vector.shape_cast %get3A_523 : vector<1x16xf32> to vector<16xf32>
      %mul3A_525 = arith.constant 8.000000e+00 : f32
      %mul3A_526 = vector.broadcast %mul3A_525 : f32 to vector<16xf32>
      %mul3A_527 = arith.mulf %get3A_524, %mul3A_526 : vector<16xf32>
      %swap3A_528 = arith.index_cast %add3A_484 : i32 to index
      %swap3A_529 = arith.constant 48 : index
      %swap3A_530 = tpu.vector_load %arg11[%swap3A_528, %swap3A_529] {strides = array<i32>} : memref<50x64xf32, #tpu.memory_space<vmem>>, vector<1x16xf32>,
      %swap3A_531 = vector.shape_cast %swap3A_530 : vector<1x16xf32> to vector<16xf32>
      %swap3A_532 = vector.shape_cast %mul3A_527 : vector<16xf32> to vector<1x16xf32>
      tpu.vector_store %arg11[%swap3A_528, %swap3A_529], %swap3A_532 {strides = array<i32>} : memref<50x64xf32, #tpu.memory_space<vmem>>, vector<1x16xf32>,
      %mul3A_533 = arith.constant 5 : i32
      %mul3A_534 = arith.muli %scan3A_326, %mul3A_533 : i32
      %add3A_535 = arith.constant 4 : i32
      %add3A_536 = arith.addi %mul3A_534, %add3A_535 : i32
      %get3A_537 = arith.index_cast %add3A_536 : i32 to index
      %get3A_538 = arith.constant 0 : index
      %get3A_539 = tpu.vector_load %arg7[%get3A_537, %get3A_538] {strides = array<i32>} : memref<50x128xf32, #tpu.memory_space<vmem>>, vector<1x16xf32>,
      %get3A_540 = vector.shape_cast %get3A_539 : vector<1x16xf32> to vector<16xf32>
      %mul3A_541 = arith.constant 8.000000e+00 : f32
      %mul3A_542 = vector.broadcast %mul3A_541 : f32 to vector<16xf32>
      %mul3A_543 = arith.mulf %get3A_540, %mul3A_542 : vector<16xf32>
      %swap3A_544 = arith.index_cast %add3A_536 : i32 to index
      %swap3A_545 = arith.constant 0 : index
      %swap3A_546 = tpu.vector_load %arg11[%swap3A_544, %swap3A_545] {strides = array<i32>} : memref<50x64xf32, #tpu.memory_space<vmem>>, vector<1x16xf32>,
      %swap3A_547 = vector.shape_cast %swap3A_546 : vector<1x16xf32> to vector<16xf32>
      %swap3A_548 = vector.shape_cast %mul3A_543 : vector<16xf32> to vector<1x16xf32>
      tpu.vector_store %arg11[%swap3A_544, %swap3A_545], %swap3A_548 {strides = array<i32>} : memref<50x64xf32, #tpu.memory_space<vmem>>, vector<1x16xf32>,
      %get3A_549 = arith.index_cast %add3A_536 : i32 to index
      %get3A_550 = arith.constant 16 : index
      %get3A_551 = tpu.vector_load %arg7[%get3A_549, %get3A_550] {strides = array<i32>} : memref<50x128xf32, #tpu.memory_space<vmem>>, vector<1x16xf32>,
      %get3A_552 = vector.shape_cast %get3A_551 : vector<1x16xf32> to vector<16xf32>
      %mul3A_553 = arith.constant 8.000000e+00 : f32
      %mul3A_554 = vector.broadcast %mul3A_553 : f32 to vector<16xf32>
      %mul3A_555 = arith.mulf %get3A_552, %mul3A_554 : vector<16xf32>
      %swap3A_556 = arith.index_cast %add3A_536 : i32 to index
      %swap3A_557 = arith.constant 16 : index
      %swap3A_558 = tpu.vector_load %arg11[%swap3A_556, %swap3A_557] {strides = array<i32>} : memref<50x64xf32, #tpu.memory_space<vmem>>, vector<1x16xf32>,
      %swap3A_559 = vector.shape_cast %swap3A_558 : vector<1x16xf32> to vector<16xf32>
      %swap3A_560 = vector.shape_cast %mul3A_555 : vector<16xf32> to vector<1x16xf32>
      tpu.vector_store %arg11[%swap3A_556, %swap3A_557], %swap3A_560 {strides = array<i32>} : memref<50x64xf32, #tpu.memory_space<vmem>>, vector<1x16xf32>,
      %get3A_561 = arith.index_cast %add3A_536 : i32 to index
      %get3A_562 = arith.constant 32 : index
      %get3A_563 = tpu.vector_load %arg7[%get3A_561, %get3A_562] {strides = array<i32>} : memref<50x128xf32, #tpu.memory_space<vmem>>, vector<1x16xf32>,
      %get3A_564 = vector.shape_cast %get3A_563 : vector<1x16xf32> to vector<16xf32>
      %mul3A_565 = arith.constant 8.000000e+00 : f32
      %mul3A_566 = vector.broadcast %mul3A_565 : f32 to vector<16xf32>
      %mul3A_567 = arith.mulf %get3A_564, %mul3A_566 : vector<16xf32>
      %swap3A_568 = arith.index_cast %add3A_536 : i32 to index
      %swap3A_569 = arith.constant 32 : index
      %swap3A_570 = tpu.vector_load %arg11[%swap3A_568, %swap3A_569] {strides = array<i32>} : memref<50x64xf32, #tpu.memory_space<vmem>>, vector<1x16xf32>,
      %swap3A_571 = vector.shape_cast %swap3A_570 : vector<1x16xf32> to vector<16xf32>
      %swap3A_572 = vector.shape_cast %mul3A_567 : vector<16xf32> to vector<1x16xf32>
      tpu.vector_store %arg11[%swap3A_568, %swap3A_569], %swap3A_572 {strides = array<i32>} : memref<50x64xf32, #tpu.memory_space<vmem>>, vector<1x16xf32>,
      %get3A_573 = arith.index_cast %add3A_536 : i32 to index
      %get3A_574 = arith.constant 48 : index
      %get3A_575 = tpu.vector_load %arg7[%get3A_573, %get3A_574] {strides = array<i32>} : memref<50x128xf32, #tpu.memory_space<vmem>>, vector<1x16xf32>,
      %get3A_576 = vector.shape_cast %get3A_575 : vector<1x16xf32> to vector<16xf32>
      %mul3A_577 = arith.constant 8.000000e+00 : f32
      %mul3A_578 = vector.broadcast %mul3A_577 : f32 to vector<16xf32>
      %mul3A_579 = arith.mulf %get3A_576, %mul3A_578 : vector<16xf32>
      %swap3A_580 = arith.index_cast %add3A_536 : i32 to index
      %swap3A_581 = arith.constant 48 : index
      %swap3A_582 = tpu.vector_load %arg11[%swap3A_580, %swap3A_581] {strides = array<i32>} : memref<50x64xf32, #tpu.memory_space<vmem>>, vector<1x16xf32>,
      %swap3A_583 = vector.shape_cast %swap3A_582 : vector<1x16xf32> to vector<16xf32>
      %swap3A_584 = vector.shape_cast %mul3A_579 : vector<16xf32> to vector<1x16xf32>
      tpu.vector_store %arg11[%swap3A_580, %swap3A_581], %swap3A_584 {strides = array<i32>} : memref<50x64xf32, #tpu.memory_space<vmem>>, vector<1x16xf32>,
    }
    %scan3A_209 = arith.constant 10 : i32
    %add3A_210 = arith.constant 125 : i32
    %add3A_211 = arith.addi %mul3A_2, %add3A_210 : i32
    %dma_start3A_212 = arith.constant 0 : i32
    %dma_start3A_213 = arith.constant 0 : i32
    %dma_start3A_214 = tpu.memref_slice %arg4[%add3A_211, %dma_start3A_212, %dma_start3A_213] : memref<4096x50x64xf32, #tpu.memory_space<hbm>> -> memref<1x50x64xf32, #tpu.memory_space<hbm>>
    %dma_start3A_215 = tpu.memref_squeeze %dma_start3A_214 : memref<1x50x64xf32, #tpu.memory_space<hbm>> -> memref<50x64xf32, #tpu.memory_space<hbm>>
    %dma_start3A_216 = arith.constant 0 : i32
    %dma_start3A_217 = arith.constant 0 : i32
    %dma_start3A_218 = tpu.memref_slice %arg4[%add3A_211, %dma_start3A_216, %dma_start3A_217] : memref<4096x50x64xf32, #tpu.memory_space<hbm>> -> memref<1x50x64xf32, #tpu.memory_space<hbm>>
    %dma_start3A_219 = tpu.memref_squeeze %dma_start3A_218 : memref<1x50x64xf32, #tpu.memory_space<hbm>> -> memref<50x64xf32, #tpu.memory_space<hbm>>
    tpu.enqueue_dma source(%arg11 : memref<50x64xf32, #tpu.memory_space<vmem>>) target(%dma_start3A_219 : memref<50x64xf32, #tpu.memory_space<hbm>>) target_semaphore(%arg19 : memref<!tpu.dma_semaphore, #tpu.memory_space<semaphore_mem>>)
    %dma_wait3A_220 = arith.constant 126 : i32
    %dma_wait3A_221 = arith.constant 0 : i32
    %dma_wait3A_222 = tpu.memref_slice %arg5[%dma_wait3A_220, %dma_wait3A_221] : memref<128x50xi32, #tpu.memory_space<vmem>> -> memref<1x50xi32, #tpu.memory_space<vmem>>
    %dma_wait3A_223 = tpu.memref_squeeze %dma_wait3A_222 : memref<1x50xi32, #tpu.memory_space<vmem>> -> memref<50xi32, #tpu.memory_space<vmem>>
    %dma_wait3A_224 = arith.constant 0 : i32
    %dma_wait3A_225 = arith.constant 0 : i32
    %dma_wait3A_226 = tpu.memref_slice %arg3[%dma_wait3A_224, %dma_wait3A_225] : memref<100000x128xf32, #tpu.memory_space<hbm>> -> memref<100000x128xf32, #tpu.memory_space<hbm>>
    tpu.wait_indirect_dma semaphore(%arg16 : memref<!tpu.dma_semaphore, #tpu.memory_space<semaphore_mem>>) src(%dma_wait3A_226 : memref<100000x128xf32, #tpu.memory_space<hbm>>) dst(%arg8 : memref<50x128xf32, #tpu.memory_space<vmem>>)
    %add3A_227 = arith.constant 122 : i32
    %add3A_228 = arith.addi %mul3A_2, %add3A_227 : i32
    %dma_wait3A_229 = arith.constant 0 : i32
    %dma_wait3A_230 = arith.constant 0 : i32
    %dma_wait3A_231 = tpu.memref_slice %arg4[%add3A_228, %dma_wait3A_229, %dma_wait3A_230] : memref<4096x50x64xf32, #tpu.memory_space<hbm>> -> memref<1x50x64xf32, #tpu.memory_space<hbm>>
    %dma_wait3A_232 = tpu.memref_squeeze %dma_wait3A_231 : memref<1x50x64xf32, #tpu.memory_space<hbm>> -> memref<50x64xf32, #tpu.memory_space<hbm>>
    %dma_wait3A_233 = arith.constant 0 : i32
    %dma_wait3A_234 = arith.constant 0 : i32
    %dma_wait3A_235 = tpu.memref_slice %arg4[%add3A_228, %dma_wait3A_233, %dma_wait3A_234] : memref<4096x50x64xf32, #tpu.memory_space<hbm>> -> memref<1x50x64xf32, #tpu.memory_space<hbm>>
    %dma_wait3A_236 = tpu.memref_squeeze %dma_wait3A_235 : memref<1x50x64xf32, #tpu.memory_space<hbm>> -> memref<50x64xf32, #tpu.memory_space<hbm>>
    tpu.wait_dma2 semaphore(%arg20 : memref<!tpu.dma_semaphore, #tpu.memory_space<semaphore_mem>>) src(%arg12 : memref<50x64xf32, #tpu.memory_space<vmem>>) dst(%dma_wait3A_236 : memref<50x64xf32, #tpu.memory_space<hbm>>)
    %scan3A_237 = arith.constant 0 : i32
    %scan3A_238 = arith.constant 0 : i32
    %scan3A_239 = arith.constant 10 : i32
    %scan3A_240 = arith.addi %scan3A_238, %scan3A_239 : i32
    %scan3A_241 = arith.constant 1 : i32
    scf.for %scan3A_326 = %scan3A_238 to %scan3A_240 step %scan3A_241  : i32 {
      %mul3A_327 = arith.constant 5 : i32
      %mul3A_328 = arith.muli %scan3A_326, %mul3A_327 : i32
      %add3A_329 = arith.constant 0 : i32
      %add3A_330 = arith.addi %mul3A_328, %add3A_329 : i32
      %get3A = arith.index_cast %add3A_330 : i32 to index
      %get3A_331 = arith.constant 0 : index
      %get3A_332 = tpu.vector_load %arg8[%get3A, %get3A_331] {strides = array<i32>} : memref<50x128xf32, #tpu.memory_space<vmem>>, vector<1x16xf32>,
      %get3A_333 = vector.shape_cast %get3A_332 : vector<1x16xf32> to vector<16xf32>
      %mul3A_334 = arith.constant 8.000000e+00 : f32
      %mul3A_335 = vector.broadcast %mul3A_334 : f32 to vector<16xf32>
      %mul3A_336 = arith.mulf %get3A_333, %mul3A_335 : vector<16xf32>
      %swap3A = arith.index_cast %add3A_330 : i32 to index
      %swap3A_337 = arith.constant 0 : index
      %swap3A_338 = tpu.vector_load %arg12[%swap3A, %swap3A_337] {strides = array<i32>} : memref<50x64xf32, #tpu.memory_space<vmem>>, vector<1x16xf32>,
      %swap3A_339 = vector.shape_cast %swap3A_338 : vector<1x16xf32> to vector<16xf32>
      %swap3A_340 = vector.shape_cast %mul3A_336 : vector<16xf32> to vector<1x16xf32>
      tpu.vector_store %arg12[%swap3A, %swap3A_337], %swap3A_340 {strides = array<i32>} : memref<50x64xf32, #tpu.memory_space<vmem>>, vector<1x16xf32>,
      %get3A_341 = arith.index_cast %add3A_330 : i32 to index
      %get3A_342 = arith.constant 16 : index
      %get3A_343 = tpu.vector_load %arg8[%get3A_341, %get3A_342] {strides = array<i32>} : memref<50x128xf32, #tpu.memory_space<vmem>>, vector<1x16xf32>,
      %get3A_344 = vector.shape_cast %get3A_343 : vector<1x16xf32> to vector<16xf32>
      %mul3A_345 = arith.constant 8.000000e+00 : f32
      %mul3A_346 = vector.broadcast %mul3A_345 : f32 to vector<16xf32>
      %mul3A_347 = arith.mulf %get3A_344, %mul3A_346 : vector<16xf32>
      %swap3A_348 = arith.index_cast %add3A_330 : i32 to index
      %swap3A_349 = arith.constant 16 : index
      %swap3A_350 = tpu.vector_load %arg12[%swap3A_348, %swap3A_349] {strides = array<i32>} : memref<50x64xf32, #tpu.memory_space<vmem>>, vector<1x16xf32>,
      %swap3A_351 = vector.shape_cast %swap3A_350 : vector<1x16xf32> to vector<16xf32>
      %swap3A_352 = vector.shape_cast %mul3A_347 : vector<16xf32> to vector<1x16xf32>
      tpu.vector_store %arg12[%swap3A_348, %swap3A_349], %swap3A_352 {strides = array<i32>} : memref<50x64xf32, #tpu.memory_space<vmem>>, vector<1x16xf32>,
      %get3A_353 = arith.index_cast %add3A_330 : i32 to index
      %get3A_354 = arith.constant 32 : index
      %get3A_355 = tpu.vector_load %arg8[%get3A_353, %get3A_354] {strides = array<i32>} : memref<50x128xf32, #tpu.memory_space<vmem>>, vector<1x16xf32>,
      %get3A_356 = vector.shape_cast %get3A_355 : vector<1x16xf32> to vector<16xf32>
      %mul3A_357 = arith.constant 8.000000e+00 : f32
      %mul3A_358 = vector.broadcast %mul3A_357 : f32 to vector<16xf32>
      %mul3A_359 = arith.mulf %get3A_356, %mul3A_358 : vector<16xf32>
      %swap3A_360 = arith.index_cast %add3A_330 : i32 to index
      %swap3A_361 = arith.constant 32 : index
      %swap3A_362 = tpu.vector_load %arg12[%swap3A_360, %swap3A_361] {strides = array<i32>} : memref<50x64xf32, #tpu.memory_space<vmem>>, vector<1x16xf32>,
      %swap3A_363 = vector.shape_cast %swap3A_362 : vector<1x16xf32> to vector<16xf32>
      %swap3A_364 = vector.shape_cast %mul3A_359 : vector<16xf32> to vector<1x16xf32>
      tpu.vector_store %arg12[%swap3A_360, %swap3A_361], %swap3A_364 {strides = array<i32>} : memref<50x64xf32, #tpu.memory_space<vmem>>, vector<1x16xf32>,
      %get3A_365 = arith.index_cast %add3A_330 : i32 to index
      %get3A_366 = arith.constant 48 : index
      %get3A_367 = tpu.vector_load %arg8[%get3A_365, %get3A_366] {strides = array<i32>} : memref<50x128xf32, #tpu.memory_space<vmem>>, vector<1x16xf32>,
      %get3A_368 = vector.shape_cast %get3A_367 : vector<1x16xf32> to vector<16xf32>
      %mul3A_369 = arith.constant 8.000000e+00 : f32
      %mul3A_370 = vector.broadcast %mul3A_369 : f32 to vector<16xf32>
      %mul3A_371 = arith.mulf %get3A_368, %mul3A_370 : vector<16xf32>
      %swap3A_372 = arith.index_cast %add3A_330 : i32 to index
      %swap3A_373 = arith.constant 48 : index
      %swap3A_374 = tpu.vector_load %arg12[%swap3A_372, %swap3A_373] {strides = array<i32>} : memref<50x64xf32, #tpu.memory_space<vmem>>, vector<1x16xf32>,
      %swap3A_375 = vector.shape_cast %swap3A_374 : vector<1x16xf32> to vector<16xf32>
      %swap3A_376 = vector.shape_cast %mul3A_371 : vector<16xf32> to vector<1x16xf32>
      tpu.vector_store %arg12[%swap3A_372, %swap3A_373], %swap3A_376 {strides = array<i32>} : memref<50x64xf32, #tpu.memory_space<vmem>>, vector<1x16xf32>,
      %mul3A_377 = arith.constant 5 : i32
      %mul3A_378 = arith.muli %scan3A_326, %mul3A_377 : i32
      %add3A_379 = arith.constant 1 : i32
      %add3A_380 = arith.addi %mul3A_378, %add3A_379 : i32
      %get3A_381 = arith.index_cast %add3A_380 : i32 to index
      %get3A_382 = arith.constant 0 : index
      %get3A_383 = tpu.vector_load %arg8[%get3A_381, %get3A_382] {strides = array<i32>} : memref<50x128xf32, #tpu.memory_space<vmem>>, vector<1x16xf32>,
      %get3A_384 = vector.shape_cast %get3A_383 : vector<1x16xf32> to vector<16xf32>
      %mul3A_385 = arith.constant 8.000000e+00 : f32
      %mul3A_386 = vector.broadcast %mul3A_385 : f32 to vector<16xf32>
      %mul3A_387 = arith.mulf %get3A_384, %mul3A_386 : vector<16xf32>
      %swap3A_388 = arith.index_cast %add3A_380 : i32 to index
      %swap3A_389 = arith.constant 0 : index
      %swap3A_390 = tpu.vector_load %arg12[%swap3A_388, %swap3A_389] {strides = array<i32>} : memref<50x64xf32, #tpu.memory_space<vmem>>, vector<1x16xf32>,
      %swap3A_391 = vector.shape_cast %swap3A_390 : vector<1x16xf32> to vector<16xf32>
      %swap3A_392 = vector.shape_cast %mul3A_387 : vector<16xf32> to vector<1x16xf32>
      tpu.vector_store %arg12[%swap3A_388, %swap3A_389], %swap3A_392 {strides = array<i32>} : memref<50x64xf32, #tpu.memory_space<vmem>>, vector<1x16xf32>,
      %get3A_393 = arith.index_cast %add3A_380 : i32 to index
      %get3A_394 = arith.constant 16 : index
      %get3A_395 = tpu.vector_load %arg8[%get3A_393, %get3A_394] {strides = array<i32>} : memref<50x128xf32, #tpu.memory_space<vmem>>, vector<1x16xf32>,
      %get3A_396 = vector.shape_cast %get3A_395 : vector<1x16xf32> to vector<16xf32>
      %mul3A_397 = arith.constant 8.000000e+00 : f32
      %mul3A_398 = vector.broadcast %mul3A_397 : f32 to vector<16xf32>
      %mul3A_399 = arith.mulf %get3A_396, %mul3A_398 : vector<16xf32>
      %swap3A_400 = arith.index_cast %add3A_380 : i32 to index
      %swap3A_401 = arith.constant 16 : index
      %swap3A_402 = tpu.vector_load %arg12[%swap3A_400, %swap3A_401] {strides = array<i32>} : memref<50x64xf32, #tpu.memory_space<vmem>>, vector<1x16xf32>,
      %swap3A_403 = vector.shape_cast %swap3A_402 : vector<1x16xf32> to vector<16xf32>
      %swap3A_404 = vector.shape_cast %mul3A_399 : vector<16xf32> to vector<1x16xf32>
      tpu.vector_store %arg12[%swap3A_400, %swap3A_401], %swap3A_404 {strides = array<i32>} : memref<50x64xf32, #tpu.memory_space<vmem>>, vector<1x16xf32>,
      %get3A_405 = arith.index_cast %add3A_380 : i32 to index
      %get3A_406 = arith.constant 32 : index
      %get3A_407 = tpu.vector_load %arg8[%get3A_405, %get3A_406] {strides = array<i32>} : memref<50x128xf32, #tpu.memory_space<vmem>>, vector<1x16xf32>,
      %get3A_408 = vector.shape_cast %get3A_407 : vector<1x16xf32> to vector<16xf32>
      %mul3A_409 = arith.constant 8.000000e+00 : f32
      %mul3A_410 = vector.broadcast %mul3A_409 : f32 to vector<16xf32>
      %mul3A_411 = arith.mulf %get3A_408, %mul3A_410 : vector<16xf32>
      %swap3A_412 = arith.index_cast %add3A_380 : i32 to index
      %swap3A_413 = arith.constant 32 : index
      %swap3A_414 = tpu.vector_load %arg12[%swap3A_412, %swap3A_413] {strides = array<i32>} : memref<50x64xf32, #tpu.memory_space<vmem>>, vector<1x16xf32>,
      %swap3A_415 = vector.shape_cast %swap3A_414 : vector<1x16xf32> to vector<16xf32>
      %swap3A_416 = vector.shape_cast %mul3A_411 : vector<16xf32> to vector<1x16xf32>
      tpu.vector_store %arg12[%swap3A_412, %swap3A_413], %swap3A_416 {strides = array<i32>} : memref<50x64xf32, #tpu.memory_space<vmem>>, vector<1x16xf32>,
      %get3A_417 = arith.index_cast %add3A_380 : i32 to index
      %get3A_418 = arith.constant 48 : index
      %get3A_419 = tpu.vector_load %arg8[%get3A_417, %get3A_418] {strides = array<i32>} : memref<50x128xf32, #tpu.memory_space<vmem>>, vector<1x16xf32>,
      %get3A_420 = vector.shape_cast %get3A_419 : vector<1x16xf32> to vector<16xf32>
      %mul3A_421 = arith.constant 8.000000e+00 : f32
      %mul3A_422 = vector.broadcast %mul3A_421 : f32 to vector<16xf32>
      %mul3A_423 = arith.mulf %get3A_420, %mul3A_422 : vector<16xf32>
      %swap3A_424 = arith.index_cast %add3A_380 : i32 to index
      %swap3A_425 = arith.constant 48 : index
      %swap3A_426 = tpu.vector_load %arg12[%swap3A_424, %swap3A_425] {strides = array<i32>} : memref<50x64xf32, #tpu.memory_space<vmem>>, vector<1x16xf32>,
      %swap3A_427 = vector.shape_cast %swap3A_426 : vector<1x16xf32> to vector<16xf32>
      %swap3A_428 = vector.shape_cast %mul3A_423 : vector<16xf32> to vector<1x16xf32>
      tpu.vector_store %arg12[%swap3A_424, %swap3A_425], %swap3A_428 {strides = array<i32>} : memref<50x64xf32, #tpu.memory_space<vmem>>, vector<1x16xf32>,
      %mul3A_429 = arith.constant 5 : i32
      %mul3A_430 = arith.muli %scan3A_326, %mul3A_429 : i32
      %add3A_431 = arith.constant 2 : i32
      %add3A_432 = arith.addi %mul3A_430, %add3A_431 : i32
      %get3A_433 = arith.index_cast %add3A_432 : i32 to index
      %get3A_434 = arith.constant 0 : index
      %get3A_435 = tpu.vector_load %arg8[%get3A_433, %get3A_434] {strides = array<i32>} : memref<50x128xf32, #tpu.memory_space<vmem>>, vector<1x16xf32>,
      %get3A_436 = vector.shape_cast %get3A_435 : vector<1x16xf32> to vector<16xf32>
      %mul3A_437 = arith.constant 8.000000e+00 : f32
      %mul3A_438 = vector.broadcast %mul3A_437 : f32 to vector<16xf32>
      %mul3A_439 = arith.mulf %get3A_436, %mul3A_438 : vector<16xf32>
      %swap3A_440 = arith.index_cast %add3A_432 : i32 to index
      %swap3A_441 = arith.constant 0 : index
      %swap3A_442 = tpu.vector_load %arg12[%swap3A_440, %swap3A_441] {strides = array<i32>} : memref<50x64xf32, #tpu.memory_space<vmem>>, vector<1x16xf32>,
      %swap3A_443 = vector.shape_cast %swap3A_442 : vector<1x16xf32> to vector<16xf32>
      %swap3A_444 = vector.shape_cast %mul3A_439 : vector<16xf32> to vector<1x16xf32>
      tpu.vector_store %arg12[%swap3A_440, %swap3A_441], %swap3A_444 {strides = array<i32>} : memref<50x64xf32, #tpu.memory_space<vmem>>, vector<1x16xf32>,
      %get3A_445 = arith.index_cast %add3A_432 : i32 to index
      %get3A_446 = arith.constant 16 : index
      %get3A_447 = tpu.vector_load %arg8[%get3A_445, %get3A_446] {strides = array<i32>} : memref<50x128xf32, #tpu.memory_space<vmem>>, vector<1x16xf32>,
      %get3A_448 = vector.shape_cast %get3A_447 : vector<1x16xf32> to vector<16xf32>
      %mul3A_449 = arith.constant 8.000000e+00 : f32
      %mul3A_450 = vector.broadcast %mul3A_449 : f32 to vector<16xf32>
      %mul3A_451 = arith.mulf %get3A_448, %mul3A_450 : vector<16xf32>
      %swap3A_452 = arith.index_cast %add3A_432 : i32 to index
      %swap3A_453 = arith.constant 16 : index
      %swap3A_454 = tpu.vector_load %arg12[%swap3A_452, %swap3A_453] {strides = array<i32>} : memref<50x64xf32, #tpu.memory_space<vmem>>, vector<1x16xf32>,
      %swap3A_455 = vector.shape_cast %swap3A_454 : vector<1x16xf32> to vector<16xf32>
      %swap3A_456 = vector.shape_cast %mul3A_451 : vector<16xf32> to vector<1x16xf32>
      tpu.vector_store %arg12[%swap3A_452, %swap3A_453], %swap3A_456 {strides = array<i32>} : memref<50x64xf32, #tpu.memory_space<vmem>>, vector<1x16xf32>,
      %get3A_457 = arith.index_cast %add3A_432 : i32 to index
      %get3A_458 = arith.constant 32 : index
      %get3A_459 = tpu.vector_load %arg8[%get3A_457, %get3A_458] {strides = array<i32>} : memref<50x128xf32, #tpu.memory_space<vmem>>, vector<1x16xf32>,
      %get3A_460 = vector.shape_cast %get3A_459 : vector<1x16xf32> to vector<16xf32>
      %mul3A_461 = arith.constant 8.000000e+00 : f32
      %mul3A_462 = vector.broadcast %mul3A_461 : f32 to vector<16xf32>
      %mul3A_463 = arith.mulf %get3A_460, %mul3A_462 : vector<16xf32>
      %swap3A_464 = arith.index_cast %add3A_432 : i32 to index
      %swap3A_465 = arith.constant 32 : index
      %swap3A_466 = tpu.vector_load %arg12[%swap3A_464, %swap3A_465] {strides = array<i32>} : memref<50x64xf32, #tpu.memory_space<vmem>>, vector<1x16xf32>,
      %swap3A_467 = vector.shape_cast %swap3A_466 : vector<1x16xf32> to vector<16xf32>
      %swap3A_468 = vector.shape_cast %mul3A_463 : vector<16xf32> to vector<1x16xf32>
      tpu.vector_store %arg12[%swap3A_464, %swap3A_465], %swap3A_468 {strides = array<i32>} : memref<50x64xf32, #tpu.memory_space<vmem>>, vector<1x16xf32>,
      %get3A_469 = arith.index_cast %add3A_432 : i32 to index
      %get3A_470 = arith.constant 48 : index
      %get3A_471 = tpu.vector_load %arg8[%get3A_469, %get3A_470] {strides = array<i32>} : memref<50x128xf32, #tpu.memory_space<vmem>>, vector<1x16xf32>,
      %get3A_472 = vector.shape_cast %get3A_471 : vector<1x16xf32> to vector<16xf32>
      %mul3A_473 = arith.constant 8.000000e+00 : f32
      %mul3A_474 = vector.broadcast %mul3A_473 : f32 to vector<16xf32>
      %mul3A_475 = arith.mulf %get3A_472, %mul3A_474 : vector<16xf32>
      %swap3A_476 = arith.index_cast %add3A_432 : i32 to index
      %swap3A_477 = arith.constant 48 : index
      %swap3A_478 = tpu.vector_load %arg12[%swap3A_476, %swap3A_477] {strides = array<i32>} : memref<50x64xf32, #tpu.memory_space<vmem>>, vector<1x16xf32>,
      %swap3A_479 = vector.shape_cast %swap3A_478 : vector<1x16xf32> to vector<16xf32>
      %swap3A_480 = vector.shape_cast %mul3A_475 : vector<16xf32> to vector<1x16xf32>
      tpu.vector_store %arg12[%swap3A_476, %swap3A_477], %swap3A_480 {strides = array<i32>} : memref<50x64xf32, #tpu.memory_space<vmem>>, vector<1x16xf32>,
      %mul3A_481 = arith.constant 5 : i32
      %mul3A_482 = arith.muli %scan3A_326, %mul3A_481 : i32
      %add3A_483 = arith.constant 3 : i32
      %add3A_484 = arith.addi %mul3A_482, %add3A_483 : i32
      %get3A_485 = arith.index_cast %add3A_484 : i32 to index
      %get3A_486 = arith.constant 0 : index
      %get3A_487 = tpu.vector_load %arg8[%get3A_485, %get3A_486] {strides = array<i32>} : memref<50x128xf32, #tpu.memory_space<vmem>>, vector<1x16xf32>,
      %get3A_488 = vector.shape_cast %get3A_487 : vector<1x16xf32> to vector<16xf32>
      %mul3A_489 = arith.constant 8.000000e+00 : f32
      %mul3A_490 = vector.broadcast %mul3A_489 : f32 to vector<16xf32>
      %mul3A_491 = arith.mulf %get3A_488, %mul3A_490 : vector<16xf32>
      %swap3A_492 = arith.index_cast %add3A_484 : i32 to index
      %swap3A_493 = arith.constant 0 : index
      %swap3A_494 = tpu.vector_load %arg12[%swap3A_492, %swap3A_493] {strides = array<i32>} : memref<50x64xf32, #tpu.memory_space<vmem>>, vector<1x16xf32>,
      %swap3A_495 = vector.shape_cast %swap3A_494 : vector<1x16xf32> to vector<16xf32>
      %swap3A_496 = vector.shape_cast %mul3A_491 : vector<16xf32> to vector<1x16xf32>
      tpu.vector_store %arg12[%swap3A_492, %swap3A_493], %swap3A_496 {strides = array<i32>} : memref<50x64xf32, #tpu.memory_space<vmem>>, vector<1x16xf32>,
      %get3A_497 = arith.index_cast %add3A_484 : i32 to index
      %get3A_498 = arith.constant 16 : index
      %get3A_499 = tpu.vector_load %arg8[%get3A_497, %get3A_498] {strides = array<i32>} : memref<50x128xf32, #tpu.memory_space<vmem>>, vector<1x16xf32>,
      %get3A_500 = vector.shape_cast %get3A_499 : vector<1x16xf32> to vector<16xf32>
      %mul3A_501 = arith.constant 8.000000e+00 : f32
      %mul3A_502 = vector.broadcast %mul3A_501 : f32 to vector<16xf32>
      %mul3A_503 = arith.mulf %get3A_500, %mul3A_502 : vector<16xf32>
      %swap3A_504 = arith.index_cast %add3A_484 : i32 to index
      %swap3A_505 = arith.constant 16 : index
      %swap3A_506 = tpu.vector_load %arg12[%swap3A_504, %swap3A_505] {strides = array<i32>} : memref<50x64xf32, #tpu.memory_space<vmem>>, vector<1x16xf32>,
      %swap3A_507 = vector.shape_cast %swap3A_506 : vector<1x16xf32> to vector<16xf32>
      %swap3A_508 = vector.shape_cast %mul3A_503 : vector<16xf32> to vector<1x16xf32>
      tpu.vector_store %arg12[%swap3A_504, %swap3A_505], %swap3A_508 {strides = array<i32>} : memref<50x64xf32, #tpu.memory_space<vmem>>, vector<1x16xf32>,
      %get3A_509 = arith.index_cast %add3A_484 : i32 to index
      %get3A_510 = arith.constant 32 : index
      %get3A_511 = tpu.vector_load %arg8[%get3A_509, %get3A_510] {strides = array<i32>} : memref<50x128xf32, #tpu.memory_space<vmem>>, vector<1x16xf32>,
      %get3A_512 = vector.shape_cast %get3A_511 : vector<1x16xf32> to vector<16xf32>
      %mul3A_513 = arith.constant 8.000000e+00 : f32
      %mul3A_514 = vector.broadcast %mul3A_513 : f32 to vector<16xf32>
      %mul3A_515 = arith.mulf %get3A_512, %mul3A_514 : vector<16xf32>
      %swap3A_516 = arith.index_cast %add3A_484 : i32 to index
      %swap3A_517 = arith.constant 32 : index
      %swap3A_518 = tpu.vector_load %arg12[%swap3A_516, %swap3A_517] {strides = array<i32>} : memref<50x64xf32, #tpu.memory_space<vmem>>, vector<1x16xf32>,
      %swap3A_519 = vector.shape_cast %swap3A_518 : vector<1x16xf32> to vector<16xf32>
      %swap3A_520 = vector.shape_cast %mul3A_515 : vector<16xf32> to vector<1x16xf32>
      tpu.vector_store %arg12[%swap3A_516, %swap3A_517], %swap3A_520 {strides = array<i32>} : memref<50x64xf32, #tpu.memory_space<vmem>>, vector<1x16xf32>,
      %get3A_521 = arith.index_cast %add3A_484 : i32 to index
      %get3A_522 = arith.constant 48 : index
      %get3A_523 = tpu.vector_load %arg8[%get3A_521, %get3A_522] {strides = array<i32>} : memref<50x128xf32, #tpu.memory_space<vmem>>, vector<1x16xf32>,
      %get3A_524 = vector.shape_cast %get3A_523 : vector<1x16xf32> to vector<16xf32>
      %mul3A_525 = arith.constant 8.000000e+00 : f32
      %mul3A_526 = vector.broadcast %mul3A_525 : f32 to vector<16xf32>
      %mul3A_527 = arith.mulf %get3A_524, %mul3A_526 : vector<16xf32>
      %swap3A_528 = arith.index_cast %add3A_484 : i32 to index
      %swap3A_529 = arith.constant 48 : index
      %swap3A_530 = tpu.vector_load %arg12[%swap3A_528, %swap3A_529] {strides = array<i32>} : memref<50x64xf32, #tpu.memory_space<vmem>>, vector<1x16xf32>,
      %swap3A_531 = vector.shape_cast %swap3A_530 : vector<1x16xf32> to vector<16xf32>
      %swap3A_532 = vector.shape_cast %mul3A_527 : vector<16xf32> to vector<1x16xf32>
      tpu.vector_store %arg12[%swap3A_528, %swap3A_529], %swap3A_532 {strides = array<i32>} : memref<50x64xf32, #tpu.memory_space<vmem>>, vector<1x16xf32>,
      %mul3A_533 = arith.constant 5 : i32
      %mul3A_534 = arith.muli %scan3A_326, %mul3A_533 : i32
      %add3A_535 = arith.constant 4 : i32
      %add3A_536 = arith.addi %mul3A_534, %add3A_535 : i32
      %get3A_537 = arith.index_cast %add3A_536 : i32 to index
      %get3A_538 = arith.constant 0 : index
      %get3A_539 = tpu.vector_load %arg8[%get3A_537, %get3A_538] {strides = array<i32>} : memref<50x128xf32, #tpu.memory_space<vmem>>, vector<1x16xf32>,
      %get3A_540 = vector.shape_cast %get3A_539 : vector<1x16xf32> to vector<16xf32>
      %mul3A_541 = arith.constant 8.000000e+00 : f32
      %mul3A_542 = vector.broadcast %mul3A_541 : f32 to vector<16xf32>
      %mul3A_543 = arith.mulf %get3A_540, %mul3A_542 : vector<16xf32>
      %swap3A_544 = arith.index_cast %add3A_536 : i32 to index
      %swap3A_545 = arith.constant 0 : index
      %swap3A_546 = tpu.vector_load %arg12[%swap3A_544, %swap3A_545] {strides = array<i32>} : memref<50x64xf32, #tpu.memory_space<vmem>>, vector<1x16xf32>,
      %swap3A_547 = vector.shape_cast %swap3A_546 : vector<1x16xf32> to vector<16xf32>
      %swap3A_548 = vector.shape_cast %mul3A_543 : vector<16xf32> to vector<1x16xf32>
      tpu.vector_store %arg12[%swap3A_544, %swap3A_545], %swap3A_548 {strides = array<i32>} : memref<50x64xf32, #tpu.memory_space<vmem>>, vector<1x16xf32>,
      %get3A_549 = arith.index_cast %add3A_536 : i32 to index
      %get3A_550 = arith.constant 16 : index
      %get3A_551 = tpu.vector_load %arg8[%get3A_549, %get3A_550] {strides = array<i32>} : memref<50x128xf32, #tpu.memory_space<vmem>>, vector<1x16xf32>,
      %get3A_552 = vector.shape_cast %get3A_551 : vector<1x16xf32> to vector<16xf32>
      %mul3A_553 = arith.constant 8.000000e+00 : f32
      %mul3A_554 = vector.broadcast %mul3A_553 : f32 to vector<16xf32>
      %mul3A_555 = arith.mulf %get3A_552, %mul3A_554 : vector<16xf32>
      %swap3A_556 = arith.index_cast %add3A_536 : i32 to index
      %swap3A_557 = arith.constant 16 : index
      %swap3A_558 = tpu.vector_load %arg12[%swap3A_556, %swap3A_557] {strides = array<i32>} : memref<50x64xf32, #tpu.memory_space<vmem>>, vector<1x16xf32>,
      %swap3A_559 = vector.shape_cast %swap3A_558 : vector<1x16xf32> to vector<16xf32>
      %swap3A_560 = vector.shape_cast %mul3A_555 : vector<16xf32> to vector<1x16xf32>
      tpu.vector_store %arg12[%swap3A_556, %swap3A_557], %swap3A_560 {strides = array<i32>} : memref<50x64xf32, #tpu.memory_space<vmem>>, vector<1x16xf32>,
      %get3A_561 = arith.index_cast %add3A_536 : i32 to index
      %get3A_562 = arith.constant 32 : index
      %get3A_563 = tpu.vector_load %arg8[%get3A_561, %get3A_562] {strides = array<i32>} : memref<50x128xf32, #tpu.memory_space<vmem>>, vector<1x16xf32>,
      %get3A_564 = vector.shape_cast %get3A_563 : vector<1x16xf32> to vector<16xf32>
      %mul3A_565 = arith.constant 8.000000e+00 : f32
      %mul3A_566 = vector.broadcast %mul3A_565 : f32 to vector<16xf32>
      %mul3A_567 = arith.mulf %get3A_564, %mul3A_566 : vector<16xf32>
      %swap3A_568 = arith.index_cast %add3A_536 : i32 to index
      %swap3A_569 = arith.constant 32 : index
      %swap3A_570 = tpu.vector_load %arg12[%swap3A_568, %swap3A_569] {strides = array<i32>} : memref<50x64xf32, #tpu.memory_space<vmem>>, vector<1x16xf32>,
      %swap3A_571 = vector.shape_cast %swap3A_570 : vector<1x16xf32> to vector<16xf32>
      %swap3A_572 = vector.shape_cast %mul3A_567 : vector<16xf32> to vector<1x16xf32>
      tpu.vector_store %arg12[%swap3A_568, %swap3A_569], %swap3A_572 {strides = array<i32>} : memref<50x64xf32, #tpu.memory_space<vmem>>, vector<1x16xf32>,
      %get3A_573 = arith.index_cast %add3A_536 : i32 to index
      %get3A_574 = arith.constant 48 : index
      %get3A_575 = tpu.vector_load %arg8[%get3A_573, %get3A_574] {strides = array<i32>} : memref<50x128xf32, #tpu.memory_space<vmem>>, vector<1x16xf32>,
      %get3A_576 = vector.shape_cast %get3A_575 : vector<1x16xf32> to vector<16xf32>
      %mul3A_577 = arith.constant 8.000000e+00 : f32
      %mul3A_578 = vector.broadcast %mul3A_577 : f32 to vector<16xf32>
      %mul3A_579 = arith.mulf %get3A_576, %mul3A_578 : vector<16xf32>
      %swap3A_580 = arith.index_cast %add3A_536 : i32 to index
      %swap3A_581 = arith.constant 48 : index
      %swap3A_582 = tpu.vector_load %arg12[%swap3A_580, %swap3A_581] {strides = array<i32>} : memref<50x64xf32, #tpu.memory_space<vmem>>, vector<1x16xf32>,
      %swap3A_583 = vector.shape_cast %swap3A_582 : vector<1x16xf32> to vector<16xf32>
      %swap3A_584 = vector.shape_cast %mul3A_579 : vector<16xf32> to vector<1x16xf32>
      tpu.vector_store %arg12[%swap3A_580, %swap3A_581], %swap3A_584 {strides = array<i32>} : memref<50x64xf32, #tpu.memory_space<vmem>>, vector<1x16xf32>,
    }
    %scan3A_242 = arith.constant 10 : i32
    %add3A_243 = arith.constant 126 : i32
    %add3A_244 = arith.addi %mul3A_2, %add3A_243 : i32
    %dma_start3A_245 = arith.constant 0 : i32
    %dma_start3A_246 = arith.constant 0 : i32
    %dma_start3A_247 = tpu.memref_slice %arg4[%add3A_244, %dma_start3A_245, %dma_start3A_246] : memref<4096x50x64xf32, #tpu.memory_space<hbm>> -> memref<1x50x64xf32, #tpu.memory_space<hbm>>
    %dma_start3A_248 = tpu.memref_squeeze %dma_start3A_247 : memref<1x50x64xf32, #tpu.memory_space<hbm>> -> memref<50x64xf32, #tpu.memory_space<hbm>>
    %dma_start3A_249 = arith.constant 0 : i32
    %dma_start3A_250 = arith.constant 0 : i32
    %dma_start3A_251 = tpu.memref_slice %arg4[%add3A_244, %dma_start3A_249, %dma_start3A_250] : memref<4096x50x64xf32, #tpu.memory_space<hbm>> -> memref<1x50x64xf32, #tpu.memory_space<hbm>>
    %dma_start3A_252 = tpu.memref_squeeze %dma_start3A_251 : memref<1x50x64xf32, #tpu.memory_space<hbm>> -> memref<50x64xf32, #tpu.memory_space<hbm>>
    tpu.enqueue_dma source(%arg12 : memref<50x64xf32, #tpu.memory_space<vmem>>) target(%dma_start3A_252 : memref<50x64xf32, #tpu.memory_space<hbm>>) target_semaphore(%arg20 : memref<!tpu.dma_semaphore, #tpu.memory_space<semaphore_mem>>)
    %dma_wait3A_253 = arith.constant 127 : i32
    %dma_wait3A_254 = arith.constant 0 : i32
    %dma_wait3A_255 = tpu.memref_slice %arg5[%dma_wait3A_253, %dma_wait3A_254] : memref<128x50xi32, #tpu.memory_space<vmem>> -> memref<1x50xi32, #tpu.memory_space<vmem>>
    %dma_wait3A_256 = tpu.memref_squeeze %dma_wait3A_255 : memref<1x50xi32, #tpu.memory_space<vmem>> -> memref<50xi32, #tpu.memory_space<vmem>>
    %dma_wait3A_257 = arith.constant 0 : i32
    %dma_wait3A_258 = arith.constant 0 : i32
    %dma_wait3A_259 = tpu.memref_slice %arg3[%dma_wait3A_257, %dma_wait3A_258] : memref<100000x128xf32, #tpu.memory_space<hbm>> -> memref<100000x128xf32, #tpu.memory_space<hbm>>
    tpu.wait_indirect_dma semaphore(%arg17 : memref<!tpu.dma_semaphore, #tpu.memory_space<semaphore_mem>>) src(%dma_wait3A_259 : memref<100000x128xf32, #tpu.memory_space<hbm>>) dst(%arg9 : memref<50x128xf32, #tpu.memory_space<vmem>>)
    %add3A_260 = arith.constant 123 : i32
    %add3A_261 = arith.addi %mul3A_2, %add3A_260 : i32
    %dma_wait3A_262 = arith.constant 0 : i32
    %dma_wait3A_263 = arith.constant 0 : i32
    %dma_wait3A_264 = tpu.memref_slice %arg4[%add3A_261, %dma_wait3A_262, %dma_wait3A_263] : memref<4096x50x64xf32, #tpu.memory_space<hbm>> -> memref<1x50x64xf32, #tpu.memory_space<hbm>>
    %dma_wait3A_265 = tpu.memref_squeeze %dma_wait3A_264 : memref<1x50x64xf32, #tpu.memory_space<hbm>> -> memref<50x64xf32, #tpu.memory_space<hbm>>
    %dma_wait3A_266 = arith.constant 0 : i32
    %dma_wait3A_267 = arith.constant 0 : i32
    %dma_wait3A_268 = tpu.memref_slice %arg4[%add3A_261, %dma_wait3A_266, %dma_wait3A_267] : memref<4096x50x64xf32, #tpu.memory_space<hbm>> -> memref<1x50x64xf32, #tpu.memory_space<hbm>>
    %dma_wait3A_269 = tpu.memref_squeeze %dma_wait3A_268 : memref<1x50x64xf32, #tpu.memory_space<hbm>> -> memref<50x64xf32, #tpu.memory_space<hbm>>
    tpu.wait_dma2 semaphore(%arg21 : memref<!tpu.dma_semaphore, #tpu.memory_space<semaphore_mem>>) src(%arg13 : memref<50x64xf32, #tpu.memory_space<vmem>>) dst(%dma_wait3A_269 : memref<50x64xf32, #tpu.memory_space<hbm>>)
    %scan3A_270 = arith.constant 0 : i32
    %scan3A_271 = arith.constant 0 : i32
    %scan3A_272 = arith.constant 10 : i32
    %scan3A_273 = arith.addi %scan3A_271, %scan3A_272 : i32
    %scan3A_274 = arith.constant 1 : i32
    scf.for %scan3A_326 = %scan3A_271 to %scan3A_273 step %scan3A_274  : i32 {
      %mul3A_327 = arith.constant 5 : i32
      %mul3A_328 = arith.muli %scan3A_326, %mul3A_327 : i32
      %add3A_329 = arith.constant 0 : i32
      %add3A_330 = arith.addi %mul3A_328, %add3A_329 : i32
      %get3A = arith.index_cast %add3A_330 : i32 to index
      %get3A_331 = arith.constant 0 : index
      %get3A_332 = tpu.vector_load %arg9[%get3A, %get3A_331] {strides = array<i32>} : memref<50x128xf32, #tpu.memory_space<vmem>>, vector<1x16xf32>,
      %get3A_333 = vector.shape_cast %get3A_332 : vector<1x16xf32> to vector<16xf32>
      %mul3A_334 = arith.constant 8.000000e+00 : f32
      %mul3A_335 = vector.broadcast %mul3A_334 : f32 to vector<16xf32>
      %mul3A_336 = arith.mulf %get3A_333, %mul3A_335 : vector<16xf32>
      %swap3A = arith.index_cast %add3A_330 : i32 to index
      %swap3A_337 = arith.constant 0 : index
      %swap3A_338 = tpu.vector_load %arg13[%swap3A, %swap3A_337] {strides = array<i32>} : memref<50x64xf32, #tpu.memory_space<vmem>>, vector<1x16xf32>,
      %swap3A_339 = vector.shape_cast %swap3A_338 : vector<1x16xf32> to vector<16xf32>
      %swap3A_340 = vector.shape_cast %mul3A_336 : vector<16xf32> to vector<1x16xf32>
      tpu.vector_store %arg13[%swap3A, %swap3A_337], %swap3A_340 {strides = array<i32>} : memref<50x64xf32, #tpu.memory_space<vmem>>, vector<1x16xf32>,
      %get3A_341 = arith.index_cast %add3A_330 : i32 to index
      %get3A_342 = arith.constant 16 : index
      %get3A_343 = tpu.vector_load %arg9[%get3A_341, %get3A_342] {strides = array<i32>} : memref<50x128xf32, #tpu.memory_space<vmem>>, vector<1x16xf32>,
      %get3A_344 = vector.shape_cast %get3A_343 : vector<1x16xf32> to vector<16xf32>
      %mul3A_345 = arith.constant 8.000000e+00 : f32
      %mul3A_346 = vector.broadcast %mul3A_345 : f32 to vector<16xf32>
      %mul3A_347 = arith.mulf %get3A_344, %mul3A_346 : vector<16xf32>
      %swap3A_348 = arith.index_cast %add3A_330 : i32 to index
      %swap3A_349 = arith.constant 16 : index
      %swap3A_350 = tpu.vector_load %arg13[%swap3A_348, %swap3A_349] {strides = array<i32>} : memref<50x64xf32, #tpu.memory_space<vmem>>, vector<1x16xf32>,
      %swap3A_351 = vector.shape_cast %swap3A_350 : vector<1x16xf32> to vector<16xf32>
      %swap3A_352 = vector.shape_cast %mul3A_347 : vector<16xf32> to vector<1x16xf32>
      tpu.vector_store %arg13[%swap3A_348, %swap3A_349], %swap3A_352 {strides = array<i32>} : memref<50x64xf32, #tpu.memory_space<vmem>>, vector<1x16xf32>,
      %get3A_353 = arith.index_cast %add3A_330 : i32 to index
      %get3A_354 = arith.constant 32 : index
      %get3A_355 = tpu.vector_load %arg9[%get3A_353, %get3A_354] {strides = array<i32>} : memref<50x128xf32, #tpu.memory_space<vmem>>, vector<1x16xf32>,
      %get3A_356 = vector.shape_cast %get3A_355 : vector<1x16xf32> to vector<16xf32>
      %mul3A_357 = arith.constant 8.000000e+00 : f32
      %mul3A_358 = vector.broadcast %mul3A_357 : f32 to vector<16xf32>
      %mul3A_359 = arith.mulf %get3A_356, %mul3A_358 : vector<16xf32>
      %swap3A_360 = arith.index_cast %add3A_330 : i32 to index
      %swap3A_361 = arith.constant 32 : index
      %swap3A_362 = tpu.vector_load %arg13[%swap3A_360, %swap3A_361] {strides = array<i32>} : memref<50x64xf32, #tpu.memory_space<vmem>>, vector<1x16xf32>,
      %swap3A_363 = vector.shape_cast %swap3A_362 : vector<1x16xf32> to vector<16xf32>
      %swap3A_364 = vector.shape_cast %mul3A_359 : vector<16xf32> to vector<1x16xf32>
      tpu.vector_store %arg13[%swap3A_360, %swap3A_361], %swap3A_364 {strides = array<i32>} : memref<50x64xf32, #tpu.memory_space<vmem>>, vector<1x16xf32>,
      %get3A_365 = arith.index_cast %add3A_330 : i32 to index
      %get3A_366 = arith.constant 48 : index
      %get3A_367 = tpu.vector_load %arg9[%get3A_365, %get3A_366] {strides = array<i32>} : memref<50x128xf32, #tpu.memory_space<vmem>>, vector<1x16xf32>,
      %get3A_368 = vector.shape_cast %get3A_367 : vector<1x16xf32> to vector<16xf32>
      %mul3A_369 = arith.constant 8.000000e+00 : f32
      %mul3A_370 = vector.broadcast %mul3A_369 : f32 to vector<16xf32>
      %mul3A_371 = arith.mulf %get3A_368, %mul3A_370 : vector<16xf32>
      %swap3A_372 = arith.index_cast %add3A_330 : i32 to index
      %swap3A_373 = arith.constant 48 : index
      %swap3A_374 = tpu.vector_load %arg13[%swap3A_372, %swap3A_373] {strides = array<i32>} : memref<50x64xf32, #tpu.memory_space<vmem>>, vector<1x16xf32>,
      %swap3A_375 = vector.shape_cast %swap3A_374 : vector<1x16xf32> to vector<16xf32>
      %swap3A_376 = vector.shape_cast %mul3A_371 : vector<16xf32> to vector<1x16xf32>
      tpu.vector_store %arg13[%swap3A_372, %swap3A_373], %swap3A_376 {strides = array<i32>} : memref<50x64xf32, #tpu.memory_space<vmem>>, vector<1x16xf32>,
      %mul3A_377 = arith.constant 5 : i32
      %mul3A_378 = arith.muli %scan3A_326, %mul3A_377 : i32
      %add3A_379 = arith.constant 1 : i32
      %add3A_380 = arith.addi %mul3A_378, %add3A_379 : i32
      %get3A_381 = arith.index_cast %add3A_380 : i32 to index
      %get3A_382 = arith.constant 0 : index
      %get3A_383 = tpu.vector_load %arg9[%get3A_381, %get3A_382] {strides = array<i32>} : memref<50x128xf32, #tpu.memory_space<vmem>>, vector<1x16xf32>,
      %get3A_384 = vector.shape_cast %get3A_383 : vector<1x16xf32> to vector<16xf32>
      %mul3A_385 = arith.constant 8.000000e+00 : f32
      %mul3A_386 = vector.broadcast %mul3A_385 : f32 to vector<16xf32>
      %mul3A_387 = arith.mulf %get3A_384, %mul3A_386 : vector<16xf32>
      %swap3A_388 = arith.index_cast %add3A_380 : i32 to index
      %swap3A_389 = arith.constant 0 : index
      %swap3A_390 = tpu.vector_load %arg13[%swap3A_388, %swap3A_389] {strides = array<i32>} : memref<50x64xf32, #tpu.memory_space<vmem>>, vector<1x16xf32>,
      %swap3A_391 = vector.shape_cast %swap3A_390 : vector<1x16xf32> to vector<16xf32>
      %swap3A_392 = vector.shape_cast %mul3A_387 : vector<16xf32> to vector<1x16xf32>
      tpu.vector_store %arg13[%swap3A_388, %swap3A_389], %swap3A_392 {strides = array<i32>} : memref<50x64xf32, #tpu.memory_space<vmem>>, vector<1x16xf32>,
      %get3A_393 = arith.index_cast %add3A_380 : i32 to index
      %get3A_394 = arith.constant 16 : index
      %get3A_395 = tpu.vector_load %arg9[%get3A_393, %get3A_394] {strides = array<i32>} : memref<50x128xf32, #tpu.memory_space<vmem>>, vector<1x16xf32>,
      %get3A_396 = vector.shape_cast %get3A_395 : vector<1x16xf32> to vector<16xf32>
      %mul3A_397 = arith.constant 8.000000e+00 : f32
      %mul3A_398 = vector.broadcast %mul3A_397 : f32 to vector<16xf32>
      %mul3A_399 = arith.mulf %get3A_396, %mul3A_398 : vector<16xf32>
      %swap3A_400 = arith.index_cast %add3A_380 : i32 to index
      %swap3A_401 = arith.constant 16 : index
      %swap3A_402 = tpu.vector_load %arg13[%swap3A_400, %swap3A_401] {strides = array<i32>} : memref<50x64xf32, #tpu.memory_space<vmem>>, vector<1x16xf32>,
      %swap3A_403 = vector.shape_cast %swap3A_402 : vector<1x16xf32> to vector<16xf32>
      %swap3A_404 = vector.shape_cast %mul3A_399 : vector<16xf32> to vector<1x16xf32>
      tpu.vector_store %arg13[%swap3A_400, %swap3A_401], %swap3A_404 {strides = array<i32>} : memref<50x64xf32, #tpu.memory_space<vmem>>, vector<1x16xf32>,
      %get3A_405 = arith.index_cast %add3A_380 : i32 to index
      %get3A_406 = arith.constant 32 : index
      %get3A_407 = tpu.vector_load %arg9[%get3A_405, %get3A_406] {strides = array<i32>} : memref<50x128xf32, #tpu.memory_space<vmem>>, vector<1x16xf32>,
      %get3A_408 = vector.shape_cast %get3A_407 : vector<1x16xf32> to vector<16xf32>
      %mul3A_409 = arith.constant 8.000000e+00 : f32
      %mul3A_410 = vector.broadcast %mul3A_409 : f32 to vector<16xf32>
      %mul3A_411 = arith.mulf %get3A_408, %mul3A_410 : vector<16xf32>
      %swap3A_412 = arith.index_cast %add3A_380 : i32 to index
      %swap3A_413 = arith.constant 32 : index
      %swap3A_414 = tpu.vector_load %arg13[%swap3A_412, %swap3A_413] {strides = array<i32>} : memref<50x64xf32, #tpu.memory_space<vmem>>, vector<1x16xf32>,
      %swap3A_415 = vector.shape_cast %swap3A_414 : vector<1x16xf32> to vector<16xf32>
      %swap3A_416 = vector.shape_cast %mul3A_411 : vector<16xf32> to vector<1x16xf32>
      tpu.vector_store %arg13[%swap3A_412, %swap3A_413], %swap3A_416 {strides = array<i32>} : memref<50x64xf32, #tpu.memory_space<vmem>>, vector<1x16xf32>,
      %get3A_417 = arith.index_cast %add3A_380 : i32 to index
      %get3A_418 = arith.constant 48 : index
      %get3A_419 = tpu.vector_load %arg9[%get3A_417, %get3A_418] {strides = array<i32>} : memref<50x128xf32, #tpu.memory_space<vmem>>, vector<1x16xf32>,
      %get3A_420 = vector.shape_cast %get3A_419 : vector<1x16xf32> to vector<16xf32>
      %mul3A_421 = arith.constant 8.000000e+00 : f32
      %mul3A_422 = vector.broadcast %mul3A_421 : f32 to vector<16xf32>
      %mul3A_423 = arith.mulf %get3A_420, %mul3A_422 : vector<16xf32>
      %swap3A_424 = arith.index_cast %add3A_380 : i32 to index
      %swap3A_425 = arith.constant 48 : index
      %swap3A_426 = tpu.vector_load %arg13[%swap3A_424, %swap3A_425] {strides = array<i32>} : memref<50x64xf32, #tpu.memory_space<vmem>>, vector<1x16xf32>,
      %swap3A_427 = vector.shape_cast %swap3A_426 : vector<1x16xf32> to vector<16xf32>
      %swap3A_428 = vector.shape_cast %mul3A_423 : vector<16xf32> to vector<1x16xf32>
      tpu.vector_store %arg13[%swap3A_424, %swap3A_425], %swap3A_428 {strides = array<i32>} : memref<50x64xf32, #tpu.memory_space<vmem>>, vector<1x16xf32>,
      %mul3A_429 = arith.constant 5 : i32
      %mul3A_430 = arith.muli %scan3A_326, %mul3A_429 : i32
      %add3A_431 = arith.constant 2 : i32
      %add3A_432 = arith.addi %mul3A_430, %add3A_431 : i32
      %get3A_433 = arith.index_cast %add3A_432 : i32 to index
      %get3A_434 = arith.constant 0 : index
      %get3A_435 = tpu.vector_load %arg9[%get3A_433, %get3A_434] {strides = array<i32>} : memref<50x128xf32, #tpu.memory_space<vmem>>, vector<1x16xf32>,
      %get3A_436 = vector.shape_cast %get3A_435 : vector<1x16xf32> to vector<16xf32>
      %mul3A_437 = arith.constant 8.000000e+00 : f32
      %mul3A_438 = vector.broadcast %mul3A_437 : f32 to vector<16xf32>
      %mul3A_439 = arith.mulf %get3A_436, %mul3A_438 : vector<16xf32>
      %swap3A_440 = arith.index_cast %add3A_432 : i32 to index
      %swap3A_441 = arith.constant 0 : index
      %swap3A_442 = tpu.vector_load %arg13[%swap3A_440, %swap3A_441] {strides = array<i32>} : memref<50x64xf32, #tpu.memory_space<vmem>>, vector<1x16xf32>,
      %swap3A_443 = vector.shape_cast %swap3A_442 : vector<1x16xf32> to vector<16xf32>
      %swap3A_444 = vector.shape_cast %mul3A_439 : vector<16xf32> to vector<1x16xf32>
      tpu.vector_store %arg13[%swap3A_440, %swap3A_441], %swap3A_444 {strides = array<i32>} : memref<50x64xf32, #tpu.memory_space<vmem>>, vector<1x16xf32>,
      %get3A_445 = arith.index_cast %add3A_432 : i32 to index
      %get3A_446 = arith.constant 16 : index
      %get3A_447 = tpu.vector_load %arg9[%get3A_445, %get3A_446] {strides = array<i32>} : memref<50x128xf32, #tpu.memory_space<vmem>>, vector<1x16xf32>,
      %get3A_448 = vector.shape_cast %get3A_447 : vector<1x16xf32> to vector<16xf32>
      %mul3A_449 = arith.constant 8.000000e+00 : f32
      %mul3A_450 = vector.broadcast %mul3A_449 : f32 to vector<16xf32>
      %mul3A_451 = arith.mulf %get3A_448, %mul3A_450 : vector<16xf32>
      %swap3A_452 = arith.index_cast %add3A_432 : i32 to index
      %swap3A_453 = arith.constant 16 : index
      %swap3A_454 = tpu.vector_load %arg13[%swap3A_452, %swap3A_453] {strides = array<i32>} : memref<50x64xf32, #tpu.memory_space<vmem>>, vector<1x16xf32>,
      %swap3A_455 = vector.shape_cast %swap3A_454 : vector<1x16xf32> to vector<16xf32>
      %swap3A_456 = vector.shape_cast %mul3A_451 : vector<16xf32> to vector<1x16xf32>
      tpu.vector_store %arg13[%swap3A_452, %swap3A_453], %swap3A_456 {strides = array<i32>} : memref<50x64xf32, #tpu.memory_space<vmem>>, vector<1x16xf32>,
      %get3A_457 = arith.index_cast %add3A_432 : i32 to index
      %get3A_458 = arith.constant 32 : index
      %get3A_459 = tpu.vector_load %arg9[%get3A_457, %get3A_458] {strides = array<i32>} : memref<50x128xf32, #tpu.memory_space<vmem>>, vector<1x16xf32>,
      %get3A_460 = vector.shape_cast %get3A_459 : vector<1x16xf32> to vector<16xf32>
      %mul3A_461 = arith.constant 8.000000e+00 : f32
      %mul3A_462 = vector.broadcast %mul3A_461 : f32 to vector<16xf32>
      %mul3A_463 = arith.mulf %get3A_460, %mul3A_462 : vector<16xf32>
      %swap3A_464 = arith.index_cast %add3A_432 : i32 to index
      %swap3A_465 = arith.constant 32 : index
      %swap3A_466 = tpu.vector_load %arg13[%swap3A_464, %swap3A_465] {strides = array<i32>} : memref<50x64xf32, #tpu.memory_space<vmem>>, vector<1x16xf32>,
      %swap3A_467 = vector.shape_cast %swap3A_466 : vector<1x16xf32> to vector<16xf32>
      %swap3A_468 = vector.shape_cast %mul3A_463 : vector<16xf32> to vector<1x16xf32>
      tpu.vector_store %arg13[%swap3A_464, %swap3A_465], %swap3A_468 {strides = array<i32>} : memref<50x64xf32, #tpu.memory_space<vmem>>, vector<1x16xf32>,
      %get3A_469 = arith.index_cast %add3A_432 : i32 to index
      %get3A_470 = arith.constant 48 : index
      %get3A_471 = tpu.vector_load %arg9[%get3A_469, %get3A_470] {strides = array<i32>} : memref<50x128xf32, #tpu.memory_space<vmem>>, vector<1x16xf32>,
      %get3A_472 = vector.shape_cast %get3A_471 : vector<1x16xf32> to vector<16xf32>
      %mul3A_473 = arith.constant 8.000000e+00 : f32
      %mul3A_474 = vector.broadcast %mul3A_473 : f32 to vector<16xf32>
      %mul3A_475 = arith.mulf %get3A_472, %mul3A_474 : vector<16xf32>
      %swap3A_476 = arith.index_cast %add3A_432 : i32 to index
      %swap3A_477 = arith.constant 48 : index
      %swap3A_478 = tpu.vector_load %arg13[%swap3A_476, %swap3A_477] {strides = array<i32>} : memref<50x64xf32, #tpu.memory_space<vmem>>, vector<1x16xf32>,
      %swap3A_479 = vector.shape_cast %swap3A_478 : vector<1x16xf32> to vector<16xf32>
      %swap3A_480 = vector.shape_cast %mul3A_475 : vector<16xf32> to vector<1x16xf32>
      tpu.vector_store %arg13[%swap3A_476, %swap3A_477], %swap3A_480 {strides = array<i32>} : memref<50x64xf32, #tpu.memory_space<vmem>>, vector<1x16xf32>,
      %mul3A_481 = arith.constant 5 : i32
      %mul3A_482 = arith.muli %scan3A_326, %mul3A_481 : i32
      %add3A_483 = arith.constant 3 : i32
      %add3A_484 = arith.addi %mul3A_482, %add3A_483 : i32
      %get3A_485 = arith.index_cast %add3A_484 : i32 to index
      %get3A_486 = arith.constant 0 : index
      %get3A_487 = tpu.vector_load %arg9[%get3A_485, %get3A_486] {strides = array<i32>} : memref<50x128xf32, #tpu.memory_space<vmem>>, vector<1x16xf32>,
      %get3A_488 = vector.shape_cast %get3A_487 : vector<1x16xf32> to vector<16xf32>
      %mul3A_489 = arith.constant 8.000000e+00 : f32
      %mul3A_490 = vector.broadcast %mul3A_489 : f32 to vector<16xf32>
      %mul3A_491 = arith.mulf %get3A_488, %mul3A_490 : vector<16xf32>
      %swap3A_492 = arith.index_cast %add3A_484 : i32 to index
      %swap3A_493 = arith.constant 0 : index
      %swap3A_494 = tpu.vector_load %arg13[%swap3A_492, %swap3A_493] {strides = array<i32>} : memref<50x64xf32, #tpu.memory_space<vmem>>, vector<1x16xf32>,
      %swap3A_495 = vector.shape_cast %swap3A_494 : vector<1x16xf32> to vector<16xf32>
      %swap3A_496 = vector.shape_cast %mul3A_491 : vector<16xf32> to vector<1x16xf32>
      tpu.vector_store %arg13[%swap3A_492, %swap3A_493], %swap3A_496 {strides = array<i32>} : memref<50x64xf32, #tpu.memory_space<vmem>>, vector<1x16xf32>,
      %get3A_497 = arith.index_cast %add3A_484 : i32 to index
      %get3A_498 = arith.constant 16 : index
      %get3A_499 = tpu.vector_load %arg9[%get3A_497, %get3A_498] {strides = array<i32>} : memref<50x128xf32, #tpu.memory_space<vmem>>, vector<1x16xf32>,
      %get3A_500 = vector.shape_cast %get3A_499 : vector<1x16xf32> to vector<16xf32>
      %mul3A_501 = arith.constant 8.000000e+00 : f32
      %mul3A_502 = vector.broadcast %mul3A_501 : f32 to vector<16xf32>
      %mul3A_503 = arith.mulf %get3A_500, %mul3A_502 : vector<16xf32>
      %swap3A_504 = arith.index_cast %add3A_484 : i32 to index
      %swap3A_505 = arith.constant 16 : index
      %swap3A_506 = tpu.vector_load %arg13[%swap3A_504, %swap3A_505] {strides = array<i32>} : memref<50x64xf32, #tpu.memory_space<vmem>>, vector<1x16xf32>,
      %swap3A_507 = vector.shape_cast %swap3A_506 : vector<1x16xf32> to vector<16xf32>
      %swap3A_508 = vector.shape_cast %mul3A_503 : vector<16xf32> to vector<1x16xf32>
      tpu.vector_store %arg13[%swap3A_504, %swap3A_505], %swap3A_508 {strides = array<i32>} : memref<50x64xf32, #tpu.memory_space<vmem>>, vector<1x16xf32>,
      %get3A_509 = arith.index_cast %add3A_484 : i32 to index
      %get3A_510 = arith.constant 32 : index
      %get3A_511 = tpu.vector_load %arg9[%get3A_509, %get3A_510] {strides = array<i32>} : memref<50x128xf32, #tpu.memory_space<vmem>>, vector<1x16xf32>,
      %get3A_512 = vector.shape_cast %get3A_511 : vector<1x16xf32> to vector<16xf32>
      %mul3A_513 = arith.constant 8.000000e+00 : f32
      %mul3A_514 = vector.broadcast %mul3A_513 : f32 to vector<16xf32>
      %mul3A_515 = arith.mulf %get3A_512, %mul3A_514 : vector<16xf32>
      %swap3A_516 = arith.index_cast %add3A_484 : i32 to index
      %swap3A_517 = arith.constant 32 : index
      %swap3A_518 = tpu.vector_load %arg13[%swap3A_516, %swap3A_517] {strides = array<i32>} : memref<50x64xf32, #tpu.memory_space<vmem>>, vector<1x16xf32>,
      %swap3A_519 = vector.shape_cast %swap3A_518 : vector<1x16xf32> to vector<16xf32>
      %swap3A_520 = vector.shape_cast %mul3A_515 : vector<16xf32> to vector<1x16xf32>
      tpu.vector_store %arg13[%swap3A_516, %swap3A_517], %swap3A_520 {strides = array<i32>} : memref<50x64xf32, #tpu.memory_space<vmem>>, vector<1x16xf32>,
      %get3A_521 = arith.index_cast %add3A_484 : i32 to index
      %get3A_522 = arith.constant 48 : index
      %get3A_523 = tpu.vector_load %arg9[%get3A_521, %get3A_522] {strides = array<i32>} : memref<50x128xf32, #tpu.memory_space<vmem>>, vector<1x16xf32>,
      %get3A_524 = vector.shape_cast %get3A_523 : vector<1x16xf32> to vector<16xf32>
      %mul3A_525 = arith.constant 8.000000e+00 : f32
      %mul3A_526 = vector.broadcast %mul3A_525 : f32 to vector<16xf32>
      %mul3A_527 = arith.mulf %get3A_524, %mul3A_526 : vector<16xf32>
      %swap3A_528 = arith.index_cast %add3A_484 : i32 to index
      %swap3A_529 = arith.constant 48 : index
      %swap3A_530 = tpu.vector_load %arg13[%swap3A_528, %swap3A_529] {strides = array<i32>} : memref<50x64xf32, #tpu.memory_space<vmem>>, vector<1x16xf32>,
      %swap3A_531 = vector.shape_cast %swap3A_530 : vector<1x16xf32> to vector<16xf32>
      %swap3A_532 = vector.shape_cast %mul3A_527 : vector<16xf32> to vector<1x16xf32>
      tpu.vector_store %arg13[%swap3A_528, %swap3A_529], %swap3A_532 {strides = array<i32>} : memref<50x64xf32, #tpu.memory_space<vmem>>, vector<1x16xf32>,
      %mul3A_533 = arith.constant 5 : i32
      %mul3A_534 = arith.muli %scan3A_326, %mul3A_533 : i32
      %add3A_535 = arith.constant 4 : i32
      %add3A_536 = arith.addi %mul3A_534, %add3A_535 : i32
      %get3A_537 = arith.index_cast %add3A_536 : i32 to index
      %get3A_538 = arith.constant 0 : index
      %get3A_539 = tpu.vector_load %arg9[%get3A_537, %get3A_538] {strides = array<i32>} : memref<50x128xf32, #tpu.memory_space<vmem>>, vector<1x16xf32>,
      %get3A_540 = vector.shape_cast %get3A_539 : vector<1x16xf32> to vector<16xf32>
      %mul3A_541 = arith.constant 8.000000e+00 : f32
      %mul3A_542 = vector.broadcast %mul3A_541 : f32 to vector<16xf32>
      %mul3A_543 = arith.mulf %get3A_540, %mul3A_542 : vector<16xf32>
      %swap3A_544 = arith.index_cast %add3A_536 : i32 to index
      %swap3A_545 = arith.constant 0 : index
      %swap3A_546 = tpu.vector_load %arg13[%swap3A_544, %swap3A_545] {strides = array<i32>} : memref<50x64xf32, #tpu.memory_space<vmem>>, vector<1x16xf32>,
      %swap3A_547 = vector.shape_cast %swap3A_546 : vector<1x16xf32> to vector<16xf32>
      %swap3A_548 = vector.shape_cast %mul3A_543 : vector<16xf32> to vector<1x16xf32>
      tpu.vector_store %arg13[%swap3A_544, %swap3A_545], %swap3A_548 {strides = array<i32>} : memref<50x64xf32, #tpu.memory_space<vmem>>, vector<1x16xf32>,
      %get3A_549 = arith.index_cast %add3A_536 : i32 to index
      %get3A_550 = arith.constant 16 : index
      %get3A_551 = tpu.vector_load %arg9[%get3A_549, %get3A_550] {strides = array<i32>} : memref<50x128xf32, #tpu.memory_space<vmem>>, vector<1x16xf32>,
      %get3A_552 = vector.shape_cast %get3A_551 : vector<1x16xf32> to vector<16xf32>
      %mul3A_553 = arith.constant 8.000000e+00 : f32
      %mul3A_554 = vector.broadcast %mul3A_553 : f32 to vector<16xf32>
      %mul3A_555 = arith.mulf %get3A_552, %mul3A_554 : vector<16xf32>
      %swap3A_556 = arith.index_cast %add3A_536 : i32 to index
      %swap3A_557 = arith.constant 16 : index
      %swap3A_558 = tpu.vector_load %arg13[%swap3A_556, %swap3A_557] {strides = array<i32>} : memref<50x64xf32, #tpu.memory_space<vmem>>, vector<1x16xf32>,
      %swap3A_559 = vector.shape_cast %swap3A_558 : vector<1x16xf32> to vector<16xf32>
      %swap3A_560 = vector.shape_cast %mul3A_555 : vector<16xf32> to vector<1x16xf32>
      tpu.vector_store %arg13[%swap3A_556, %swap3A_557], %swap3A_560 {strides = array<i32>} : memref<50x64xf32, #tpu.memory_space<vmem>>, vector<1x16xf32>,
      %get3A_561 = arith.index_cast %add3A_536 : i32 to index
      %get3A_562 = arith.constant 32 : index
      %get3A_563 = tpu.vector_load %arg9[%get3A_561, %get3A_562] {strides = array<i32>} : memref<50x128xf32, #tpu.memory_space<vmem>>, vector<1x16xf32>,
      %get3A_564 = vector.shape_cast %get3A_563 : vector<1x16xf32> to vector<16xf32>
      %mul3A_565 = arith.constant 8.000000e+00 : f32
      %mul3A_566 = vector.broadcast %mul3A_565 : f32 to vector<16xf32>
      %mul3A_567 = arith.mulf %get3A_564, %mul3A_566 : vector<16xf32>
      %swap3A_568 = arith.index_cast %add3A_536 : i32 to index
      %swap3A_569 = arith.constant 32 : index
      %swap3A_570 = tpu.vector_load %arg13[%swap3A_568, %swap3A_569] {strides = array<i32>} : memref<50x64xf32, #tpu.memory_space<vmem>>, vector<1x16xf32>,
      %swap3A_571 = vector.shape_cast %swap3A_570 : vector<1x16xf32> to vector<16xf32>
      %swap3A_572 = vector.shape_cast %mul3A_567 : vector<16xf32> to vector<1x16xf32>
      tpu.vector_store %arg13[%swap3A_568, %swap3A_569], %swap3A_572 {strides = array<i32>} : memref<50x64xf32, #tpu.memory_space<vmem>>, vector<1x16xf32>,
      %get3A_573 = arith.index_cast %add3A_536 : i32 to index
      %get3A_574 = arith.constant 48 : index
      %get3A_575 = tpu.vector_load %arg9[%get3A_573, %get3A_574] {strides = array<i32>} : memref<50x128xf32, #tpu.memory_space<vmem>>, vector<1x16xf32>,
      %get3A_576 = vector.shape_cast %get3A_575 : vector<1x16xf32> to vector<16xf32>
      %mul3A_577 = arith.constant 8.000000e+00 : f32
      %mul3A_578 = vector.broadcast %mul3A_577 : f32 to vector<16xf32>
      %mul3A_579 = arith.mulf %get3A_576, %mul3A_578 : vector<16xf32>
      %swap3A_580 = arith.index_cast %add3A_536 : i32 to index
      %swap3A_581 = arith.constant 48 : index
      %swap3A_582 = tpu.vector_load %arg13[%swap3A_580, %swap3A_581] {strides = array<i32>} : memref<50x64xf32, #tpu.memory_space<vmem>>, vector<1x16xf32>,
      %swap3A_583 = vector.shape_cast %swap3A_582 : vector<1x16xf32> to vector<16xf32>
      %swap3A_584 = vector.shape_cast %mul3A_579 : vector<16xf32> to vector<1x16xf32>
      tpu.vector_store %arg13[%swap3A_580, %swap3A_581], %swap3A_584 {strides = array<i32>} : memref<50x64xf32, #tpu.memory_space<vmem>>, vector<1x16xf32>,
    }
    %scan3A_275 = arith.constant 10 : i32
    %add3A_276 = arith.constant 127 : i32
    %add3A_277 = arith.addi %mul3A_2, %add3A_276 : i32
    %dma_start3A_278 = arith.constant 0 : i32
    %dma_start3A_279 = arith.constant 0 : i32
    %dma_start3A_280 = tpu.memref_slice %arg4[%add3A_277, %dma_start3A_278, %dma_start3A_279] : memref<4096x50x64xf32, #tpu.memory_space<hbm>> -> memref<1x50x64xf32, #tpu.memory_space<hbm>>
    %dma_start3A_281 = tpu.memref_squeeze %dma_start3A_280 : memref<1x50x64xf32, #tpu.memory_space<hbm>> -> memref<50x64xf32, #tpu.memory_space<hbm>>
    %dma_start3A_282 = arith.constant 0 : i32
    %dma_start3A_283 = arith.constant 0 : i32
    %dma_start3A_284 = tpu.memref_slice %arg4[%add3A_277, %dma_start3A_282, %dma_start3A_283] : memref<4096x50x64xf32, #tpu.memory_space<hbm>> -> memref<1x50x64xf32, #tpu.memory_space<hbm>>
    %dma_start3A_285 = tpu.memref_squeeze %dma_start3A_284 : memref<1x50x64xf32, #tpu.memory_space<hbm>> -> memref<50x64xf32, #tpu.memory_space<hbm>>
    tpu.enqueue_dma source(%arg13 : memref<50x64xf32, #tpu.memory_space<vmem>>) target(%dma_start3A_285 : memref<50x64xf32, #tpu.memory_space<hbm>>) target_semaphore(%arg21 : memref<!tpu.dma_semaphore, #tpu.memory_space<semaphore_mem>>)
    %add3A_286 = arith.constant 124 : i32
    %add3A_287 = arith.addi %mul3A_2, %add3A_286 : i32
    %dma_wait3A_288 = arith.constant 0 : i32
    %dma_wait3A_289 = arith.constant 0 : i32
    %dma_wait3A_290 = tpu.memref_slice %arg4[%add3A_287, %dma_wait3A_288, %dma_wait3A_289] : memref<4096x50x64xf32, #tpu.memory_space<hbm>> -> memref<1x50x64xf32, #tpu.memory_space<hbm>>
    %dma_wait3A_291 = tpu.memref_squeeze %dma_wait3A_290 : memref<1x50x64xf32, #tpu.memory_space<hbm>> -> memref<50x64xf32, #tpu.memory_space<hbm>>
    %dma_wait3A_292 = arith.constant 0 : i32
    %dma_wait3A_293 = arith.constant 0 : i32
    %dma_wait3A_294 = tpu.memref_slice %arg4[%add3A_287, %dma_wait3A_292, %dma_wait3A_293] : memref<4096x50x64xf32, #tpu.memory_space<hbm>> -> memref<1x50x64xf32, #tpu.memory_space<hbm>>
    %dma_wait3A_295 = tpu.memref_squeeze %dma_wait3A_294 : memref<1x50x64xf32, #tpu.memory_space<hbm>> -> memref<50x64xf32, #tpu.memory_space<hbm>>
    tpu.wait_dma2 semaphore(%arg18 : memref<!tpu.dma_semaphore, #tpu.memory_space<semaphore_mem>>) src(%arg10 : memref<50x64xf32, #tpu.memory_space<vmem>>) dst(%dma_wait3A_295 : memref<50x64xf32, #tpu.memory_space<hbm>>)
    %add3A_296 = arith.constant 125 : i32
    %add3A_297 = arith.addi %mul3A_2, %add3A_296 : i32
    %dma_wait3A_298 = arith.constant 0 : i32
    %dma_wait3A_299 = arith.constant 0 : i32
    %dma_wait3A_300 = tpu.memref_slice %arg4[%add3A_297, %dma_wait3A_298, %dma_wait3A_299] : memref<4096x50x64xf32, #tpu.memory_space<hbm>> -> memref<1x50x64xf32, #tpu.memory_space<hbm>>
    %dma_wait3A_301 = tpu.memref_squeeze %dma_wait3A_300 : memref<1x50x64xf32, #tpu.memory_space<hbm>> -> memref<50x64xf32, #tpu.memory_space<hbm>>
    %dma_wait3A_302 = arith.constant 0 : i32
    %dma_wait3A_303 = arith.constant 0 : i32
    %dma_wait3A_304 = tpu.memref_slice %arg4[%add3A_297, %dma_wait3A_302, %dma_wait3A_303] : memref<4096x50x64xf32, #tpu.memory_space<hbm>> -> memref<1x50x64xf32, #tpu.memory_space<hbm>>
    %dma_wait3A_305 = tpu.memref_squeeze %dma_wait3A_304 : memref<1x50x64xf32, #tpu.memory_space<hbm>> -> memref<50x64xf32, #tpu.memory_space<hbm>>
    tpu.wait_dma2 semaphore(%arg19 : memref<!tpu.dma_semaphore, #tpu.memory_space<semaphore_mem>>) src(%arg11 : memref<50x64xf32, #tpu.memory_space<vmem>>) dst(%dma_wait3A_305 : memref<50x64xf32, #tpu.memory_space<hbm>>)
    %add3A_306 = arith.constant 126 : i32
    %add3A_307 = arith.addi %mul3A_2, %add3A_306 : i32
    %dma_wait3A_308 = arith.constant 0 : i32
    %dma_wait3A_309 = arith.constant 0 : i32
    %dma_wait3A_310 = tpu.memref_slice %arg4[%add3A_307, %dma_wait3A_308, %dma_wait3A_309] : memref<4096x50x64xf32, #tpu.memory_space<hbm>> -> memref<1x50x64xf32, #tpu.memory_space<hbm>>
    %dma_wait3A_311 = tpu.memref_squeeze %dma_wait3A_310 : memref<1x50x64xf32, #tpu.memory_space<hbm>> -> memref<50x64xf32, #tpu.memory_space<hbm>>
    %dma_wait3A_312 = arith.constant 0 : i32
    %dma_wait3A_313 = arith.constant 0 : i32
    %dma_wait3A_314 = tpu.memref_slice %arg4[%add3A_307, %dma_wait3A_312, %dma_wait3A_313] : memref<4096x50x64xf32, #tpu.memory_space<hbm>> -> memref<1x50x64xf32, #tpu.memory_space<hbm>>
    %dma_wait3A_315 = tpu.memref_squeeze %dma_wait3A_314 : memref<1x50x64xf32, #tpu.memory_space<hbm>> -> memref<50x64xf32, #tpu.memory_space<hbm>>
    tpu.wait_dma2 semaphore(%arg20 : memref<!tpu.dma_semaphore, #tpu.memory_space<semaphore_mem>>) src(%arg12 : memref<50x64xf32, #tpu.memory_space<vmem>>) dst(%dma_wait3A_315 : memref<50x64xf32, #tpu.memory_space<hbm>>)
    %add3A_316 = arith.constant 127 : i32
    %add3A_317 = arith.addi %mul3A_2, %add3A_316 : i32
    %dma_wait3A_318 = arith.constant 0 : i32
    %dma_wait3A_319 = arith.constant 0 : i32
    %dma_wait3A_320 = tpu.memref_slice %arg4[%add3A_317, %dma_wait3A_318, %dma_wait3A_319] : memref<4096x50x64xf32, #tpu.memory_space<hbm>> -> memref<1x50x64xf32, #tpu.memory_space<hbm>>
    %dma_wait3A_321 = tpu.memref_squeeze %dma_wait3A_320 : memref<1x50x64xf32, #tpu.memory_space<hbm>> -> memref<50x64xf32, #tpu.memory_space<hbm>>
    %dma_wait3A_322 = arith.constant 0 : i32
    %dma_wait3A_323 = arith.constant 0 : i32
    %dma_wait3A_324 = tpu.memref_slice %arg4[%add3A_317, %dma_wait3A_322, %dma_wait3A_323] : memref<4096x50x64xf32, #tpu.memory_space<hbm>> -> memref<1x50x64xf32, #tpu.memory_space<hbm>>
    %dma_wait3A_325 = tpu.memref_squeeze %dma_wait3A_324 : memref<1x50x64xf32, #tpu.memory_space<hbm>> -> memref<50x64xf32, #tpu.memory_space<hbm>>
    tpu.wait_dma2 semaphore(%arg21 : memref<!tpu.dma_semaphore, #tpu.memory_space<semaphore_mem>>) src(%arg13 : memref<50x64xf32, #tpu.memory_space<vmem>>) dst(%dma_wait3A_325 : memref<50x64xf32, #tpu.memory_space<hbm>>)
    return
  }
}

</mosaic_0001>

<sc_bundles>
// kernel: _emb_lookup.3.cloned.1.call-start
scs
__scs_entry_jumppad:
0x0: {  	(pc) =	sbr.rel $0x88, $3  }
0x1: {  	(tag) =	ssettag $0x0;
	lr =	simm.s32 $0x1  }
0x2: {  	[smem:$0x3F9F] =	sst lr;
	_ =	strace $0xD0000000  }
0x3: {  	_ = 	snop  }
0x4: {  	_ = 	snop  }
0x5: {  	_ = 	snop  }
0x6: {  	_ = 	snop  }
0x7: {  	_ = 	snop  }
__scs_overlays_trampoline_lowered:
0x8: {  	[smem:$0x3FAE] =	sst s0  }
0x9: {  	[smem:$0x3FAF] =	sst s1  }
0xa: {  	[smem:$0x3FB0] =	sst s2  }
0xb: {  	[smem:$0x3FB1] =	sst s3  }
0xc: {  	[smem:$0x3FB2] =	sst s4  }
0xd: {  	[smem:$0x3FB3] =	sst s5  }
0xe: {  	[smem:$0x3FB4] =	sst s6  }
0xf: {  	[smem:$0x3FB5] =	sst s7  }
0x10: {  	[smem:$0x3FB6] =	sst s8  }
0x11: {  	[smem:$0x3FB7] =	sst s9;
	s0 =	simm.s32 @!p0 $0x0  }
0x12: {  	s1 =	sld [smem:$0x3F9D];
	s0 =	simm.s32 @p0 $0x1  }
0x13: {  	[smem:$0x3FB8] =	sst s0;
	s0 =	simm.s32 @!p1 $0x0  }
0x14: {  	s2 =	sld [smem:$0x3F9C];
	s0 =	simm.s32 @p1 $0x1  }
0x15: {  	[smem:$0x3FB9] =	sst s0;
	s0 =	simm.s32 @!p2 $0x0  }
0x16: {  	s3 =	sld [smem:$0x3FDB];
	s0 =	simm.s32 @p2 $0x1  }
0x17: {  	s4 =	simm.s32 $0x1BF5;
	[smem:$0x3FBB] =	sst s0  }
0x18: {  	s0 =	sld [smem:$0x3F9E];
	_ =	swait.ge [sflag:s4], $0x0  }
0x19: {  	s7 =	sld [smem:$0x3F9F]  }
0x1a: {  	s8 =	sadd.s32 $0xFFFFE003, lr  }
0x1b: {  	s9 =	sadd.s32 $0xFFFFFEF7, lr;
	s5 =	simm.s32 $0xFFFFFFFF;
	p2 =	slt.u32 s8, $0xFFFFF086  }
0x1c: {  	p1 =	slt.u32 s9, $0xF7A;
	s5 =	simm.s32 @!p2 $0x0  }
0x1d: {  	s5 =	simm.s32 @p1 $0x1;
	p0 =	seq.s32 s7, s2  }
0x1e: {  	s7 =	smul.u32 @!p0 $0xF7A, s2;
	p2 =	seq.s32 @!p0 s5, $0x0  }
0x1f: {  	s9 =	smul.u32 $0xF7A, s1;
	s8 =	simm.s32 @!p0 $0x1BF5;
	p2 =	por !p2, p0  }
0x20: {  	[sflag:s8] =	ssyncset.s32 @!p0 $0xFFFFF086;
	s6 =	sadd.s32 @!p0 s3, s7;
	s7 =	simm.s32 @!p0 $0x108  }
0x21: {  	s3 =	sadd.s32 s3, s9;
	s6 =	sadd.s32 @!p0 $0x88, s6;
	s7 =	simm.s32 @p2 $0x1082  }
0x22: {  	[simem:s7], [sflag:s8] =	dma.local @!p0 [hbm:s6], $0xF7A  }
0x23: {  	s9 =	sor.u32 $0xD0000000, s2;
	s6 =	simm.s32 $0x108;
	_ =	swait.ge @!p0 [sflag:s8], $0x0  }
0x24: {  	s3 =	sadd.s32 $0x88, s3;
	s6 =	simm.s32 @!p1 $0x1082;
	[sflag:s4] =	ssyncset.s32 $0xFFFFF086  }
0x25: {  	[simem:s6], [sflag:s4] =	dma.local [hbm:s3], $0xF7A  }
0x26: {  	[smem:$0x3F9F] =	sst s1;
	(tag) =	ssettag s2;
	_ =	strace s9  }
0x27: {  	s1 =	sld [smem:$0x3FAF]  }
0x28: {  	s2 =	sld [smem:$0x3FB0]  }
0x29: {  	s4 =	sld [smem:$0x3FB2]  }
0x2a: {  	p0 =	seq.s32 s5, $0x0;
	s5 =	sld [smem:$0x3FB3]  }
0x2b: {  	s6 =	sld [smem:$0x3FB4]  }
0x2c: {  	s7 =	sld [smem:$0x3FB5]  }
0x2d: {  	s3 =	simm.s32 $0x108;
	s8 =	sld [smem:$0x3FB6]  }
0x2e: {  	s3 =	simm.s32 @!p0 $0x1082;
	s9 =	sld [smem:$0x3FB7]  }
0x2f: {  	lr =	sadd.s32 s0, s3;
	s0 =	sld [smem:$0x3FAE]  }
0x30: {  	s3 =	sld [smem:$0x3FB1]  }
0x31: {  	[smem:$0x3FBA] =	sst s10  }
0x32: {  	s10 =	sld [smem:$0x3FB8];
	_ =	sdelay $0x3  }
0x33: {  	p0 =	seq.s32 s10, $0x1;
	s10 =	sld [smem:$0x3FBA];
	_ =	sdelay $0x3  }
0x34: {  	[smem:$0x3FBA] =	sst s10  }
0x35: {  	s10 =	sld [smem:$0x3FB9];
	_ =	sdelay $0x3  }
0x36: {  	p1 =	seq.s32 s10, $0x1;
	s10 =	sld [smem:$0x3FBA];
	_ =	sdelay $0x3  }
0x37: {  	[smem:$0x3FBA] =	sst s10  }
0x38: {  	s10 =	sld [smem:$0x3FBB]  }
0x39: {  	_ = 	snop;
	(pc) =	sbr.ind lr, $3  }
0x3a: {  	_ = 	snop  }
0x3b: {  	_ = 	snop  }
0x3c: {  	p2 =	seq.s32 s10, $0x1;
	s10 =	sld [smem:$0x3FBA]  }
0x3d: {  	_ =	shalt  }
0x3e: {  	_ =	shalt  }
0x3f: {  	_ =	shalt  }
0x40: {  	_ =	shalt  }
0x41: {  	_ =	shalt  }
0x42: {  	_ =	shalt  }
0x43: {  	_ =	shalt  }
0x44: {  	_ =	shalt  }
0x45: {  	_ =	shalt  }
0x46: {  	_ =	shalt  }
0x47: {  	_ =	shalt  }
0x48: {  	_ =	shalt  }
0x49: {  	_ =	shalt  }
0x4a: {  	_ =	shalt  }
0x4b: {  	_ =	shalt  }
0x4c: {  	_ =	shalt  }
0x4d: {  	_ =	shalt  }
0x4e: {  	_ =	shalt  }
0x4f: {  	_ =	shalt  }
0x50: {  	_ =	shalt  }
0x51: {  	_ =	shalt  }
0x52: {  	_ =	shalt  }
0x53: {  	_ =	shalt  }
0x54: {  	_ =	shalt  }
0x55: {  	_ =	shalt  }
0x56: {  	_ =	shalt  }
0x57: {  	_ =	shalt  }
0x58: {  	_ =	shalt  }
0x59: {  	_ =	shalt  }
0x5a: {  	_ =	shalt  }
0x5b: {  	_ =	shalt  }
0x5c: {  	_ =	shalt  }
0x5d: {  	_ =	shalt  }
0x5e: {  	_ =	shalt  }
0x5f: {  	_ =	shalt  }
0x60: {  	_ =	shalt  }
0x61: {  	_ =	shalt  }
0x62: {  	_ =	shalt  }
0x63: {  	_ =	shalt  }
0x64: {  	_ =	shalt  }
0x65: {  	_ =	shalt  }
0x66: {  	_ =	shalt  }
0x67: {  	_ =	shalt  }
0x68: {  	_ =	shalt  }
0x69: {  	_ =	shalt  }
0x6a: {  	_ =	shalt  }
0x6b: {  	_ =	shalt  }
0x6c: {  	_ =	shalt  }
0x6d: {  	_ =	shalt  }
0x6e: {  	_ =	shalt  }
0x6f: {  	_ =	shalt  }
0x70: {  	_ =	shalt  }
0x71: {  	_ =	shalt  }
0x72: {  	_ =	shalt  }
0x73: {  	_ =	shalt  }
0x74: {  	_ =	shalt  }
0x75: {  	_ =	shalt  }
0x76: {  	_ =	shalt  }
0x77: {  	_ =	shalt  }
0x78: {  	_ =	shalt  }
0x79: {  	_ =	shalt  }
0x7a: {  	_ =	shalt  }
0x7b: {  	_ =	shalt  }
0x7c: {  	_ =	shalt  }
0x7d: {  	_ =	shalt  }
0x7e: {  	_ =	shalt  }
0x7f: {  	_ =	shalt  }
0x80: {  	_ =	shalt  }
0x81: {  	_ =	shalt  }
0x82: {  	_ =	shalt  }
0x83: {  	_ =	shalt  }
0x84: {  	_ =	shalt  }
0x85: {  	_ =	shalt  }
0x86: {  	_ =	shalt  }
0x87: {  	_ =	shalt  }
.Lfunc_end0:
.L_simem_size_0:
called_computation_lowered:
.L_overlay_start_0:
0x88: {  	s2 =	sld [smem:$0x3FD9]  }
0x89: {  	s3 =	sld [smem:$0x3FFE];
	_ =	sdelay $0x1  }
0x8a: {  	s1 =	srdreg.scid  }
0x8b: {  	s0 =	sand.u32 $0x1, s1  }
0x8c: {  	s17 =	sshll.u32 s0, $0xA;
	s2 =	sadd.s32 s3, s2  }
0x8d: {  	s2 =	sadd.s32 s2, s17  }
0x8e: {  	[smem:$0x3FC6] =	sst s2  }
0x8f: {  	_ = 	snop  }
0x90: {  	s2 =	sld [smem:$0x3FC8]  }
0x91: {  	s18 =	sld [smem:$0x3FD0];
	(tm) =	ssettm $0x1  }
0x92: {  	s4 =	sld [smem:$0x3FFB];
	_ =	sdelay $0x3  }
0x93: {  	_ =	strace s4  }
0x94: {  	s4 =	sld [smem:$0x3FFC];
	_ =	sdelay $0x3  }
0x95: {  	_ =	strace s4  }
0x96: {  	s4 =	sld [smem:$0x3FFD];
	_ =	sdelay $0x3  }
0x97: {  	_ =	strace s4  }
0x98: {  	_ =	strace $0x8FFFFFFF  }
0x99: {  	s19 =	sld [smem:$0x3FDB];
	_ =	sdelay $0x1  }
0x9a: {  	s5 =	simm.s32 $_scs_section_size  }
0x9b: {  	s6 =	simm.s32 $_size__tile_overlayer_lowered;
	s7 =	simm.s32 $_tile_overlayer_lowered  }
0x9c: {  	s22 =	simm.s32 $0x1BFF;
	s21 =	sshll.u32 s7, $0x1;
	s4 =	sadd.s32 s5, s19  }
0x9d: {  	s8 =	simm.s32 $0x0;
	s20 =	sshll.u32 s6, $0x1;
	s6 =	sadd.s32 s21, s4  }
0x9e: {  	[timem:s8], [sflag:s22] =	dma.local [hbm:s6], s20  }
0x9f: {  	_ =	swait.ge [sflag:s22], s20  }
0xa0: {  	s5 =	ssub.s32 $0x0, s20;
	[sflag:s22] =	ssyncset.done $0x0  }
0xa1: {  	[sflag:s22] =	ssyncadd.s32 s5;
	_ =	sdelay $0x1  }
0xa2: {  	s23 =	simm.s32 $0x1B8B  }
0xa3: {  	_ =	swait.ge [sflag:s23], $0x1  }
0xa4: {  	[sflag:s23] =	ssyncset.done $0x0  }
0xa5: {  	s25 =	simm.s32 $0x1B8E;
	s24 =	sld [smem:$0x3FFE];
	[sflag:s23] =	ssyncadd.s32 $0xFFFFFFFF  }
0xa6: {  	s26 =	simm.s32 $execute0_lowered;
	[smem:$0x3FD2] =	sst s25  }
0xa7: {  	s6 =	sshll.u32 s26, $0x1;
	_ =	strace $0x80000046;
	[dreg:$0x1] =	wrdreg $0xFFFFFFFF  }
0xa8: {  	s28 =	simm.s32 $_size_execute0_lowered;
	s4 =	sadd.s32 s4, s6;
	[dreg:$0x0] =	wrdreg $0x0  }
0xa9: {  	s6 =	sshll.u32 s28, $0x1;
	[dreg:$0x2] =	wrdreg s4  }
0xaa: {  	[dreg:$0x3] =	wrdreg s6  }
0xab: {  	[dreg:$0x4] =	wrdreg $0xC0  }
0xac: {  	_ =	task [dreg:s8], $0x5FFFF  }
0xad: {  	[dreg:$0x1] =	wrdreg $0xFFFFFFFF  }
0xae: {  	[dreg:$0x0] =	wrdreg $0x60  }
0xaf: {  	[dreg:$0x2] =	wrdreg s18  }
0xb0: {  	[dreg:$0x3] =	wrdreg s2  }
0xb1: {  	[dreg:$0x4] =	wrdreg s24  }
0xb2: {  	[dreg:$0x5] =	wrdreg $0x9  }
0xb3: {  	_ =	task.clear_ibuf [dreg:s8], $0x6FFFF;
	_ =	strace $0x90000046  }
0xb4: {  	s29 =	simm.s32 $0x9;
	_ =	strace $0x80000048  }
0xb5: {  	_ =	swait.ge [sflag:s29], $0x1  }
0xb6: {  	[sflag:s29] =	ssyncadd.s32 $0xFFFFFFFF  }
0xb7: {  	_ =	strace $0x90000048  }
0xb8: {  	_ =	sfence  }
0xb9: {  	s30 =	sld [smem:$0x0];
	_ =	sdelay $0x2  }
0xba: {  	s31 =	sshll.u32 s1, $0xD;
	s1 =	sshrl.u32 s1, $0x2  }
0xbb: {  	s3 =	sand.u32 $0x4000, s31;
	s1 =	sadd.s32 s1, s30  }
0xbc: {  	s0 =	sor.u32 s3, s0;
	s1 =	sshll.u32 s1, $0x11  }
0xbd: {  	s0 =	sor.u32 s1, s0  }
0xbe: {  	s0 =	sadd.s32 $0x8F2B, s0  }
0xbf: {  	[sflag:s0] =	ssyncadd.remote.s32 $0x1  }
0xc0: {  	_ =	sfence.sel $0xFFFF  }
0xc1: {  	[dreg:$0x0] =	wrdreg $0xFFFFFFFF;
	(pc) =	sbr.abs _section_cstart, $3  }
0xc2: {  	[dreg:$0x1] =	wrdreg $0xFFFFFFFF  }
0xc3: {  	_ =	task.clear_ibuf [dreg:s8], $0x2FFFF;
	_ =	strace $0x9FFFFFFF  }
0xc4: {  	(tm) =	ssettm $0x7FFFFFFF  }
0xc5: {  	_ =	shalt  }
tec
execute0_lowered:
.L_overlay_start_1:
0x0: {  	(tag) =	ssettag $0x1  }
0x1: {  	s0 =	rddreg [dreg:$0x0];
	s1 =	srdreg.scid  }
0x2: {  	s2 =	rddreg [dreg:$0x1];
	s3 =	stileid.u32  }
0x3: {  	s5 =	rddreg [dreg:$0x2];
	s16 =	simm.s32 $0x9;
	s17 =	simm.s32 $0x32  }
0x4: {  	s18 =	simm.s32 $0x4000;
	s28 =	simm.s32 $0xB000;
	s29 =	simm.s32 $0x2  }
0x5: {  	s31 =	simm.s32 $0xCC00;
	s30 =	simm.s32 $0x5;
	s1 =	sand.u32 $0x1, s1  }
0x6: {  	s3 =	sshll.u32 s3, $0x8;
	s5 =	sadd.s32 $0x400, s5;
	s4 =	sshll.u32 s1, $0x7  }
0x7: {  	s1 =	ssub.s32 $0x2, s1;
	s3 =	sor.u32 s4, s3;
	s4 =	simm.s32 $0x0  }
0x8: {  	s7 =	sshrl.u32 s1, $0x1;
	s6 =	smul.u32 $0x380, s3;
	[smem:$0x7FF] =	sst s4  }
0x9: {  	s8 =	smul.u32 $0x1C00, s3;
	s1 =	ssub.s32 s1, s7;
	s19 =	sshll.u32 s3, $0x4  }
0xa: {  	s7 =	simm.s32 $0x8;
	_ =	strace $0x80000047;
	s0 =	sadd.s32 s0, s19  }
0xb: {  	s15 =	smax.u32 s1, $0x1;
	s1 =	simm.s32 $0x3;
	s6 =	sadd.s32 s5, s6  }
0xc: {  	s19 =	simm.s32 $0xE800;
	[dreg:$0x4] =	wrdreg s0;
	s20 =	sadd.s32 $0x380, s6  }
0xd: {  	s8 =	sshrl.u32 s8, $0x3;
	s22 =	sadd.s32 $0x700, s6;
	[dreg:$0x5] =	wrdreg s20  }
0xe: {  	s21 =	sadd.s32 s5, s8;
	s23 =	sadd.s32 $0xA80, s6;
	[dreg:$0x6] =	wrdreg s22  }
0xf: {  	s8 =	simm.s32 $0x0;
	[dreg:$0x7] =	wrdreg s23;
	s24 =	sadd.s32 $0x1B200, s21  }
0x10: {  	s25 =	sadd.s32 $0x1B580, s21;
	s26 =	sadd.s32 $0x1B900, s21;
	[dreg:$0x8] =	wrdreg s24  }
0x11: {  	s0 =	sadd.s32 $0x1BC80, s21;
	s20 =	simm.s32 $0x5C00;
	[dreg:$0x9] =	wrdreg s25  }
0x12: {  	s22 =	simm.s32 $0x7800;
	s21 =	simm.s32 $0x4;
	[dreg:$0xa] =	wrdreg s26  }
0x13: {  	s23 =	simm.s32 $0x7;
	[dreg:$0xb] =	wrdreg s0;
	s24 =	simm.s32 $0x9400  }
0x14: {  	s25 =	simm.s32 $0x1;
	s26 =	simm.s32 $0x10400;
	s0 =	simm.s32 $0x6  }
.LBB2_1:
0x15: {  	s9 =	rddreg [dreg:$0x4]  }
0x16: {  	[tilespmem:s4], [sflag:$0x9] =	stream.linear.gather [hbm4b:s9+s4], $0x4000, $0x38;
	[tilespmem:$0x12000] =	vst v63  }
0x17: {  	_ =	swait.ge [sflag:s16], $0x4000  }
0x18: {  	[sflag:s16] =	ssyncset.done $0x0  }
0x19: {  	[sflag:s16] =	ssyncadd.s32 $0xFFFFC000  }
0x1a: {  	[tilespmem:s18], [sflag:$0x1] =	stream.indirect.gather [hbm4b:s2+s17], $0x80, s4, s17, $0xb8;
	[tilespmem:$0x12000] =	vst v63  }
0x1b: {  	s12 =	simm.s32 $0x80  }
0x1c: {  	[tilespmem:s20], [sflag:$0x2] =	stream.indirect.gather [hbm4b:s2+s17], $0x80, s12, s17, $0xb8;
	[tilespmem:$0x12000] =	vst v63  }
0x1d: {  	s13 =	simm.s32 $0x100  }
0x1e: {  	[tilespmem:s22], [sflag:$0x3] =	stream.indirect.gather [hbm4b:s2+s17], $0x80, s13, s17, $0xb8;
	[tilespmem:$0x12000] =	vst v63  }
0x1f: {  	s14 =	simm.s32 $0x180  }
0x20: {  	[tilespmem:s24], [sflag:$0x4] =	stream.indirect.gather [hbm4b:s2+s17], $0x80, s14, s17, $0xb8;
	[tilespmem:$0x12000] =	vst v63  }
0x21: {  	_ =	swait.ge [sflag:s25], $0x1900  }
0x22: {  	[sflag:s25] =	ssyncset.done $0x0  }
0x23: {  	s9 =	simm.s32 $0x230;
	[sflag:s25] =	ssyncadd.s32 $0xFFFFE700  }
0x24: {  	v0 =	vld [tilespmem:s9+$0x4000]  }
0x25: {  	v1 =	vld [tilespmem:s9+$0x3DD0]  }
0x26: {  	v2 =	vld [tilespmem:s9+$0x3DE0]  }
0x27: {  	v3 =	vld [tilespmem:s9+$0x3DF0]  }
0x28: {  	v4 =	vld [tilespmem:s9+$0x3E00]  }
0x29: {  	v5 =	vld [tilespmem:s9+$0x3E50];
	v0 =	vmul.f32 $8.000000000e+00, v0  }
0x2a: {  	v6 =	vld [tilespmem:s9+$0x3E60];
	v1 =	vmul.f32 $8.000000000e+00, v1  }
0x2b: {  	v7 =	vld [tilespmem:s9+$0x3E70];
	[tilespmem:s9+$0xB000] =	vst v0;
	v0 =	vmul.f32 $8.000000000e+00, v2  }
0x2c: {  	[tilespmem:s9+$0xADD0] =	vst v1;
	v1 =	vld [tilespmem:s9+$0x3E80];
	v2 =	vmul.f32 $8.000000000e+00, v3  }
0x2d: {  	v3 =	vmul.f32 $8.000000000e+00, v4;
	[tilespmem:s9+$0xADE0] =	vst v0;
	v0 =	vld [tilespmem:s9+$0x3ED0]  }
0x2e: {  	v4 =	vmul.f32 $8.000000000e+00, v5;
	[tilespmem:s9+$0xADF0] =	vst v2;
	v2 =	vld [tilespmem:s9+$0x3EE0]  }
0x2f: {  	v5 =	vmul.f32 $8.000000000e+00, v6;
	[tilespmem:s9+$0xAE00] =	vst v3;
	v3 =	vld [tilespmem:s9+$0x3EF0]  }
0x30: {  	v6 =	vmul.f32 $8.000000000e+00, v7;
	[tilespmem:s9+$0xAE50] =	vst v4;
	v4 =	vld [tilespmem:s9+$0x3F00]  }
0x31: {  	[tilespmem:s9+$0xAE60] =	vst v5;
	v5 =	vld [tilespmem:s9+$0x3F50];
	v1 =	vmul.f32 $8.000000000e+00, v1  }
0x32: {  	[tilespmem:s9+$0xAE70] =	vst v6;
	v6 =	vld [tilespmem:s9+$0x3F60];
	v7 =	vmul.f32 $8.000000000e+00, v0  }
0x33: {  	[tilespmem:s9+$0xAE80] =	vst v1;
	v0 =	vld [tilespmem:s9+$0x3F70];
	v2 =	vmul.f32 $8.000000000e+00, v2  }
0x34: {  	v1 =	vld [tilespmem:s9+$0x3F80];
	v3 =	vmul.f32 $8.000000000e+00, v3;
	[tilespmem:s9+$0xAED0] =	vst v7  }
0x35: {  	v4 =	vmul.f32 $8.000000000e+00, v4;
	[tilespmem:s9+$0xAEE0] =	vst v2;
	v2 =	vld [tilespmem:s9+$0x3FD0]  }
0x36: {  	v5 =	vmul.f32 $8.000000000e+00, v5;
	[tilespmem:s9+$0xAEF0] =	vst v3;
	v3 =	vld [tilespmem:s9+$0x3FE0]  }
0x37: {  	s10 =	simm.s32 $0x4B0;
	s11 =	simm.s32 $0x1CC0;
	v6 =	vmul.f32 $8.000000000e+00, v6;
	[tilespmem:s9+$0xAF00] =	vst v4;
	v4 =	vld [tilespmem:s9+$0x3FF0]  }
.LBB2_2:
0x38: {  	p0 =	sne.s32 s11, $0x62C0;
	v7 =	vld [tilespmem:s10+$0x4000];
	[tilespmem:s9+$0xAF50] =	vst v5;
	v0 =	vmul.f32 $8.000000000e+00, v0  }
0x39: {  	v5 =	vld [tilespmem:s10+$0x3DD0];
	[tilespmem:s9+$0xAF60] =	vst v6;
	v1 =	vmul.f32 $8.000000000e+00, v1  }
0x3a: {  	v6 =	vld [tilespmem:s10+$0x3DE0];
	[tilespmem:s9+$0xAF70] =	vst v0;
	v0 =	vmul.f32 $8.000000000e+00, v2  }
0x3b: {  	v2 =	vld [tilespmem:s10+$0x3DF0];
	[tilespmem:s9+$0xAF80] =	vst v1;
	v1 =	vmul.f32 $8.000000000e+00, v3  }
0x3c: {  	v3 =	vld [tilespmem:s10+$0x3E00];
	[tilespmem:s9+$0xAFD0] =	vst v0;
	v0 =	vmul.f32 $8.000000000e+00, v4  }
0x3d: {  	v4 =	vld [tilespmem:s10+$0x3E50];
	v7 =	vmul.f32 $8.000000000e+00, v7;
	[tilespmem:s9+$0xAFE0] =	vst v1  }
0x3e: {  	v1 =	vmul.f32 $8.000000000e+00, v5;
	v5 =	vld [tilespmem:s10+$0x3E60];
	[tilespmem:s9+$0xAFF0] =	vst v0;
	s9 =	smov.u32 s10  }
0x3f: {  	v0 =	vmul.f32 $8.000000000e+00, v6;
	v6 =	vld [tilespmem:s9+$0x3E70];
	[tilespmem:s9+$0xB000] =	vst v7  }
0x40: {  	[tilespmem:s9+$0xADD0] =	vst v1;
	v1 =	vmul.f32 $8.000000000e+00, v2;
	v2 =	vld [tilespmem:s9+$0x3E80]  }
0x41: {  	[tilespmem:s9+$0xADE0] =	vst v0;
	v0 =	vmul.f32 $8.000000000e+00, v3;
	v3 =	vld [tilespmem:s9+$0x3ED0]  }
0x42: {  	[tilespmem:s9+$0xADF0] =	vst v1;
	v1 =	vmul.f32 $8.000000000e+00, v4;
	v4 =	vld [tilespmem:s9+$0x3EE0]  }
0x43: {  	[tilespmem:s9+$0xAE00] =	vst v0;
	v0 =	vmul.f32 $8.000000000e+00, v5;
	v5 =	vld [tilespmem:s9+$0x3EF0]  }
0x44: {  	[tilespmem:s9+$0xAE50] =	vst v1;
	v1 =	vmul.f32 $8.000000000e+00, v6;
	v6 =	vld [tilespmem:s9+$0x3F00]  }
0x45: {  	[tilespmem:s9+$0xAE60] =	vst v0;
	v0 =	vmul.f32 $8.000000000e+00, v2;
	v7 =	vld [tilespmem:s9+$0x3F50]  }
0x46: {  	[tilespmem:s9+$0xAE70] =	vst v1;
	v1 =	vmul.f32 $8.000000000e+00, v3;
	v8 =	vld [tilespmem:s9+$0x3F60]  }
.Ltmp0:
0x47: {  	[tilespmem:s9+$0xAE80] =	vst v0;
	v2 =	vmul.f32 $8.000000000e+00, v4;
	v0 =	vld [tilespmem:s9+$0x3F70];
	(pc) =	sbr.rel @p0 .LBB2_2-.Ltmp0, $4  }
0x48: {  	[tilespmem:s9+$0xAED0] =	vst v1;
	v3 =	vmul.f32 $8.000000000e+00, v5;
	v1 =	vld [tilespmem:s9+$0x3F80]  }
0x49: {  	[tilespmem:s9+$0xAEE0] =	vst v2;
	v4 =	vmul.f32 $8.000000000e+00, v6;
	v2 =	vld [tilespmem:s9+$0x3FD0]  }
0x4a: {  	[tilespmem:s9+$0xAEF0] =	vst v3;
	v5 =	vmul.f32 $8.000000000e+00, v7;
	v3 =	vld [tilespmem:s9+$0x3FE0]  }
0x4b: {  	s10 =	sshra.s32 s11, $0x2;
	s11 =	sadd.s32 $0xA00, s11;
	[tilespmem:s9+$0xAF00] =	vst v4;
	v6 =	vmul.f32 $8.000000000e+00, v8;
	v4 =	vld [tilespmem:s9+$0x3FF0]  }
0x4c: {  	v7 =	vld [tilespmem:s10+$0x4000];
	[tilespmem:s9+$0xAF50] =	vst v5;
	v0 =	vmul.f32 $8.000000000e+00, v0  }
0x4d: {  	v5 =	vld [tilespmem:s10+$0x3DD0];
	[tilespmem:s9+$0xAF60] =	vst v6;
	v1 =	vmul.f32 $8.000000000e+00, v1  }
0x4e: {  	v6 =	vld [tilespmem:s10+$0x3DE0];
	[tilespmem:s9+$0xAF70] =	vst v0;
	v2 =	vmul.f32 $8.000000000e+00, v2  }
0x4f: {  	v0 =	vld [tilespmem:s10+$0x3DF0];
	[tilespmem:s9+$0xAF80] =	vst v1;
	v3 =	vmul.f32 $8.000000000e+00, v3  }
0x50: {  	v1 =	vld [tilespmem:s10+$0x3E00];
	[tilespmem:s9+$0xAFD0] =	vst v2;
	v4 =	vmul.f32 $8.000000000e+00, v4  }
0x51: {  	v2 =	vld [tilespmem:s10+$0x3E50];
	[tilespmem:s9+$0xAFE0] =	vst v3;
	v7 =	vmul.f32 $8.000000000e+00, v7  }
0x52: {  	v3 =	vld [tilespmem:s10+$0x3E60];
	[tilespmem:s9+$0xAFF0] =	vst v4;
	v4 =	vmul.f32 $8.000000000e+00, v5  }
0x53: {  	v5 =	vld [tilespmem:s10+$0x3E70];
	[tilespmem:s10+$0xB000] =	vst v7;
	v6 =	vmul.f32 $8.000000000e+00, v6  }
0x54: {  	[tilespmem:s10+$0xADD0] =	vst v4;
	v4 =	vld [tilespmem:s10+$0x3E80];
	v0 =	vmul.f32 $8.000000000e+00, v0  }
0x55: {  	[tilespmem:s10+$0xADE0] =	vst v6;
	v6 =	vld [tilespmem:s10+$0x3ED0];
	v1 =	vmul.f32 $8.000000000e+00, v1  }
0x56: {  	[tilespmem:s10+$0xADF0] =	vst v0;
	v0 =	vld [tilespmem:s10+$0x3EE0];
	v2 =	vmul.f32 $8.000000000e+00, v2  }
0x57: {  	[tilespmem:s10+$0xAE00] =	vst v1;
	v1 =	vld [tilespmem:s10+$0x3EF0];
	v3 =	vmul.f32 $8.000000000e+00, v3  }
0x58: {  	[tilespmem:s10+$0xAE50] =	vst v2;
	v2 =	vld [tilespmem:s10+$0x3F00];
	v5 =	vmul.f32 $8.000000000e+00, v5  }
0x59: {  	[tilespmem:s10+$0xAE60] =	vst v3;
	v3 =	vld [tilespmem:s10+$0x3F50];
	v4 =	vmul.f32 $8.000000000e+00, v4  }
0x5a: {  	[tilespmem:s10+$0xAE70] =	vst v5;
	v5 =	vld [tilespmem:s10+$0x3F60];
	v6 =	vmul.f32 $8.000000000e+00, v6  }
0x5b: {  	[tilespmem:s10+$0xAE80] =	vst v4;
	v4 =	vld [tilespmem:s10+$0x3F70];
	v0 =	vmul.f32 $8.000000000e+00, v0  }
0x5c: {  	[tilespmem:s10+$0xAED0] =	vst v6;
	v6 =	vld [tilespmem:s10+$0x3F80];
	v1 =	vmul.f32 $8.000000000e+00, v1  }
0x5d: {  	[tilespmem:s10+$0xAEE0] =	vst v0;
	v0 =	vld [tilespmem:s10+$0x3FD0];
	v2 =	vmul.f32 $8.000000000e+00, v2  }
0x5e: {  	[tilespmem:s10+$0xAEF0] =	vst v1;
	v1 =	vld [tilespmem:s10+$0x3FE0];
	v3 =	vmul.f32 $8.000000000e+00, v3  }
0x5f: {  	[tilespmem:s10+$0xAF00] =	vst v2;
	v2 =	vmul.f32 $8.000000000e+00, v5;
	v5 =	vld [tilespmem:s10+$0x3FF0]  }
0x60: {  	[tilespmem:s10+$0xAF50] =	vst v3;
	v3 =	vmul.f32 $8.000000000e+00, v4  }
0x61: {  	[tilespmem:s10+$0xAF60] =	vst v2;
	v2 =	vmul.f32 $8.000000000e+00, v6  }
0x62: {  	[tilespmem:s10+$0xAF70] =	vst v3;
	v0 =	vmul.f32 $8.000000000e+00, v0  }
0x63: {  	[tilespmem:s10+$0xAF80] =	vst v2;
	v1 =	vmul.f32 $8.000000000e+00, v1  }
0x64: {  	[tilespmem:s10+$0xAFD0] =	vst v0;
	v0 =	vmul.f32 $8.000000000e+00, v5  }
0x65: {  	[tilespmem:s10+$0xAFE0] =	vst v1  }
0x66: {  	s14 =	simm.s32 $0x200;
	[tilespmem:s10+$0xAFF0] =	vst v0  }
0x67: {  	[tilespmem:s18], [sflag:$0x1] =	stream.indirect.gather [hbm4b:s2+s17], $0x80, s14, s17, $0xb8;
	[tilespmem:$0x12000] =	vst v63  }
0x68: {  	_ = 	snop  }
0x69: {  	[hbm4b:s6+s4] =	stream.linear.scatter [tilespmem:s28], [sflag:$0x5], $0x1900, $0x38;
	[tilespmem:$0x12000] =	vst v63  }
0x6a: {  	_ =	swait.ge [sflag:s29], $0x1900  }
0x6b: {  	[sflag:s29] =	ssyncset.done $0x0  }
0x6c: {  	s9 =	simm.s32 $0x230;
	[sflag:s29] =	ssyncadd.s32 $0xFFFFE700  }
0x6d: {  	v0 =	vld [tilespmem:s9+$0x5C00]  }
0x6e: {  	v1 =	vld [tilespmem:s9+$0x59D0]  }
0x6f: {  	v2 =	vld [tilespmem:s9+$0x59E0]  }
0x70: {  	v3 =	vld [tilespmem:s9+$0x59F0]  }
0x71: {  	v4 =	vld [tilespmem:s9+$0x5A00]  }
0x72: {  	v5 =	vld [tilespmem:s9+$0x5A50];
	v0 =	vmul.f32 $8.000000000e+00, v0  }
0x73: {  	v6 =	vld [tilespmem:s9+$0x5A60];
	v1 =	vmul.f32 $8.000000000e+00, v1  }
0x74: {  	v7 =	vld [tilespmem:s9+$0x5A70];
	[tilespmem:s9+$0xCC00] =	vst v0;
	v0 =	vmul.f32 $8.000000000e+00, v2  }
0x75: {  	[tilespmem:s9+$0xC9D0] =	vst v1;
	v1 =	vld [tilespmem:s9+$0x5A80];
	v2 =	vmul.f32 $8.000000000e+00, v3  }
0x76: {  	v3 =	vmul.f32 $8.000000000e+00, v4;
	[tilespmem:s9+$0xC9E0] =	vst v0;
	v0 =	vld [tilespmem:s9+$0x5AD0]  }
0x77: {  	v4 =	vmul.f32 $8.000000000e+00, v5;
	[tilespmem:s9+$0xC9F0] =	vst v2;
	v2 =	vld [tilespmem:s9+$0x5AE0]  }
0x78: {  	v5 =	vmul.f32 $8.000000000e+00, v6;
	[tilespmem:s9+$0xCA00] =	vst v3;
	v3 =	vld [tilespmem:s9+$0x5AF0]  }
0x79: {  	v6 =	vmul.f32 $8.000000000e+00, v7;
	[tilespmem:s9+$0xCA50] =	vst v4;
	v4 =	vld [tilespmem:s9+$0x5B00]  }
0x7a: {  	[tilespmem:s9+$0xCA60] =	vst v5;
	v5 =	vld [tilespmem:s9+$0x5B50];
	v1 =	vmul.f32 $8.000000000e+00, v1  }
0x7b: {  	[tilespmem:s9+$0xCA70] =	vst v6;
	v6 =	vld [tilespmem:s9+$0x5B60];
	v7 =	vmul.f32 $8.000000000e+00, v0  }
0x7c: {  	[tilespmem:s9+$0xCA80] =	vst v1;
	v0 =	vld [tilespmem:s9+$0x5B70];
	v2 =	vmul.f32 $8.000000000e+00, v2  }
0x7d: {  	v1 =	vld [tilespmem:s9+$0x5B80];
	v3 =	vmul.f32 $8.000000000e+00, v3;
	[tilespmem:s9+$0xCAD0] =	vst v7  }
0x7e: {  	v4 =	vmul.f32 $8.000000000e+00, v4;
	[tilespmem:s9+$0xCAE0] =	vst v2;
	v2 =	vld [tilespmem:s9+$0x5BD0]  }
0x7f: {  	v5 =	vmul.f32 $8.000000000e+00, v5;
	[tilespmem:s9+$0xCAF0] =	vst v3;
	v3 =	vld [tilespmem:s9+$0x5BE0]  }
0x80: {  	s11 =	simm.s32 $0x1CC0;
	s10 =	simm.s32 $0x4B0;
	v6 =	vmul.f32 $8.000000000e+00, v6;
	[tilespmem:s9+$0xCB00] =	vst v4;
	v4 =	vld [tilespmem:s9+$0x5BF0]  }
.LBB2_4:
0x81: {  	p0 =	sne.s32 s11, $0x62C0;
	v7 =	vld [tilespmem:s10+$0x5C00];
	[tilespmem:s9+$0xCB50] =	vst v5;
	v0 =	vmul.f32 $8.000000000e+00, v0  }
0x82: {  	v5 =	vld [tilespmem:s10+$0x59D0];
	[tilespmem:s9+$0xCB60] =	vst v6;
	v1 =	vmul.f32 $8.000000000e+00, v1  }
0x83: {  	v6 =	vld [tilespmem:s10+$0x59E0];
	[tilespmem:s9+$0xCB70] =	vst v0;
	v0 =	vmul.f32 $8.000000000e+00, v2  }
0x84: {  	v2 =	vld [tilespmem:s10+$0x59F0];
	[tilespmem:s9+$0xCB80] =	vst v1;
	v1 =	vmul.f32 $8.000000000e+00, v3  }
0x85: {  	v3 =	vld [tilespmem:s10+$0x5A00];
	[tilespmem:s9+$0xCBD0] =	vst v0;
	v0 =	vmul.f32 $8.000000000e+00, v4  }
0x86: {  	v4 =	vld [tilespmem:s10+$0x5A50];
	v7 =	vmul.f32 $8.000000000e+00, v7;
	[tilespmem:s9+$0xCBE0] =	vst v1  }
0x87: {  	v1 =	vmul.f32 $8.000000000e+00, v5;
	v5 =	vld [tilespmem:s10+$0x5A60];
	[tilespmem:s9+$0xCBF0] =	vst v0;
	s9 =	smov.u32 s10  }
0x88: {  	v0 =	vmul.f32 $8.000000000e+00, v6;
	v6 =	vld [tilespmem:s9+$0x5A70];
	[tilespmem:s9+$0xCC00] =	vst v7  }
0x89: {  	[tilespmem:s9+$0xC9D0] =	vst v1;
	v1 =	vmul.f32 $8.000000000e+00, v2;
	v2 =	vld [tilespmem:s9+$0x5A80]  }
0x8a: {  	[tilespmem:s9+$0xC9E0] =	vst v0;
	v0 =	vmul.f32 $8.000000000e+00, v3;
	v3 =	vld [tilespmem:s9+$0x5AD0]  }
0x8b: {  	[tilespmem:s9+$0xC9F0] =	vst v1;
	v1 =	vmul.f32 $8.000000000e+00, v4;
	v4 =	vld [tilespmem:s9+$0x5AE0]  }
0x8c: {  	[tilespmem:s9+$0xCA00] =	vst v0;
	v0 =	vmul.f32 $8.000000000e+00, v5;
	v5 =	vld [tilespmem:s9+$0x5AF0]  }
0x8d: {  	[tilespmem:s9+$0xCA50] =	vst v1;
	v1 =	vmul.f32 $8.000000000e+00, v6;
	v6 =	vld [tilespmem:s9+$0x5B00]  }
0x8e: {  	[tilespmem:s9+$0xCA60] =	vst v0;
	v0 =	vmul.f32 $8.000000000e+00, v2;
	v7 =	vld [tilespmem:s9+$0x5B50]  }
0x8f: {  	[tilespmem:s9+$0xCA70] =	vst v1;
	v1 =	vmul.f32 $8.000000000e+00, v3;
	v8 =	vld [tilespmem:s9+$0x5B60]  }
.Ltmp1:
0x90: {  	[tilespmem:s9+$0xCA80] =	vst v0;
	v2 =	vmul.f32 $8.000000000e+00, v4;
	v0 =	vld [tilespmem:s9+$0x5B70];
	(pc) =	sbr.rel @p0 .LBB2_4-.Ltmp1, $4  }
0x91: {  	[tilespmem:s9+$0xCAD0] =	vst v1;
	v3 =	vmul.f32 $8.000000000e+00, v5;
	v1 =	vld [tilespmem:s9+$0x5B80]  }
0x92: {  	[tilespmem:s9+$0xCAE0] =	vst v2;
	v4 =	vmul.f32 $8.000000000e+00, v6;
	v2 =	vld [tilespmem:s9+$0x5BD0]  }
0x93: {  	[tilespmem:s9+$0xCAF0] =	vst v3;
	v5 =	vmul.f32 $8.000000000e+00, v7;
	v3 =	vld [tilespmem:s9+$0x5BE0]  }
0x94: {  	s10 =	sshra.s32 s11, $0x2;
	s11 =	sadd.s32 $0xA00, s11;
	[tilespmem:s9+$0xCB00] =	vst v4;
	v6 =	vmul.f32 $8.000000000e+00, v8;
	v4 =	vld [tilespmem:s9+$0x5BF0]  }
0x95: {  	v7 =	vld [tilespmem:s10+$0x5C00];
	[tilespmem:s9+$0xCB50] =	vst v5;
	v0 =	vmul.f32 $8.000000000e+00, v0  }
0x96: {  	v5 =	vld [tilespmem:s10+$0x59D0];
	[tilespmem:s9+$0xCB60] =	vst v6;
	v1 =	vmul.f32 $8.000000000e+00, v1  }
0x97: {  	v6 =	vld [tilespmem:s10+$0x59E0];
	[tilespmem:s9+$0xCB70] =	vst v0;
	v2 =	vmul.f32 $8.000000000e+00, v2  }
0x98: {  	v0 =	vld [tilespmem:s10+$0x59F0];
	[tilespmem:s9+$0xCB80] =	vst v1;
	v3 =	vmul.f32 $8.000000000e+00, v3  }
0x99: {  	v1 =	vld [tilespmem:s10+$0x5A00];
	[tilespmem:s9+$0xCBD0] =	vst v2;
	v4 =	vmul.f32 $8.000000000e+00, v4  }
0x9a: {  	v2 =	vld [tilespmem:s10+$0x5A50];
	[tilespmem:s9+$0xCBE0] =	vst v3;
	v7 =	vmul.f32 $8.000000000e+00, v7  }
0x9b: {  	v3 =	vld [tilespmem:s10+$0x5A60];
	[tilespmem:s9+$0xCBF0] =	vst v4;
	v4 =	vmul.f32 $8.000000000e+00, v5  }
0x9c: {  	v5 =	vld [tilespmem:s10+$0x5A70];
	[tilespmem:s10+$0xCC00] =	vst v7;
	v6 =	vmul.f32 $8.000000000e+00, v6  }
0x9d: {  	[tilespmem:s10+$0xC9D0] =	vst v4;
	v4 =	vld [tilespmem:s10+$0x5A80];
	v0 =	vmul.f32 $8.000000000e+00, v0  }
0x9e: {  	[tilespmem:s10+$0xC9E0] =	vst v6;
	v6 =	vld [tilespmem:s10+$0x5AD0];
	v1 =	vmul.f32 $8.000000000e+00, v1  }
0x9f: {  	[tilespmem:s10+$0xC9F0] =	vst v0;
	v0 =	vld [tilespmem:s10+$0x5AE0];
	v2 =	vmul.f32 $8.000000000e+00, v2  }
0xa0: {  	[tilespmem:s10+$0xCA00] =	vst v1;
	v1 =	vld [tilespmem:s10+$0x5AF0];
	v3 =	vmul.f32 $8.000000000e+00, v3  }
0xa1: {  	[tilespmem:s10+$0xCA50] =	vst v2;
	v2 =	vld [tilespmem:s10+$0x5B00];
	v5 =	vmul.f32 $8.000000000e+00, v5  }
0xa2: {  	[tilespmem:s10+$0xCA60] =	vst v3;
	v3 =	vld [tilespmem:s10+$0x5B50];
	v4 =	vmul.f32 $8.000000000e+00, v4  }
0xa3: {  	[tilespmem:s10+$0xCA70] =	vst v5;
	v5 =	vld [tilespmem:s10+$0x5B60];
	v6 =	vmul.f32 $8.000000000e+00, v6  }
0xa4: {  	[tilespmem:s10+$0xCA80] =	vst v4;
	v4 =	vld [tilespmem:s10+$0x5B70];
	v0 =	vmul.f32 $8.000000000e+00, v0  }
0xa5: {  	[tilespmem:s10+$0xCAD0] =	vst v6;
	v6 =	vld [tilespmem:s10+$0x5B80];
	v1 =	vmul.f32 $8.000000000e+00, v1  }
0xa6: {  	[tilespmem:s10+$0xCAE0] =	vst v0;
	v0 =	vld [tilespmem:s10+$0x5BD0];
	v2 =	vmul.f32 $8.000000000e+00, v2  }
0xa7: {  	[tilespmem:s10+$0xCAF0] =	vst v1;
	v1 =	vld [tilespmem:s10+$0x5BE0];
	v3 =	vmul.f32 $8.000000000e+00, v3  }
0xa8: {  	[tilespmem:s10+$0xCB00] =	vst v2;
	v2 =	vmul.f32 $8.000000000e+00, v5;
	v5 =	vld [tilespmem:s10+$0x5BF0]  }
0xa9: {  	[tilespmem:s10+$0xCB50] =	vst v3;
	v3 =	vmul.f32 $8.000000000e+00, v4  }
0xaa: {  	[tilespmem:s10+$0xCB60] =	vst v2;
	v2 =	vmul.f32 $8.000000000e+00, v6  }
0xab: {  	[tilespmem:s10+$0xCB70] =	vst v3;
	v0 =	vmul.f32 $8.000000000e+00, v0  }
0xac: {  	[tilespmem:s10+$0xCB80] =	vst v2;
	v1 =	vmul.f32 $8.000000000e+00, v1  }
0xad: {  	[tilespmem:s10+$0xCBD0] =	vst v0;
	v0 =	vmul.f32 $8.000000000e+00, v5  }
0xae: {  	[tilespmem:s10+$0xCBE0] =	vst v1  }
0xaf: {  	s13 =	simm.s32 $0x280;
	[tilespmem:s10+$0xCBF0] =	vst v0  }
0xb0: {  	[tilespmem:s20], [sflag:$0x2] =	stream.indirect.gather [hbm4b:s2+s17], $0x80, s13, s17, $0xb8;
	[tilespmem:$0x12000] =	vst v63  }
0xb1: {  	s14 =	rddreg [dreg:$0x5]  }
0xb2: {  	[hbm4b:s14+s4] =	stream.linear.scatter [tilespmem:s31], [sflag:$0x6], $0x1900, $0x38;
	[tilespmem:$0x12000] =	vst v63  }
0xb3: {  	_ =	swait.ge [sflag:s1], $0x1900  }
0xb4: {  	[sflag:s1] =	ssyncset.done $0x0  }
0xb5: {  	s9 =	simm.s32 $0x230;
	[sflag:s1] =	ssyncadd.s32 $0xFFFFE700  }
0xb6: {  	v0 =	vld [tilespmem:s9+$0x7800]  }
0xb7: {  	v1 =	vld [tilespmem:s9+$0x75D0]  }
0xb8: {  	v2 =	vld [tilespmem:s9+$0x75E0]  }
0xb9: {  	v3 =	vld [tilespmem:s9+$0x75F0]  }
0xba: {  	v4 =	vld [tilespmem:s9+$0x7600]  }
0xbb: {  	v5 =	vld [tilespmem:s9+$0x7650];
	v0 =	vmul.f32 $8.000000000e+00, v0  }
0xbc: {  	v6 =	vld [tilespmem:s9+$0x7660];
	v1 =	vmul.f32 $8.000000000e+00, v1  }
0xbd: {  	v7 =	vld [tilespmem:s9+$0x7670];
	[tilespmem:s9+$0xE800] =	vst v0;
	v0 =	vmul.f32 $8.000000000e+00, v2  }
0xbe: {  	[tilespmem:s9+$0xE5D0] =	vst v1;
	v1 =	vld [tilespmem:s9+$0x7680];
	v2 =	vmul.f32 $8.000000000e+00, v3  }
0xbf: {  	v3 =	vmul.f32 $8.000000000e+00, v4;
	[tilespmem:s9+$0xE5E0] =	vst v0;
	v0 =	vld [tilespmem:s9+$0x76D0]  }
0xc0: {  	v4 =	vmul.f32 $8.000000000e+00, v5;
	[tilespmem:s9+$0xE5F0] =	vst v2;
	v2 =	vld [tilespmem:s9+$0x76E0]  }
0xc1: {  	v5 =	vmul.f32 $8.000000000e+00, v6;
	[tilespmem:s9+$0xE600] =	vst v3;
	v3 =	vld [tilespmem:s9+$0x76F0]  }
0xc2: {  	v6 =	vmul.f32 $8.000000000e+00, v7;
	[tilespmem:s9+$0xE650] =	vst v4;
	v4 =	vld [tilespmem:s9+$0x7700]  }
0xc3: {  	[tilespmem:s9+$0xE660] =	vst v5;
	v5 =	vld [tilespmem:s9+$0x7750];
	v1 =	vmul.f32 $8.000000000e+00, v1  }
0xc4: {  	[tilespmem:s9+$0xE670] =	vst v6;
	v6 =	vld [tilespmem:s9+$0x7760];
	v7 =	vmul.f32 $8.000000000e+00, v0  }
0xc5: {  	[tilespmem:s9+$0xE680] =	vst v1;
	v0 =	vld [tilespmem:s9+$0x7770];
	v2 =	vmul.f32 $8.000000000e+00, v2  }
0xc6: {  	v1 =	vld [tilespmem:s9+$0x7780];
	v3 =	vmul.f32 $8.000000000e+00, v3;
	[tilespmem:s9+$0xE6D0] =	vst v7  }
0xc7: {  	v4 =	vmul.f32 $8.000000000e+00, v4;
	[tilespmem:s9+$0xE6E0] =	vst v2;
	v2 =	vld [tilespmem:s9+$0x77D0]  }
0xc8: {  	v5 =	vmul.f32 $8.000000000e+00, v5;
	[tilespmem:s9+$0xE6F0] =	vst v3;
	v3 =	vld [tilespmem:s9+$0x77E0]  }
0xc9: {  	s11 =	simm.s32 $0x1CC0;
	s10 =	simm.s32 $0x4B0;
	v6 =	vmul.f32 $8.000000000e+00, v6;
	[tilespmem:s9+$0xE700] =	vst v4;
	v4 =	vld [tilespmem:s9+$0x77F0]  }
.LBB2_6:
0xca: {  	p0 =	sne.s32 s11, $0x62C0;
	v7 =	vld [tilespmem:s10+$0x7800];
	[tilespmem:s9+$0xE750] =	vst v5;
	v0 =	vmul.f32 $8.000000000e+00, v0  }
0xcb: {  	v5 =	vld [tilespmem:s10+$0x75D0];
	[tilespmem:s9+$0xE760] =	vst v6;
	v1 =	vmul.f32 $8.000000000e+00, v1  }
0xcc: {  	v6 =	vld [tilespmem:s10+$0x75E0];
	[tilespmem:s9+$0xE770] =	vst v0;
	v0 =	vmul.f32 $8.000000000e+00, v2  }
0xcd: {  	v2 =	vld [tilespmem:s10+$0x75F0];
	[tilespmem:s9+$0xE780] =	vst v1;
	v1 =	vmul.f32 $8.000000000e+00, v3  }
0xce: {  	v3 =	vld [tilespmem:s10+$0x7600];
	[tilespmem:s9+$0xE7D0] =	vst v0;
	v0 =	vmul.f32 $8.000000000e+00, v4  }
0xcf: {  	v4 =	vld [tilespmem:s10+$0x7650];
	v7 =	vmul.f32 $8.000000000e+00, v7;
	[tilespmem:s9+$0xE7E0] =	vst v1  }
0xd0: {  	v1 =	vmul.f32 $8.000000000e+00, v5;
	v5 =	vld [tilespmem:s10+$0x7660];
	[tilespmem:s9+$0xE7F0] =	vst v0;
	s9 =	smov.u32 s10  }
0xd1: {  	v0 =	vmul.f32 $8.000000000e+00, v6;
	v6 =	vld [tilespmem:s9+$0x7670];
	[tilespmem:s9+$0xE800] =	vst v7  }
0xd2: {  	[tilespmem:s9+$0xE5D0] =	vst v1;
	v1 =	vmul.f32 $8.000000000e+00, v2;
	v2 =	vld [tilespmem:s9+$0x7680]  }
0xd3: {  	[tilespmem:s9+$0xE5E0] =	vst v0;
	v0 =	vmul.f32 $8.000000000e+00, v3;
	v3 =	vld [tilespmem:s9+$0x76D0]  }
0xd4: {  	[tilespmem:s9+$0xE5F0] =	vst v1;
	v1 =	vmul.f32 $8.000000000e+00, v4;
	v4 =	vld [tilespmem:s9+$0x76E0]  }
0xd5: {  	[tilespmem:s9+$0xE600] =	vst v0;
	v0 =	vmul.f32 $8.000000000e+00, v5;
	v5 =	vld [tilespmem:s9+$0x76F0]  }
0xd6: {  	[tilespmem:s9+$0xE650] =	vst v1;
	v1 =	vmul.f32 $8.000000000e+00, v6;
	v6 =	vld [tilespmem:s9+$0x7700]  }
0xd7: {  	[tilespmem:s9+$0xE660] =	vst v0;
	v0 =	vmul.f32 $8.000000000e+00, v2;
	v7 =	vld [tilespmem:s9+$0x7750]  }
0xd8: {  	[tilespmem:s9+$0xE670] =	vst v1;
	v1 =	vmul.f32 $8.000000000e+00, v3;
	v8 =	vld [tilespmem:s9+$0x7760]  }
.Ltmp2:
0xd9: {  	[tilespmem:s9+$0xE680] =	vst v0;
	v2 =	vmul.f32 $8.000000000e+00, v4;
	v0 =	vld [tilespmem:s9+$0x7770];
	(pc) =	sbr.rel @p0 .LBB2_6-.Ltmp2, $4  }
0xda: {  	[tilespmem:s9+$0xE6D0] =	vst v1;
	v3 =	vmul.f32 $8.000000000e+00, v5;
	v1 =	vld [tilespmem:s9+$0x7780]  }
0xdb: {  	[tilespmem:s9+$0xE6E0] =	vst v2;
	v4 =	vmul.f32 $8.000000000e+00, v6;
	v2 =	vld [tilespmem:s9+$0x77D0]  }
0xdc: {  	[tilespmem:s9+$0xE6F0] =	vst v3;
	v5 =	vmul.f32 $8.000000000e+00, v7;
	v3 =	vld [tilespmem:s9+$0x77E0]  }
0xdd: {  	s10 =	sshra.s32 s11, $0x2;
	s11 =	sadd.s32 $0xA00, s11;
	[tilespmem:s9+$0xE700] =	vst v4;
	v6 =	vmul.f32 $8.000000000e+00, v8;
	v4 =	vld [tilespmem:s9+$0x77F0]  }
0xde: {  	v7 =	vld [tilespmem:s10+$0x7800];
	[tilespmem:s9+$0xE750] =	vst v5;
	v0 =	vmul.f32 $8.000000000e+00, v0  }
0xdf: {  	v5 =	vld [tilespmem:s10+$0x75D0];
	[tilespmem:s9+$0xE760] =	vst v6;
	v1 =	vmul.f32 $8.000000000e+00, v1  }
0xe0: {  	v6 =	vld [tilespmem:s10+$0x75E0];
	[tilespmem:s9+$0xE770] =	vst v0;
	v2 =	vmul.f32 $8.000000000e+00, v2  }
0xe1: {  	v0 =	vld [tilespmem:s10+$0x75F0];
	[tilespmem:s9+$0xE780] =	vst v1;
	v3 =	vmul.f32 $8.000000000e+00, v3  }
0xe2: {  	v1 =	vld [tilespmem:s10+$0x7600];
	[tilespmem:s9+$0xE7D0] =	vst v2;
	v4 =	vmul.f32 $8.000000000e+00, v4  }
0xe3: {  	v2 =	vld [tilespmem:s10+$0x7650];
	[tilespmem:s9+$0xE7E0] =	vst v3;
	v7 =	vmul.f32 $8.000000000e+00, v7  }
0xe4: {  	v3 =	vld [tilespmem:s10+$0x7660];
	[tilespmem:s9+$0xE7F0] =	vst v4;
	v4 =	vmul.f32 $8.000000000e+00, v5  }
0xe5: {  	v5 =	vld [tilespmem:s10+$0x7670];
	[tilespmem:s10+$0xE800] =	vst v7;
	v6 =	vmul.f32 $8.000000000e+00, v6  }
0xe6: {  	[tilespmem:s10+$0xE5D0] =	vst v4;
	v4 =	vld [tilespmem:s10+$0x7680];
	v0 =	vmul.f32 $8.000000000e+00, v0  }
0xe7: {  	[tilespmem:s10+$0xE5E0] =	vst v6;
	v6 =	vld [tilespmem:s10+$0x76D0];
	v1 =	vmul.f32 $8.000000000e+00, v1  }
0xe8: {  	[tilespmem:s10+$0xE5F0] =	vst v0;
	v0 =	vld [tilespmem:s10+$0x76E0];
	v2 =	vmul.f32 $8.000000000e+00, v2  }
0xe9: {  	[tilespmem:s10+$0xE600] =	vst v1;
	v1 =	vld [tilespmem:s10+$0x76F0];
	v3 =	vmul.f32 $8.000000000e+00, v3  }
0xea: {  	[tilespmem:s10+$0xE650] =	vst v2;
	v2 =	vld [tilespmem:s10+$0x7700];
	v5 =	vmul.f32 $8.000000000e+00, v5  }
0xeb: {  	[tilespmem:s10+$0xE660] =	vst v3;
	v3 =	vld [tilespmem:s10+$0x7750];
	v4 =	vmul.f32 $8.000000000e+00, v4  }
0xec: {  	[tilespmem:s10+$0xE670] =	vst v5;
	v5 =	vld [tilespmem:s10+$0x7760];
	v6 =	vmul.f32 $8.000000000e+00, v6  }
0xed: {  	[tilespmem:s10+$0xE680] =	vst v4;
	v4 =	vld [tilespmem:s10+$0x7770];
	v0 =	vmul.f32 $8.000000000e+00, v0  }
0xee: {  	[tilespmem:s10+$0xE6D0] =	vst v6;
	v6 =	vld [tilespmem:s10+$0x7780];
	v1 =	vmul.f32 $8.000000000e+00, v1  }
0xef: {  	[tilespmem:s10+$0xE6E0] =	vst v0;
	v0 =	vld [tilespmem:s10+$0x77D0];
	v2 =	vmul.f32 $8.000000000e+00, v2  }
0xf0: {  	[tilespmem:s10+$0xE6F0] =	vst v1;
	v1 =	vld [tilespmem:s10+$0x77E0];
	v3 =	vmul.f32 $8.000000000e+00, v3  }
0xf1: {  	[tilespmem:s10+$0xE700] =	vst v2;
	v2 =	vmul.f32 $8.000000000e+00, v5;
	v5 =	vld [tilespmem:s10+$0x77F0]  }
0xf2: {  	[tilespmem:s10+$0xE750] =	vst v3;
	v3 =	vmul.f32 $8.000000000e+00, v4  }
0xf3: {  	[tilespmem:s10+$0xE760] =	vst v2;
	v2 =	vmul.f32 $8.000000000e+00, v6  }
0xf4: {  	[tilespmem:s10+$0xE770] =	vst v3;
	v0 =	vmul.f32 $8.000000000e+00, v0  }
0xf5: {  	[tilespmem:s10+$0xE780] =	vst v2;
	v1 =	vmul.f32 $8.000000000e+00, v1  }
0xf6: {  	[tilespmem:s10+$0xE7D0] =	vst v0;
	v0 =	vmul.f32 $8.000000000e+00, v5  }
0xf7: {  	[tilespmem:s10+$0xE7E0] =	vst v1  }
0xf8: {  	s13 =	simm.s32 $0x300;
	[tilespmem:s10+$0xE7F0] =	vst v0  }
0xf9: {  	[tilespmem:s22], [sflag:$0x3] =	stream.indirect.gather [hbm4b:s2+s17], $0x80, s13, s17, $0xb8;
	[tilespmem:$0x12000] =	vst v63  }
0xfa: {  	s14 =	rddreg [dreg:$0x6]  }
0xfb: {  	[hbm4b:s14+s4] =	stream.linear.scatter [tilespmem:s19], [sflag:$0x7], $0x1900, $0x38;
	[tilespmem:$0x12000] =	vst v63  }
0xfc: {  	_ =	swait.ge [sflag:s21], $0x1900  }
0xfd: {  	[sflag:s21] =	ssyncset.done $0x0  }
0xfe: {  	s9 =	simm.s32 $0x230;
	[sflag:s21] =	ssyncadd.s32 $0xFFFFE700  }
0xff: {  	v0 =	vld [tilespmem:s9+$0x9400]  }
0x100: {  	v1 =	vld [tilespmem:s9+$0x91D0]  }
0x101: {  	v2 =	vld [tilespmem:s9+$0x91E0]  }
0x102: {  	v3 =	vld [tilespmem:s9+$0x91F0]  }
0x103: {  	v4 =	vld [tilespmem:s9+$0x9200]  }
0x104: {  	v5 =	vld [tilespmem:s9+$0x9250];
	v0 =	vmul.f32 $8.000000000e+00, v0  }
0x105: {  	v6 =	vld [tilespmem:s9+$0x9260];
	v1 =	vmul.f32 $8.000000000e+00, v1  }
0x106: {  	v7 =	vld [tilespmem:s9+$0x9270];
	[tilespmem:s9+$0x10400] =	vst v0;
	v0 =	vmul.f32 $8.000000000e+00, v2  }
0x107: {  	[tilespmem:s9+$0x101D0] =	vst v1;
	v1 =	vld [tilespmem:s9+$0x9280];
	v2 =	vmul.f32 $8.000000000e+00, v3  }
0x108: {  	v3 =	vmul.f32 $8.000000000e+00, v4;
	[tilespmem:s9+$0x101E0] =	vst v0;
	v0 =	vld [tilespmem:s9+$0x92D0]  }
0x109: {  	v4 =	vmul.f32 $8.000000000e+00, v5;
	[tilespmem:s9+$0x101F0] =	vst v2;
	v2 =	vld [tilespmem:s9+$0x92E0]  }
0x10a: {  	v5 =	vmul.f32 $8.000000000e+00, v6;
	[tilespmem:s9+$0x10200] =	vst v3;
	v3 =	vld [tilespmem:s9+$0x92F0]  }
0x10b: {  	v6 =	vmul.f32 $8.000000000e+00, v7;
	[tilespmem:s9+$0x10250] =	vst v4;
	v4 =	vld [tilespmem:s9+$0x9300]  }
0x10c: {  	[tilespmem:s9+$0x10260] =	vst v5;
	v5 =	vld [tilespmem:s9+$0x9350];
	v1 =	vmul.f32 $8.000000000e+00, v1  }
0x10d: {  	[tilespmem:s9+$0x10270] =	vst v6;
	v6 =	vld [tilespmem:s9+$0x9360];
	v7 =	vmul.f32 $8.000000000e+00, v0  }
0x10e: {  	[tilespmem:s9+$0x10280] =	vst v1;
	v0 =	vld [tilespmem:s9+$0x9370];
	v2 =	vmul.f32 $8.000000000e+00, v2  }
0x10f: {  	v1 =	vld [tilespmem:s9+$0x9380];
	v3 =	vmul.f32 $8.000000000e+00, v3;
	[tilespmem:s9+$0x102D0] =	vst v7  }
0x110: {  	v4 =	vmul.f32 $8.000000000e+00, v4;
	[tilespmem:s9+$0x102E0] =	vst v2;
	v2 =	vld [tilespmem:s9+$0x93D0]  }
0x111: {  	v5 =	vmul.f32 $8.000000000e+00, v5;
	[tilespmem:s9+$0x102F0] =	vst v3;
	v3 =	vld [tilespmem:s9+$0x93E0]  }
0x112: {  	s11 =	simm.s32 $0x1CC0;
	s10 =	simm.s32 $0x4B0;
	v6 =	vmul.f32 $8.000000000e+00, v6;
	[tilespmem:s9+$0x10300] =	vst v4;
	v4 =	vld [tilespmem:s9+$0x93F0]  }
.LBB2_8:
0x113: {  	p0 =	sne.s32 s11, $0x62C0;
	v7 =	vld [tilespmem:s10+$0x9400];
	[tilespmem:s9+$0x10350] =	vst v5;
	v0 =	vmul.f32 $8.000000000e+00, v0  }
0x114: {  	v5 =	vld [tilespmem:s10+$0x91D0];
	[tilespmem:s9+$0x10360] =	vst v6;
	v1 =	vmul.f32 $8.000000000e+00, v1  }
0x115: {  	v6 =	vld [tilespmem:s10+$0x91E0];
	[tilespmem:s9+$0x10370] =	vst v0;
	v0 =	vmul.f32 $8.000000000e+00, v2  }
0x116: {  	v2 =	vld [tilespmem:s10+$0x91F0];
	[tilespmem:s9+$0x10380] =	vst v1;
	v1 =	vmul.f32 $8.000000000e+00, v3  }
0x117: {  	v3 =	vld [tilespmem:s10+$0x9200];
	[tilespmem:s9+$0x103D0] =	vst v0;
	v0 =	vmul.f32 $8.000000000e+00, v4  }
0x118: {  	v4 =	vld [tilespmem:s10+$0x9250];
	v7 =	vmul.f32 $8.000000000e+00, v7;
	[tilespmem:s9+$0x103E0] =	vst v1  }
0x119: {  	v1 =	vmul.f32 $8.000000000e+00, v5;
	v5 =	vld [tilespmem:s10+$0x9260];
	[tilespmem:s9+$0x103F0] =	vst v0;
	s9 =	smov.u32 s10  }
0x11a: {  	v0 =	vmul.f32 $8.000000000e+00, v6;
	v6 =	vld [tilespmem:s9+$0x9270];
	[tilespmem:s9+$0x10400] =	vst v7  }
0x11b: {  	[tilespmem:s9+$0x101D0] =	vst v1;
	v1 =	vmul.f32 $8.000000000e+00, v2;
	v2 =	vld [tilespmem:s9+$0x9280]  }
0x11c: {  	[tilespmem:s9+$0x101E0] =	vst v0;
	v0 =	vmul.f32 $8.000000000e+00, v3;
	v3 =	vld [tilespmem:s9+$0x92D0]  }
0x11d: {  	[tilespmem:s9+$0x101F0] =	vst v1;
	v1 =	vmul.f32 $8.000000000e+00, v4;
	v4 =	vld [tilespmem:s9+$0x92E0]  }
0x11e: {  	[tilespmem:s9+$0x10200] =	vst v0;
	v0 =	vmul.f32 $8.000000000e+00, v5;
	v5 =	vld [tilespmem:s9+$0x92F0]  }
0x11f: {  	[tilespmem:s9+$0x10250] =	vst v1;
	v1 =	vmul.f32 $8.000000000e+00, v6;
	v6 =	vld [tilespmem:s9+$0x9300]  }
0x120: {  	[tilespmem:s9+$0x10260] =	vst v0;
	v0 =	vmul.f32 $8.000000000e+00, v2;
	v7 =	vld [tilespmem:s9+$0x9350]  }
0x121: {  	[tilespmem:s9+$0x10270] =	vst v1;
	v1 =	vmul.f32 $8.000000000e+00, v3;
	v8 =	vld [tilespmem:s9+$0x9360]  }
.Ltmp3:
0x122: {  	[tilespmem:s9+$0x10280] =	vst v0;
	v2 =	vmul.f32 $8.000000000e+00, v4;
	v0 =	vld [tilespmem:s9+$0x9370];
	(pc) =	sbr.rel @p0 .LBB2_8-.Ltmp3, $4  }
0x123: {  	[tilespmem:s9+$0x102D0] =	vst v1;
	v3 =	vmul.f32 $8.000000000e+00, v5;
	v1 =	vld [tilespmem:s9+$0x9380]  }
0x124: {  	[tilespmem:s9+$0x102E0] =	vst v2;
	v4 =	vmul.f32 $8.000000000e+00, v6;
	v2 =	vld [tilespmem:s9+$0x93D0]  }
0x125: {  	[tilespmem:s9+$0x102F0] =	vst v3;
	v5 =	vmul.f32 $8.000000000e+00, v7;
	v3 =	vld [tilespmem:s9+$0x93E0]  }
0x126: {  	s10 =	sshra.s32 s11, $0x2;
	s11 =	sadd.s32 $0xA00, s11;
	[tilespmem:s9+$0x10300] =	vst v4;
	v6 =	vmul.f32 $8.000000000e+00, v8;
	v4 =	vld [tilespmem:s9+$0x93F0]  }
0x127: {  	v7 =	vld [tilespmem:s10+$0x9400];
	[tilespmem:s9+$0x10350] =	vst v5;
	v0 =	vmul.f32 $8.000000000e+00, v0  }
0x128: {  	v5 =	vld [tilespmem:s10+$0x91D0];
	[tilespmem:s9+$0x10360] =	vst v6;
	v1 =	vmul.f32 $8.000000000e+00, v1  }
0x129: {  	v6 =	vld [tilespmem:s10+$0x91E0];
	[tilespmem:s9+$0x10370] =	vst v0;
	v2 =	vmul.f32 $8.000000000e+00, v2  }
0x12a: {  	v0 =	vld [tilespmem:s10+$0x91F0];
	[tilespmem:s9+$0x10380] =	vst v1;
	v3 =	vmul.f32 $8.000000000e+00, v3  }
0x12b: {  	v1 =	vld [tilespmem:s10+$0x9200];
	[tilespmem:s9+$0x103D0] =	vst v2;
	v4 =	vmul.f32 $8.000000000e+00, v4  }
0x12c: {  	v2 =	vld [tilespmem:s10+$0x9250];
	[tilespmem:s9+$0x103E0] =	vst v3;
	v7 =	vmul.f32 $8.000000000e+00, v7  }
0x12d: {  	v3 =	vld [tilespmem:s10+$0x9260];
	[tilespmem:s9+$0x103F0] =	vst v4;
	v46 =	vmul.f32 $8.000000000e+00, v5  }
0x12e: {  	v47 =	vld [tilespmem:s10+$0x9270];
	[tilespmem:s10+$0x10400] =	vst v7;
	v6 =	vmul.f32 $8.000000000e+00, v6  }
0x12f: {  	v48 =	vld [tilespmem:s10+$0x9280];
	[tilespmem:s10+$0x101D0] =	vst v46;
	v0 =	vmul.f32 $8.000000000e+00, v0  }
0x130: {  	v49 =	vld [tilespmem:s10+$0x92D0];
	[tilespmem:s10+$0x101E0] =	vst v6;
	v1 =	vmul.f32 $8.000000000e+00, v1  }
0x131: {  	v50 =	vld [tilespmem:s10+$0x92E0];
	[tilespmem:s10+$0x101F0] =	vst v0;
	v2 =	vmul.f32 $8.000000000e+00, v2  }
0x132: {  	v51 =	vld [tilespmem:s10+$0x92F0];
	[tilespmem:s10+$0x10200] =	vst v1;
	v3 =	vmul.f32 $8.000000000e+00, v3  }
0x133: {  	v52 =	vld [tilespmem:s10+$0x9300];
	[tilespmem:s10+$0x10250] =	vst v2;
	v5 =	vmul.f32 $8.000000000e+00, v47  }
0x134: {  	v54 =	vld [tilespmem:s10+$0x9360];
	v4 =	vmul.f32 $8.000000000e+00, v48;
	[tilespmem:s10+$0x10260] =	vst v3  }
0x135: {  	v55 =	vld [tilespmem:s10+$0x9370];
	v6 =	vmul.f32 $8.000000000e+00, v49;
	[tilespmem:s10+$0x10270] =	vst v5  }
0x136: {  	v56 =	vld [tilespmem:s10+$0x9380];
	v0 =	vmul.f32 $8.000000000e+00, v50;
	[tilespmem:s10+$0x10280] =	vst v4  }
0x137: {  	v60 =	vld [tilespmem:s10+$0x93F0];
	v1 =	vmul.f32 $8.000000000e+00, v51;
	[tilespmem:s10+$0x102D0] =	vst v6  }
0x138: {  	v53 =	vld [tilespmem:s10+$0x9350];
	v2 =	vmul.f32 $8.000000000e+00, v52;
	[tilespmem:s10+$0x102E0] =	vst v0  }
0x139: {  	v57 =	vld [tilespmem:s10+$0x93D0];
	v59 =	vmul.f32 $8.000000000e+00, v54;
	[tilespmem:s10+$0x102F0] =	vst v1  }
0x13a: {  	v58 =	vld [tilespmem:s10+$0x93E0];
	v61 =	vmul.f32 $8.000000000e+00, v55;
	[tilespmem:s10+$0x10300] =	vst v2  }
0x13b: {  	v62 =	vmul.f32 $8.000000000e+00, v56;
	[tilespmem:s10+$0x10360] =	vst v59  }
0x13c: {  	v63 =	vmul.f32 $8.000000000e+00, v60;
	[tilespmem:s10+$0x10370] =	vst v61  }
0x13d: {  	v3 =	vmul.f32 $8.000000000e+00, v53;
	[tilespmem:s10+$0x10380] =	vst v62  }
0x13e: {  	v0 =	vmul.f32 $8.000000000e+00, v57;
	[tilespmem:s10+$0x103F0] =	vst v63  }
0x13f: {  	v1 =	vmul.f32 $8.000000000e+00, v58;
	[tilespmem:s10+$0x10350] =	vst v3  }
0x140: {  	[tilespmem:s10+$0x103D0] =	vst v0  }
0x141: {  	s13 =	simm.s32 $0x380;
	[tilespmem:s10+$0x103E0] =	vst v1  }
0x142: {  	[tilespmem:s24], [sflag:$0x4] =	stream.indirect.gather [hbm4b:s2+s17], $0x80, s13, s17, $0xb8;
	[tilespmem:$0x12000] =	vst v63  }
0x143: {  	s14 =	rddreg [dreg:$0x7];
	s9 =	simm.s32 $0x1  }
0x144: {  	[hbm4b:s14+s4] =	stream.linear.scatter [tilespmem:s26], [sflag:$0x8], $0x1900, $0x38;
	[tilespmem:$0x12000] =	vst v63  }
.LBB2_10:
0x145: {  	_ =	swait.ge [sflag:s25], $0x1900  }
0x146: {  	[sflag:s25] =	ssyncset.done $0x0  }
0x147: {  	[sflag:s25] =	ssyncadd.s32 $0xFFFFE700  }
0x148: {  	_ =	swait.ge [sflag:s30], $0x1900  }
0x149: {  	[sflag:s30] =	ssyncset.done $0x0  }
0x14a: {  	s10 =	simm.s32 $0x230;
	[sflag:s30] =	ssyncadd.s32 $0xFFFFE700  }
0x14b: {  	v0 =	vld [tilespmem:s10+$0x4000]  }
0x14c: {  	v1 =	vld [tilespmem:s10+$0x3DD0]  }
0x14d: {  	v2 =	vld [tilespmem:s10+$0x3DE0]  }
0x14e: {  	v3 =	vld [tilespmem:s10+$0x3DF0]  }
0x14f: {  	v4 =	vld [tilespmem:s10+$0x3E00]  }
0x150: {  	v5 =	vld [tilespmem:s10+$0x3E50];
	v0 =	vmul.f32 $8.000000000e+00, v0  }
0x151: {  	v6 =	vld [tilespmem:s10+$0x3E60];
	v1 =	vmul.f32 $8.000000000e+00, v1  }
0x152: {  	v7 =	vld [tilespmem:s10+$0x3E70];
	[tilespmem:s10+$0xB000] =	vst v0;
	v0 =	vmul.f32 $8.000000000e+00, v2  }
0x153: {  	[tilespmem:s10+$0xADD0] =	vst v1;
	v1 =	vld [tilespmem:s10+$0x3E80];
	v2 =	vmul.f32 $8.000000000e+00, v3  }
0x154: {  	v3 =	vmul.f32 $8.000000000e+00, v4;
	[tilespmem:s10+$0xADE0] =	vst v0;
	v0 =	vld [tilespmem:s10+$0x3ED0]  }
0x155: {  	v4 =	vmul.f32 $8.000000000e+00, v5;
	[tilespmem:s10+$0xADF0] =	vst v2;
	v2 =	vld [tilespmem:s10+$0x3EE0]  }
0x156: {  	v5 =	vmul.f32 $8.000000000e+00, v6;
	[tilespmem:s10+$0xAE00] =	vst v3;
	v3 =	vld [tilespmem:s10+$0x3EF0]  }
0x157: {  	v6 =	vmul.f32 $8.000000000e+00, v7;
	[tilespmem:s10+$0xAE50] =	vst v4;
	v4 =	vld [tilespmem:s10+$0x3F00]  }
0x158: {  	[tilespmem:s10+$0xAE60] =	vst v5;
	v5 =	vld [tilespmem:s10+$0x3F50];
	v1 =	vmul.f32 $8.000000000e+00, v1  }
0x159: {  	[tilespmem:s10+$0xAE70] =	vst v6;
	v6 =	vld [tilespmem:s10+$0x3F60];
	v7 =	vmul.f32 $8.000000000e+00, v0  }
0x15a: {  	[tilespmem:s10+$0xAE80] =	vst v1;
	v0 =	vld [tilespmem:s10+$0x3F70];
	v2 =	vmul.f32 $8.000000000e+00, v2  }
0x15b: {  	v1 =	vld [tilespmem:s10+$0x3F80];
	v3 =	vmul.f32 $8.000000000e+00, v3;
	[tilespmem:s10+$0xAED0] =	vst v7  }
0x15c: {  	v4 =	vmul.f32 $8.000000000e+00, v4;
	[tilespmem:s10+$0xAEE0] =	vst v2;
	v2 =	vld [tilespmem:s10+$0x3FD0]  }
0x15d: {  	v5 =	vmul.f32 $8.000000000e+00, v5;
	[tilespmem:s10+$0xAEF0] =	vst v3;
	v3 =	vld [tilespmem:s10+$0x3FE0]  }
0x15e: {  	s12 =	simm.s32 $0x4B0;
	s11 =	simm.s32 $0x1CC0;
	v6 =	vmul.f32 $8.000000000e+00, v6;
	[tilespmem:s10+$0xAF00] =	vst v4;
	v4 =	vld [tilespmem:s10+$0x3FF0]  }
.LBB2_11:
0x15f: {  	p0 =	sne.s32 s11, $0x62C0;
	v7 =	vld [tilespmem:s12+$0x4000];
	[tilespmem:s10+$0xAF50] =	vst v5;
	v0 =	vmul.f32 $8.000000000e+00, v0  }
0x160: {  	v5 =	vld [tilespmem:s12+$0x3DD0];
	[tilespmem:s10+$0xAF60] =	vst v6;
	v1 =	vmul.f32 $8.000000000e+00, v1  }
0x161: {  	v6 =	vld [tilespmem:s12+$0x3DE0];
	[tilespmem:s10+$0xAF70] =	vst v0;
	v0 =	vmul.f32 $8.000000000e+00, v2  }
0x162: {  	v2 =	vld [tilespmem:s12+$0x3DF0];
	[tilespmem:s10+$0xAF80] =	vst v1;
	v1 =	vmul.f32 $8.000000000e+00, v3  }
0x163: {  	v3 =	vld [tilespmem:s12+$0x3E00];
	[tilespmem:s10+$0xAFD0] =	vst v0;
	v0 =	vmul.f32 $8.000000000e+00, v4  }
0x164: {  	v4 =	vld [tilespmem:s12+$0x3E50];
	v7 =	vmul.f32 $8.000000000e+00, v7;
	[tilespmem:s10+$0xAFE0] =	vst v1  }
0x165: {  	v1 =	vmul.f32 $8.000000000e+00, v5;
	v5 =	vld [tilespmem:s12+$0x3E60];
	[tilespmem:s10+$0xAFF0] =	vst v0;
	s10 =	smov.u32 s12  }
0x166: {  	v0 =	vmul.f32 $8.000000000e+00, v6;
	v6 =	vld [tilespmem:s10+$0x3E70];
	[tilespmem:s10+$0xB000] =	vst v7  }
0x167: {  	[tilespmem:s10+$0xADD0] =	vst v1;
	v1 =	vmul.f32 $8.000000000e+00, v2;
	v2 =	vld [tilespmem:s10+$0x3E80]  }
0x168: {  	[tilespmem:s10+$0xADE0] =	vst v0;
	v0 =	vmul.f32 $8.000000000e+00, v3;
	v3 =	vld [tilespmem:s10+$0x3ED0]  }
0x169: {  	[tilespmem:s10+$0xADF0] =	vst v1;
	v1 =	vmul.f32 $8.000000000e+00, v4;
	v4 =	vld [tilespmem:s10+$0x3EE0]  }
0x16a: {  	[tilespmem:s10+$0xAE00] =	vst v0;
	v0 =	vmul.f32 $8.000000000e+00, v5;
	v5 =	vld [tilespmem:s10+$0x3EF0]  }
0x16b: {  	[tilespmem:s10+$0xAE50] =	vst v1;
	v1 =	vmul.f32 $8.000000000e+00, v6;
	v6 =	vld [tilespmem:s10+$0x3F00]  }
0x16c: {  	[tilespmem:s10+$0xAE60] =	vst v0;
	v0 =	vmul.f32 $8.000000000e+00, v2;
	v7 =	vld [tilespmem:s10+$0x3F50]  }
0x16d: {  	[tilespmem:s10+$0xAE70] =	vst v1;
	v1 =	vmul.f32 $8.000000000e+00, v3;
	v8 =	vld [tilespmem:s10+$0x3F60]  }
.Ltmp4:
0x16e: {  	[tilespmem:s10+$0xAE80] =	vst v0;
	v2 =	vmul.f32 $8.000000000e+00, v4;
	v0 =	vld [tilespmem:s10+$0x3F70];
	(pc) =	sbr.rel @p0 .LBB2_11-.Ltmp4, $4  }
0x16f: {  	[tilespmem:s10+$0xAED0] =	vst v1;
	v3 =	vmul.f32 $8.000000000e+00, v5;
	v1 =	vld [tilespmem:s10+$0x3F80]  }
0x170: {  	[tilespmem:s10+$0xAEE0] =	vst v2;
	v4 =	vmul.f32 $8.000000000e+00, v6;
	v2 =	vld [tilespmem:s10+$0x3FD0]  }
0x171: {  	[tilespmem:s10+$0xAEF0] =	vst v3;
	v5 =	vmul.f32 $8.000000000e+00, v7;
	v3 =	vld [tilespmem:s10+$0x3FE0]  }
0x172: {  	s12 =	sshra.s32 s11, $0x2;
	s11 =	sadd.s32 $0xA00, s11;
	[tilespmem:s10+$0xAF00] =	vst v4;
	v6 =	vmul.f32 $8.000000000e+00, v8;
	v4 =	vld [tilespmem:s10+$0x3FF0]  }
0x173: {  	v7 =	vld [tilespmem:s12+$0x4000];
	[tilespmem:s10+$0xAF50] =	vst v5;
	v0 =	vmul.f32 $8.000000000e+00, v0  }
0x174: {  	v5 =	vld [tilespmem:s12+$0x3DD0];
	[tilespmem:s10+$0xAF60] =	vst v6;
	v1 =	vmul.f32 $8.000000000e+00, v1  }
0x175: {  	v6 =	vld [tilespmem:s12+$0x3DE0];
	[tilespmem:s10+$0xAF70] =	vst v0;
	v2 =	vmul.f32 $8.000000000e+00, v2  }
0x176: {  	v0 =	vld [tilespmem:s12+$0x3DF0];
	[tilespmem:s10+$0xAF80] =	vst v1;
	v3 =	vmul.f32 $8.000000000e+00, v3  }
0x177: {  	v1 =	vld [tilespmem:s12+$0x3E00];
	[tilespmem:s10+$0xAFD0] =	vst v2;
	v4 =	vmul.f32 $8.000000000e+00, v4  }
0x178: {  	v2 =	vld [tilespmem:s12+$0x3E50];
	[tilespmem:s10+$0xAFE0] =	vst v3;
	v7 =	vmul.f32 $8.000000000e+00, v7  }
0x179: {  	v3 =	vld [tilespmem:s12+$0x3E60];
	[tilespmem:s10+$0xAFF0] =	vst v4;
	v4 =	vmul.f32 $8.000000000e+00, v5  }
0x17a: {  	v5 =	vld [tilespmem:s12+$0x3E70];
	[tilespmem:s12+$0xB000] =	vst v7;
	v6 =	vmul.f32 $8.000000000e+00, v6  }
0x17b: {  	[tilespmem:s12+$0xADD0] =	vst v4;
	v4 =	vld [tilespmem:s12+$0x3E80];
	v0 =	vmul.f32 $8.000000000e+00, v0  }
0x17c: {  	[tilespmem:s12+$0xADE0] =	vst v6;
	v6 =	vld [tilespmem:s12+$0x3ED0];
	v1 =	vmul.f32 $8.000000000e+00, v1  }
0x17d: {  	[tilespmem:s12+$0xADF0] =	vst v0;
	v0 =	vld [tilespmem:s12+$0x3EE0];
	v2 =	vmul.f32 $8.000000000e+00, v2  }
0x17e: {  	[tilespmem:s12+$0xAE00] =	vst v1;
	v1 =	vld [tilespmem:s12+$0x3EF0];
	v3 =	vmul.f32 $8.000000000e+00, v3  }
0x17f: {  	[tilespmem:s12+$0xAE50] =	vst v2;
	v2 =	vld [tilespmem:s12+$0x3F00];
	v5 =	vmul.f32 $8.000000000e+00, v5  }
0x180: {  	[tilespmem:s12+$0xAE60] =	vst v3;
	v3 =	vld [tilespmem:s12+$0x3F50];
	v4 =	vmul.f32 $8.000000000e+00, v4  }
0x181: {  	[tilespmem:s12+$0xAE70] =	vst v5;
	v5 =	vld [tilespmem:s12+$0x3F60];
	v6 =	vmul.f32 $8.000000000e+00, v6  }
0x182: {  	[tilespmem:s12+$0xAE80] =	vst v4;
	v4 =	vld [tilespmem:s12+$0x3F70];
	v0 =	vmul.f32 $8.000000000e+00, v0  }
0x183: {  	[tilespmem:s12+$0xAED0] =	vst v6;
	v6 =	vld [tilespmem:s12+$0x3F80];
	v1 =	vmul.f32 $8.000000000e+00, v1  }
0x184: {  	[tilespmem:s12+$0xAEE0] =	vst v0;
	v0 =	vld [tilespmem:s12+$0x3FD0];
	v2 =	vmul.f32 $8.000000000e+00, v2  }
0x185: {  	[tilespmem:s12+$0xAEF0] =	vst v1;
	v1 =	vld [tilespmem:s12+$0x3FE0];
	v3 =	vmul.f32 $8.000000000e+00, v3  }
0x186: {  	[tilespmem:s12+$0xAF00] =	vst v2;
	v2 =	vmul.f32 $8.000000000e+00, v5;
	v5 =	vld [tilespmem:s12+$0x3FF0]  }
0x187: {  	[tilespmem:s12+$0xAF50] =	vst v3;
	v3 =	vmul.f32 $8.000000000e+00, v4  }
0x188: {  	[tilespmem:s12+$0xAF60] =	vst v2;
	v2 =	vmul.f32 $8.000000000e+00, v6  }
0x189: {  	[tilespmem:s12+$0xAF70] =	vst v3;
	v0 =	vmul.f32 $8.000000000e+00, v0  }
0x18a: {  	[tilespmem:s12+$0xAF80] =	vst v2;
	v1 =	vmul.f32 $8.000000000e+00, v1  }
0x18b: {  	s11 =	sshll.u32 s9, $0x2;
	s13 =	sshll.u32 s9, $0x9;
	[tilespmem:s12+$0xAFD0] =	vst v0;
	v0 =	vmul.f32 $8.000000000e+00, v5  }
0x18c: {  	s10 =	sand.u32 $0x3FFFFE00, s13;
	s13 =	sadd.s32 s3, s11;
	[tilespmem:s12+$0xAFE0] =	vst v1  }
0x18d: {  	s14 =	sadd.s32 $0x200, s10;
	s13 =	smul.u32 $0x380, s13;
	[tilespmem:s12+$0xAFF0] =	vst v0  }
0x18e: {  	[tilespmem:s18], [sflag:$0x1] =	stream.indirect.gather [hbm4b:s2+s17], $0x80, s14, s17, $0xb8;
	[tilespmem:$0x12000] =	vst v63  }
0x18f: {  	s14 =	sadd.s32 s5, s13  }
0x190: {  	[hbm4b:s14+s4] =	stream.linear.scatter [tilespmem:s28], [sflag:$0x5], $0x1900, $0x38;
	[tilespmem:$0x12000] =	vst v63  }
0x191: {  	_ =	swait.ge [sflag:s29], $0x1900  }
0x192: {  	[sflag:s29] =	ssyncset.done $0x0  }
0x193: {  	[sflag:s29] =	ssyncadd.s32 $0xFFFFE700  }
0x194: {  	_ =	swait.ge [sflag:s0], $0x1900  }
0x195: {  	[sflag:s0] =	ssyncset.done $0x0  }
0x196: {  	s12 =	simm.s32 $0x230;
	[sflag:s0] =	ssyncadd.s32 $0xFFFFE700  }
0x197: {  	v0 =	vld [tilespmem:s12+$0x5C00]  }
0x198: {  	v1 =	vld [tilespmem:s12+$0x59D0]  }
0x199: {  	v2 =	vld [tilespmem:s12+$0x59E0]  }
0x19a: {  	v3 =	vld [tilespmem:s12+$0x59F0]  }
0x19b: {  	v4 =	vld [tilespmem:s12+$0x5A00]  }
0x19c: {  	v5 =	vld [tilespmem:s12+$0x5A50];
	v0 =	vmul.f32 $8.000000000e+00, v0  }
0x19d: {  	v6 =	vld [tilespmem:s12+$0x5A60];
	v1 =	vmul.f32 $8.000000000e+00, v1  }
0x19e: {  	v7 =	vld [tilespmem:s12+$0x5A70];
	[tilespmem:s12+$0xCC00] =	vst v0;
	v0 =	vmul.f32 $8.000000000e+00, v2  }
0x19f: {  	[tilespmem:s12+$0xC9D0] =	vst v1;
	v1 =	vld [tilespmem:s12+$0x5A80];
	v2 =	vmul.f32 $8.000000000e+00, v3  }
0x1a0: {  	v3 =	vmul.f32 $8.000000000e+00, v4;
	[tilespmem:s12+$0xC9E0] =	vst v0;
	v0 =	vld [tilespmem:s12+$0x5AD0]  }
0x1a1: {  	v4 =	vmul.f32 $8.000000000e+00, v5;
	[tilespmem:s12+$0xC9F0] =	vst v2;
	v2 =	vld [tilespmem:s12+$0x5AE0]  }
0x1a2: {  	v5 =	vmul.f32 $8.000000000e+00, v6;
	[tilespmem:s12+$0xCA00] =	vst v3;
	v3 =	vld [tilespmem:s12+$0x5AF0]  }
0x1a3: {  	v6 =	vmul.f32 $8.000000000e+00, v7;
	[tilespmem:s12+$0xCA50] =	vst v4;
	v4 =	vld [tilespmem:s12+$0x5B00]  }
0x1a4: {  	[tilespmem:s12+$0xCA60] =	vst v5;
	v5 =	vld [tilespmem:s12+$0x5B50];
	v1 =	vmul.f32 $8.000000000e+00, v1  }
0x1a5: {  	[tilespmem:s12+$0xCA70] =	vst v6;
	v6 =	vld [tilespmem:s12+$0x5B60];
	v7 =	vmul.f32 $8.000000000e+00, v0  }
0x1a6: {  	[tilespmem:s12+$0xCA80] =	vst v1;
	v0 =	vld [tilespmem:s12+$0x5B70];
	v2 =	vmul.f32 $8.000000000e+00, v2  }
0x1a7: {  	v1 =	vld [tilespmem:s12+$0x5B80];
	v3 =	vmul.f32 $8.000000000e+00, v3;
	[tilespmem:s12+$0xCAD0] =	vst v7  }
0x1a8: {  	v4 =	vmul.f32 $8.000000000e+00, v4;
	[tilespmem:s12+$0xCAE0] =	vst v2;
	v2 =	vld [tilespmem:s12+$0x5BD0]  }
0x1a9: {  	v5 =	vmul.f32 $8.000000000e+00, v5;
	[tilespmem:s12+$0xCAF0] =	vst v3;
	v3 =	vld [tilespmem:s12+$0x5BE0]  }
0x1aa: {  	s13 =	simm.s32 $0x4B0;
	s14 =	simm.s32 $0x1CC0;
	v6 =	vmul.f32 $8.000000000e+00, v6;
	[tilespmem:s12+$0xCB00] =	vst v4;
	v4 =	vld [tilespmem:s12+$0x5BF0]  }
.LBB2_13:
0x1ab: {  	p0 =	sne.s32 s14, $0x62C0;
	v7 =	vld [tilespmem:s13+$0x5C00];
	[tilespmem:s12+$0xCB50] =	vst v5;
	v0 =	vmul.f32 $8.000000000e+00, v0  }
0x1ac: {  	v5 =	vld [tilespmem:s13+$0x59D0];
	[tilespmem:s12+$0xCB60] =	vst v6;
	v1 =	vmul.f32 $8.000000000e+00, v1  }
0x1ad: {  	v6 =	vld [tilespmem:s13+$0x59E0];
	[tilespmem:s12+$0xCB70] =	vst v0;
	v0 =	vmul.f32 $8.000000000e+00, v2  }
0x1ae: {  	v2 =	vld [tilespmem:s13+$0x59F0];
	[tilespmem:s12+$0xCB80] =	vst v1;
	v1 =	vmul.f32 $8.000000000e+00, v3  }
0x1af: {  	v3 =	vld [tilespmem:s13+$0x5A00];
	[tilespmem:s12+$0xCBD0] =	vst v0;
	v0 =	vmul.f32 $8.000000000e+00, v4  }
0x1b0: {  	v4 =	vld [tilespmem:s13+$0x5A50];
	v7 =	vmul.f32 $8.000000000e+00, v7;
	[tilespmem:s12+$0xCBE0] =	vst v1  }
0x1b1: {  	v1 =	vmul.f32 $8.000000000e+00, v5;
	v5 =	vld [tilespmem:s13+$0x5A60];
	[tilespmem:s12+$0xCBF0] =	vst v0;
	s12 =	smov.u32 s13  }
0x1b2: {  	v0 =	vmul.f32 $8.000000000e+00, v6;
	v6 =	vld [tilespmem:s12+$0x5A70];
	[tilespmem:s12+$0xCC00] =	vst v7  }
0x1b3: {  	[tilespmem:s12+$0xC9D0] =	vst v1;
	v1 =	vmul.f32 $8.000000000e+00, v2;
	v2 =	vld [tilespmem:s12+$0x5A80]  }
0x1b4: {  	[tilespmem:s12+$0xC9E0] =	vst v0;
	v0 =	vmul.f32 $8.000000000e+00, v3;
	v3 =	vld [tilespmem:s12+$0x5AD0]  }
0x1b5: {  	[tilespmem:s12+$0xC9F0] =	vst v1;
	v1 =	vmul.f32 $8.000000000e+00, v4;
	v4 =	vld [tilespmem:s12+$0x5AE0]  }
0x1b6: {  	[tilespmem:s12+$0xCA00] =	vst v0;
	v0 =	vmul.f32 $8.000000000e+00, v5;
	v5 =	vld [tilespmem:s12+$0x5AF0]  }
0x1b7: {  	[tilespmem:s12+$0xCA50] =	vst v1;
	v1 =	vmul.f32 $8.000000000e+00, v6;
	v6 =	vld [tilespmem:s12+$0x5B00]  }
0x1b8: {  	[tilespmem:s12+$0xCA60] =	vst v0;
	v0 =	vmul.f32 $8.000000000e+00, v2;
	v7 =	vld [tilespmem:s12+$0x5B50]  }
0x1b9: {  	[tilespmem:s12+$0xCA70] =	vst v1;
	v1 =	vmul.f32 $8.000000000e+00, v3;
	v8 =	vld [tilespmem:s12+$0x5B60]  }
.Ltmp5:
0x1ba: {  	[tilespmem:s12+$0xCA80] =	vst v0;
	v2 =	vmul.f32 $8.000000000e+00, v4;
	v0 =	vld [tilespmem:s12+$0x5B70];
	(pc) =	sbr.rel @p0 .LBB2_13-.Ltmp5, $4  }
0x1bb: {  	[tilespmem:s12+$0xCAD0] =	vst v1;
	v3 =	vmul.f32 $8.000000000e+00, v5;
	v1 =	vld [tilespmem:s12+$0x5B80]  }
0x1bc: {  	[tilespmem:s12+$0xCAE0] =	vst v2;
	v4 =	vmul.f32 $8.000000000e+00, v6;
	v2 =	vld [tilespmem:s12+$0x5BD0]  }
0x1bd: {  	[tilespmem:s12+$0xCAF0] =	vst v3;
	v5 =	vmul.f32 $8.000000000e+00, v7;
	v3 =	vld [tilespmem:s12+$0x5BE0]  }
0x1be: {  	s13 =	sshra.s32 s14, $0x2;
	s14 =	sadd.s32 $0xA00, s14;
	[tilespmem:s12+$0xCB00] =	vst v4;
	v6 =	vmul.f32 $8.000000000e+00, v8;
	v4 =	vld [tilespmem:s12+$0x5BF0]  }
0x1bf: {  	v7 =	vld [tilespmem:s13+$0x5C00];
	[tilespmem:s12+$0xCB50] =	vst v5;
	v0 =	vmul.f32 $8.000000000e+00, v0  }
0x1c0: {  	v5 =	vld [tilespmem:s13+$0x59D0];
	[tilespmem:s12+$0xCB60] =	vst v6;
	v1 =	vmul.f32 $8.000000000e+00, v1  }
0x1c1: {  	v6 =	vld [tilespmem:s13+$0x59E0];
	[tilespmem:s12+$0xCB70] =	vst v0;
	v2 =	vmul.f32 $8.000000000e+00, v2  }
0x1c2: {  	v0 =	vld [tilespmem:s13+$0x59F0];
	[tilespmem:s12+$0xCB80] =	vst v1;
	v3 =	vmul.f32 $8.000000000e+00, v3  }
0x1c3: {  	v1 =	vld [tilespmem:s13+$0x5A00];
	[tilespmem:s12+$0xCBD0] =	vst v2;
	v4 =	vmul.f32 $8.000000000e+00, v4  }
0x1c4: {  	v2 =	vld [tilespmem:s13+$0x5A50];
	[tilespmem:s12+$0xCBE0] =	vst v3;
	v7 =	vmul.f32 $8.000000000e+00, v7  }
0x1c5: {  	v3 =	vld [tilespmem:s13+$0x5A60];
	[tilespmem:s12+$0xCBF0] =	vst v4;
	v4 =	vmul.f32 $8.000000000e+00, v5  }
0x1c6: {  	v5 =	vld [tilespmem:s13+$0x5A70];
	[tilespmem:s13+$0xCC00] =	vst v7;
	v6 =	vmul.f32 $8.000000000e+00, v6  }
0x1c7: {  	[tilespmem:s13+$0xC9D0] =	vst v4;
	v4 =	vld [tilespmem:s13+$0x5A80];
	v0 =	vmul.f32 $8.000000000e+00, v0  }
0x1c8: {  	[tilespmem:s13+$0xC9E0] =	vst v6;
	v6 =	vld [tilespmem:s13+$0x5AD0];
	v1 =	vmul.f32 $8.000000000e+00, v1  }
0x1c9: {  	[tilespmem:s13+$0xC9F0] =	vst v0;
	v0 =	vld [tilespmem:s13+$0x5AE0];
	v2 =	vmul.f32 $8.000000000e+00, v2  }
0x1ca: {  	[tilespmem:s13+$0xCA00] =	vst v1;
	v1 =	vld [tilespmem:s13+$0x5AF0];
	v3 =	vmul.f32 $8.000000000e+00, v3  }
0x1cb: {  	[tilespmem:s13+$0xCA50] =	vst v2;
	v2 =	vld [tilespmem:s13+$0x5B00];
	v5 =	vmul.f32 $8.000000000e+00, v5  }
0x1cc: {  	[tilespmem:s13+$0xCA60] =	vst v3;
	v3 =	vld [tilespmem:s13+$0x5B50];
	v4 =	vmul.f32 $8.000000000e+00, v4  }
0x1cd: {  	[tilespmem:s13+$0xCA70] =	vst v5;
	v5 =	vld [tilespmem:s13+$0x5B60];
	v6 =	vmul.f32 $8.000000000e+00, v6  }
0x1ce: {  	[tilespmem:s13+$0xCA80] =	vst v4;
	v4 =	vld [tilespmem:s13+$0x5B70];
	v0 =	vmul.f32 $8.000000000e+00, v0  }
0x1cf: {  	[tilespmem:s13+$0xCAD0] =	vst v6;
	v6 =	vld [tilespmem:s13+$0x5B80];
	v1 =	vmul.f32 $8.000000000e+00, v1  }
0x1d0: {  	[tilespmem:s13+$0xCAE0] =	vst v0;
	v0 =	vld [tilespmem:s13+$0x5BD0];
	v2 =	vmul.f32 $8.000000000e+00, v2  }
0x1d1: {  	[tilespmem:s13+$0xCAF0] =	vst v1;
	v1 =	vld [tilespmem:s13+$0x5BE0];
	v3 =	vmul.f32 $8.000000000e+00, v3  }
0x1d2: {  	[tilespmem:s13+$0xCB00] =	vst v2;
	v2 =	vmul.f32 $8.000000000e+00, v5;
	v5 =	vld [tilespmem:s13+$0x5BF0]  }
0x1d3: {  	[tilespmem:s13+$0xCB50] =	vst v3;
	v3 =	vmul.f32 $8.000000000e+00, v4  }
0x1d4: {  	[tilespmem:s13+$0xCB60] =	vst v2;
	v2 =	vmul.f32 $8.000000000e+00, v6  }
0x1d5: {  	[tilespmem:s13+$0xCB70] =	vst v3;
	v0 =	vmul.f32 $8.000000000e+00, v0  }
0x1d6: {  	s11 =	sadd.s32 s11, s3;
	[tilespmem:s13+$0xCB80] =	vst v2;
	v1 =	vmul.f32 $8.000000000e+00, v1  }
0x1d7: {  	s11 =	smul.u32 $0x380, s11;
	[tilespmem:s13+$0xCBD0] =	vst v0;
	v0 =	vmul.f32 $8.000000000e+00, v5  }
0x1d8: {  	[tilespmem:s13+$0xCBE0] =	vst v1  }
0x1d9: {  	s11 =	sadd.s32 s5, s11;
	[tilespmem:s13+$0xCBF0] =	vst v0;
	s13 =	sadd.s32 $0x280, s10  }
0x1da: {  	[tilespmem:s20], [sflag:$0x2] =	stream.indirect.gather [hbm4b:s2+s17], $0x80, s13, s17, $0xb8;
	[tilespmem:$0x12000] =	vst v63  }
0x1db: {  	s14 =	sadd.s32 $0x380, s11  }
0x1dc: {  	[hbm4b:s14+s4] =	stream.linear.scatter [tilespmem:s31], [sflag:$0x6], $0x1900, $0x38;
	[tilespmem:$0x12000] =	vst v63  }
0x1dd: {  	_ =	swait.ge [sflag:s1], $0x1900  }
0x1de: {  	[sflag:s1] =	ssyncset.done $0x0  }
0x1df: {  	[sflag:s1] =	ssyncadd.s32 $0xFFFFE700  }
0x1e0: {  	_ =	swait.ge [sflag:s23], $0x1900  }
0x1e1: {  	[sflag:s23] =	ssyncset.done $0x0  }
0x1e2: {  	s12 =	simm.s32 $0x230;
	[sflag:s23] =	ssyncadd.s32 $0xFFFFE700  }
0x1e3: {  	v0 =	vld [tilespmem:s12+$0x7800]  }
0x1e4: {  	v1 =	vld [tilespmem:s12+$0x75D0]  }
0x1e5: {  	v2 =	vld [tilespmem:s12+$0x75E0]  }
0x1e6: {  	v3 =	vld [tilespmem:s12+$0x75F0]  }
0x1e7: {  	v4 =	vld [tilespmem:s12+$0x7600]  }
0x1e8: {  	v5 =	vld [tilespmem:s12+$0x7650];
	v0 =	vmul.f32 $8.000000000e+00, v0  }
0x1e9: {  	v6 =	vld [tilespmem:s12+$0x7660];
	v1 =	vmul.f32 $8.000000000e+00, v1  }
0x1ea: {  	v7 =	vld [tilespmem:s12+$0x7670];
	[tilespmem:s12+$0xE800] =	vst v0;
	v0 =	vmul.f32 $8.000000000e+00, v2  }
0x1eb: {  	[tilespmem:s12+$0xE5D0] =	vst v1;
	v1 =	vld [tilespmem:s12+$0x7680];
	v2 =	vmul.f32 $8.000000000e+00, v3  }
0x1ec: {  	v3 =	vmul.f32 $8.000000000e+00, v4;
	[tilespmem:s12+$0xE5E0] =	vst v0;
	v0 =	vld [tilespmem:s12+$0x76D0]  }
0x1ed: {  	v4 =	vmul.f32 $8.000000000e+00, v5;
	[tilespmem:s12+$0xE5F0] =	vst v2;
	v2 =	vld [tilespmem:s12+$0x76E0]  }
0x1ee: {  	v5 =	vmul.f32 $8.000000000e+00, v6;
	[tilespmem:s12+$0xE600] =	vst v3;
	v3 =	vld [tilespmem:s12+$0x76F0]  }
0x1ef: {  	v6 =	vmul.f32 $8.000000000e+00, v7;
	[tilespmem:s12+$0xE650] =	vst v4;
	v4 =	vld [tilespmem:s12+$0x7700]  }
0x1f0: {  	[tilespmem:s12+$0xE660] =	vst v5;
	v5 =	vld [tilespmem:s12+$0x7750];
	v1 =	vmul.f32 $8.000000000e+00, v1  }
0x1f1: {  	[tilespmem:s12+$0xE670] =	vst v6;
	v6 =	vld [tilespmem:s12+$0x7760];
	v7 =	vmul.f32 $8.000000000e+00, v0  }
0x1f2: {  	[tilespmem:s12+$0xE680] =	vst v1;
	v0 =	vld [tilespmem:s12+$0x7770];
	v2 =	vmul.f32 $8.000000000e+00, v2  }
0x1f3: {  	v1 =	vld [tilespmem:s12+$0x7780];
	v3 =	vmul.f32 $8.000000000e+00, v3;
	[tilespmem:s12+$0xE6D0] =	vst v7  }
0x1f4: {  	v4 =	vmul.f32 $8.000000000e+00, v4;
	[tilespmem:s12+$0xE6E0] =	vst v2;
	v2 =	vld [tilespmem:s12+$0x77D0]  }
0x1f5: {  	v5 =	vmul.f32 $8.000000000e+00, v5;
	[tilespmem:s12+$0xE6F0] =	vst v3;
	v3 =	vld [tilespmem:s12+$0x77E0]  }
0x1f6: {  	s13 =	simm.s32 $0x4B0;
	s14 =	simm.s32 $0x1CC0;
	v6 =	vmul.f32 $8.000000000e+00, v6;
	[tilespmem:s12+$0xE700] =	vst v4;
	v4 =	vld [tilespmem:s12+$0x77F0]  }
.LBB2_15:
0x1f7: {  	p0 =	sne.s32 s14, $0x62C0;
	v7 =	vld [tilespmem:s13+$0x7800];
	[tilespmem:s12+$0xE750] =	vst v5;
	v0 =	vmul.f32 $8.000000000e+00, v0  }
0x1f8: {  	v5 =	vld [tilespmem:s13+$0x75D0];
	[tilespmem:s12+$0xE760] =	vst v6;
	v1 =	vmul.f32 $8.000000000e+00, v1  }
0x1f9: {  	v6 =	vld [tilespmem:s13+$0x75E0];
	[tilespmem:s12+$0xE770] =	vst v0;
	v0 =	vmul.f32 $8.000000000e+00, v2  }
0x1fa: {  	v2 =	vld [tilespmem:s13+$0x75F0];
	[tilespmem:s12+$0xE780] =	vst v1;
	v1 =	vmul.f32 $8.000000000e+00, v3  }
0x1fb: {  	v3 =	vld [tilespmem:s13+$0x7600];
	[tilespmem:s12+$0xE7D0] =	vst v0;
	v0 =	vmul.f32 $8.000000000e+00, v4  }
0x1fc: {  	v4 =	vld [tilespmem:s13+$0x7650];
	v7 =	vmul.f32 $8.000000000e+00, v7;
	[tilespmem:s12+$0xE7E0] =	vst v1  }
0x1fd: {  	v1 =	vmul.f32 $8.000000000e+00, v5;
	v5 =	vld [tilespmem:s13+$0x7660];
	[tilespmem:s12+$0xE7F0] =	vst v0;
	s12 =	smov.u32 s13  }
0x1fe: {  	v0 =	vmul.f32 $8.000000000e+00, v6;
	v6 =	vld [tilespmem:s12+$0x7670];
	[tilespmem:s12+$0xE800] =	vst v7  }
0x1ff: {  	[tilespmem:s12+$0xE5D0] =	vst v1;
	v1 =	vmul.f32 $8.000000000e+00, v2;
	v2 =	vld [tilespmem:s12+$0x7680]  }
0x200: {  	[tilespmem:s12+$0xE5E0] =	vst v0;
	v0 =	vmul.f32 $8.000000000e+00, v3;
	v3 =	vld [tilespmem:s12+$0x76D0]  }
0x201: {  	[tilespmem:s12+$0xE5F0] =	vst v1;
	v1 =	vmul.f32 $8.000000000e+00, v4;
	v4 =	vld [tilespmem:s12+$0x76E0]  }
0x202: {  	[tilespmem:s12+$0xE600] =	vst v0;
	v0 =	vmul.f32 $8.000000000e+00, v5;
	v5 =	vld [tilespmem:s12+$0x76F0]  }
0x203: {  	[tilespmem:s12+$0xE650] =	vst v1;
	v1 =	vmul.f32 $8.000000000e+00, v6;
	v6 =	vld [tilespmem:s12+$0x7700]  }
0x204: {  	[tilespmem:s12+$0xE660] =	vst v0;
	v0 =	vmul.f32 $8.000000000e+00, v2;
	v7 =	vld [tilespmem:s12+$0x7750]  }
0x205: {  	[tilespmem:s12+$0xE670] =	vst v1;
	v1 =	vmul.f32 $8.000000000e+00, v3;
	v8 =	vld [tilespmem:s12+$0x7760]  }
.Ltmp6:
0x206: {  	[tilespmem:s12+$0xE680] =	vst v0;
	v2 =	vmul.f32 $8.000000000e+00, v4;
	v0 =	vld [tilespmem:s12+$0x7770];
	(pc) =	sbr.rel @p0 .LBB2_15-.Ltmp6, $4  }
0x207: {  	[tilespmem:s12+$0xE6D0] =	vst v1;
	v3 =	vmul.f32 $8.000000000e+00, v5;
	v1 =	vld [tilespmem:s12+$0x7780]  }
0x208: {  	[tilespmem:s12+$0xE6E0] =	vst v2;
	v4 =	vmul.f32 $8.000000000e+00, v6;
	v2 =	vld [tilespmem:s12+$0x77D0]  }
0x209: {  	[tilespmem:s12+$0xE6F0] =	vst v3;
	v5 =	vmul.f32 $8.000000000e+00, v7;
	v3 =	vld [tilespmem:s12+$0x77E0]  }
0x20a: {  	s13 =	sshra.s32 s14, $0x2;
	s14 =	sadd.s32 $0xA00, s14;
	[tilespmem:s12+$0xE700] =	vst v4;
	v6 =	vmul.f32 $8.000000000e+00, v8;
	v4 =	vld [tilespmem:s12+$0x77F0]  }
0x20b: {  	v7 =	vld [tilespmem:s13+$0x7800];
	[tilespmem:s12+$0xE750] =	vst v5;
	v0 =	vmul.f32 $8.000000000e+00, v0  }
0x20c: {  	v5 =	vld [tilespmem:s13+$0x75D0];
	[tilespmem:s12+$0xE760] =	vst v6;
	v1 =	vmul.f32 $8.000000000e+00, v1  }
0x20d: {  	v6 =	vld [tilespmem:s13+$0x75E0];
	[tilespmem:s12+$0xE770] =	vst v0;
	v2 =	vmul.f32 $8.000000000e+00, v2  }
0x20e: {  	v0 =	vld [tilespmem:s13+$0x75F0];
	[tilespmem:s12+$0xE780] =	vst v1;
	v3 =	vmul.f32 $8.000000000e+00, v3  }
0x20f: {  	v1 =	vld [tilespmem:s13+$0x7600];
	[tilespmem:s12+$0xE7D0] =	vst v2;
	v4 =	vmul.f32 $8.000000000e+00, v4  }
0x210: {  	v2 =	vld [tilespmem:s13+$0x7650];
	[tilespmem:s12+$0xE7E0] =	vst v3;
	v7 =	vmul.f32 $8.000000000e+00, v7  }
0x211: {  	v3 =	vld [tilespmem:s13+$0x7660];
	[tilespmem:s12+$0xE7F0] =	vst v4;
	v4 =	vmul.f32 $8.000000000e+00, v5  }
0x212: {  	v5 =	vld [tilespmem:s13+$0x7670];
	[tilespmem:s13+$0xE800] =	vst v7;
	v6 =	vmul.f32 $8.000000000e+00, v6  }
0x213: {  	[tilespmem:s13+$0xE5D0] =	vst v4;
	v4 =	vld [tilespmem:s13+$0x7680];
	v0 =	vmul.f32 $8.000000000e+00, v0  }
0x214: {  	[tilespmem:s13+$0xE5E0] =	vst v6;
	v6 =	vld [tilespmem:s13+$0x76D0];
	v1 =	vmul.f32 $8.000000000e+00, v1  }
0x215: {  	[tilespmem:s13+$0xE5F0] =	vst v0;
	v0 =	vld [tilespmem:s13+$0x76E0];
	v2 =	vmul.f32 $8.000000000e+00, v2  }
0x216: {  	[tilespmem:s13+$0xE600] =	vst v1;
	v1 =	vld [tilespmem:s13+$0x76F0];
	v3 =	vmul.f32 $8.000000000e+00, v3  }
0x217: {  	[tilespmem:s13+$0xE650] =	vst v2;
	v2 =	vld [tilespmem:s13+$0x7700];
	v5 =	vmul.f32 $8.000000000e+00, v5  }
0x218: {  	[tilespmem:s13+$0xE660] =	vst v3;
	v3 =	vld [tilespmem:s13+$0x7750];
	v4 =	vmul.f32 $8.000000000e+00, v4  }
0x219: {  	[tilespmem:s13+$0xE670] =	vst v5;
	v5 =	vld [tilespmem:s13+$0x7760];
	v6 =	vmul.f32 $8.000000000e+00, v6  }
0x21a: {  	[tilespmem:s13+$0xE680] =	vst v4;
	v4 =	vld [tilespmem:s13+$0x7770];
	v0 =	vmul.f32 $8.000000000e+00, v0  }
0x21b: {  	[tilespmem:s13+$0xE6D0] =	vst v6;
	v6 =	vld [tilespmem:s13+$0x7780];
	v1 =	vmul.f32 $8.000000000e+00, v1  }
0x21c: {  	[tilespmem:s13+$0xE6E0] =	vst v0;
	v0 =	vld [tilespmem:s13+$0x77D0];
	v2 =	vmul.f32 $8.000000000e+00, v2  }
0x21d: {  	[tilespmem:s13+$0xE6F0] =	vst v1;
	v1 =	vld [tilespmem:s13+$0x77E0];
	v3 =	vmul.f32 $8.000000000e+00, v3  }
0x21e: {  	[tilespmem:s13+$0xE700] =	vst v2;
	v2 =	vmul.f32 $8.000000000e+00, v5;
	v5 =	vld [tilespmem:s13+$0x77F0]  }
0x21f: {  	[tilespmem:s13+$0xE750] =	vst v3;
	v3 =	vmul.f32 $8.000000000e+00, v4  }
0x220: {  	[tilespmem:s13+$0xE760] =	vst v2;
	v2 =	vmul.f32 $8.000000000e+00, v6  }
0x221: {  	[tilespmem:s13+$0xE770] =	vst v3;
	v0 =	vmul.f32 $8.000000000e+00, v0  }
0x222: {  	[tilespmem:s13+$0xE780] =	vst v2;
	v1 =	vmul.f32 $8.000000000e+00, v1  }
0x223: {  	[tilespmem:s13+$0xE7D0] =	vst v0;
	v0 =	vmul.f32 $8.000000000e+00, v5  }
0x224: {  	[tilespmem:s13+$0xE7E0] =	vst v1  }
0x225: {  	[tilespmem:s13+$0xE7F0] =	vst v0;
	s13 =	sadd.s32 $0x300, s10  }
0x226: {  	[tilespmem:s22], [sflag:$0x3] =	stream.indirect.gather [hbm4b:s2+s17], $0x80, s13, s17, $0xb8;
	[tilespmem:$0x12000] =	vst v63  }
0x227: {  	s14 =	sadd.s32 $0x700, s11  }
0x228: {  	[hbm4b:s14+s4] =	stream.linear.scatter [tilespmem:s19], [sflag:$0x7], $0x1900, $0x38;
	[tilespmem:$0x12000] =	vst v63  }
0x229: {  	_ =	swait.ge [sflag:s21], $0x1900  }
0x22a: {  	[sflag:s21] =	ssyncset.done $0x0  }
0x22b: {  	[sflag:s21] =	ssyncadd.s32 $0xFFFFE700  }
0x22c: {  	_ =	swait.ge [sflag:s7], $0x1900  }
0x22d: {  	[sflag:s7] =	ssyncset.done $0x0  }
0x22e: {  	s12 =	simm.s32 $0x230;
	[sflag:s7] =	ssyncadd.s32 $0xFFFFE700  }
0x22f: {  	v0 =	vld [tilespmem:s12+$0x9400]  }
0x230: {  	v1 =	vld [tilespmem:s12+$0x91D0]  }
0x231: {  	v2 =	vld [tilespmem:s12+$0x91E0]  }
0x232: {  	v3 =	vld [tilespmem:s12+$0x91F0]  }
0x233: {  	v4 =	vld [tilespmem:s12+$0x9200]  }
0x234: {  	v5 =	vld [tilespmem:s12+$0x9250];
	v0 =	vmul.f32 $8.000000000e+00, v0  }
0x235: {  	v6 =	vld [tilespmem:s12+$0x9260];
	v1 =	vmul.f32 $8.000000000e+00, v1  }
0x236: {  	v7 =	vld [tilespmem:s12+$0x9270];
	[tilespmem:s12+$0x10400] =	vst v0;
	v0 =	vmul.f32 $8.000000000e+00, v2  }
0x237: {  	[tilespmem:s12+$0x101D0] =	vst v1;
	v1 =	vld [tilespmem:s12+$0x9280];
	v2 =	vmul.f32 $8.000000000e+00, v3  }
0x238: {  	v3 =	vmul.f32 $8.000000000e+00, v4;
	[tilespmem:s12+$0x101E0] =	vst v0;
	v0 =	vld [tilespmem:s12+$0x92D0]  }
0x239: {  	v4 =	vmul.f32 $8.000000000e+00, v5;
	[tilespmem:s12+$0x101F0] =	vst v2;
	v2 =	vld [tilespmem:s12+$0x92E0]  }
0x23a: {  	v5 =	vmul.f32 $8.000000000e+00, v6;
	[tilespmem:s12+$0x10200] =	vst v3;
	v3 =	vld [tilespmem:s12+$0x92F0]  }
0x23b: {  	v6 =	vmul.f32 $8.000000000e+00, v7;
	[tilespmem:s12+$0x10250] =	vst v4;
	v4 =	vld [tilespmem:s12+$0x9300]  }
0x23c: {  	[tilespmem:s12+$0x10260] =	vst v5;
	v5 =	vld [tilespmem:s12+$0x9350];
	v1 =	vmul.f32 $8.000000000e+00, v1  }
0x23d: {  	[tilespmem:s12+$0x10270] =	vst v6;
	v6 =	vld [tilespmem:s12+$0x9360];
	v7 =	vmul.f32 $8.000000000e+00, v0  }
0x23e: {  	[tilespmem:s12+$0x10280] =	vst v1;
	v0 =	vld [tilespmem:s12+$0x9370];
	v2 =	vmul.f32 $8.000000000e+00, v2  }
0x23f: {  	v1 =	vld [tilespmem:s12+$0x9380];
	v3 =	vmul.f32 $8.000000000e+00, v3;
	[tilespmem:s12+$0x102D0] =	vst v7  }
0x240: {  	v4 =	vmul.f32 $8.000000000e+00, v4;
	[tilespmem:s12+$0x102E0] =	vst v2;
	v2 =	vld [tilespmem:s12+$0x93D0]  }
0x241: {  	v5 =	vmul.f32 $8.000000000e+00, v5;
	[tilespmem:s12+$0x102F0] =	vst v3;
	v3 =	vld [tilespmem:s12+$0x93E0]  }
0x242: {  	s13 =	simm.s32 $0x4B0;
	s14 =	simm.s32 $0x1CC0;
	v6 =	vmul.f32 $8.000000000e+00, v6;
	[tilespmem:s12+$0x10300] =	vst v4;
	v4 =	vld [tilespmem:s12+$0x93F0]  }
.LBB2_17:
0x243: {  	p0 =	sne.s32 s14, $0x62C0;
	v7 =	vld [tilespmem:s13+$0x9400];
	[tilespmem:s12+$0x10350] =	vst v5;
	v0 =	vmul.f32 $8.000000000e+00, v0  }
0x244: {  	v5 =	vld [tilespmem:s13+$0x91D0];
	[tilespmem:s12+$0x10360] =	vst v6;
	v1 =	vmul.f32 $8.000000000e+00, v1  }
0x245: {  	v6 =	vld [tilespmem:s13+$0x91E0];
	[tilespmem:s12+$0x10370] =	vst v0;
	v0 =	vmul.f32 $8.000000000e+00, v2  }
0x246: {  	v2 =	vld [tilespmem:s13+$0x91F0];
	[tilespmem:s12+$0x10380] =	vst v1;
	v1 =	vmul.f32 $8.000000000e+00, v3  }
0x247: {  	v3 =	vld [tilespmem:s13+$0x9200];
	[tilespmem:s12+$0x103D0] =	vst v0;
	v0 =	vmul.f32 $8.000000000e+00, v4  }
0x248: {  	v4 =	vld [tilespmem:s13+$0x9250];
	v7 =	vmul.f32 $8.000000000e+00, v7;
	[tilespmem:s12+$0x103E0] =	vst v1  }
0x249: {  	v1 =	vmul.f32 $8.000000000e+00, v5;
	v5 =	vld [tilespmem:s13+$0x9260];
	[tilespmem:s12+$0x103F0] =	vst v0;
	s12 =	smov.u32 s13  }
0x24a: {  	v0 =	vmul.f32 $8.000000000e+00, v6;
	v6 =	vld [tilespmem:s12+$0x9270];
	[tilespmem:s12+$0x10400] =	vst v7  }
0x24b: {  	[tilespmem:s12+$0x101D0] =	vst v1;
	v1 =	vmul.f32 $8.000000000e+00, v2;
	v2 =	vld [tilespmem:s12+$0x9280]  }
0x24c: {  	[tilespmem:s12+$0x101E0] =	vst v0;
	v0 =	vmul.f32 $8.000000000e+00, v3;
	v3 =	vld [tilespmem:s12+$0x92D0]  }
0x24d: {  	[tilespmem:s12+$0x101F0] =	vst v1;
	v1 =	vmul.f32 $8.000000000e+00, v4;
	v4 =	vld [tilespmem:s12+$0x92E0]  }
0x24e: {  	[tilespmem:s12+$0x10200] =	vst v0;
	v0 =	vmul.f32 $8.000000000e+00, v5;
	v5 =	vld [tilespmem:s12+$0x92F0]  }
0x24f: {  	[tilespmem:s12+$0x10250] =	vst v1;
	v1 =	vmul.f32 $8.000000000e+00, v6;
	v6 =	vld [tilespmem:s12+$0x9300]  }
0x250: {  	[tilespmem:s12+$0x10260] =	vst v0;
	v0 =	vmul.f32 $8.000000000e+00, v2;
	v7 =	vld [tilespmem:s12+$0x9350]  }
0x251: {  	[tilespmem:s12+$0x10270] =	vst v1;
	v1 =	vmul.f32 $8.000000000e+00, v3;
	v8 =	vld [tilespmem:s12+$0x9360]  }
.Ltmp7:
0x252: {  	[tilespmem:s12+$0x10280] =	vst v0;
	v2 =	vmul.f32 $8.000000000e+00, v4;
	v0 =	vld [tilespmem:s12+$0x9370];
	(pc) =	sbr.rel @p0 .LBB2_17-.Ltmp7, $4  }
0x253: {  	[tilespmem:s12+$0x102D0] =	vst v1;
	v3 =	vmul.f32 $8.000000000e+00, v5;
	v1 =	vld [tilespmem:s12+$0x9380]  }
0x254: {  	[tilespmem:s12+$0x102E0] =	vst v2;
	v4 =	vmul.f32 $8.000000000e+00, v6;
	v2 =	vld [tilespmem:s12+$0x93D0]  }
0x255: {  	[tilespmem:s12+$0x102F0] =	vst v3;
	v5 =	vmul.f32 $8.000000000e+00, v7;
	v3 =	vld [tilespmem:s12+$0x93E0]  }
0x256: {  	s13 =	sshra.s32 s14, $0x2;
	s14 =	sadd.s32 $0xA00, s14;
	[tilespmem:s12+$0x10300] =	vst v4;
	v6 =	vmul.f32 $8.000000000e+00, v8;
	v4 =	vld [tilespmem:s12+$0x93F0]  }
0x257: {  	v7 =	vld [tilespmem:s13+$0x9400];
	[tilespmem:s12+$0x10350] =	vst v5;
	v0 =	vmul.f32 $8.000000000e+00, v0  }
0x258: {  	v5 =	vld [tilespmem:s13+$0x91D0];
	[tilespmem:s12+$0x10360] =	vst v6;
	v1 =	vmul.f32 $8.000000000e+00, v1  }
0x259: {  	v6 =	vld [tilespmem:s13+$0x91E0];
	[tilespmem:s12+$0x10370] =	vst v0;
	v2 =	vmul.f32 $8.000000000e+00, v2  }
0x25a: {  	v0 =	vld [tilespmem:s13+$0x91F0];
	[tilespmem:s12+$0x10380] =	vst v1;
	v3 =	vmul.f32 $8.000000000e+00, v3  }
0x25b: {  	v1 =	vld [tilespmem:s13+$0x9200];
	[tilespmem:s12+$0x103D0] =	vst v2;
	v4 =	vmul.f32 $8.000000000e+00, v4  }
0x25c: {  	v2 =	vld [tilespmem:s13+$0x9250];
	[tilespmem:s12+$0x103E0] =	vst v3;
	v7 =	vmul.f32 $8.000000000e+00, v7  }
0x25d: {  	v3 =	vld [tilespmem:s13+$0x9260];
	[tilespmem:s12+$0x103F0] =	vst v4;
	v46 =	vmul.f32 $8.000000000e+00, v5  }
0x25e: {  	v47 =	vld [tilespmem:s13+$0x9270];
	[tilespmem:s13+$0x10400] =	vst v7;
	v6 =	vmul.f32 $8.000000000e+00, v6  }
0x25f: {  	v48 =	vld [tilespmem:s13+$0x9280];
	[tilespmem:s13+$0x101D0] =	vst v46;
	v0 =	vmul.f32 $8.000000000e+00, v0  }
0x260: {  	v49 =	vld [tilespmem:s13+$0x92D0];
	[tilespmem:s13+$0x101E0] =	vst v6;
	v1 =	vmul.f32 $8.000000000e+00, v1  }
0x261: {  	v50 =	vld [tilespmem:s13+$0x92E0];
	[tilespmem:s13+$0x101F0] =	vst v0;
	v2 =	vmul.f32 $8.000000000e+00, v2  }
0x262: {  	v51 =	vld [tilespmem:s13+$0x92F0];
	[tilespmem:s13+$0x10200] =	vst v1;
	v3 =	vmul.f32 $8.000000000e+00, v3  }
0x263: {  	v52 =	vld [tilespmem:s13+$0x9300];
	[tilespmem:s13+$0x10250] =	vst v2;
	v5 =	vmul.f32 $8.000000000e+00, v47  }
0x264: {  	v54 =	vld [tilespmem:s13+$0x9360];
	v4 =	vmul.f32 $8.000000000e+00, v48;
	[tilespmem:s13+$0x10260] =	vst v3  }
0x265: {  	v55 =	vld [tilespmem:s13+$0x9370];
	v6 =	vmul.f32 $8.000000000e+00, v49;
	[tilespmem:s13+$0x10270] =	vst v5  }
0x266: {  	v56 =	vld [tilespmem:s13+$0x9380];
	v0 =	vmul.f32 $8.000000000e+00, v50;
	[tilespmem:s13+$0x10280] =	vst v4  }
0x267: {  	v60 =	vld [tilespmem:s13+$0x93F0];
	v1 =	vmul.f32 $8.000000000e+00, v51;
	[tilespmem:s13+$0x102D0] =	vst v6  }
0x268: {  	v53 =	vld [tilespmem:s13+$0x9350];
	v2 =	vmul.f32 $8.000000000e+00, v52;
	[tilespmem:s13+$0x102E0] =	vst v0  }
0x269: {  	v57 =	vld [tilespmem:s13+$0x93D0];
	v59 =	vmul.f32 $8.000000000e+00, v54;
	[tilespmem:s13+$0x102F0] =	vst v1  }
0x26a: {  	v58 =	vld [tilespmem:s13+$0x93E0];
	v61 =	vmul.f32 $8.000000000e+00, v55;
	[tilespmem:s13+$0x10300] =	vst v2  }
0x26b: {  	v62 =	vmul.f32 $8.000000000e+00, v56;
	[tilespmem:s13+$0x10360] =	vst v59  }
0x26c: {  	v63 =	vmul.f32 $8.000000000e+00, v60;
	[tilespmem:s13+$0x10370] =	vst v61  }
0x26d: {  	v3 =	vmul.f32 $8.000000000e+00, v53;
	[tilespmem:s13+$0x10380] =	vst v62  }
0x26e: {  	s9 =	sadd.s32 $0x1, s9;
	v0 =	vmul.f32 $8.000000000e+00, v57;
	[tilespmem:s13+$0x103F0] =	vst v63  }
0x26f: {  	p0 =	sne.s32 s9, $0x1F;
	v1 =	vmul.f32 $8.000000000e+00, v58;
	[tilespmem:s13+$0x10350] =	vst v3  }
.Ltmp8:
0x270: {  	[tilespmem:s13+$0x103D0] =	vst v0;
	(pc) =	sbr.rel @p0 .LBB2_10-.Ltmp8, $4  }
0x271: {  	s10 =	sadd.s32 $0x380, s10;
	[tilespmem:s13+$0x103E0] =	vst v1  }
0x272: {  	[tilespmem:s24], [sflag:$0x4] =	stream.indirect.gather [hbm4b:s2+s17], $0x80, s10, s17, $0xb8;
	[tilespmem:$0x12000] =	vst v63  }
0x273: {  	s14 =	sadd.s32 $0xA80, s11  }
0x274: {  	[hbm4b:s14+s4] =	stream.linear.scatter [tilespmem:s26], [sflag:$0x8], $0x1900, $0x38;
	[tilespmem:$0x12000] =	vst v63  }
0x275: {  	_ =	swait.ge [sflag:s25], $0x1900  }
0x276: {  	[sflag:s25] =	ssyncset.done $0x0  }
0x277: {  	[sflag:s25] =	ssyncadd.s32 $0xFFFFE700  }
0x278: {  	_ =	swait.ge [sflag:s30], $0x1900  }
0x279: {  	[sflag:s30] =	ssyncset.done $0x0  }
0x27a: {  	s9 =	simm.s32 $0x230;
	[sflag:s30] =	ssyncadd.s32 $0xFFFFE700  }
0x27b: {  	v0 =	vld [tilespmem:s9+$0x4000]  }
0x27c: {  	v1 =	vld [tilespmem:s9+$0x3DD0]  }
0x27d: {  	v2 =	vld [tilespmem:s9+$0x3DE0]  }
0x27e: {  	v3 =	vld [tilespmem:s9+$0x3DF0]  }
0x27f: {  	v4 =	vld [tilespmem:s9+$0x3E00]  }
0x280: {  	v5 =	vld [tilespmem:s9+$0x3E50];
	v0 =	vmul.f32 $8.000000000e+00, v0  }
0x281: {  	v6 =	vld [tilespmem:s9+$0x3E60];
	v1 =	vmul.f32 $8.000000000e+00, v1  }
0x282: {  	v7 =	vld [tilespmem:s9+$0x3E70];
	[tilespmem:s9+$0xB000] =	vst v0;
	v0 =	vmul.f32 $8.000000000e+00, v2  }
0x283: {  	[tilespmem:s9+$0xADD0] =	vst v1;
	v1 =	vld [tilespmem:s9+$0x3E80];
	v2 =	vmul.f32 $8.000000000e+00, v3  }
0x284: {  	v3 =	vmul.f32 $8.000000000e+00, v4;
	[tilespmem:s9+$0xADE0] =	vst v0;
	v0 =	vld [tilespmem:s9+$0x3ED0]  }
0x285: {  	v4 =	vmul.f32 $8.000000000e+00, v5;
	[tilespmem:s9+$0xADF0] =	vst v2;
	v2 =	vld [tilespmem:s9+$0x3EE0]  }
0x286: {  	v5 =	vmul.f32 $8.000000000e+00, v6;
	[tilespmem:s9+$0xAE00] =	vst v3;
	v3 =	vld [tilespmem:s9+$0x3EF0]  }
0x287: {  	v6 =	vmul.f32 $8.000000000e+00, v7;
	[tilespmem:s9+$0xAE50] =	vst v4;
	v4 =	vld [tilespmem:s9+$0x3F00]  }
0x288: {  	[tilespmem:s9+$0xAE60] =	vst v5;
	v5 =	vld [tilespmem:s9+$0x3F50];
	v1 =	vmul.f32 $8.000000000e+00, v1  }
0x289: {  	[tilespmem:s9+$0xAE70] =	vst v6;
	v6 =	vld [tilespmem:s9+$0x3F60];
	v7 =	vmul.f32 $8.000000000e+00, v0  }
0x28a: {  	[tilespmem:s9+$0xAE80] =	vst v1;
	v0 =	vld [tilespmem:s9+$0x3F70];
	v2 =	vmul.f32 $8.000000000e+00, v2  }
0x28b: {  	v1 =	vld [tilespmem:s9+$0x3F80];
	v3 =	vmul.f32 $8.000000000e+00, v3;
	[tilespmem:s9+$0xAED0] =	vst v7  }
0x28c: {  	v4 =	vmul.f32 $8.000000000e+00, v4;
	[tilespmem:s9+$0xAEE0] =	vst v2;
	v2 =	vld [tilespmem:s9+$0x3FD0]  }
0x28d: {  	v5 =	vmul.f32 $8.000000000e+00, v5;
	[tilespmem:s9+$0xAEF0] =	vst v3;
	v3 =	vld [tilespmem:s9+$0x3FE0]  }
0x28e: {  	s10 =	simm.s32 $0x4B0;
	s11 =	simm.s32 $0x1CC0;
	v6 =	vmul.f32 $8.000000000e+00, v6;
	[tilespmem:s9+$0xAF00] =	vst v4;
	v4 =	vld [tilespmem:s9+$0x3FF0]  }
.LBB2_20:
0x28f: {  	p0 =	sne.s32 s11, $0x62C0;
	v7 =	vld [tilespmem:s10+$0x4000];
	[tilespmem:s9+$0xAF50] =	vst v5;
	v0 =	vmul.f32 $8.000000000e+00, v0  }
0x290: {  	v5 =	vld [tilespmem:s10+$0x3DD0];
	[tilespmem:s9+$0xAF60] =	vst v6;
	v1 =	vmul.f32 $8.000000000e+00, v1  }
0x291: {  	v6 =	vld [tilespmem:s10+$0x3DE0];
	[tilespmem:s9+$0xAF70] =	vst v0;
	v0 =	vmul.f32 $8.000000000e+00, v2  }
0x292: {  	v2 =	vld [tilespmem:s10+$0x3DF0];
	[tilespmem:s9+$0xAF80] =	vst v1;
	v1 =	vmul.f32 $8.000000000e+00, v3  }
0x293: {  	v3 =	vld [tilespmem:s10+$0x3E00];
	[tilespmem:s9+$0xAFD0] =	vst v0;
	v0 =	vmul.f32 $8.000000000e+00, v4  }
0x294: {  	v4 =	vld [tilespmem:s10+$0x3E50];
	v7 =	vmul.f32 $8.000000000e+00, v7;
	[tilespmem:s9+$0xAFE0] =	vst v1  }
0x295: {  	v1 =	vmul.f32 $8.000000000e+00, v5;
	v5 =	vld [tilespmem:s10+$0x3E60];
	[tilespmem:s9+$0xAFF0] =	vst v0;
	s9 =	smov.u32 s10  }
0x296: {  	v0 =	vmul.f32 $8.000000000e+00, v6;
	v6 =	vld [tilespmem:s9+$0x3E70];
	[tilespmem:s9+$0xB000] =	vst v7  }
0x297: {  	[tilespmem:s9+$0xADD0] =	vst v1;
	v1 =	vmul.f32 $8.000000000e+00, v2;
	v2 =	vld [tilespmem:s9+$0x3E80]  }
0x298: {  	[tilespmem:s9+$0xADE0] =	vst v0;
	v0 =	vmul.f32 $8.000000000e+00, v3;
	v3 =	vld [tilespmem:s9+$0x3ED0]  }
0x299: {  	[tilespmem:s9+$0xADF0] =	vst v1;
	v1 =	vmul.f32 $8.000000000e+00, v4;
	v4 =	vld [tilespmem:s9+$0x3EE0]  }
0x29a: {  	[tilespmem:s9+$0xAE00] =	vst v0;
	v0 =	vmul.f32 $8.000000000e+00, v5;
	v5 =	vld [tilespmem:s9+$0x3EF0]  }
0x29b: {  	[tilespmem:s9+$0xAE50] =	vst v1;
	v1 =	vmul.f32 $8.000000000e+00, v6;
	v6 =	vld [tilespmem:s9+$0x3F00]  }
0x29c: {  	[tilespmem:s9+$0xAE60] =	vst v0;
	v0 =	vmul.f32 $8.000000000e+00, v2;
	v7 =	vld [tilespmem:s9+$0x3F50]  }
0x29d: {  	[tilespmem:s9+$0xAE70] =	vst v1;
	v1 =	vmul.f32 $8.000000000e+00, v3;
	v8 =	vld [tilespmem:s9+$0x3F60]  }
.Ltmp9:
0x29e: {  	[tilespmem:s9+$0xAE80] =	vst v0;
	v2 =	vmul.f32 $8.000000000e+00, v4;
	v0 =	vld [tilespmem:s9+$0x3F70];
	(pc) =	sbr.rel @p0 .LBB2_20-.Ltmp9, $4  }
0x29f: {  	[tilespmem:s9+$0xAED0] =	vst v1;
	v3 =	vmul.f32 $8.000000000e+00, v5;
	v1 =	vld [tilespmem:s9+$0x3F80]  }
0x2a0: {  	[tilespmem:s9+$0xAEE0] =	vst v2;
	v4 =	vmul.f32 $8.000000000e+00, v6;
	v2 =	vld [tilespmem:s9+$0x3FD0]  }
0x2a1: {  	[tilespmem:s9+$0xAEF0] =	vst v3;
	v5 =	vmul.f32 $8.000000000e+00, v7;
	v3 =	vld [tilespmem:s9+$0x3FE0]  }
0x2a2: {  	s10 =	sshra.s32 s11, $0x2;
	s11 =	sadd.s32 $0xA00, s11;
	[tilespmem:s9+$0xAF00] =	vst v4;
	v6 =	vmul.f32 $8.000000000e+00, v8;
	v4 =	vld [tilespmem:s9+$0x3FF0]  }
0x2a3: {  	v7 =	vld [tilespmem:s10+$0x4000];
	[tilespmem:s9+$0xAF50] =	vst v5;
	v0 =	vmul.f32 $8.000000000e+00, v0  }
0x2a4: {  	v5 =	vld [tilespmem:s10+$0x3DD0];
	[tilespmem:s9+$0xAF60] =	vst v6;
	v1 =	vmul.f32 $8.000000000e+00, v1  }
0x2a5: {  	v6 =	vld [tilespmem:s10+$0x3DE0];
	[tilespmem:s9+$0xAF70] =	vst v0;
	v2 =	vmul.f32 $8.000000000e+00, v2  }
0x2a6: {  	v0 =	vld [tilespmem:s10+$0x3DF0];
	[tilespmem:s9+$0xAF80] =	vst v1;
	v3 =	vmul.f32 $8.000000000e+00, v3  }
0x2a7: {  	v1 =	vld [tilespmem:s10+$0x3E00];
	[tilespmem:s9+$0xAFD0] =	vst v2;
	v4 =	vmul.f32 $8.000000000e+00, v4  }
0x2a8: {  	v2 =	vld [tilespmem:s10+$0x3E50];
	[tilespmem:s9+$0xAFE0] =	vst v3;
	v7 =	vmul.f32 $8.000000000e+00, v7  }
0x2a9: {  	v3 =	vld [tilespmem:s10+$0x3E60];
	[tilespmem:s9+$0xAFF0] =	vst v4;
	v4 =	vmul.f32 $8.000000000e+00, v5  }
0x2aa: {  	v5 =	vld [tilespmem:s10+$0x3E70];
	[tilespmem:s10+$0xB000] =	vst v7;
	v6 =	vmul.f32 $8.000000000e+00, v6  }
0x2ab: {  	[tilespmem:s10+$0xADD0] =	vst v4;
	v4 =	vld [tilespmem:s10+$0x3E80];
	v0 =	vmul.f32 $8.000000000e+00, v0  }
0x2ac: {  	[tilespmem:s10+$0xADE0] =	vst v6;
	v6 =	vld [tilespmem:s10+$0x3ED0];
	v1 =	vmul.f32 $8.000000000e+00, v1  }
0x2ad: {  	[tilespmem:s10+$0xADF0] =	vst v0;
	v0 =	vld [tilespmem:s10+$0x3EE0];
	v2 =	vmul.f32 $8.000000000e+00, v2  }
0x2ae: {  	[tilespmem:s10+$0xAE00] =	vst v1;
	v1 =	vld [tilespmem:s10+$0x3EF0];
	v3 =	vmul.f32 $8.000000000e+00, v3  }
0x2af: {  	[tilespmem:s10+$0xAE50] =	vst v2;
	v2 =	vld [tilespmem:s10+$0x3F00];
	v5 =	vmul.f32 $8.000000000e+00, v5  }
0x2b0: {  	[tilespmem:s10+$0xAE60] =	vst v3;
	v3 =	vld [tilespmem:s10+$0x3F50];
	v4 =	vmul.f32 $8.000000000e+00, v4  }
0x2b1: {  	[tilespmem:s10+$0xAE70] =	vst v5;
	v5 =	vld [tilespmem:s10+$0x3F60];
	v6 =	vmul.f32 $8.000000000e+00, v6  }
0x2b2: {  	[tilespmem:s10+$0xAE80] =	vst v4;
	v4 =	vld [tilespmem:s10+$0x3F70];
	v0 =	vmul.f32 $8.000000000e+00, v0  }
0x2b3: {  	[tilespmem:s10+$0xAED0] =	vst v6;
	v6 =	vld [tilespmem:s10+$0x3F80];
	v1 =	vmul.f32 $8.000000000e+00, v1  }
0x2b4: {  	[tilespmem:s10+$0xAEE0] =	vst v0;
	v0 =	vld [tilespmem:s10+$0x3FD0];
	v2 =	vmul.f32 $8.000000000e+00, v2  }
0x2b5: {  	[tilespmem:s10+$0xAEF0] =	vst v1;
	v1 =	vld [tilespmem:s10+$0x3FE0];
	v3 =	vmul.f32 $8.000000000e+00, v3  }
0x2b6: {  	[tilespmem:s10+$0xAF00] =	vst v2;
	v2 =	vmul.f32 $8.000000000e+00, v5;
	v5 =	vld [tilespmem:s10+$0x3FF0]  }
0x2b7: {  	[tilespmem:s10+$0xAF50] =	vst v3;
	v3 =	vmul.f32 $8.000000000e+00, v4  }
0x2b8: {  	[tilespmem:s10+$0xAF60] =	vst v2;
	v2 =	vmul.f32 $8.000000000e+00, v6  }
0x2b9: {  	[tilespmem:s10+$0xAF70] =	vst v3;
	v0 =	vmul.f32 $8.000000000e+00, v0  }
0x2ba: {  	[tilespmem:s10+$0xAF80] =	vst v2;
	v1 =	vmul.f32 $8.000000000e+00, v1  }
0x2bb: {  	[tilespmem:s10+$0xAFD0] =	vst v0;
	v0 =	vmul.f32 $8.000000000e+00, v5  }
0x2bc: {  	[tilespmem:s10+$0xAFE0] =	vst v1  }
0x2bd: {  	s14 =	rddreg [dreg:$0x8];
	[tilespmem:s10+$0xAFF0] =	vst v0  }
0x2be: {  	[hbm4b:s14+s4] =	stream.linear.scatter [tilespmem:s28], [sflag:$0x5], $0x1900, $0x38;
	[tilespmem:$0x12000] =	vst v63  }
0x2bf: {  	_ =	swait.ge [sflag:s29], $0x1900  }
0x2c0: {  	[sflag:s29] =	ssyncset.done $0x0  }
0x2c1: {  	[sflag:s29] =	ssyncadd.s32 $0xFFFFE700  }
0x2c2: {  	_ =	swait.ge [sflag:s0], $0x1900  }
0x2c3: {  	[sflag:s0] =	ssyncset.done $0x0  }
0x2c4: {  	s9 =	simm.s32 $0x230;
	[sflag:s0] =	ssyncadd.s32 $0xFFFFE700  }
0x2c5: {  	v0 =	vld [tilespmem:s9+$0x5C00]  }
0x2c6: {  	v1 =	vld [tilespmem:s9+$0x59D0]  }
0x2c7: {  	v2 =	vld [tilespmem:s9+$0x59E0]  }
0x2c8: {  	v3 =	vld [tilespmem:s9+$0x59F0]  }
0x2c9: {  	v4 =	vld [tilespmem:s9+$0x5A00]  }
0x2ca: {  	v5 =	vld [tilespmem:s9+$0x5A50];
	v0 =	vmul.f32 $8.000000000e+00, v0  }
0x2cb: {  	v6 =	vld [tilespmem:s9+$0x5A60];
	v1 =	vmul.f32 $8.000000000e+00, v1  }
0x2cc: {  	v7 =	vld [tilespmem:s9+$0x5A70];
	[tilespmem:s9+$0xCC00] =	vst v0;
	v0 =	vmul.f32 $8.000000000e+00, v2  }
0x2cd: {  	[tilespmem:s9+$0xC9D0] =	vst v1;
	v1 =	vld [tilespmem:s9+$0x5A80];
	v2 =	vmul.f32 $8.000000000e+00, v3  }
0x2ce: {  	v3 =	vmul.f32 $8.000000000e+00, v4;
	[tilespmem:s9+$0xC9E0] =	vst v0;
	v0 =	vld [tilespmem:s9+$0x5AD0]  }
0x2cf: {  	v4 =	vmul.f32 $8.000000000e+00, v5;
	[tilespmem:s9+$0xC9F0] =	vst v2;
	v2 =	vld [tilespmem:s9+$0x5AE0]  }
0x2d0: {  	v5 =	vmul.f32 $8.000000000e+00, v6;
	[tilespmem:s9+$0xCA00] =	vst v3;
	v3 =	vld [tilespmem:s9+$0x5AF0]  }
0x2d1: {  	v6 =	vmul.f32 $8.000000000e+00, v7;
	[tilespmem:s9+$0xCA50] =	vst v4;
	v4 =	vld [tilespmem:s9+$0x5B00]  }
0x2d2: {  	[tilespmem:s9+$0xCA60] =	vst v5;
	v5 =	vld [tilespmem:s9+$0x5B50];
	v1 =	vmul.f32 $8.000000000e+00, v1  }
0x2d3: {  	[tilespmem:s9+$0xCA70] =	vst v6;
	v6 =	vld [tilespmem:s9+$0x5B60];
	v7 =	vmul.f32 $8.000000000e+00, v0  }
0x2d4: {  	[tilespmem:s9+$0xCA80] =	vst v1;
	v0 =	vld [tilespmem:s9+$0x5B70];
	v2 =	vmul.f32 $8.000000000e+00, v2  }
0x2d5: {  	v1 =	vld [tilespmem:s9+$0x5B80];
	v3 =	vmul.f32 $8.000000000e+00, v3;
	[tilespmem:s9+$0xCAD0] =	vst v7  }
0x2d6: {  	v4 =	vmul.f32 $8.000000000e+00, v4;
	[tilespmem:s9+$0xCAE0] =	vst v2;
	v2 =	vld [tilespmem:s9+$0x5BD0]  }
0x2d7: {  	v5 =	vmul.f32 $8.000000000e+00, v5;
	[tilespmem:s9+$0xCAF0] =	vst v3;
	v3 =	vld [tilespmem:s9+$0x5BE0]  }
0x2d8: {  	s11 =	simm.s32 $0x1CC0;
	s10 =	simm.s32 $0x4B0;
	v6 =	vmul.f32 $8.000000000e+00, v6;
	[tilespmem:s9+$0xCB00] =	vst v4;
	v4 =	vld [tilespmem:s9+$0x5BF0]  }
.LBB2_22:
0x2d9: {  	p0 =	sne.s32 s11, $0x62C0;
	v7 =	vld [tilespmem:s10+$0x5C00];
	[tilespmem:s9+$0xCB50] =	vst v5;
	v0 =	vmul.f32 $8.000000000e+00, v0  }
0x2da: {  	v5 =	vld [tilespmem:s10+$0x59D0];
	[tilespmem:s9+$0xCB60] =	vst v6;
	v1 =	vmul.f32 $8.000000000e+00, v1  }
0x2db: {  	v6 =	vld [tilespmem:s10+$0x59E0];
	[tilespmem:s9+$0xCB70] =	vst v0;
	v0 =	vmul.f32 $8.000000000e+00, v2  }
0x2dc: {  	v2 =	vld [tilespmem:s10+$0x59F0];
	[tilespmem:s9+$0xCB80] =	vst v1;
	v1 =	vmul.f32 $8.000000000e+00, v3  }
0x2dd: {  	v3 =	vld [tilespmem:s10+$0x5A00];
	[tilespmem:s9+$0xCBD0] =	vst v0;
	v0 =	vmul.f32 $8.000000000e+00, v4  }
0x2de: {  	v4 =	vld [tilespmem:s10+$0x5A50];
	v7 =	vmul.f32 $8.000000000e+00, v7;
	[tilespmem:s9+$0xCBE0] =	vst v1  }
0x2df: {  	v1 =	vmul.f32 $8.000000000e+00, v5;
	v5 =	vld [tilespmem:s10+$0x5A60];
	[tilespmem:s9+$0xCBF0] =	vst v0;
	s9 =	smov.u32 s10  }
0x2e0: {  	v0 =	vmul.f32 $8.000000000e+00, v6;
	v6 =	vld [tilespmem:s9+$0x5A70];
	[tilespmem:s9+$0xCC00] =	vst v7  }
0x2e1: {  	[tilespmem:s9+$0xC9D0] =	vst v1;
	v1 =	vmul.f32 $8.000000000e+00, v2;
	v2 =	vld [tilespmem:s9+$0x5A80]  }
0x2e2: {  	[tilespmem:s9+$0xC9E0] =	vst v0;
	v0 =	vmul.f32 $8.000000000e+00, v3;
	v3 =	vld [tilespmem:s9+$0x5AD0]  }
0x2e3: {  	[tilespmem:s9+$0xC9F0] =	vst v1;
	v1 =	vmul.f32 $8.000000000e+00, v4;
	v4 =	vld [tilespmem:s9+$0x5AE0]  }
0x2e4: {  	[tilespmem:s9+$0xCA00] =	vst v0;
	v0 =	vmul.f32 $8.000000000e+00, v5;
	v5 =	vld [tilespmem:s9+$0x5AF0]  }
0x2e5: {  	[tilespmem:s9+$0xCA50] =	vst v1;
	v1 =	vmul.f32 $8.000000000e+00, v6;
	v6 =	vld [tilespmem:s9+$0x5B00]  }
0x2e6: {  	[tilespmem:s9+$0xCA60] =	vst v0;
	v0 =	vmul.f32 $8.000000000e+00, v2;
	v7 =	vld [tilespmem:s9+$0x5B50]  }
0x2e7: {  	[tilespmem:s9+$0xCA70] =	vst v1;
	v1 =	vmul.f32 $8.000000000e+00, v3;
	v8 =	vld [tilespmem:s9+$0x5B60]  }
.Ltmp10:
0x2e8: {  	[tilespmem:s9+$0xCA80] =	vst v0;
	v2 =	vmul.f32 $8.000000000e+00, v4;
	v0 =	vld [tilespmem:s9+$0x5B70];
	(pc) =	sbr.rel @p0 .LBB2_22-.Ltmp10, $4  }
0x2e9: {  	[tilespmem:s9+$0xCAD0] =	vst v1;
	v3 =	vmul.f32 $8.000000000e+00, v5;
	v1 =	vld [tilespmem:s9+$0x5B80]  }
0x2ea: {  	[tilespmem:s9+$0xCAE0] =	vst v2;
	v4 =	vmul.f32 $8.000000000e+00, v6;
	v2 =	vld [tilespmem:s9+$0x5BD0]  }
0x2eb: {  	[tilespmem:s9+$0xCAF0] =	vst v3;
	v5 =	vmul.f32 $8.000000000e+00, v7;
	v3 =	vld [tilespmem:s9+$0x5BE0]  }
0x2ec: {  	s10 =	sshra.s32 s11, $0x2;
	s11 =	sadd.s32 $0xA00, s11;
	[tilespmem:s9+$0xCB00] =	vst v4;
	v6 =	vmul.f32 $8.000000000e+00, v8;
	v4 =	vld [tilespmem:s9+$0x5BF0]  }
0x2ed: {  	v7 =	vld [tilespmem:s10+$0x5C00];
	[tilespmem:s9+$0xCB50] =	vst v5;
	v0 =	vmul.f32 $8.000000000e+00, v0  }
0x2ee: {  	v5 =	vld [tilespmem:s10+$0x59D0];
	[tilespmem:s9+$0xCB60] =	vst v6;
	v1 =	vmul.f32 $8.000000000e+00, v1  }
0x2ef: {  	v6 =	vld [tilespmem:s10+$0x59E0];
	[tilespmem:s9+$0xCB70] =	vst v0;
	v2 =	vmul.f32 $8.000000000e+00, v2  }
0x2f0: {  	v0 =	vld [tilespmem:s10+$0x59F0];
	[tilespmem:s9+$0xCB80] =	vst v1;
	v3 =	vmul.f32 $8.000000000e+00, v3  }
0x2f1: {  	v1 =	vld [tilespmem:s10+$0x5A00];
	[tilespmem:s9+$0xCBD0] =	vst v2;
	v4 =	vmul.f32 $8.000000000e+00, v4  }
0x2f2: {  	v2 =	vld [tilespmem:s10+$0x5A50];
	[tilespmem:s9+$0xCBE0] =	vst v3;
	v7 =	vmul.f32 $8.000000000e+00, v7  }
0x2f3: {  	v3 =	vld [tilespmem:s10+$0x5A60];
	[tilespmem:s9+$0xCBF0] =	vst v4;
	v4 =	vmul.f32 $8.000000000e+00, v5  }
0x2f4: {  	v5 =	vld [tilespmem:s10+$0x5A70];
	[tilespmem:s10+$0xCC00] =	vst v7;
	v6 =	vmul.f32 $8.000000000e+00, v6  }
0x2f5: {  	[tilespmem:s10+$0xC9D0] =	vst v4;
	v4 =	vld [tilespmem:s10+$0x5A80];
	v0 =	vmul.f32 $8.000000000e+00, v0  }
0x2f6: {  	[tilespmem:s10+$0xC9E0] =	vst v6;
	v6 =	vld [tilespmem:s10+$0x5AD0];
	v1 =	vmul.f32 $8.000000000e+00, v1  }
0x2f7: {  	[tilespmem:s10+$0xC9F0] =	vst v0;
	v0 =	vld [tilespmem:s10+$0x5AE0];
	v2 =	vmul.f32 $8.000000000e+00, v2  }
0x2f8: {  	[tilespmem:s10+$0xCA00] =	vst v1;
	v1 =	vld [tilespmem:s10+$0x5AF0];
	v3 =	vmul.f32 $8.000000000e+00, v3  }
0x2f9: {  	[tilespmem:s10+$0xCA50] =	vst v2;
	v2 =	vld [tilespmem:s10+$0x5B00];
	v5 =	vmul.f32 $8.000000000e+00, v5  }
0x2fa: {  	[tilespmem:s10+$0xCA60] =	vst v3;
	v3 =	vld [tilespmem:s10+$0x5B50];
	v4 =	vmul.f32 $8.000000000e+00, v4  }
0x2fb: {  	[tilespmem:s10+$0xCA70] =	vst v5;
	v5 =	vld [tilespmem:s10+$0x5B60];
	v6 =	vmul.f32 $8.000000000e+00, v6  }
0x2fc: {  	[tilespmem:s10+$0xCA80] =	vst v4;
	v4 =	vld [tilespmem:s10+$0x5B70];
	v0 =	vmul.f32 $8.000000000e+00, v0  }
0x2fd: {  	[tilespmem:s10+$0xCAD0] =	vst v6;
	v6 =	vld [tilespmem:s10+$0x5B80];
	v1 =	vmul.f32 $8.000000000e+00, v1  }
0x2fe: {  	[tilespmem:s10+$0xCAE0] =	vst v0;
	v0 =	vld [tilespmem:s10+$0x5BD0];
	v2 =	vmul.f32 $8.000000000e+00, v2  }
0x2ff: {  	[tilespmem:s10+$0xCAF0] =	vst v1;
	v1 =	vld [tilespmem:s10+$0x5BE0];
	v3 =	vmul.f32 $8.000000000e+00, v3  }
0x300: {  	[tilespmem:s10+$0xCB00] =	vst v2;
	v2 =	vmul.f32 $8.000000000e+00, v5;
	v5 =	vld [tilespmem:s10+$0x5BF0]  }
0x301: {  	[tilespmem:s10+$0xCB50] =	vst v3;
	v3 =	vmul.f32 $8.000000000e+00, v4  }
0x302: {  	[tilespmem:s10+$0xCB60] =	vst v2;
	v2 =	vmul.f32 $8.000000000e+00, v6  }
0x303: {  	[tilespmem:s10+$0xCB70] =	vst v3;
	v0 =	vmul.f32 $8.000000000e+00, v0  }
0x304: {  	[tilespmem:s10+$0xCB80] =	vst v2;
	v1 =	vmul.f32 $8.000000000e+00, v1  }
0x305: {  	[tilespmem:s10+$0xCBD0] =	vst v0;
	v0 =	vmul.f32 $8.000000000e+00, v5  }
0x306: {  	[tilespmem:s10+$0xCBE0] =	vst v1  }
0x307: {  	s14 =	rddreg [dreg:$0x9];
	[tilespmem:s10+$0xCBF0] =	vst v0  }
0x308: {  	[hbm4b:s14+s4] =	stream.linear.scatter [tilespmem:s31], [sflag:$0x6], $0x1900, $0x38;
	[tilespmem:$0x12000] =	vst v63  }
0x309: {  	_ =	swait.ge [sflag:s1], $0x1900  }
0x30a: {  	[sflag:s1] =	ssyncset.done $0x0  }
0x30b: {  	[sflag:s1] =	ssyncadd.s32 $0xFFFFE700  }
0x30c: {  	_ =	swait.ge [sflag:s23], $0x1900  }
0x30d: {  	[sflag:s23] =	ssyncset.done $0x0  }
0x30e: {  	s9 =	simm.s32 $0x230;
	[sflag:s23] =	ssyncadd.s32 $0xFFFFE700  }
0x30f: {  	v0 =	vld [tilespmem:s9+$0x7800]  }
0x310: {  	v1 =	vld [tilespmem:s9+$0x75D0]  }
0x311: {  	v2 =	vld [tilespmem:s9+$0x75E0]  }
0x312: {  	v3 =	vld [tilespmem:s9+$0x75F0]  }
0x313: {  	v4 =	vld [tilespmem:s9+$0x7600]  }
0x314: {  	v5 =	vld [tilespmem:s9+$0x7650];
	v0 =	vmul.f32 $8.000000000e+00, v0  }
0x315: {  	v6 =	vld [tilespmem:s9+$0x7660];
	v1 =	vmul.f32 $8.000000000e+00, v1  }
0x316: {  	v7 =	vld [tilespmem:s9+$0x7670];
	[tilespmem:s9+$0xE800] =	vst v0;
	v0 =	vmul.f32 $8.000000000e+00, v2  }
0x317: {  	[tilespmem:s9+$0xE5D0] =	vst v1;
	v1 =	vld [tilespmem:s9+$0x7680];
	v2 =	vmul.f32 $8.000000000e+00, v3  }
0x318: {  	v3 =	vmul.f32 $8.000000000e+00, v4;
	[tilespmem:s9+$0xE5E0] =	vst v0;
	v0 =	vld [tilespmem:s9+$0x76D0]  }
0x319: {  	v4 =	vmul.f32 $8.000000000e+00, v5;
	[tilespmem:s9+$0xE5F0] =	vst v2;
	v2 =	vld [tilespmem:s9+$0x76E0]  }
0x31a: {  	v5 =	vmul.f32 $8.000000000e+00, v6;
	[tilespmem:s9+$0xE600] =	vst v3;
	v3 =	vld [tilespmem:s9+$0x76F0]  }
0x31b: {  	v6 =	vmul.f32 $8.000000000e+00, v7;
	[tilespmem:s9+$0xE650] =	vst v4;
	v4 =	vld [tilespmem:s9+$0x7700]  }
0x31c: {  	[tilespmem:s9+$0xE660] =	vst v5;
	v5 =	vld [tilespmem:s9+$0x7750];
	v1 =	vmul.f32 $8.000000000e+00, v1  }
0x31d: {  	[tilespmem:s9+$0xE670] =	vst v6;
	v6 =	vld [tilespmem:s9+$0x7760];
	v7 =	vmul.f32 $8.000000000e+00, v0  }
0x31e: {  	[tilespmem:s9+$0xE680] =	vst v1;
	v0 =	vld [tilespmem:s9+$0x7770];
	v2 =	vmul.f32 $8.000000000e+00, v2  }
0x31f: {  	v1 =	vld [tilespmem:s9+$0x7780];
	v3 =	vmul.f32 $8.000000000e+00, v3;
	[tilespmem:s9+$0xE6D0] =	vst v7  }
0x320: {  	v4 =	vmul.f32 $8.000000000e+00, v4;
	[tilespmem:s9+$0xE6E0] =	vst v2;
	v2 =	vld [tilespmem:s9+$0x77D0]  }
0x321: {  	v5 =	vmul.f32 $8.000000000e+00, v5;
	[tilespmem:s9+$0xE6F0] =	vst v3;
	v3 =	vld [tilespmem:s9+$0x77E0]  }
0x322: {  	s11 =	simm.s32 $0x1CC0;
	s10 =	simm.s32 $0x4B0;
	v6 =	vmul.f32 $8.000000000e+00, v6;
	[tilespmem:s9+$0xE700] =	vst v4;
	v4 =	vld [tilespmem:s9+$0x77F0]  }
.LBB2_24:
0x323: {  	p0 =	sne.s32 s11, $0x62C0;
	v7 =	vld [tilespmem:s10+$0x7800];
	[tilespmem:s9+$0xE750] =	vst v5;
	v0 =	vmul.f32 $8.000000000e+00, v0  }
0x324: {  	v5 =	vld [tilespmem:s10+$0x75D0];
	[tilespmem:s9+$0xE760] =	vst v6;
	v1 =	vmul.f32 $8.000000000e+00, v1  }
0x325: {  	v6 =	vld [tilespmem:s10+$0x75E0];
	[tilespmem:s9+$0xE770] =	vst v0;
	v0 =	vmul.f32 $8.000000000e+00, v2  }
0x326: {  	v2 =	vld [tilespmem:s10+$0x75F0];
	[tilespmem:s9+$0xE780] =	vst v1;
	v1 =	vmul.f32 $8.000000000e+00, v3  }
0x327: {  	v3 =	vld [tilespmem:s10+$0x7600];
	[tilespmem:s9+$0xE7D0] =	vst v0;
	v0 =	vmul.f32 $8.000000000e+00, v4  }
0x328: {  	v4 =	vld [tilespmem:s10+$0x7650];
	v7 =	vmul.f32 $8.000000000e+00, v7;
	[tilespmem:s9+$0xE7E0] =	vst v1  }
0x329: {  	v1 =	vmul.f32 $8.000000000e+00, v5;
	v5 =	vld [tilespmem:s10+$0x7660];
	[tilespmem:s9+$0xE7F0] =	vst v0;
	s9 =	smov.u32 s10  }
0x32a: {  	v0 =	vmul.f32 $8.000000000e+00, v6;
	v6 =	vld [tilespmem:s9+$0x7670];
	[tilespmem:s9+$0xE800] =	vst v7  }
0x32b: {  	[tilespmem:s9+$0xE5D0] =	vst v1;
	v1 =	vmul.f32 $8.000000000e+00, v2;
	v2 =	vld [tilespmem:s9+$0x7680]  }
0x32c: {  	[tilespmem:s9+$0xE5E0] =	vst v0;
	v0 =	vmul.f32 $8.000000000e+00, v3;
	v3 =	vld [tilespmem:s9+$0x76D0]  }
0x32d: {  	[tilespmem:s9+$0xE5F0] =	vst v1;
	v1 =	vmul.f32 $8.000000000e+00, v4;
	v4 =	vld [tilespmem:s9+$0x76E0]  }
0x32e: {  	[tilespmem:s9+$0xE600] =	vst v0;
	v0 =	vmul.f32 $8.000000000e+00, v5;
	v5 =	vld [tilespmem:s9+$0x76F0]  }
0x32f: {  	[tilespmem:s9+$0xE650] =	vst v1;
	v1 =	vmul.f32 $8.000000000e+00, v6;
	v6 =	vld [tilespmem:s9+$0x7700]  }
0x330: {  	[tilespmem:s9+$0xE660] =	vst v0;
	v0 =	vmul.f32 $8.000000000e+00, v2;
	v7 =	vld [tilespmem:s9+$0x7750]  }
0x331: {  	[tilespmem:s9+$0xE670] =	vst v1;
	v1 =	vmul.f32 $8.000000000e+00, v3;
	v8 =	vld [tilespmem:s9+$0x7760]  }
.Ltmp11:
0x332: {  	[tilespmem:s9+$0xE680] =	vst v0;
	v2 =	vmul.f32 $8.000000000e+00, v4;
	v0 =	vld [tilespmem:s9+$0x7770];
	(pc) =	sbr.rel @p0 .LBB2_24-.Ltmp11, $4  }
0x333: {  	[tilespmem:s9+$0xE6D0] =	vst v1;
	v3 =	vmul.f32 $8.000000000e+00, v5;
	v1 =	vld [tilespmem:s9+$0x7780]  }
0x334: {  	[tilespmem:s9+$0xE6E0] =	vst v2;
	v4 =	vmul.f32 $8.000000000e+00, v6;
	v2 =	vld [tilespmem:s9+$0x77D0]  }
0x335: {  	[tilespmem:s9+$0xE6F0] =	vst v3;
	v5 =	vmul.f32 $8.000000000e+00, v7;
	v3 =	vld [tilespmem:s9+$0x77E0]  }
0x336: {  	s10 =	sshra.s32 s11, $0x2;
	s11 =	sadd.s32 $0xA00, s11;
	[tilespmem:s9+$0xE700] =	vst v4;
	v6 =	vmul.f32 $8.000000000e+00, v8;
	v4 =	vld [tilespmem:s9+$0x77F0]  }
0x337: {  	v7 =	vld [tilespmem:s10+$0x7800];
	[tilespmem:s9+$0xE750] =	vst v5;
	v0 =	vmul.f32 $8.000000000e+00, v0  }
0x338: {  	v5 =	vld [tilespmem:s10+$0x75D0];
	[tilespmem:s9+$0xE760] =	vst v6;
	v1 =	vmul.f32 $8.000000000e+00, v1  }
0x339: {  	v6 =	vld [tilespmem:s10+$0x75E0];
	[tilespmem:s9+$0xE770] =	vst v0;
	v2 =	vmul.f32 $8.000000000e+00, v2  }
0x33a: {  	v0 =	vld [tilespmem:s10+$0x75F0];
	[tilespmem:s9+$0xE780] =	vst v1;
	v3 =	vmul.f32 $8.000000000e+00, v3  }
0x33b: {  	v1 =	vld [tilespmem:s10+$0x7600];
	[tilespmem:s9+$0xE7D0] =	vst v2;
	v4 =	vmul.f32 $8.000000000e+00, v4  }
0x33c: {  	v2 =	vld [tilespmem:s10+$0x7650];
	[tilespmem:s9+$0xE7E0] =	vst v3;
	v7 =	vmul.f32 $8.000000000e+00, v7  }
0x33d: {  	v3 =	vld [tilespmem:s10+$0x7660];
	[tilespmem:s9+$0xE7F0] =	vst v4;
	v4 =	vmul.f32 $8.000000000e+00, v5  }
0x33e: {  	v5 =	vld [tilespmem:s10+$0x7670];
	[tilespmem:s10+$0xE800] =	vst v7;
	v6 =	vmul.f32 $8.000000000e+00, v6  }
0x33f: {  	[tilespmem:s10+$0xE5D0] =	vst v4;
	v4 =	vld [tilespmem:s10+$0x7680];
	v0 =	vmul.f32 $8.000000000e+00, v0  }
0x340: {  	[tilespmem:s10+$0xE5E0] =	vst v6;
	v6 =	vld [tilespmem:s10+$0x76D0];
	v1 =	vmul.f32 $8.000000000e+00, v1  }
0x341: {  	[tilespmem:s10+$0xE5F0] =	vst v0;
	v0 =	vld [tilespmem:s10+$0x76E0];
	v2 =	vmul.f32 $8.000000000e+00, v2  }
0x342: {  	[tilespmem:s10+$0xE600] =	vst v1;
	v1 =	vld [tilespmem:s10+$0x76F0];
	v3 =	vmul.f32 $8.000000000e+00, v3  }
0x343: {  	[tilespmem:s10+$0xE650] =	vst v2;
	v2 =	vld [tilespmem:s10+$0x7700];
	v5 =	vmul.f32 $8.000000000e+00, v5  }
0x344: {  	[tilespmem:s10+$0xE660] =	vst v3;
	v3 =	vld [tilespmem:s10+$0x7750];
	v4 =	vmul.f32 $8.000000000e+00, v4  }
0x345: {  	[tilespmem:s10+$0xE670] =	vst v5;
	v5 =	vld [tilespmem:s10+$0x7760];
	v6 =	vmul.f32 $8.000000000e+00, v6  }
0x346: {  	[tilespmem:s10+$0xE680] =	vst v4;
	v4 =	vld [tilespmem:s10+$0x7770];
	v0 =	vmul.f32 $8.000000000e+00, v0  }
0x347: {  	[tilespmem:s10+$0xE6D0] =	vst v6;
	v6 =	vld [tilespmem:s10+$0x7780];
	v1 =	vmul.f32 $8.000000000e+00, v1  }
0x348: {  	[tilespmem:s10+$0xE6E0] =	vst v0;
	v0 =	vld [tilespmem:s10+$0x77D0];
	v2 =	vmul.f32 $8.000000000e+00, v2  }
0x349: {  	[tilespmem:s10+$0xE6F0] =	vst v1;
	v1 =	vld [tilespmem:s10+$0x77E0];
	v3 =	vmul.f32 $8.000000000e+00, v3  }
0x34a: {  	[tilespmem:s10+$0xE700] =	vst v2;
	v2 =	vmul.f32 $8.000000000e+00, v5;
	v5 =	vld [tilespmem:s10+$0x77F0]  }
0x34b: {  	[tilespmem:s10+$0xE750] =	vst v3;
	v3 =	vmul.f32 $8.000000000e+00, v4  }
0x34c: {  	[tilespmem:s10+$0xE760] =	vst v2;
	v2 =	vmul.f32 $8.000000000e+00, v6  }
0x34d: {  	[tilespmem:s10+$0xE770] =	vst v3;
	v0 =	vmul.f32 $8.000000000e+00, v0  }
0x34e: {  	[tilespmem:s10+$0xE780] =	vst v2;
	v1 =	vmul.f32 $8.000000000e+00, v1  }
0x34f: {  	[tilespmem:s10+$0xE7D0] =	vst v0;
	v0 =	vmul.f32 $8.000000000e+00, v5  }
0x350: {  	[tilespmem:s10+$0xE7E0] =	vst v1  }
0x351: {  	s14 =	rddreg [dreg:$0xa];
	[tilespmem:s10+$0xE7F0] =	vst v0  }
0x352: {  	[hbm4b:s14+s4] =	stream.linear.scatter [tilespmem:s19], [sflag:$0x7], $0x1900, $0x38;
	[tilespmem:$0x12000] =	vst v63  }
0x353: {  	_ =	swait.ge [sflag:s21], $0x1900  }
0x354: {  	[sflag:s21] =	ssyncset.done $0x0  }
0x355: {  	[sflag:s21] =	ssyncadd.s32 $0xFFFFE700  }
0x356: {  	_ =	swait.ge [sflag:s7], $0x1900  }
0x357: {  	[sflag:s7] =	ssyncset.done $0x0  }
0x358: {  	s9 =	simm.s32 $0x230;
	[sflag:s7] =	ssyncadd.s32 $0xFFFFE700  }
0x359: {  	v0 =	vld [tilespmem:s9+$0x9400]  }
0x35a: {  	v1 =	vld [tilespmem:s9+$0x91D0]  }
0x35b: {  	v2 =	vld [tilespmem:s9+$0x91E0]  }
0x35c: {  	v3 =	vld [tilespmem:s9+$0x91F0]  }
0x35d: {  	v4 =	vld [tilespmem:s9+$0x9200]  }
0x35e: {  	v5 =	vld [tilespmem:s9+$0x9250];
	v0 =	vmul.f32 $8.000000000e+00, v0  }
0x35f: {  	v6 =	vld [tilespmem:s9+$0x9260];
	v1 =	vmul.f32 $8.000000000e+00, v1  }
0x360: {  	v7 =	vld [tilespmem:s9+$0x9270];
	[tilespmem:s9+$0x10400] =	vst v0;
	v0 =	vmul.f32 $8.000000000e+00, v2  }
0x361: {  	[tilespmem:s9+$0x101D0] =	vst v1;
	v1 =	vld [tilespmem:s9+$0x9280];
	v2 =	vmul.f32 $8.000000000e+00, v3  }
0x362: {  	v3 =	vmul.f32 $8.000000000e+00, v4;
	[tilespmem:s9+$0x101E0] =	vst v0;
	v0 =	vld [tilespmem:s9+$0x92D0]  }
0x363: {  	v4 =	vmul.f32 $8.000000000e+00, v5;
	[tilespmem:s9+$0x101F0] =	vst v2;
	v2 =	vld [tilespmem:s9+$0x92E0]  }
0x364: {  	v5 =	vmul.f32 $8.000000000e+00, v6;
	[tilespmem:s9+$0x10200] =	vst v3;
	v3 =	vld [tilespmem:s9+$0x92F0]  }
0x365: {  	v6 =	vmul.f32 $8.000000000e+00, v7;
	[tilespmem:s9+$0x10250] =	vst v4;
	v4 =	vld [tilespmem:s9+$0x9300]  }
0x366: {  	[tilespmem:s9+$0x10260] =	vst v5;
	v5 =	vld [tilespmem:s9+$0x9350];
	v1 =	vmul.f32 $8.000000000e+00, v1  }
0x367: {  	[tilespmem:s9+$0x10270] =	vst v6;
	v6 =	vld [tilespmem:s9+$0x9360];
	v7 =	vmul.f32 $8.000000000e+00, v0  }
0x368: {  	[tilespmem:s9+$0x10280] =	vst v1;
	v0 =	vld [tilespmem:s9+$0x9370];
	v2 =	vmul.f32 $8.000000000e+00, v2  }
0x369: {  	v1 =	vld [tilespmem:s9+$0x9380];
	v3 =	vmul.f32 $8.000000000e+00, v3;
	[tilespmem:s9+$0x102D0] =	vst v7  }
0x36a: {  	v4 =	vmul.f32 $8.000000000e+00, v4;
	[tilespmem:s9+$0x102E0] =	vst v2;
	v2 =	vld [tilespmem:s9+$0x93D0]  }
0x36b: {  	v5 =	vmul.f32 $8.000000000e+00, v5;
	[tilespmem:s9+$0x102F0] =	vst v3;
	v3 =	vld [tilespmem:s9+$0x93E0]  }
0x36c: {  	s11 =	simm.s32 $0x1CC0;
	s10 =	simm.s32 $0x4B0;
	v6 =	vmul.f32 $8.000000000e+00, v6;
	[tilespmem:s9+$0x10300] =	vst v4;
	v4 =	vld [tilespmem:s9+$0x93F0]  }
.LBB2_26:
0x36d: {  	p0 =	sne.s32 s11, $0x62C0;
	v7 =	vld [tilespmem:s10+$0x9400];
	[tilespmem:s9+$0x10350] =	vst v5;
	v0 =	vmul.f32 $8.000000000e+00, v0  }
0x36e: {  	v5 =	vld [tilespmem:s10+$0x91D0];
	[tilespmem:s9+$0x10360] =	vst v6;
	v1 =	vmul.f32 $8.000000000e+00, v1  }
0x36f: {  	v6 =	vld [tilespmem:s10+$0x91E0];
	[tilespmem:s9+$0x10370] =	vst v0;
	v0 =	vmul.f32 $8.000000000e+00, v2  }
0x370: {  	v2 =	vld [tilespmem:s10+$0x91F0];
	[tilespmem:s9+$0x10380] =	vst v1;
	v1 =	vmul.f32 $8.000000000e+00, v3  }
0x371: {  	v3 =	vld [tilespmem:s10+$0x9200];
	[tilespmem:s9+$0x103D0] =	vst v0;
	v0 =	vmul.f32 $8.000000000e+00, v4  }
0x372: {  	v4 =	vld [tilespmem:s10+$0x9250];
	v7 =	vmul.f32 $8.000000000e+00, v7;
	[tilespmem:s9+$0x103E0] =	vst v1  }
0x373: {  	v1 =	vmul.f32 $8.000000000e+00, v5;
	v5 =	vld [tilespmem:s10+$0x9260];
	[tilespmem:s9+$0x103F0] =	vst v0;
	s9 =	smov.u32 s10  }
0x374: {  	v0 =	vmul.f32 $8.000000000e+00, v6;
	v6 =	vld [tilespmem:s9+$0x9270];
	[tilespmem:s9+$0x10400] =	vst v7  }
0x375: {  	[tilespmem:s9+$0x101D0] =	vst v1;
	v1 =	vmul.f32 $8.000000000e+00, v2;
	v2 =	vld [tilespmem:s9+$0x9280]  }
0x376: {  	[tilespmem:s9+$0x101E0] =	vst v0;
	v0 =	vmul.f32 $8.000000000e+00, v3;
	v3 =	vld [tilespmem:s9+$0x92D0]  }
0x377: {  	[tilespmem:s9+$0x101F0] =	vst v1;
	v1 =	vmul.f32 $8.000000000e+00, v4;
	v4 =	vld [tilespmem:s9+$0x92E0]  }
0x378: {  	[tilespmem:s9+$0x10200] =	vst v0;
	v0 =	vmul.f32 $8.000000000e+00, v5;
	v5 =	vld [tilespmem:s9+$0x92F0]  }
0x379: {  	[tilespmem:s9+$0x10250] =	vst v1;
	v1 =	vmul.f32 $8.000000000e+00, v6;
	v6 =	vld [tilespmem:s9+$0x9300]  }
0x37a: {  	[tilespmem:s9+$0x10260] =	vst v0;
	v0 =	vmul.f32 $8.000000000e+00, v2;
	v7 =	vld [tilespmem:s9+$0x9350]  }
0x37b: {  	[tilespmem:s9+$0x10270] =	vst v1;
	v1 =	vmul.f32 $8.000000000e+00, v3;
	v8 =	vld [tilespmem:s9+$0x9360]  }
.Ltmp12:
0x37c: {  	[tilespmem:s9+$0x10280] =	vst v0;
	v2 =	vmul.f32 $8.000000000e+00, v4;
	v0 =	vld [tilespmem:s9+$0x9370];
	(pc) =	sbr.rel @p0 .LBB2_26-.Ltmp12, $4  }
0x37d: {  	[tilespmem:s9+$0x102D0] =	vst v1;
	v3 =	vmul.f32 $8.000000000e+00, v5;
	v1 =	vld [tilespmem:s9+$0x9380]  }
0x37e: {  	[tilespmem:s9+$0x102E0] =	vst v2;
	v4 =	vmul.f32 $8.000000000e+00, v6;
	v2 =	vld [tilespmem:s9+$0x93D0]  }
0x37f: {  	[tilespmem:s9+$0x102F0] =	vst v3;
	v5 =	vmul.f32 $8.000000000e+00, v7;
	v3 =	vld [tilespmem:s9+$0x93E0]  }
0x380: {  	s10 =	sshra.s32 s11, $0x2;
	s11 =	sadd.s32 $0xA00, s11;
	[tilespmem:s9+$0x10300] =	vst v4;
	v6 =	vmul.f32 $8.000000000e+00, v8;
	v4 =	vld [tilespmem:s9+$0x93F0]  }
0x381: {  	v7 =	vld [tilespmem:s10+$0x9400];
	[tilespmem:s9+$0x10350] =	vst v5;
	v0 =	vmul.f32 $8.000000000e+00, v0  }
0x382: {  	v5 =	vld [tilespmem:s10+$0x91D0];
	[tilespmem:s9+$0x10360] =	vst v6;
	v1 =	vmul.f32 $8.000000000e+00, v1  }
0x383: {  	v6 =	vld [tilespmem:s10+$0x91E0];
	[tilespmem:s9+$0x10370] =	vst v0;
	v2 =	vmul.f32 $8.000000000e+00, v2  }
0x384: {  	v0 =	vld [tilespmem:s10+$0x91F0];
	[tilespmem:s9+$0x10380] =	vst v1;
	v3 =	vmul.f32 $8.000000000e+00, v3  }
0x385: {  	v1 =	vld [tilespmem:s10+$0x9200];
	[tilespmem:s9+$0x103D0] =	vst v2;
	v4 =	vmul.f32 $8.000000000e+00, v4  }
0x386: {  	v2 =	vld [tilespmem:s10+$0x9250];
	[tilespmem:s9+$0x103E0] =	vst v3;
	v7 =	vmul.f32 $8.000000000e+00, v7  }
0x387: {  	v3 =	vld [tilespmem:s10+$0x9260];
	[tilespmem:s9+$0x103F0] =	vst v4;
	v46 =	vmul.f32 $8.000000000e+00, v5  }
0x388: {  	v47 =	vld [tilespmem:s10+$0x9270];
	[tilespmem:s10+$0x10400] =	vst v7;
	v6 =	vmul.f32 $8.000000000e+00, v6  }
0x389: {  	v48 =	vld [tilespmem:s10+$0x9280];
	[tilespmem:s10+$0x101D0] =	vst v46;
	v0 =	vmul.f32 $8.000000000e+00, v0  }
0x38a: {  	v49 =	vld [tilespmem:s10+$0x92D0];
	[tilespmem:s10+$0x101E0] =	vst v6;
	v1 =	vmul.f32 $8.000000000e+00, v1  }
0x38b: {  	v50 =	vld [tilespmem:s10+$0x92E0];
	[tilespmem:s10+$0x101F0] =	vst v0;
	v2 =	vmul.f32 $8.000000000e+00, v2  }
0x38c: {  	v51 =	vld [tilespmem:s10+$0x92F0];
	[tilespmem:s10+$0x10200] =	vst v1;
	v3 =	vmul.f32 $8.000000000e+00, v3  }
0x38d: {  	v52 =	vld [tilespmem:s10+$0x9300];
	[tilespmem:s10+$0x10250] =	vst v2;
	v5 =	vmul.f32 $8.000000000e+00, v47  }
0x38e: {  	v54 =	vld [tilespmem:s10+$0x9360];
	v4 =	vmul.f32 $8.000000000e+00, v48;
	[tilespmem:s10+$0x10260] =	vst v3  }
0x38f: {  	v55 =	vld [tilespmem:s10+$0x9370];
	v6 =	vmul.f32 $8.000000000e+00, v49;
	[tilespmem:s10+$0x10270] =	vst v5  }
0x390: {  	v56 =	vld [tilespmem:s10+$0x9380];
	v0 =	vmul.f32 $8.000000000e+00, v50;
	[tilespmem:s10+$0x10280] =	vst v4  }
0x391: {  	v60 =	vld [tilespmem:s10+$0x93F0];
	v1 =	vmul.f32 $8.000000000e+00, v51;
	[tilespmem:s10+$0x102D0] =	vst v6  }
0x392: {  	v53 =	vld [tilespmem:s10+$0x9350];
	v2 =	vmul.f32 $8.000000000e+00, v52;
	[tilespmem:s10+$0x102E0] =	vst v0  }
0x393: {  	v57 =	vld [tilespmem:s10+$0x93D0];
	v59 =	vmul.f32 $8.000000000e+00, v54;
	[tilespmem:s10+$0x102F0] =	vst v1  }
0x394: {  	v58 =	vld [tilespmem:s10+$0x93E0];
	v61 =	vmul.f32 $8.000000000e+00, v55;
	[tilespmem:s10+$0x10300] =	vst v2  }
0x395: {  	v62 =	vmul.f32 $8.000000000e+00, v56;
	[tilespmem:s10+$0x10360] =	vst v59  }
0x396: {  	v63 =	vmul.f32 $8.000000000e+00, v60;
	[tilespmem:s10+$0x10370] =	vst v61  }
0x397: {  	v3 =	vmul.f32 $8.000000000e+00, v53;
	[tilespmem:s10+$0x10380] =	vst v62  }
0x398: {  	v0 =	vmul.f32 $8.000000000e+00, v57;
	[tilespmem:s10+$0x103F0] =	vst v63  }
0x399: {  	v1 =	vmul.f32 $8.000000000e+00, v58;
	[tilespmem:s10+$0x10350] =	vst v3  }
0x39a: {  	[tilespmem:s10+$0x103D0] =	vst v0  }
0x39b: {  	s14 =	rddreg [dreg:$0xb];
	[tilespmem:s10+$0x103E0] =	vst v1  }
0x39c: {  	[hbm4b:s14+s4] =	stream.linear.scatter [tilespmem:s26], [sflag:$0x8], $0x1900, $0x38;
	[tilespmem:$0x12000] =	vst v63  }
0x39d: {  	_ =	swait.ge [sflag:s30], $0x1900  }
0x39e: {  	[sflag:s30] =	ssyncset.done $0x0  }
0x39f: {  	[sflag:s30] =	ssyncadd.s32 $0xFFFFE700  }
0x3a0: {  	_ =	swait.ge [sflag:s0], $0x1900  }
0x3a1: {  	[sflag:s0] =	ssyncset.done $0x0  }
0x3a2: {  	s8 =	sadd.s32 $0x1, s8;
	[sflag:s0] =	ssyncadd.s32 $0xFFFFE700  }
0x3a3: {  	p0 =	sne.s32 s8, s15;
	_ =	swait.ge [sflag:s23], $0x1900  }
.Ltmp13:
0x3a4: {  	[sflag:s23] =	ssyncset.done $0x0;
	(pc) =	sbr.rel @p0 .LBB2_1-.Ltmp13, $4  }
0x3a5: {  	[sflag:s23] =	ssyncadd.s32 $0xFFFFE700  }
0x3a6: {  	_ =	swait.ge [sflag:s7], $0x1900  }
0x3a7: {  	[sflag:s7] =	ssyncset.done $0x0  }
0x3a8: {  	[sflag:s7] =	ssyncadd.s32 $0xFFFFE700  }
0x3a9: {  	_ =	sfence.sel $0x180000  }
0x3aa: {  	[bflag:$0x0] =	sbarrier.arrive $0xFFFF  }
0x3ab: {  	_ =	strace $0x90000047  }
0x3ac: {  	s0 =	stileid.u32;
	[bflag:$0x2] =	sbarrier.arrive $0xFFFF  }
0x3ad: {  	p0 =	sne.s32 s0, $0x0;
	s0 =	rddreg [dreg:$0x3]  }
0x3ae: {  	s0 =	sadd.s32 @!p0 $0x100000, s0  }
0x3af: {  	[sflag:s0] =	ssyncadd.tile.s32 @!p0 $0x1;
	_ =	shalt  }
.Lfunc_end2:
_tile_overlayer_lowered:
.L_overlay_start_2:
0x3b0: {  	(tag) =	ssettag $0x2  }
0x3b1: {  	s0 =	rddreg [dreg:$0x0];
	s2 =	stileid.u32  }
0x3b2: {  	s1 =	rddreg [dreg:$0x1];
	p0 =	sne.s32 s2, $0x0  }
0x3b3: {  	s3 =	rddreg [dreg:$0x2];
	[bflag:$0x3] =	sbarrier.arrive $0xFFFF;
	s2 =	simm.s32 @!p0 $0x1C09  }
0x3b4: {  	[timem:s3], [sflag:s2] =	dma.local @!p0 [hbm:s0], s1  }
0x3b5: {  	s0 =	simm.s32 @!p0 $0x9  }
0x3b6: {  	_ =	swait.ge @!p0 [sflag:s0], s1  }
0x3b7: {  	s1 =	ssub.s32 @!p0 $0x0, s1;
	[sflag:s0] =	ssyncset.done @!p0 $0x0  }
0x3b8: {  	[sflag:s0] =	ssyncadd.s32 @!p0 s1  }
0x3b9: {  	[bflag:$0x3] =	sbarrier.arrive $0xFFFF  }
0x3ba: {  	_ =	shalt  }

</sc_bundles>
